<compile_context>
chip_gen: v7x
topology: tpu7x:2x2x1
jax: 0.10.2.dev20260603
libtpu: 0.0.44.dev20260713+nightly
codegen_flags: <defaults>
</compile_context>

<pallas_src>
import jax
import jax.numpy as jnp
from jax import lax
from jax.experimental import pallas as pl
from jax.experimental.pallas import tpu as pltpu
from jax.experimental.pallas import tpu_sc as plsc

BATCH = 16384
FACTORS = 64
VOCAB = 1000000
NC = 2
NS = 16
NW = NC * NS
BPW = BATCH // NW
CHUNK = 128
NCH = BPW // CHUNK
TCOLS = 8192


def _tr_body(src_u, src_i, dst_u, dst_i):
    dst_u[...] = src_u[...].T
    dst_i[...] = src_i[...].T


def _transpose_tables(tu, ti):
    f32 = jnp.float32
    return pl.pallas_call(
        _tr_body,
        grid=(pl.cdiv(VOCAB, TCOLS),),
        in_specs=[pl.BlockSpec((FACTORS, TCOLS), lambda g: (0, g)),
                  pl.BlockSpec((FACTORS, TCOLS), lambda g: (0, g))],
        out_specs=[pl.BlockSpec((TCOLS, FACTORS), lambda g: (g, 0)),
                   pl.BlockSpec((TCOLS, FACTORS), lambda g: (g, 0))],
        out_shape=(jax.ShapeDtypeStruct((VOCAB, FACTORS), f32),
                   jax.ShapeDtypeStruct((VOCAB, FACTORS), f32)),
    )(tu, ti)


def _body(u_hbm, i_hbm, j_hbm, eu_hbm, ei_hbm, ub_hbm, ib_hbm, b16_hbm,
          out_i_hbm, out_j_hbm,
          idx_u, idx_i, idx_j, rows_u, rows_i, rows_j,
          ubv, ibiv, ibjv, bv, oiv, ojv, sem):
    cid = lax.axis_index("c")
    sid = lax.axis_index("s")
    wid = sid * NC + cid
    base = wid * BPW

    for k in range(NCH):
        pltpu.sync_copy(u_hbm.at[pl.ds(base + k * CHUNK, CHUNK)], idx_u.at[k])
        pltpu.sync_copy(i_hbm.at[pl.ds(base + k * CHUNK, CHUNK)], idx_i.at[k])
        pltpu.sync_copy(j_hbm.at[pl.ds(base + k * CHUNK, CHUNK)], idx_j.at[k])
    pltpu.sync_copy(b16_hbm, bv)

    copies = []
    for k in range(NCH):
        sl = pl.ds(k * CHUNK, CHUNK)
        copies.append(pltpu.async_copy(eu_hbm.at[idx_u.at[k]], rows_u.at[sl], sem))
        copies.append(pltpu.async_copy(ei_hbm.at[idx_i.at[k]], rows_i.at[sl], sem))
        copies.append(pltpu.async_copy(ei_hbm.at[idx_j.at[k]], rows_j.at[sl], sem))
        copies.append(pltpu.async_copy(ub_hbm.at[idx_u.at[k]], ubv.at[sl], sem))
        copies.append(pltpu.async_copy(ib_hbm.at[idx_i.at[k]], ibiv.at[sl], sem))
        copies.append(pltpu.async_copy(ib_hbm.at[idx_j.at[k]], ibjv.at[sl], sem))
    for c in copies:
        c.wait()

    bvec = bv[...]
    lane = lax.iota(jnp.int32, 16)

    def g_body(g, carry):
        rows = g * 16 + lane
        sl16 = pl.ds(g * 16, 16)
        acc_i = [ubv[sl16] + ibiv[sl16] + bvec, None, None, None]
        acc_j = [ubv[sl16] + ibjv[sl16] + bvec, None, None, None]
        for c in range(FACTORS):
            colv = jnp.full((16,), c, jnp.int32)
            uvec = plsc.load_gather(rows_u, [rows, colv])
            pi = uvec * plsc.load_gather(rows_i, [rows, colv])
            pj = uvec * plsc.load_gather(rows_j, [rows, colv])
            s = c % 4
            acc_i[s] = pi if acc_i[s] is None else acc_i[s] + pi
            acc_j[s] = pj if acc_j[s] is None else acc_j[s] + pj
        oiv[sl16] = (acc_i[0] + acc_i[1]) + (acc_i[2] + acc_i[3])
        ojv[sl16] = (acc_j[0] + acc_j[1]) + (acc_j[2] + acc_j[3])
        return carry

    lax.fori_loop(0, BPW // 16, g_body, 0)

    pltpu.sync_copy(oiv, out_i_hbm.at[pl.ds(base, BPW)])
    pltpu.sync_copy(ojv, out_j_hbm.at[pl.ds(base, BPW)])


def _pairfm_sc(u, i, j, embed_user, embed_item, ub, ib, b16):
    f32 = jnp.float32
    call = pl.kernel(
        _body,
        out_type=(jax.ShapeDtypeStruct((BATCH,), f32),
                  jax.ShapeDtypeStruct((BATCH,), f32)),
        mesh=plsc.VectorSubcoreMesh(core_axis_name="c", subcore_axis_name="s"),
        compiler_params=pltpu.CompilerParams(needs_layout_passes=False,
                                             use_tc_tiling_on_sc=False),
        scratch_types=[
            pltpu.VMEM((NCH, CHUNK), jnp.int32),
            pltpu.VMEM((NCH, CHUNK), jnp.int32),
            pltpu.VMEM((NCH, CHUNK), jnp.int32),
            pltpu.VMEM((BPW, FACTORS), f32),
            pltpu.VMEM((BPW, FACTORS), f32),
            pltpu.VMEM((BPW, FACTORS), f32),
            pltpu.VMEM((BPW,), f32),
            pltpu.VMEM((BPW,), f32),
            pltpu.VMEM((BPW,), f32),
            pltpu.VMEM((16,), f32),
            pltpu.VMEM((BPW,), f32),
            pltpu.VMEM((BPW,), f32),
            pltpu.SemaphoreType.DMA,
        ],
    )
    return call(u, i, j, embed_user, embed_item, ub, ib, b16)


@jax.jit
def _pairfm(u, i, j, tu, ti, ub, ib, b16):
    eu_rm, ei_rm = _transpose_tables(tu, ti)
    return _pairfm_sc(u, i, j, eu_rm, ei_rm, ub, ib, b16)


def kernel(u, i, j, embed_user, embed_item, u_bias, i_bias, bias_):
    u32 = u.astype(jnp.int32)
    i32 = i.astype(jnp.int32)
    j32 = j.astype(jnp.int32)
    tu = embed_user.T
    ti = embed_item.T
    ub = u_bias.reshape(-1)
    ib = i_bias.reshape(-1)
    b16 = jnp.broadcast_to(bias_.reshape(()), (16,)).astype(jnp.float32)
    return _pairfm(u32, i32, j32, tu, ti, ub, ib, b16)

# --- scband reference (transcript-rebuilt; emitter-appended) ---
"""Pipeline reference for scband-pair-fm-816043786511 (READ-ONLY COPY).

The authoritative reference and input builder live on the scoring server;
editing this copy changes nothing except your own understanding.
"""

import jax, jax.numpy as jnp
import numpy as np

USER_NUM = 1000000
ITEM_NUM = 1000000
FACTORS = 64
BATCH = 16384

def setup_inputs(seed: int = 0) -> dict:
    key = jax.random.key(seed)
    k_u, k_i, k_j, k_eu, k_ei = (jax.random.fold_in(key, t) for t in range(5))
    u = jax.random.randint(k_u, (BATCH,), 0, USER_NUM, dtype=jnp.int64) if jax.config.jax_enable_x64 else jax.random.randint(k_u, (BATCH,), 0, USER_NUM).astype(jnp.int32)
    i = jax.random.randint(k_i, (BATCH,), 0, ITEM_NUM).astype(u.dtype)
    j = jax.random.randint(k_j, (BATCH,), 0, ITEM_NUM).astype(u.dtype)
    embed_user = jax.random.normal(k_eu, (USER_NUM, FACTORS), dtype=jnp.float32) * 0.01
    embed_item = jax.random.normal(k_ei, (ITEM_NUM, FACTORS), dtype=jnp.float32) * 0.01
    u_bias = jnp.zeros((USER_NUM, 1), dtype=jnp.float32)
    i_bias = jnp.zeros((ITEM_NUM, 1), dtype=jnp.float32)
    bias_ = jnp.zeros((1,), dtype=jnp.float32)
    return {"u": u, "i": i, "j": j, "embed_user": embed_user, "embed_item": embed_item, "u_bias": u_bias, "i_bias": i_bias, "bias_": bias_}

def reference(u, i, j, embed_user, embed_item, u_bias, i_bias, bias_):
    user = jnp.take(embed_user, u, axis=0)
    item_i = jnp.take(embed_item, i, axis=0)
    item_j = jnp.take(embed_item, j, axis=0)
    pred_i = jnp.sum(user * item_i, axis=-1, keepdims=True)
    pred_j = jnp.sum(user * item_j, axis=-1, keepdims=True)
    pred_i = pred_i + jnp.take(u_bias, u, axis=0) + jnp.take(i_bias, i, axis=0) + bias_
    pred_j = pred_j + jnp.take(u_bias, u, axis=0) + jnp.take(i_bias, j, axis=0) + bias_
    return (pred_i.reshape(-1), pred_j.reshape(-1))

if __name__ == "__main__":
    import jax
    _d = setup_inputs()
    print(jax.jit(kernel)(*tuple(_d.values())))

</pallas_src>

<mosaic_0001>
#map = affine_map<(d0, d1) -> (0)>
#map1 = affine_map<(d0, d1) -> (0, 0)>
module attributes {stable_mosaic.version = 14 : i64} {
  func.func @_body(%arg0: i32, %arg1: i32, %arg2: memref<16384xi32, #tpu.memory_space<hbm>>, %arg3: memref<16384xi32, #tpu.memory_space<hbm>>, %arg4: memref<16384xi32, #tpu.memory_space<hbm>>, %arg5: memref<1000000x64xf32, #tpu.memory_space<hbm>>, %arg6: memref<1000000x64xf32, #tpu.memory_space<hbm>>, %arg7: memref<1000000xf32, #tpu.memory_space<hbm>>, %arg8: memref<1000000xf32, #tpu.memory_space<hbm>>, %arg9: memref<16xf32, #tpu.memory_space<hbm>>, %arg10: memref<16384xf32, #tpu.memory_space<hbm>>, %arg11: memref<16384xf32, #tpu.memory_space<hbm>>, %arg12: memref<4x128xi32, #tpu.memory_space<vmem>>, %arg13: memref<4x128xi32, #tpu.memory_space<vmem>>, %arg14: memref<4x128xi32, #tpu.memory_space<vmem>>, %arg15: memref<512x64xf32, #tpu.memory_space<vmem>>, %arg16: memref<512x64xf32, #tpu.memory_space<vmem>>, %arg17: memref<512x64xf32, #tpu.memory_space<vmem>>, %arg18: memref<512xf32, #tpu.memory_space<vmem>>, %arg19: memref<512xf32, #tpu.memory_space<vmem>>, %arg20: memref<512xf32, #tpu.memory_space<vmem>>, %arg21: memref<16xf32, #tpu.memory_space<vmem>>, %arg22: memref<512xf32, #tpu.memory_space<vmem>>, %arg23: memref<512xf32, #tpu.memory_space<vmem>>, %arg24: memref<!tpu.dma_semaphore, #tpu.memory_space<semaphore_mem>>) attributes {dimension_semantics = [#tpu.dimension_semantics<core_parallel>, #tpu.dimension_semantics<subcore_parallel>], iteration_bounds = array<i64: 2, 16>, scalar_prefetch = 0 : i64, scratch_operands = 13 : i64, tpu.core_type = #tpu.core_type<sc_vector_subcore>, window_params = [{transform_indices = #map}, {transform_indices = #map}, {transform_indices = #map}, {transform_indices = #map1}, {transform_indices = #map1}, {transform_indices = #map}, {transform_indices = #map}, {transform_indices = #map}, {transform_indices = #map}, {transform_indices = #map}]} {
    %mul3A = arith.constant 2 : i32
    %mul3A_0 = arith.muli %arg1, %mul3A : i32
    %add3A = arith.addi %mul3A_0, %arg0 : i32
    %mul3A_1 = arith.constant 512 : i32
    %mul3A_2 = arith.muli %add3A, %mul3A_1 : i32
    %add3A_3 = arith.constant 0 : i32
    %add3A_4 = arith.addi %mul3A_2, %add3A_3 : i32
    %run_scoped3A = arith.constant 0 : i32
    "tpu.region"() ({
      %run_scoped3A_474 = tpu.sem_alloc : memref<!tpu.dma_semaphore, #tpu.memory_space<semaphore_mem>>
      %dma_start3A_475 = arith.constant 0 : i32
      %dma_start3A_476 = tpu.memref_slice %arg12[%run_scoped3A, %dma_start3A_475] : memref<4x128xi32, #tpu.memory_space<vmem>> -> memref<1x128xi32, #tpu.memory_space<vmem>>
      %dma_start3A_477 = tpu.memref_squeeze %dma_start3A_476 : memref<1x128xi32, #tpu.memory_space<vmem>> -> memref<128xi32, #tpu.memory_space<vmem>>
      %dma_start3A_478 = tpu.memref_slice %arg2[%add3A_4] : memref<16384xi32, #tpu.memory_space<hbm>> -> memref<128xi32, #tpu.memory_space<hbm>>
      %dma_start3A_479 = arith.constant 0 : i32
      %dma_start3A_480 = tpu.memref_slice %arg12[%run_scoped3A, %dma_start3A_479] : memref<4x128xi32, #tpu.memory_space<vmem>> -> memref<1x128xi32, #tpu.memory_space<vmem>>
      %dma_start3A_481 = tpu.memref_squeeze %dma_start3A_480 : memref<1x128xi32, #tpu.memory_space<vmem>> -> memref<128xi32, #tpu.memory_space<vmem>>
      %dma_start3A_482 = tpu.memref_slice %arg2[%add3A_4] : memref<16384xi32, #tpu.memory_space<hbm>> -> memref<128xi32, #tpu.memory_space<hbm>>
      tpu.enqueue_dma source(%dma_start3A_482 : memref<128xi32, #tpu.memory_space<hbm>>) target(%dma_start3A_481 : memref<128xi32, #tpu.memory_space<vmem>>) target_semaphore(%run_scoped3A_474 : memref<!tpu.dma_semaphore, #tpu.memory_space<semaphore_mem>>)
      %dma_wait3A_483 = arith.constant 0 : i32
      %dma_wait3A_484 = tpu.memref_slice %arg12[%run_scoped3A, %dma_wait3A_483] : memref<4x128xi32, #tpu.memory_space<vmem>> -> memref<1x128xi32, #tpu.memory_space<vmem>>
      %dma_wait3A_485 = tpu.memref_squeeze %dma_wait3A_484 : memref<1x128xi32, #tpu.memory_space<vmem>> -> memref<128xi32, #tpu.memory_space<vmem>>
      %dma_wait3A_486 = tpu.memref_slice %arg2[%add3A_4] : memref<16384xi32, #tpu.memory_space<hbm>> -> memref<128xi32, #tpu.memory_space<hbm>>
      %dma_wait3A_487 = arith.constant 0 : i32
      %dma_wait3A_488 = tpu.memref_slice %arg12[%run_scoped3A, %dma_wait3A_487] : memref<4x128xi32, #tpu.memory_space<vmem>> -> memref<1x128xi32, #tpu.memory_space<vmem>>
      %dma_wait3A_489 = tpu.memref_squeeze %dma_wait3A_488 : memref<1x128xi32, #tpu.memory_space<vmem>> -> memref<128xi32, #tpu.memory_space<vmem>>
      %dma_wait3A_490 = tpu.memref_slice %arg2[%add3A_4] : memref<16384xi32, #tpu.memory_space<hbm>> -> memref<128xi32, #tpu.memory_space<hbm>>
      tpu.wait_dma2 semaphore(%run_scoped3A_474 : memref<!tpu.dma_semaphore, #tpu.memory_space<semaphore_mem>>) src(%dma_wait3A_490 : memref<128xi32, #tpu.memory_space<hbm>>) dst(%dma_wait3A_489 : memref<128xi32, #tpu.memory_space<vmem>>)
      tpu.yield
    }) : () -> ()
    %add3A_5 = arith.constant 0 : i32
    %add3A_6 = arith.addi %mul3A_2, %add3A_5 : i32
    %run_scoped3A_7 = arith.constant 0 : i32
    "tpu.region"() ({
      %run_scoped3A_474 = tpu.sem_alloc : memref<!tpu.dma_semaphore, #tpu.memory_space<semaphore_mem>>
      %dma_start3A_475 = arith.constant 0 : i32
      %dma_start3A_476 = tpu.memref_slice %arg13[%run_scoped3A_7, %dma_start3A_475] : memref<4x128xi32, #tpu.memory_space<vmem>> -> memref<1x128xi32, #tpu.memory_space<vmem>>
      %dma_start3A_477 = tpu.memref_squeeze %dma_start3A_476 : memref<1x128xi32, #tpu.memory_space<vmem>> -> memref<128xi32, #tpu.memory_space<vmem>>
      %dma_start3A_478 = tpu.memref_slice %arg3[%add3A_6] : memref<16384xi32, #tpu.memory_space<hbm>> -> memref<128xi32, #tpu.memory_space<hbm>>
      %dma_start3A_479 = arith.constant 0 : i32
      %dma_start3A_480 = tpu.memref_slice %arg13[%run_scoped3A_7, %dma_start3A_479] : memref<4x128xi32, #tpu.memory_space<vmem>> -> memref<1x128xi32, #tpu.memory_space<vmem>>
      %dma_start3A_481 = tpu.memref_squeeze %dma_start3A_480 : memref<1x128xi32, #tpu.memory_space<vmem>> -> memref<128xi32, #tpu.memory_space<vmem>>
      %dma_start3A_482 = tpu.memref_slice %arg3[%add3A_6] : memref<16384xi32, #tpu.memory_space<hbm>> -> memref<128xi32, #tpu.memory_space<hbm>>
      tpu.enqueue_dma source(%dma_start3A_482 : memref<128xi32, #tpu.memory_space<hbm>>) target(%dma_start3A_481 : memref<128xi32, #tpu.memory_space<vmem>>) target_semaphore(%run_scoped3A_474 : memref<!tpu.dma_semaphore, #tpu.memory_space<semaphore_mem>>)
      %dma_wait3A_483 = arith.constant 0 : i32
      %dma_wait3A_484 = tpu.memref_slice %arg13[%run_scoped3A_7, %dma_wait3A_483] : memref<4x128xi32, #tpu.memory_space<vmem>> -> memref<1x128xi32, #tpu.memory_space<vmem>>
      %dma_wait3A_485 = tpu.memref_squeeze %dma_wait3A_484 : memref<1x128xi32, #tpu.memory_space<vmem>> -> memref<128xi32, #tpu.memory_space<vmem>>
      %dma_wait3A_486 = tpu.memref_slice %arg3[%add3A_6] : memref<16384xi32, #tpu.memory_space<hbm>> -> memref<128xi32, #tpu.memory_space<hbm>>
      %dma_wait3A_487 = arith.constant 0 : i32
      %dma_wait3A_488 = tpu.memref_slice %arg13[%run_scoped3A_7, %dma_wait3A_487] : memref<4x128xi32, #tpu.memory_space<vmem>> -> memref<1x128xi32, #tpu.memory_space<vmem>>
      %dma_wait3A_489 = tpu.memref_squeeze %dma_wait3A_488 : memref<1x128xi32, #tpu.memory_space<vmem>> -> memref<128xi32, #tpu.memory_space<vmem>>
      %dma_wait3A_490 = tpu.memref_slice %arg3[%add3A_6] : memref<16384xi32, #tpu.memory_space<hbm>> -> memref<128xi32, #tpu.memory_space<hbm>>
      tpu.wait_dma2 semaphore(%run_scoped3A_474 : memref<!tpu.dma_semaphore, #tpu.memory_space<semaphore_mem>>) src(%dma_wait3A_490 : memref<128xi32, #tpu.memory_space<hbm>>) dst(%dma_wait3A_489 : memref<128xi32, #tpu.memory_space<vmem>>)
      tpu.yield
    }) : () -> ()
    %add3A_8 = arith.constant 0 : i32
    %add3A_9 = arith.addi %mul3A_2, %add3A_8 : i32
    %run_scoped3A_10 = arith.constant 0 : i32
    "tpu.region"() ({
      %run_scoped3A_474 = tpu.sem_alloc : memref<!tpu.dma_semaphore, #tpu.memory_space<semaphore_mem>>
      %dma_start3A_475 = arith.constant 0 : i32
      %dma_start3A_476 = tpu.memref_slice %arg14[%run_scoped3A_10, %dma_start3A_475] : memref<4x128xi32, #tpu.memory_space<vmem>> -> memref<1x128xi32, #tpu.memory_space<vmem>>
      %dma_start3A_477 = tpu.memref_squeeze %dma_start3A_476 : memref<1x128xi32, #tpu.memory_space<vmem>> -> memref<128xi32, #tpu.memory_space<vmem>>
      %dma_start3A_478 = tpu.memref_slice %arg4[%add3A_9] : memref<16384xi32, #tpu.memory_space<hbm>> -> memref<128xi32, #tpu.memory_space<hbm>>
      %dma_start3A_479 = arith.constant 0 : i32
      %dma_start3A_480 = tpu.memref_slice %arg14[%run_scoped3A_10, %dma_start3A_479] : memref<4x128xi32, #tpu.memory_space<vmem>> -> memref<1x128xi32, #tpu.memory_space<vmem>>
      %dma_start3A_481 = tpu.memref_squeeze %dma_start3A_480 : memref<1x128xi32, #tpu.memory_space<vmem>> -> memref<128xi32, #tpu.memory_space<vmem>>
      %dma_start3A_482 = tpu.memref_slice %arg4[%add3A_9] : memref<16384xi32, #tpu.memory_space<hbm>> -> memref<128xi32, #tpu.memory_space<hbm>>
      tpu.enqueue_dma source(%dma_start3A_482 : memref<128xi32, #tpu.memory_space<hbm>>) target(%dma_start3A_481 : memref<128xi32, #tpu.memory_space<vmem>>) target_semaphore(%run_scoped3A_474 : memref<!tpu.dma_semaphore, #tpu.memory_space<semaphore_mem>>)
      %dma_wait3A_483 = arith.constant 0 : i32
      %dma_wait3A_484 = tpu.memref_slice %arg14[%run_scoped3A_10, %dma_wait3A_483] : memref<4x128xi32, #tpu.memory_space<vmem>> -> memref<1x128xi32, #tpu.memory_space<vmem>>
      %dma_wait3A_485 = tpu.memref_squeeze %dma_wait3A_484 : memref<1x128xi32, #tpu.memory_space<vmem>> -> memref<128xi32, #tpu.memory_space<vmem>>
      %dma_wait3A_486 = tpu.memref_slice %arg4[%add3A_9] : memref<16384xi32, #tpu.memory_space<hbm>> -> memref<128xi32, #tpu.memory_space<hbm>>
      %dma_wait3A_487 = arith.constant 0 : i32
      %dma_wait3A_488 = tpu.memref_slice %arg14[%run_scoped3A_10, %dma_wait3A_487] : memref<4x128xi32, #tpu.memory_space<vmem>> -> memref<1x128xi32, #tpu.memory_space<vmem>>
      %dma_wait3A_489 = tpu.memref_squeeze %dma_wait3A_488 : memref<1x128xi32, #tpu.memory_space<vmem>> -> memref<128xi32, #tpu.memory_space<vmem>>
      %dma_wait3A_490 = tpu.memref_slice %arg4[%add3A_9] : memref<16384xi32, #tpu.memory_space<hbm>> -> memref<128xi32, #tpu.memory_space<hbm>>
      tpu.wait_dma2 semaphore(%run_scoped3A_474 : memref<!tpu.dma_semaphore, #tpu.memory_space<semaphore_mem>>) src(%dma_wait3A_490 : memref<128xi32, #tpu.memory_space<hbm>>) dst(%dma_wait3A_489 : memref<128xi32, #tpu.memory_space<vmem>>)
      tpu.yield
    }) : () -> ()
    %add3A_11 = arith.constant 128 : i32
    %add3A_12 = arith.addi %mul3A_2, %add3A_11 : i32
    %run_scoped3A_13 = arith.constant 1 : i32
    "tpu.region"() ({
      %run_scoped3A_474 = tpu.sem_alloc : memref<!tpu.dma_semaphore, #tpu.memory_space<semaphore_mem>>
      %dma_start3A_475 = arith.constant 0 : i32
      %dma_start3A_476 = tpu.memref_slice %arg12[%run_scoped3A_13, %dma_start3A_475] : memref<4x128xi32, #tpu.memory_space<vmem>> -> memref<1x128xi32, #tpu.memory_space<vmem>>
      %dma_start3A_477 = tpu.memref_squeeze %dma_start3A_476 : memref<1x128xi32, #tpu.memory_space<vmem>> -> memref<128xi32, #tpu.memory_space<vmem>>
      %dma_start3A_478 = tpu.memref_slice %arg2[%add3A_12] : memref<16384xi32, #tpu.memory_space<hbm>> -> memref<128xi32, #tpu.memory_space<hbm>>
      %dma_start3A_479 = arith.constant 0 : i32
      %dma_start3A_480 = tpu.memref_slice %arg12[%run_scoped3A_13, %dma_start3A_479] : memref<4x128xi32, #tpu.memory_space<vmem>> -> memref<1x128xi32, #tpu.memory_space<vmem>>
      %dma_start3A_481 = tpu.memref_squeeze %dma_start3A_480 : memref<1x128xi32, #tpu.memory_space<vmem>> -> memref<128xi32, #tpu.memory_space<vmem>>
      %dma_start3A_482 = tpu.memref_slice %arg2[%add3A_12] : memref<16384xi32, #tpu.memory_space<hbm>> -> memref<128xi32, #tpu.memory_space<hbm>>
      tpu.enqueue_dma source(%dma_start3A_482 : memref<128xi32, #tpu.memory_space<hbm>>) target(%dma_start3A_481 : memref<128xi32, #tpu.memory_space<vmem>>) target_semaphore(%run_scoped3A_474 : memref<!tpu.dma_semaphore, #tpu.memory_space<semaphore_mem>>)
      %dma_wait3A_483 = arith.constant 0 : i32
      %dma_wait3A_484 = tpu.memref_slice %arg12[%run_scoped3A_13, %dma_wait3A_483] : memref<4x128xi32, #tpu.memory_space<vmem>> -> memref<1x128xi32, #tpu.memory_space<vmem>>
      %dma_wait3A_485 = tpu.memref_squeeze %dma_wait3A_484 : memref<1x128xi32, #tpu.memory_space<vmem>> -> memref<128xi32, #tpu.memory_space<vmem>>
      %dma_wait3A_486 = tpu.memref_slice %arg2[%add3A_12] : memref<16384xi32, #tpu.memory_space<hbm>> -> memref<128xi32, #tpu.memory_space<hbm>>
      %dma_wait3A_487 = arith.constant 0 : i32
      %dma_wait3A_488 = tpu.memref_slice %arg12[%run_scoped3A_13, %dma_wait3A_487] : memref<4x128xi32, #tpu.memory_space<vmem>> -> memref<1x128xi32, #tpu.memory_space<vmem>>
      %dma_wait3A_489 = tpu.memref_squeeze %dma_wait3A_488 : memref<1x128xi32, #tpu.memory_space<vmem>> -> memref<128xi32, #tpu.memory_space<vmem>>
      %dma_wait3A_490 = tpu.memref_slice %arg2[%add3A_12] : memref<16384xi32, #tpu.memory_space<hbm>> -> memref<128xi32, #tpu.memory_space<hbm>>
      tpu.wait_dma2 semaphore(%run_scoped3A_474 : memref<!tpu.dma_semaphore, #tpu.memory_space<semaphore_mem>>) src(%dma_wait3A_490 : memref<128xi32, #tpu.memory_space<hbm>>) dst(%dma_wait3A_489 : memref<128xi32, #tpu.memory_space<vmem>>)
      tpu.yield
    }) : () -> ()
    %add3A_14 = arith.constant 128 : i32
    %add3A_15 = arith.addi %mul3A_2, %add3A_14 : i32
    %run_scoped3A_16 = arith.constant 1 : i32
    "tpu.region"() ({
      %run_scoped3A_474 = tpu.sem_alloc : memref<!tpu.dma_semaphore, #tpu.memory_space<semaphore_mem>>
      %dma_start3A_475 = arith.constant 0 : i32
      %dma_start3A_476 = tpu.memref_slice %arg13[%run_scoped3A_16, %dma_start3A_475] : memref<4x128xi32, #tpu.memory_space<vmem>> -> memref<1x128xi32, #tpu.memory_space<vmem>>
      %dma_start3A_477 = tpu.memref_squeeze %dma_start3A_476 : memref<1x128xi32, #tpu.memory_space<vmem>> -> memref<128xi32, #tpu.memory_space<vmem>>
      %dma_start3A_478 = tpu.memref_slice %arg3[%add3A_15] : memref<16384xi32, #tpu.memory_space<hbm>> -> memref<128xi32, #tpu.memory_space<hbm>>
      %dma_start3A_479 = arith.constant 0 : i32
      %dma_start3A_480 = tpu.memref_slice %arg13[%run_scoped3A_16, %dma_start3A_479] : memref<4x128xi32, #tpu.memory_space<vmem>> -> memref<1x128xi32, #tpu.memory_space<vmem>>
      %dma_start3A_481 = tpu.memref_squeeze %dma_start3A_480 : memref<1x128xi32, #tpu.memory_space<vmem>> -> memref<128xi32, #tpu.memory_space<vmem>>
      %dma_start3A_482 = tpu.memref_slice %arg3[%add3A_15] : memref<16384xi32, #tpu.memory_space<hbm>> -> memref<128xi32, #tpu.memory_space<hbm>>
      tpu.enqueue_dma source(%dma_start3A_482 : memref<128xi32, #tpu.memory_space<hbm>>) target(%dma_start3A_481 : memref<128xi32, #tpu.memory_space<vmem>>) target_semaphore(%run_scoped3A_474 : memref<!tpu.dma_semaphore, #tpu.memory_space<semaphore_mem>>)
      %dma_wait3A_483 = arith.constant 0 : i32
      %dma_wait3A_484 = tpu.memref_slice %arg13[%run_scoped3A_16, %dma_wait3A_483] : memref<4x128xi32, #tpu.memory_space<vmem>> -> memref<1x128xi32, #tpu.memory_space<vmem>>
      %dma_wait3A_485 = tpu.memref_squeeze %dma_wait3A_484 : memref<1x128xi32, #tpu.memory_space<vmem>> -> memref<128xi32, #tpu.memory_space<vmem>>
      %dma_wait3A_486 = tpu.memref_slice %arg3[%add3A_15] : memref<16384xi32, #tpu.memory_space<hbm>> -> memref<128xi32, #tpu.memory_space<hbm>>
      %dma_wait3A_487 = arith.constant 0 : i32
      %dma_wait3A_488 = tpu.memref_slice %arg13[%run_scoped3A_16, %dma_wait3A_487] : memref<4x128xi32, #tpu.memory_space<vmem>> -> memref<1x128xi32, #tpu.memory_space<vmem>>
      %dma_wait3A_489 = tpu.memref_squeeze %dma_wait3A_488 : memref<1x128xi32, #tpu.memory_space<vmem>> -> memref<128xi32, #tpu.memory_space<vmem>>
      %dma_wait3A_490 = tpu.memref_slice %arg3[%add3A_15] : memref<16384xi32, #tpu.memory_space<hbm>> -> memref<128xi32, #tpu.memory_space<hbm>>
      tpu.wait_dma2 semaphore(%run_scoped3A_474 : memref<!tpu.dma_semaphore, #tpu.memory_space<semaphore_mem>>) src(%dma_wait3A_490 : memref<128xi32, #tpu.memory_space<hbm>>) dst(%dma_wait3A_489 : memref<128xi32, #tpu.memory_space<vmem>>)
      tpu.yield
    }) : () -> ()
    %add3A_17 = arith.constant 128 : i32
    %add3A_18 = arith.addi %mul3A_2, %add3A_17 : i32
    %run_scoped3A_19 = arith.constant 1 : i32
    "tpu.region"() ({
      %run_scoped3A_474 = tpu.sem_alloc : memref<!tpu.dma_semaphore, #tpu.memory_space<semaphore_mem>>
      %dma_start3A_475 = arith.constant 0 : i32
      %dma_start3A_476 = tpu.memref_slice %arg14[%run_scoped3A_19, %dma_start3A_475] : memref<4x128xi32, #tpu.memory_space<vmem>> -> memref<1x128xi32, #tpu.memory_space<vmem>>
      %dma_start3A_477 = tpu.memref_squeeze %dma_start3A_476 : memref<1x128xi32, #tpu.memory_space<vmem>> -> memref<128xi32, #tpu.memory_space<vmem>>
      %dma_start3A_478 = tpu.memref_slice %arg4[%add3A_18] : memref<16384xi32, #tpu.memory_space<hbm>> -> memref<128xi32, #tpu.memory_space<hbm>>
      %dma_start3A_479 = arith.constant 0 : i32
      %dma_start3A_480 = tpu.memref_slice %arg14[%run_scoped3A_19, %dma_start3A_479] : memref<4x128xi32, #tpu.memory_space<vmem>> -> memref<1x128xi32, #tpu.memory_space<vmem>>
      %dma_start3A_481 = tpu.memref_squeeze %dma_start3A_480 : memref<1x128xi32, #tpu.memory_space<vmem>> -> memref<128xi32, #tpu.memory_space<vmem>>
      %dma_start3A_482 = tpu.memref_slice %arg4[%add3A_18] : memref<16384xi32, #tpu.memory_space<hbm>> -> memref<128xi32, #tpu.memory_space<hbm>>
      tpu.enqueue_dma source(%dma_start3A_482 : memref<128xi32, #tpu.memory_space<hbm>>) target(%dma_start3A_481 : memref<128xi32, #tpu.memory_space<vmem>>) target_semaphore(%run_scoped3A_474 : memref<!tpu.dma_semaphore, #tpu.memory_space<semaphore_mem>>)
      %dma_wait3A_483 = arith.constant 0 : i32
      %dma_wait3A_484 = tpu.memref_slice %arg14[%run_scoped3A_19, %dma_wait3A_483] : memref<4x128xi32, #tpu.memory_space<vmem>> -> memref<1x128xi32, #tpu.memory_space<vmem>>
      %dma_wait3A_485 = tpu.memref_squeeze %dma_wait3A_484 : memref<1x128xi32, #tpu.memory_space<vmem>> -> memref<128xi32, #tpu.memory_space<vmem>>
      %dma_wait3A_486 = tpu.memref_slice %arg4[%add3A_18] : memref<16384xi32, #tpu.memory_space<hbm>> -> memref<128xi32, #tpu.memory_space<hbm>>
      %dma_wait3A_487 = arith.constant 0 : i32
      %dma_wait3A_488 = tpu.memref_slice %arg14[%run_scoped3A_19, %dma_wait3A_487] : memref<4x128xi32, #tpu.memory_space<vmem>> -> memref<1x128xi32, #tpu.memory_space<vmem>>
      %dma_wait3A_489 = tpu.memref_squeeze %dma_wait3A_488 : memref<1x128xi32, #tpu.memory_space<vmem>> -> memref<128xi32, #tpu.memory_space<vmem>>
      %dma_wait3A_490 = tpu.memref_slice %arg4[%add3A_18] : memref<16384xi32, #tpu.memory_space<hbm>> -> memref<128xi32, #tpu.memory_space<hbm>>
      tpu.wait_dma2 semaphore(%run_scoped3A_474 : memref<!tpu.dma_semaphore, #tpu.memory_space<semaphore_mem>>) src(%dma_wait3A_490 : memref<128xi32, #tpu.memory_space<hbm>>) dst(%dma_wait3A_489 : memref<128xi32, #tpu.memory_space<vmem>>)
      tpu.yield
    }) : () -> ()
    %add3A_20 = arith.constant 256 : i32
    %add3A_21 = arith.addi %mul3A_2, %add3A_20 : i32
    %run_scoped3A_22 = arith.constant 2 : i32
    "tpu.region"() ({
      %run_scoped3A_474 = tpu.sem_alloc : memref<!tpu.dma_semaphore, #tpu.memory_space<semaphore_mem>>
      %dma_start3A_475 = arith.constant 0 : i32
      %dma_start3A_476 = tpu.memref_slice %arg12[%run_scoped3A_22, %dma_start3A_475] : memref<4x128xi32, #tpu.memory_space<vmem>> -> memref<1x128xi32, #tpu.memory_space<vmem>>
      %dma_start3A_477 = tpu.memref_squeeze %dma_start3A_476 : memref<1x128xi32, #tpu.memory_space<vmem>> -> memref<128xi32, #tpu.memory_space<vmem>>
      %dma_start3A_478 = tpu.memref_slice %arg2[%add3A_21] : memref<16384xi32, #tpu.memory_space<hbm>> -> memref<128xi32, #tpu.memory_space<hbm>>
      %dma_start3A_479 = arith.constant 0 : i32
      %dma_start3A_480 = tpu.memref_slice %arg12[%run_scoped3A_22, %dma_start3A_479] : memref<4x128xi32, #tpu.memory_space<vmem>> -> memref<1x128xi32, #tpu.memory_space<vmem>>
      %dma_start3A_481 = tpu.memref_squeeze %dma_start3A_480 : memref<1x128xi32, #tpu.memory_space<vmem>> -> memref<128xi32, #tpu.memory_space<vmem>>
      %dma_start3A_482 = tpu.memref_slice %arg2[%add3A_21] : memref<16384xi32, #tpu.memory_space<hbm>> -> memref<128xi32, #tpu.memory_space<hbm>>
      tpu.enqueue_dma source(%dma_start3A_482 : memref<128xi32, #tpu.memory_space<hbm>>) target(%dma_start3A_481 : memref<128xi32, #tpu.memory_space<vmem>>) target_semaphore(%run_scoped3A_474 : memref<!tpu.dma_semaphore, #tpu.memory_space<semaphore_mem>>)
      %dma_wait3A_483 = arith.constant 0 : i32
      %dma_wait3A_484 = tpu.memref_slice %arg12[%run_scoped3A_22, %dma_wait3A_483] : memref<4x128xi32, #tpu.memory_space<vmem>> -> memref<1x128xi32, #tpu.memory_space<vmem>>
      %dma_wait3A_485 = tpu.memref_squeeze %dma_wait3A_484 : memref<1x128xi32, #tpu.memory_space<vmem>> -> memref<128xi32, #tpu.memory_space<vmem>>
      %dma_wait3A_486 = tpu.memref_slice %arg2[%add3A_21] : memref<16384xi32, #tpu.memory_space<hbm>> -> memref<128xi32, #tpu.memory_space<hbm>>
      %dma_wait3A_487 = arith.constant 0 : i32
      %dma_wait3A_488 = tpu.memref_slice %arg12[%run_scoped3A_22, %dma_wait3A_487] : memref<4x128xi32, #tpu.memory_space<vmem>> -> memref<1x128xi32, #tpu.memory_space<vmem>>
      %dma_wait3A_489 = tpu.memref_squeeze %dma_wait3A_488 : memref<1x128xi32, #tpu.memory_space<vmem>> -> memref<128xi32, #tpu.memory_space<vmem>>
      %dma_wait3A_490 = tpu.memref_slice %arg2[%add3A_21] : memref<16384xi32, #tpu.memory_space<hbm>> -> memref<128xi32, #tpu.memory_space<hbm>>
      tpu.wait_dma2 semaphore(%run_scoped3A_474 : memref<!tpu.dma_semaphore, #tpu.memory_space<semaphore_mem>>) src(%dma_wait3A_490 : memref<128xi32, #tpu.memory_space<hbm>>) dst(%dma_wait3A_489 : memref<128xi32, #tpu.memory_space<vmem>>)
      tpu.yield
    }) : () -> ()
    %add3A_23 = arith.constant 256 : i32
    %add3A_24 = arith.addi %mul3A_2, %add3A_23 : i32
    %run_scoped3A_25 = arith.constant 2 : i32
    "tpu.region"() ({
      %run_scoped3A_474 = tpu.sem_alloc : memref<!tpu.dma_semaphore, #tpu.memory_space<semaphore_mem>>
      %dma_start3A_475 = arith.constant 0 : i32
      %dma_start3A_476 = tpu.memref_slice %arg13[%run_scoped3A_25, %dma_start3A_475] : memref<4x128xi32, #tpu.memory_space<vmem>> -> memref<1x128xi32, #tpu.memory_space<vmem>>
      %dma_start3A_477 = tpu.memref_squeeze %dma_start3A_476 : memref<1x128xi32, #tpu.memory_space<vmem>> -> memref<128xi32, #tpu.memory_space<vmem>>
      %dma_start3A_478 = tpu.memref_slice %arg3[%add3A_24] : memref<16384xi32, #tpu.memory_space<hbm>> -> memref<128xi32, #tpu.memory_space<hbm>>
      %dma_start3A_479 = arith.constant 0 : i32
      %dma_start3A_480 = tpu.memref_slice %arg13[%run_scoped3A_25, %dma_start3A_479] : memref<4x128xi32, #tpu.memory_space<vmem>> -> memref<1x128xi32, #tpu.memory_space<vmem>>
      %dma_start3A_481 = tpu.memref_squeeze %dma_start3A_480 : memref<1x128xi32, #tpu.memory_space<vmem>> -> memref<128xi32, #tpu.memory_space<vmem>>
      %dma_start3A_482 = tpu.memref_slice %arg3[%add3A_24] : memref<16384xi32, #tpu.memory_space<hbm>> -> memref<128xi32, #tpu.memory_space<hbm>>
      tpu.enqueue_dma source(%dma_start3A_482 : memref<128xi32, #tpu.memory_space<hbm>>) target(%dma_start3A_481 : memref<128xi32, #tpu.memory_space<vmem>>) target_semaphore(%run_scoped3A_474 : memref<!tpu.dma_semaphore, #tpu.memory_space<semaphore_mem>>)
      %dma_wait3A_483 = arith.constant 0 : i32
      %dma_wait3A_484 = tpu.memref_slice %arg13[%run_scoped3A_25, %dma_wait3A_483] : memref<4x128xi32, #tpu.memory_space<vmem>> -> memref<1x128xi32, #tpu.memory_space<vmem>>
      %dma_wait3A_485 = tpu.memref_squeeze %dma_wait3A_484 : memref<1x128xi32, #tpu.memory_space<vmem>> -> memref<128xi32, #tpu.memory_space<vmem>>
      %dma_wait3A_486 = tpu.memref_slice %arg3[%add3A_24] : memref<16384xi32, #tpu.memory_space<hbm>> -> memref<128xi32, #tpu.memory_space<hbm>>
      %dma_wait3A_487 = arith.constant 0 : i32
      %dma_wait3A_488 = tpu.memref_slice %arg13[%run_scoped3A_25, %dma_wait3A_487] : memref<4x128xi32, #tpu.memory_space<vmem>> -> memref<1x128xi32, #tpu.memory_space<vmem>>
      %dma_wait3A_489 = tpu.memref_squeeze %dma_wait3A_488 : memref<1x128xi32, #tpu.memory_space<vmem>> -> memref<128xi32, #tpu.memory_space<vmem>>
      %dma_wait3A_490 = tpu.memref_slice %arg3[%add3A_24] : memref<16384xi32, #tpu.memory_space<hbm>> -> memref<128xi32, #tpu.memory_space<hbm>>
      tpu.wait_dma2 semaphore(%run_scoped3A_474 : memref<!tpu.dma_semaphore, #tpu.memory_space<semaphore_mem>>) src(%dma_wait3A_490 : memref<128xi32, #tpu.memory_space<hbm>>) dst(%dma_wait3A_489 : memref<128xi32, #tpu.memory_space<vmem>>)
      tpu.yield
    }) : () -> ()
    %add3A_26 = arith.constant 256 : i32
    %add3A_27 = arith.addi %mul3A_2, %add3A_26 : i32
    %run_scoped3A_28 = arith.constant 2 : i32
    "tpu.region"() ({
      %run_scoped3A_474 = tpu.sem_alloc : memref<!tpu.dma_semaphore, #tpu.memory_space<semaphore_mem>>
      %dma_start3A_475 = arith.constant 0 : i32
      %dma_start3A_476 = tpu.memref_slice %arg14[%run_scoped3A_28, %dma_start3A_475] : memref<4x128xi32, #tpu.memory_space<vmem>> -> memref<1x128xi32, #tpu.memory_space<vmem>>
      %dma_start3A_477 = tpu.memref_squeeze %dma_start3A_476 : memref<1x128xi32, #tpu.memory_space<vmem>> -> memref<128xi32, #tpu.memory_space<vmem>>
      %dma_start3A_478 = tpu.memref_slice %arg4[%add3A_27] : memref<16384xi32, #tpu.memory_space<hbm>> -> memref<128xi32, #tpu.memory_space<hbm>>
      %dma_start3A_479 = arith.constant 0 : i32
      %dma_start3A_480 = tpu.memref_slice %arg14[%run_scoped3A_28, %dma_start3A_479] : memref<4x128xi32, #tpu.memory_space<vmem>> -> memref<1x128xi32, #tpu.memory_space<vmem>>
      %dma_start3A_481 = tpu.memref_squeeze %dma_start3A_480 : memref<1x128xi32, #tpu.memory_space<vmem>> -> memref<128xi32, #tpu.memory_space<vmem>>
      %dma_start3A_482 = tpu.memref_slice %arg4[%add3A_27] : memref<16384xi32, #tpu.memory_space<hbm>> -> memref<128xi32, #tpu.memory_space<hbm>>
      tpu.enqueue_dma source(%dma_start3A_482 : memref<128xi32, #tpu.memory_space<hbm>>) target(%dma_start3A_481 : memref<128xi32, #tpu.memory_space<vmem>>) target_semaphore(%run_scoped3A_474 : memref<!tpu.dma_semaphore, #tpu.memory_space<semaphore_mem>>)
      %dma_wait3A_483 = arith.constant 0 : i32
      %dma_wait3A_484 = tpu.memref_slice %arg14[%run_scoped3A_28, %dma_wait3A_483] : memref<4x128xi32, #tpu.memory_space<vmem>> -> memref<1x128xi32, #tpu.memory_space<vmem>>
      %dma_wait3A_485 = tpu.memref_squeeze %dma_wait3A_484 : memref<1x128xi32, #tpu.memory_space<vmem>> -> memref<128xi32, #tpu.memory_space<vmem>>
      %dma_wait3A_486 = tpu.memref_slice %arg4[%add3A_27] : memref<16384xi32, #tpu.memory_space<hbm>> -> memref<128xi32, #tpu.memory_space<hbm>>
      %dma_wait3A_487 = arith.constant 0 : i32
      %dma_wait3A_488 = tpu.memref_slice %arg14[%run_scoped3A_28, %dma_wait3A_487] : memref<4x128xi32, #tpu.memory_space<vmem>> -> memref<1x128xi32, #tpu.memory_space<vmem>>
      %dma_wait3A_489 = tpu.memref_squeeze %dma_wait3A_488 : memref<1x128xi32, #tpu.memory_space<vmem>> -> memref<128xi32, #tpu.memory_space<vmem>>
      %dma_wait3A_490 = tpu.memref_slice %arg4[%add3A_27] : memref<16384xi32, #tpu.memory_space<hbm>> -> memref<128xi32, #tpu.memory_space<hbm>>
      tpu.wait_dma2 semaphore(%run_scoped3A_474 : memref<!tpu.dma_semaphore, #tpu.memory_space<semaphore_mem>>) src(%dma_wait3A_490 : memref<128xi32, #tpu.memory_space<hbm>>) dst(%dma_wait3A_489 : memref<128xi32, #tpu.memory_space<vmem>>)
      tpu.yield
    }) : () -> ()
    %add3A_29 = arith.constant 384 : i32
    %add3A_30 = arith.addi %mul3A_2, %add3A_29 : i32
    %run_scoped3A_31 = arith.constant 3 : i32
    "tpu.region"() ({
      %run_scoped3A_474 = tpu.sem_alloc : memref<!tpu.dma_semaphore, #tpu.memory_space<semaphore_mem>>
      %dma_start3A_475 = arith.constant 0 : i32
      %dma_start3A_476 = tpu.memref_slice %arg12[%run_scoped3A_31, %dma_start3A_475] : memref<4x128xi32, #tpu.memory_space<vmem>> -> memref<1x128xi32, #tpu.memory_space<vmem>>
      %dma_start3A_477 = tpu.memref_squeeze %dma_start3A_476 : memref<1x128xi32, #tpu.memory_space<vmem>> -> memref<128xi32, #tpu.memory_space<vmem>>
      %dma_start3A_478 = tpu.memref_slice %arg2[%add3A_30] : memref<16384xi32, #tpu.memory_space<hbm>> -> memref<128xi32, #tpu.memory_space<hbm>>
      %dma_start3A_479 = arith.constant 0 : i32
      %dma_start3A_480 = tpu.memref_slice %arg12[%run_scoped3A_31, %dma_start3A_479] : memref<4x128xi32, #tpu.memory_space<vmem>> -> memref<1x128xi32, #tpu.memory_space<vmem>>
      %dma_start3A_481 = tpu.memref_squeeze %dma_start3A_480 : memref<1x128xi32, #tpu.memory_space<vmem>> -> memref<128xi32, #tpu.memory_space<vmem>>
      %dma_start3A_482 = tpu.memref_slice %arg2[%add3A_30] : memref<16384xi32, #tpu.memory_space<hbm>> -> memref<128xi32, #tpu.memory_space<hbm>>
      tpu.enqueue_dma source(%dma_start3A_482 : memref<128xi32, #tpu.memory_space<hbm>>) target(%dma_start3A_481 : memref<128xi32, #tpu.memory_space<vmem>>) target_semaphore(%run_scoped3A_474 : memref<!tpu.dma_semaphore, #tpu.memory_space<semaphore_mem>>)
      %dma_wait3A_483 = arith.constant 0 : i32
      %dma_wait3A_484 = tpu.memref_slice %arg12[%run_scoped3A_31, %dma_wait3A_483] : memref<4x128xi32, #tpu.memory_space<vmem>> -> memref<1x128xi32, #tpu.memory_space<vmem>>
      %dma_wait3A_485 = tpu.memref_squeeze %dma_wait3A_484 : memref<1x128xi32, #tpu.memory_space<vmem>> -> memref<128xi32, #tpu.memory_space<vmem>>
      %dma_wait3A_486 = tpu.memref_slice %arg2[%add3A_30] : memref<16384xi32, #tpu.memory_space<hbm>> -> memref<128xi32, #tpu.memory_space<hbm>>
      %dma_wait3A_487 = arith.constant 0 : i32
      %dma_wait3A_488 = tpu.memref_slice %arg12[%run_scoped3A_31, %dma_wait3A_487] : memref<4x128xi32, #tpu.memory_space<vmem>> -> memref<1x128xi32, #tpu.memory_space<vmem>>
      %dma_wait3A_489 = tpu.memref_squeeze %dma_wait3A_488 : memref<1x128xi32, #tpu.memory_space<vmem>> -> memref<128xi32, #tpu.memory_space<vmem>>
      %dma_wait3A_490 = tpu.memref_slice %arg2[%add3A_30] : memref<16384xi32, #tpu.memory_space<hbm>> -> memref<128xi32, #tpu.memory_space<hbm>>
      tpu.wait_dma2 semaphore(%run_scoped3A_474 : memref<!tpu.dma_semaphore, #tpu.memory_space<semaphore_mem>>) src(%dma_wait3A_490 : memref<128xi32, #tpu.memory_space<hbm>>) dst(%dma_wait3A_489 : memref<128xi32, #tpu.memory_space<vmem>>)
      tpu.yield
    }) : () -> ()
    %add3A_32 = arith.constant 384 : i32
    %add3A_33 = arith.addi %mul3A_2, %add3A_32 : i32
    %run_scoped3A_34 = arith.constant 3 : i32
    "tpu.region"() ({
      %run_scoped3A_474 = tpu.sem_alloc : memref<!tpu.dma_semaphore, #tpu.memory_space<semaphore_mem>>
      %dma_start3A_475 = arith.constant 0 : i32
      %dma_start3A_476 = tpu.memref_slice %arg13[%run_scoped3A_34, %dma_start3A_475] : memref<4x128xi32, #tpu.memory_space<vmem>> -> memref<1x128xi32, #tpu.memory_space<vmem>>
      %dma_start3A_477 = tpu.memref_squeeze %dma_start3A_476 : memref<1x128xi32, #tpu.memory_space<vmem>> -> memref<128xi32, #tpu.memory_space<vmem>>
      %dma_start3A_478 = tpu.memref_slice %arg3[%add3A_33] : memref<16384xi32, #tpu.memory_space<hbm>> -> memref<128xi32, #tpu.memory_space<hbm>>
      %dma_start3A_479 = arith.constant 0 : i32
      %dma_start3A_480 = tpu.memref_slice %arg13[%run_scoped3A_34, %dma_start3A_479] : memref<4x128xi32, #tpu.memory_space<vmem>> -> memref<1x128xi32, #tpu.memory_space<vmem>>
      %dma_start3A_481 = tpu.memref_squeeze %dma_start3A_480 : memref<1x128xi32, #tpu.memory_space<vmem>> -> memref<128xi32, #tpu.memory_space<vmem>>
      %dma_start3A_482 = tpu.memref_slice %arg3[%add3A_33] : memref<16384xi32, #tpu.memory_space<hbm>> -> memref<128xi32, #tpu.memory_space<hbm>>
      tpu.enqueue_dma source(%dma_start3A_482 : memref<128xi32, #tpu.memory_space<hbm>>) target(%dma_start3A_481 : memref<128xi32, #tpu.memory_space<vmem>>) target_semaphore(%run_scoped3A_474 : memref<!tpu.dma_semaphore, #tpu.memory_space<semaphore_mem>>)
      %dma_wait3A_483 = arith.constant 0 : i32
      %dma_wait3A_484 = tpu.memref_slice %arg13[%run_scoped3A_34, %dma_wait3A_483] : memref<4x128xi32, #tpu.memory_space<vmem>> -> memref<1x128xi32, #tpu.memory_space<vmem>>
      %dma_wait3A_485 = tpu.memref_squeeze %dma_wait3A_484 : memref<1x128xi32, #tpu.memory_space<vmem>> -> memref<128xi32, #tpu.memory_space<vmem>>
      %dma_wait3A_486 = tpu.memref_slice %arg3[%add3A_33] : memref<16384xi32, #tpu.memory_space<hbm>> -> memref<128xi32, #tpu.memory_space<hbm>>
      %dma_wait3A_487 = arith.constant 0 : i32
      %dma_wait3A_488 = tpu.memref_slice %arg13[%run_scoped3A_34, %dma_wait3A_487] : memref<4x128xi32, #tpu.memory_space<vmem>> -> memref<1x128xi32, #tpu.memory_space<vmem>>
      %dma_wait3A_489 = tpu.memref_squeeze %dma_wait3A_488 : memref<1x128xi32, #tpu.memory_space<vmem>> -> memref<128xi32, #tpu.memory_space<vmem>>
      %dma_wait3A_490 = tpu.memref_slice %arg3[%add3A_33] : memref<16384xi32, #tpu.memory_space<hbm>> -> memref<128xi32, #tpu.memory_space<hbm>>
      tpu.wait_dma2 semaphore(%run_scoped3A_474 : memref<!tpu.dma_semaphore, #tpu.memory_space<semaphore_mem>>) src(%dma_wait3A_490 : memref<128xi32, #tpu.memory_space<hbm>>) dst(%dma_wait3A_489 : memref<128xi32, #tpu.memory_space<vmem>>)
      tpu.yield
    }) : () -> ()
    %add3A_35 = arith.constant 384 : i32
    %add3A_36 = arith.addi %mul3A_2, %add3A_35 : i32
    %run_scoped3A_37 = arith.constant 3 : i32
    "tpu.region"() ({
      %run_scoped3A_474 = tpu.sem_alloc : memref<!tpu.dma_semaphore, #tpu.memory_space<semaphore_mem>>
      %dma_start3A_475 = arith.constant 0 : i32
      %dma_start3A_476 = tpu.memref_slice %arg14[%run_scoped3A_37, %dma_start3A_475] : memref<4x128xi32, #tpu.memory_space<vmem>> -> memref<1x128xi32, #tpu.memory_space<vmem>>
      %dma_start3A_477 = tpu.memref_squeeze %dma_start3A_476 : memref<1x128xi32, #tpu.memory_space<vmem>> -> memref<128xi32, #tpu.memory_space<vmem>>
      %dma_start3A_478 = tpu.memref_slice %arg4[%add3A_36] : memref<16384xi32, #tpu.memory_space<hbm>> -> memref<128xi32, #tpu.memory_space<hbm>>
      %dma_start3A_479 = arith.constant 0 : i32
      %dma_start3A_480 = tpu.memref_slice %arg14[%run_scoped3A_37, %dma_start3A_479] : memref<4x128xi32, #tpu.memory_space<vmem>> -> memref<1x128xi32, #tpu.memory_space<vmem>>
      %dma_start3A_481 = tpu.memref_squeeze %dma_start3A_480 : memref<1x128xi32, #tpu.memory_space<vmem>> -> memref<128xi32, #tpu.memory_space<vmem>>
      %dma_start3A_482 = tpu.memref_slice %arg4[%add3A_36] : memref<16384xi32, #tpu.memory_space<hbm>> -> memref<128xi32, #tpu.memory_space<hbm>>
      tpu.enqueue_dma source(%dma_start3A_482 : memref<128xi32, #tpu.memory_space<hbm>>) target(%dma_start3A_481 : memref<128xi32, #tpu.memory_space<vmem>>) target_semaphore(%run_scoped3A_474 : memref<!tpu.dma_semaphore, #tpu.memory_space<semaphore_mem>>)
      %dma_wait3A_483 = arith.constant 0 : i32
      %dma_wait3A_484 = tpu.memref_slice %arg14[%run_scoped3A_37, %dma_wait3A_483] : memref<4x128xi32, #tpu.memory_space<vmem>> -> memref<1x128xi32, #tpu.memory_space<vmem>>
      %dma_wait3A_485 = tpu.memref_squeeze %dma_wait3A_484 : memref<1x128xi32, #tpu.memory_space<vmem>> -> memref<128xi32, #tpu.memory_space<vmem>>
      %dma_wait3A_486 = tpu.memref_slice %arg4[%add3A_36] : memref<16384xi32, #tpu.memory_space<hbm>> -> memref<128xi32, #tpu.memory_space<hbm>>
      %dma_wait3A_487 = arith.constant 0 : i32
      %dma_wait3A_488 = tpu.memref_slice %arg14[%run_scoped3A_37, %dma_wait3A_487] : memref<4x128xi32, #tpu.memory_space<vmem>> -> memref<1x128xi32, #tpu.memory_space<vmem>>
      %dma_wait3A_489 = tpu.memref_squeeze %dma_wait3A_488 : memref<1x128xi32, #tpu.memory_space<vmem>> -> memref<128xi32, #tpu.memory_space<vmem>>
      %dma_wait3A_490 = tpu.memref_slice %arg4[%add3A_36] : memref<16384xi32, #tpu.memory_space<hbm>> -> memref<128xi32, #tpu.memory_space<hbm>>
      tpu.wait_dma2 semaphore(%run_scoped3A_474 : memref<!tpu.dma_semaphore, #tpu.memory_space<semaphore_mem>>) src(%dma_wait3A_490 : memref<128xi32, #tpu.memory_space<hbm>>) dst(%dma_wait3A_489 : memref<128xi32, #tpu.memory_space<vmem>>)
      tpu.yield
    }) : () -> ()
    "tpu.region"() ({
      %run_scoped3A_474 = tpu.sem_alloc : memref<!tpu.dma_semaphore, #tpu.memory_space<semaphore_mem>>
      tpu.enqueue_dma source(%arg9 : memref<16xf32, #tpu.memory_space<hbm>>) target(%arg21 : memref<16xf32, #tpu.memory_space<vmem>>) target_semaphore(%run_scoped3A_474 : memref<!tpu.dma_semaphore, #tpu.memory_space<semaphore_mem>>)
      tpu.wait_dma2 semaphore(%run_scoped3A_474 : memref<!tpu.dma_semaphore, #tpu.memory_space<semaphore_mem>>) src(%arg9 : memref<16xf32, #tpu.memory_space<hbm>>) dst(%arg21 : memref<16xf32, #tpu.memory_space<vmem>>)
      tpu.yield
    }) : () -> ()
    %dma_start3A = arith.constant 0 : i32
    %dma_start3A_38 = arith.constant 0 : i32
    %dma_start3A_39 = arith.constant 0 : i32
    %dma_start3A_40 = tpu.memref_slice %arg15[%dma_start3A_38, %dma_start3A_39] : memref<512x64xf32, #tpu.memory_space<vmem>> -> memref<128x64xf32, #tpu.memory_space<vmem>>
    %dma_start3A_41 = arith.constant 0 : i32
    %dma_start3A_42 = tpu.memref_slice %arg12[%dma_start3A, %dma_start3A_41] : memref<4x128xi32, #tpu.memory_space<vmem>> -> memref<1x128xi32, #tpu.memory_space<vmem>>
    %dma_start3A_43 = tpu.memref_squeeze %dma_start3A_42 : memref<1x128xi32, #tpu.memory_space<vmem>> -> memref<128xi32, #tpu.memory_space<vmem>>
    %dma_start3A_44 = arith.constant 0 : i32
    %dma_start3A_45 = arith.constant 0 : i32
    %dma_start3A_46 = tpu.memref_slice %arg5[%dma_start3A_44, %dma_start3A_45] : memref<1000000x64xf32, #tpu.memory_space<hbm>> -> memref<1000000x64xf32, #tpu.memory_space<hbm>>
    tpu.enqueue_indirect_dma source(%dma_start3A_46 : memref<1000000x64xf32, #tpu.memory_space<hbm>>) target(%dma_start3A_40 : memref<128x64xf32, #tpu.memory_space<vmem>>) offsets(%dma_start3A_43 : memref<128xi32, #tpu.memory_space<vmem>>) semaphore(%arg24 : memref<!tpu.dma_semaphore, #tpu.memory_space<semaphore_mem>>)
    %dma_start3A_47 = arith.constant 0 : i32
    %dma_start3A_48 = arith.constant 0 : i32
    %dma_start3A_49 = arith.constant 0 : i32
    %dma_start3A_50 = tpu.memref_slice %arg16[%dma_start3A_48, %dma_start3A_49] : memref<512x64xf32, #tpu.memory_space<vmem>> -> memref<128x64xf32, #tpu.memory_space<vmem>>
    %dma_start3A_51 = arith.constant 0 : i32
    %dma_start3A_52 = tpu.memref_slice %arg13[%dma_start3A_47, %dma_start3A_51] : memref<4x128xi32, #tpu.memory_space<vmem>> -> memref<1x128xi32, #tpu.memory_space<vmem>>
    %dma_start3A_53 = tpu.memref_squeeze %dma_start3A_52 : memref<1x128xi32, #tpu.memory_space<vmem>> -> memref<128xi32, #tpu.memory_space<vmem>>
    %dma_start3A_54 = arith.constant 0 : i32
    %dma_start3A_55 = arith.constant 0 : i32
    %dma_start3A_56 = tpu.memref_slice %arg6[%dma_start3A_54, %dma_start3A_55] : memref<1000000x64xf32, #tpu.memory_space<hbm>> -> memref<1000000x64xf32, #tpu.memory_space<hbm>>
    tpu.enqueue_indirect_dma source(%dma_start3A_56 : memref<1000000x64xf32, #tpu.memory_space<hbm>>) target(%dma_start3A_50 : memref<128x64xf32, #tpu.memory_space<vmem>>) offsets(%dma_start3A_53 : memref<128xi32, #tpu.memory_space<vmem>>) semaphore(%arg24 : memref<!tpu.dma_semaphore, #tpu.memory_space<semaphore_mem>>)
    %dma_start3A_57 = arith.constant 0 : i32
    %dma_start3A_58 = arith.constant 0 : i32
    %dma_start3A_59 = arith.constant 0 : i32
    %dma_start3A_60 = tpu.memref_slice %arg17[%dma_start3A_58, %dma_start3A_59] : memref<512x64xf32, #tpu.memory_space<vmem>> -> memref<128x64xf32, #tpu.memory_space<vmem>>
    %dma_start3A_61 = arith.constant 0 : i32
    %dma_start3A_62 = tpu.memref_slice %arg14[%dma_start3A_57, %dma_start3A_61] : memref<4x128xi32, #tpu.memory_space<vmem>> -> memref<1x128xi32, #tpu.memory_space<vmem>>
    %dma_start3A_63 = tpu.memref_squeeze %dma_start3A_62 : memref<1x128xi32, #tpu.memory_space<vmem>> -> memref<128xi32, #tpu.memory_space<vmem>>
    %dma_start3A_64 = arith.constant 0 : i32
    %dma_start3A_65 = arith.constant 0 : i32
    %dma_start3A_66 = tpu.memref_slice %arg6[%dma_start3A_64, %dma_start3A_65] : memref<1000000x64xf32, #tpu.memory_space<hbm>> -> memref<1000000x64xf32, #tpu.memory_space<hbm>>
    tpu.enqueue_indirect_dma source(%dma_start3A_66 : memref<1000000x64xf32, #tpu.memory_space<hbm>>) target(%dma_start3A_60 : memref<128x64xf32, #tpu.memory_space<vmem>>) offsets(%dma_start3A_63 : memref<128xi32, #tpu.memory_space<vmem>>) semaphore(%arg24 : memref<!tpu.dma_semaphore, #tpu.memory_space<semaphore_mem>>)
    %dma_start3A_67 = arith.constant 0 : i32
    %dma_start3A_68 = arith.constant 0 : i32
    %dma_start3A_69 = tpu.memref_slice %arg18[%dma_start3A_68] : memref<512xf32, #tpu.memory_space<vmem>> -> memref<128xf32, #tpu.memory_space<vmem>>
    %dma_start3A_70 = arith.constant 0 : i32
    %dma_start3A_71 = tpu.memref_slice %arg12[%dma_start3A_67, %dma_start3A_70] : memref<4x128xi32, #tpu.memory_space<vmem>> -> memref<1x128xi32, #tpu.memory_space<vmem>>
    %dma_start3A_72 = tpu.memref_squeeze %dma_start3A_71 : memref<1x128xi32, #tpu.memory_space<vmem>> -> memref<128xi32, #tpu.memory_space<vmem>>
    %dma_start3A_73 = arith.constant 0 : i32
    %dma_start3A_74 = tpu.memref_slice %arg7[%dma_start3A_73] : memref<1000000xf32, #tpu.memory_space<hbm>> -> memref<1000000xf32, #tpu.memory_space<hbm>>
    tpu.enqueue_indirect_dma source(%dma_start3A_74 : memref<1000000xf32, #tpu.memory_space<hbm>>) target(%dma_start3A_69 : memref<128xf32, #tpu.memory_space<vmem>>) offsets(%dma_start3A_72 : memref<128xi32, #tpu.memory_space<vmem>>) semaphore(%arg24 : memref<!tpu.dma_semaphore, #tpu.memory_space<semaphore_mem>>)
    %dma_start3A_75 = arith.constant 0 : i32
    %dma_start3A_76 = arith.constant 0 : i32
    %dma_start3A_77 = tpu.memref_slice %arg19[%dma_start3A_76] : memref<512xf32, #tpu.memory_space<vmem>> -> memref<128xf32, #tpu.memory_space<vmem>>
    %dma_start3A_78 = arith.constant 0 : i32
    %dma_start3A_79 = tpu.memref_slice %arg13[%dma_start3A_75, %dma_start3A_78] : memref<4x128xi32, #tpu.memory_space<vmem>> -> memref<1x128xi32, #tpu.memory_space<vmem>>
    %dma_start3A_80 = tpu.memref_squeeze %dma_start3A_79 : memref<1x128xi32, #tpu.memory_space<vmem>> -> memref<128xi32, #tpu.memory_space<vmem>>
    %dma_start3A_81 = arith.constant 0 : i32
    %dma_start3A_82 = tpu.memref_slice %arg8[%dma_start3A_81] : memref<1000000xf32, #tpu.memory_space<hbm>> -> memref<1000000xf32, #tpu.memory_space<hbm>>
    tpu.enqueue_indirect_dma source(%dma_start3A_82 : memref<1000000xf32, #tpu.memory_space<hbm>>) target(%dma_start3A_77 : memref<128xf32, #tpu.memory_space<vmem>>) offsets(%dma_start3A_80 : memref<128xi32, #tpu.memory_space<vmem>>) semaphore(%arg24 : memref<!tpu.dma_semaphore, #tpu.memory_space<semaphore_mem>>)
    %dma_start3A_83 = arith.constant 0 : i32
    %dma_start3A_84 = arith.constant 0 : i32
    %dma_start3A_85 = tpu.memref_slice %arg20[%dma_start3A_84] : memref<512xf32, #tpu.memory_space<vmem>> -> memref<128xf32, #tpu.memory_space<vmem>>
    %dma_start3A_86 = arith.constant 0 : i32
    %dma_start3A_87 = tpu.memref_slice %arg14[%dma_start3A_83, %dma_start3A_86] : memref<4x128xi32, #tpu.memory_space<vmem>> -> memref<1x128xi32, #tpu.memory_space<vmem>>
    %dma_start3A_88 = tpu.memref_squeeze %dma_start3A_87 : memref<1x128xi32, #tpu.memory_space<vmem>> -> memref<128xi32, #tpu.memory_space<vmem>>
    %dma_start3A_89 = arith.constant 0 : i32
    %dma_start3A_90 = tpu.memref_slice %arg8[%dma_start3A_89] : memref<1000000xf32, #tpu.memory_space<hbm>> -> memref<1000000xf32, #tpu.memory_space<hbm>>
    tpu.enqueue_indirect_dma source(%dma_start3A_90 : memref<1000000xf32, #tpu.memory_space<hbm>>) target(%dma_start3A_85 : memref<128xf32, #tpu.memory_space<vmem>>) offsets(%dma_start3A_88 : memref<128xi32, #tpu.memory_space<vmem>>) semaphore(%arg24 : memref<!tpu.dma_semaphore, #tpu.memory_space<semaphore_mem>>)
    %dma_start3A_91 = arith.constant 1 : i32
    %dma_start3A_92 = arith.constant 128 : i32
    %dma_start3A_93 = arith.constant 0 : i32
    %dma_start3A_94 = tpu.memref_slice %arg15[%dma_start3A_92, %dma_start3A_93] : memref<512x64xf32, #tpu.memory_space<vmem>> -> memref<128x64xf32, #tpu.memory_space<vmem>>
    %dma_start3A_95 = arith.constant 0 : i32
    %dma_start3A_96 = tpu.memref_slice %arg12[%dma_start3A_91, %dma_start3A_95] : memref<4x128xi32, #tpu.memory_space<vmem>> -> memref<1x128xi32, #tpu.memory_space<vmem>>
    %dma_start3A_97 = tpu.memref_squeeze %dma_start3A_96 : memref<1x128xi32, #tpu.memory_space<vmem>> -> memref<128xi32, #tpu.memory_space<vmem>>
    %dma_start3A_98 = arith.constant 0 : i32
    %dma_start3A_99 = arith.constant 0 : i32
    %dma_start3A_100 = tpu.memref_slice %arg5[%dma_start3A_98, %dma_start3A_99] : memref<1000000x64xf32, #tpu.memory_space<hbm>> -> memref<1000000x64xf32, #tpu.memory_space<hbm>>
    tpu.enqueue_indirect_dma source(%dma_start3A_100 : memref<1000000x64xf32, #tpu.memory_space<hbm>>) target(%dma_start3A_94 : memref<128x64xf32, #tpu.memory_space<vmem>>) offsets(%dma_start3A_97 : memref<128xi32, #tpu.memory_space<vmem>>) semaphore(%arg24 : memref<!tpu.dma_semaphore, #tpu.memory_space<semaphore_mem>>)
    %dma_start3A_101 = arith.constant 1 : i32
    %dma_start3A_102 = arith.constant 128 : i32
    %dma_start3A_103 = arith.constant 0 : i32
    %dma_start3A_104 = tpu.memref_slice %arg16[%dma_start3A_102, %dma_start3A_103] : memref<512x64xf32, #tpu.memory_space<vmem>> -> memref<128x64xf32, #tpu.memory_space<vmem>>
    %dma_start3A_105 = arith.constant 0 : i32
    %dma_start3A_106 = tpu.memref_slice %arg13[%dma_start3A_101, %dma_start3A_105] : memref<4x128xi32, #tpu.memory_space<vmem>> -> memref<1x128xi32, #tpu.memory_space<vmem>>
    %dma_start3A_107 = tpu.memref_squeeze %dma_start3A_106 : memref<1x128xi32, #tpu.memory_space<vmem>> -> memref<128xi32, #tpu.memory_space<vmem>>
    %dma_start3A_108 = arith.constant 0 : i32
    %dma_start3A_109 = arith.constant 0 : i32
    %dma_start3A_110 = tpu.memref_slice %arg6[%dma_start3A_108, %dma_start3A_109] : memref<1000000x64xf32, #tpu.memory_space<hbm>> -> memref<1000000x64xf32, #tpu.memory_space<hbm>>
    tpu.enqueue_indirect_dma source(%dma_start3A_110 : memref<1000000x64xf32, #tpu.memory_space<hbm>>) target(%dma_start3A_104 : memref<128x64xf32, #tpu.memory_space<vmem>>) offsets(%dma_start3A_107 : memref<128xi32, #tpu.memory_space<vmem>>) semaphore(%arg24 : memref<!tpu.dma_semaphore, #tpu.memory_space<semaphore_mem>>)
    %dma_start3A_111 = arith.constant 1 : i32
    %dma_start3A_112 = arith.constant 128 : i32
    %dma_start3A_113 = arith.constant 0 : i32
    %dma_start3A_114 = tpu.memref_slice %arg17[%dma_start3A_112, %dma_start3A_113] : memref<512x64xf32, #tpu.memory_space<vmem>> -> memref<128x64xf32, #tpu.memory_space<vmem>>
    %dma_start3A_115 = arith.constant 0 : i32
    %dma_start3A_116 = tpu.memref_slice %arg14[%dma_start3A_111, %dma_start3A_115] : memref<4x128xi32, #tpu.memory_space<vmem>> -> memref<1x128xi32, #tpu.memory_space<vmem>>
    %dma_start3A_117 = tpu.memref_squeeze %dma_start3A_116 : memref<1x128xi32, #tpu.memory_space<vmem>> -> memref<128xi32, #tpu.memory_space<vmem>>
    %dma_start3A_118 = arith.constant 0 : i32
    %dma_start3A_119 = arith.constant 0 : i32
    %dma_start3A_120 = tpu.memref_slice %arg6[%dma_start3A_118, %dma_start3A_119] : memref<1000000x64xf32, #tpu.memory_space<hbm>> -> memref<1000000x64xf32, #tpu.memory_space<hbm>>
    tpu.enqueue_indirect_dma source(%dma_start3A_120 : memref<1000000x64xf32, #tpu.memory_space<hbm>>) target(%dma_start3A_114 : memref<128x64xf32, #tpu.memory_space<vmem>>) offsets(%dma_start3A_117 : memref<128xi32, #tpu.memory_space<vmem>>) semaphore(%arg24 : memref<!tpu.dma_semaphore, #tpu.memory_space<semaphore_mem>>)
    %dma_start3A_121 = arith.constant 1 : i32
    %dma_start3A_122 = arith.constant 128 : i32
    %dma_start3A_123 = tpu.memref_slice %arg18[%dma_start3A_122] : memref<512xf32, #tpu.memory_space<vmem>> -> memref<128xf32, #tpu.memory_space<vmem>>
    %dma_start3A_124 = arith.constant 0 : i32
    %dma_start3A_125 = tpu.memref_slice %arg12[%dma_start3A_121, %dma_start3A_124] : memref<4x128xi32, #tpu.memory_space<vmem>> -> memref<1x128xi32, #tpu.memory_space<vmem>>
    %dma_start3A_126 = tpu.memref_squeeze %dma_start3A_125 : memref<1x128xi32, #tpu.memory_space<vmem>> -> memref<128xi32, #tpu.memory_space<vmem>>
    %dma_start3A_127 = arith.constant 0 : i32
    %dma_start3A_128 = tpu.memref_slice %arg7[%dma_start3A_127] : memref<1000000xf32, #tpu.memory_space<hbm>> -> memref<1000000xf32, #tpu.memory_space<hbm>>
    tpu.enqueue_indirect_dma source(%dma_start3A_128 : memref<1000000xf32, #tpu.memory_space<hbm>>) target(%dma_start3A_123 : memref<128xf32, #tpu.memory_space<vmem>>) offsets(%dma_start3A_126 : memref<128xi32, #tpu.memory_space<vmem>>) semaphore(%arg24 : memref<!tpu.dma_semaphore, #tpu.memory_space<semaphore_mem>>)
    %dma_start3A_129 = arith.constant 1 : i32
    %dma_start3A_130 = arith.constant 128 : i32
    %dma_start3A_131 = tpu.memref_slice %arg19[%dma_start3A_130] : memref<512xf32, #tpu.memory_space<vmem>> -> memref<128xf32, #tpu.memory_space<vmem>>
    %dma_start3A_132 = arith.constant 0 : i32
    %dma_start3A_133 = tpu.memref_slice %arg13[%dma_start3A_129, %dma_start3A_132] : memref<4x128xi32, #tpu.memory_space<vmem>> -> memref<1x128xi32, #tpu.memory_space<vmem>>
    %dma_start3A_134 = tpu.memref_squeeze %dma_start3A_133 : memref<1x128xi32, #tpu.memory_space<vmem>> -> memref<128xi32, #tpu.memory_space<vmem>>
    %dma_start3A_135 = arith.constant 0 : i32
    %dma_start3A_136 = tpu.memref_slice %arg8[%dma_start3A_135] : memref<1000000xf32, #tpu.memory_space<hbm>> -> memref<1000000xf32, #tpu.memory_space<hbm>>
    tpu.enqueue_indirect_dma source(%dma_start3A_136 : memref<1000000xf32, #tpu.memory_space<hbm>>) target(%dma_start3A_131 : memref<128xf32, #tpu.memory_space<vmem>>) offsets(%dma_start3A_134 : memref<128xi32, #tpu.memory_space<vmem>>) semaphore(%arg24 : memref<!tpu.dma_semaphore, #tpu.memory_space<semaphore_mem>>)
    %dma_start3A_137 = arith.constant 1 : i32
    %dma_start3A_138 = arith.constant 128 : i32
    %dma_start3A_139 = tpu.memref_slice %arg20[%dma_start3A_138] : memref<512xf32, #tpu.memory_space<vmem>> -> memref<128xf32, #tpu.memory_space<vmem>>
    %dma_start3A_140 = arith.constant 0 : i32
    %dma_start3A_141 = tpu.memref_slice %arg14[%dma_start3A_137, %dma_start3A_140] : memref<4x128xi32, #tpu.memory_space<vmem>> -> memref<1x128xi32, #tpu.memory_space<vmem>>
    %dma_start3A_142 = tpu.memref_squeeze %dma_start3A_141 : memref<1x128xi32, #tpu.memory_space<vmem>> -> memref<128xi32, #tpu.memory_space<vmem>>
    %dma_start3A_143 = arith.constant 0 : i32
    %dma_start3A_144 = tpu.memref_slice %arg8[%dma_start3A_143] : memref<1000000xf32, #tpu.memory_space<hbm>> -> memref<1000000xf32, #tpu.memory_space<hbm>>
    tpu.enqueue_indirect_dma source(%dma_start3A_144 : memref<1000000xf32, #tpu.memory_space<hbm>>) target(%dma_start3A_139 : memref<128xf32, #tpu.memory_space<vmem>>) offsets(%dma_start3A_142 : memref<128xi32, #tpu.memory_space<vmem>>) semaphore(%arg24 : memref<!tpu.dma_semaphore, #tpu.memory_space<semaphore_mem>>)
    %dma_start3A_145 = arith.constant 2 : i32
    %dma_start3A_146 = arith.constant 256 : i32
    %dma_start3A_147 = arith.constant 0 : i32
    %dma_start3A_148 = tpu.memref_slice %arg15[%dma_start3A_146, %dma_start3A_147] : memref<512x64xf32, #tpu.memory_space<vmem>> -> memref<128x64xf32, #tpu.memory_space<vmem>>
    %dma_start3A_149 = arith.constant 0 : i32
    %dma_start3A_150 = tpu.memref_slice %arg12[%dma_start3A_145, %dma_start3A_149] : memref<4x128xi32, #tpu.memory_space<vmem>> -> memref<1x128xi32, #tpu.memory_space<vmem>>
    %dma_start3A_151 = tpu.memref_squeeze %dma_start3A_150 : memref<1x128xi32, #tpu.memory_space<vmem>> -> memref<128xi32, #tpu.memory_space<vmem>>
    %dma_start3A_152 = arith.constant 0 : i32
    %dma_start3A_153 = arith.constant 0 : i32
    %dma_start3A_154 = tpu.memref_slice %arg5[%dma_start3A_152, %dma_start3A_153] : memref<1000000x64xf32, #tpu.memory_space<hbm>> -> memref<1000000x64xf32, #tpu.memory_space<hbm>>
    tpu.enqueue_indirect_dma source(%dma_start3A_154 : memref<1000000x64xf32, #tpu.memory_space<hbm>>) target(%dma_start3A_148 : memref<128x64xf32, #tpu.memory_space<vmem>>) offsets(%dma_start3A_151 : memref<128xi32, #tpu.memory_space<vmem>>) semaphore(%arg24 : memref<!tpu.dma_semaphore, #tpu.memory_space<semaphore_mem>>)
    %dma_start3A_155 = arith.constant 2 : i32
    %dma_start3A_156 = arith.constant 256 : i32
    %dma_start3A_157 = arith.constant 0 : i32
    %dma_start3A_158 = tpu.memref_slice %arg16[%dma_start3A_156, %dma_start3A_157] : memref<512x64xf32, #tpu.memory_space<vmem>> -> memref<128x64xf32, #tpu.memory_space<vmem>>
    %dma_start3A_159 = arith.constant 0 : i32
    %dma_start3A_160 = tpu.memref_slice %arg13[%dma_start3A_155, %dma_start3A_159] : memref<4x128xi32, #tpu.memory_space<vmem>> -> memref<1x128xi32, #tpu.memory_space<vmem>>
    %dma_start3A_161 = tpu.memref_squeeze %dma_start3A_160 : memref<1x128xi32, #tpu.memory_space<vmem>> -> memref<128xi32, #tpu.memory_space<vmem>>
    %dma_start3A_162 = arith.constant 0 : i32
    %dma_start3A_163 = arith.constant 0 : i32
    %dma_start3A_164 = tpu.memref_slice %arg6[%dma_start3A_162, %dma_start3A_163] : memref<1000000x64xf32, #tpu.memory_space<hbm>> -> memref<1000000x64xf32, #tpu.memory_space<hbm>>
    tpu.enqueue_indirect_dma source(%dma_start3A_164 : memref<1000000x64xf32, #tpu.memory_space<hbm>>) target(%dma_start3A_158 : memref<128x64xf32, #tpu.memory_space<vmem>>) offsets(%dma_start3A_161 : memref<128xi32, #tpu.memory_space<vmem>>) semaphore(%arg24 : memref<!tpu.dma_semaphore, #tpu.memory_space<semaphore_mem>>)
    %dma_start3A_165 = arith.constant 2 : i32
    %dma_start3A_166 = arith.constant 256 : i32
    %dma_start3A_167 = arith.constant 0 : i32
    %dma_start3A_168 = tpu.memref_slice %arg17[%dma_start3A_166, %dma_start3A_167] : memref<512x64xf32, #tpu.memory_space<vmem>> -> memref<128x64xf32, #tpu.memory_space<vmem>>
    %dma_start3A_169 = arith.constant 0 : i32
    %dma_start3A_170 = tpu.memref_slice %arg14[%dma_start3A_165, %dma_start3A_169] : memref<4x128xi32, #tpu.memory_space<vmem>> -> memref<1x128xi32, #tpu.memory_space<vmem>>
    %dma_start3A_171 = tpu.memref_squeeze %dma_start3A_170 : memref<1x128xi32, #tpu.memory_space<vmem>> -> memref<128xi32, #tpu.memory_space<vmem>>
    %dma_start3A_172 = arith.constant 0 : i32
    %dma_start3A_173 = arith.constant 0 : i32
    %dma_start3A_174 = tpu.memref_slice %arg6[%dma_start3A_172, %dma_start3A_173] : memref<1000000x64xf32, #tpu.memory_space<hbm>> -> memref<1000000x64xf32, #tpu.memory_space<hbm>>
    tpu.enqueue_indirect_dma source(%dma_start3A_174 : memref<1000000x64xf32, #tpu.memory_space<hbm>>) target(%dma_start3A_168 : memref<128x64xf32, #tpu.memory_space<vmem>>) offsets(%dma_start3A_171 : memref<128xi32, #tpu.memory_space<vmem>>) semaphore(%arg24 : memref<!tpu.dma_semaphore, #tpu.memory_space<semaphore_mem>>)
    %dma_start3A_175 = arith.constant 2 : i32
    %dma_start3A_176 = arith.constant 256 : i32
    %dma_start3A_177 = tpu.memref_slice %arg18[%dma_start3A_176] : memref<512xf32, #tpu.memory_space<vmem>> -> memref<128xf32, #tpu.memory_space<vmem>>
    %dma_start3A_178 = arith.constant 0 : i32
    %dma_start3A_179 = tpu.memref_slice %arg12[%dma_start3A_175, %dma_start3A_178] : memref<4x128xi32, #tpu.memory_space<vmem>> -> memref<1x128xi32, #tpu.memory_space<vmem>>
    %dma_start3A_180 = tpu.memref_squeeze %dma_start3A_179 : memref<1x128xi32, #tpu.memory_space<vmem>> -> memref<128xi32, #tpu.memory_space<vmem>>
    %dma_start3A_181 = arith.constant 0 : i32
    %dma_start3A_182 = tpu.memref_slice %arg7[%dma_start3A_181] : memref<1000000xf32, #tpu.memory_space<hbm>> -> memref<1000000xf32, #tpu.memory_space<hbm>>
    tpu.enqueue_indirect_dma source(%dma_start3A_182 : memref<1000000xf32, #tpu.memory_space<hbm>>) target(%dma_start3A_177 : memref<128xf32, #tpu.memory_space<vmem>>) offsets(%dma_start3A_180 : memref<128xi32, #tpu.memory_space<vmem>>) semaphore(%arg24 : memref<!tpu.dma_semaphore, #tpu.memory_space<semaphore_mem>>)
    %dma_start3A_183 = arith.constant 2 : i32
    %dma_start3A_184 = arith.constant 256 : i32
    %dma_start3A_185 = tpu.memref_slice %arg19[%dma_start3A_184] : memref<512xf32, #tpu.memory_space<vmem>> -> memref<128xf32, #tpu.memory_space<vmem>>
    %dma_start3A_186 = arith.constant 0 : i32
    %dma_start3A_187 = tpu.memref_slice %arg13[%dma_start3A_183, %dma_start3A_186] : memref<4x128xi32, #tpu.memory_space<vmem>> -> memref<1x128xi32, #tpu.memory_space<vmem>>
    %dma_start3A_188 = tpu.memref_squeeze %dma_start3A_187 : memref<1x128xi32, #tpu.memory_space<vmem>> -> memref<128xi32, #tpu.memory_space<vmem>>
    %dma_start3A_189 = arith.constant 0 : i32
    %dma_start3A_190 = tpu.memref_slice %arg8[%dma_start3A_189] : memref<1000000xf32, #tpu.memory_space<hbm>> -> memref<1000000xf32, #tpu.memory_space<hbm>>
    tpu.enqueue_indirect_dma source(%dma_start3A_190 : memref<1000000xf32, #tpu.memory_space<hbm>>) target(%dma_start3A_185 : memref<128xf32, #tpu.memory_space<vmem>>) offsets(%dma_start3A_188 : memref<128xi32, #tpu.memory_space<vmem>>) semaphore(%arg24 : memref<!tpu.dma_semaphore, #tpu.memory_space<semaphore_mem>>)
    %dma_start3A_191 = arith.constant 2 : i32
    %dma_start3A_192 = arith.constant 256 : i32
    %dma_start3A_193 = tpu.memref_slice %arg20[%dma_start3A_192] : memref<512xf32, #tpu.memory_space<vmem>> -> memref<128xf32, #tpu.memory_space<vmem>>
    %dma_start3A_194 = arith.constant 0 : i32
    %dma_start3A_195 = tpu.memref_slice %arg14[%dma_start3A_191, %dma_start3A_194] : memref<4x128xi32, #tpu.memory_space<vmem>> -> memref<1x128xi32, #tpu.memory_space<vmem>>
    %dma_start3A_196 = tpu.memref_squeeze %dma_start3A_195 : memref<1x128xi32, #tpu.memory_space<vmem>> -> memref<128xi32, #tpu.memory_space<vmem>>
    %dma_start3A_197 = arith.constant 0 : i32
    %dma_start3A_198 = tpu.memref_slice %arg8[%dma_start3A_197] : memref<1000000xf32, #tpu.memory_space<hbm>> -> memref<1000000xf32, #tpu.memory_space<hbm>>
    tpu.enqueue_indirect_dma source(%dma_start3A_198 : memref<1000000xf32, #tpu.memory_space<hbm>>) target(%dma_start3A_193 : memref<128xf32, #tpu.memory_space<vmem>>) offsets(%dma_start3A_196 : memref<128xi32, #tpu.memory_space<vmem>>) semaphore(%arg24 : memref<!tpu.dma_semaphore, #tpu.memory_space<semaphore_mem>>)
    %dma_start3A_199 = arith.constant 3 : i32
    %dma_start3A_200 = arith.constant 384 : i32
    %dma_start3A_201 = arith.constant 0 : i32
    %dma_start3A_202 = tpu.memref_slice %arg15[%dma_start3A_200, %dma_start3A_201] : memref<512x64xf32, #tpu.memory_space<vmem>> -> memref<128x64xf32, #tpu.memory_space<vmem>>
    %dma_start3A_203 = arith.constant 0 : i32
    %dma_start3A_204 = tpu.memref_slice %arg12[%dma_start3A_199, %dma_start3A_203] : memref<4x128xi32, #tpu.memory_space<vmem>> -> memref<1x128xi32, #tpu.memory_space<vmem>>
    %dma_start3A_205 = tpu.memref_squeeze %dma_start3A_204 : memref<1x128xi32, #tpu.memory_space<vmem>> -> memref<128xi32, #tpu.memory_space<vmem>>
    %dma_start3A_206 = arith.constant 0 : i32
    %dma_start3A_207 = arith.constant 0 : i32
    %dma_start3A_208 = tpu.memref_slice %arg5[%dma_start3A_206, %dma_start3A_207] : memref<1000000x64xf32, #tpu.memory_space<hbm>> -> memref<1000000x64xf32, #tpu.memory_space<hbm>>
    tpu.enqueue_indirect_dma source(%dma_start3A_208 : memref<1000000x64xf32, #tpu.memory_space<hbm>>) target(%dma_start3A_202 : memref<128x64xf32, #tpu.memory_space<vmem>>) offsets(%dma_start3A_205 : memref<128xi32, #tpu.memory_space<vmem>>) semaphore(%arg24 : memref<!tpu.dma_semaphore, #tpu.memory_space<semaphore_mem>>)
    %dma_start3A_209 = arith.constant 3 : i32
    %dma_start3A_210 = arith.constant 384 : i32
    %dma_start3A_211 = arith.constant 0 : i32
    %dma_start3A_212 = tpu.memref_slice %arg16[%dma_start3A_210, %dma_start3A_211] : memref<512x64xf32, #tpu.memory_space<vmem>> -> memref<128x64xf32, #tpu.memory_space<vmem>>
    %dma_start3A_213 = arith.constant 0 : i32
    %dma_start3A_214 = tpu.memref_slice %arg13[%dma_start3A_209, %dma_start3A_213] : memref<4x128xi32, #tpu.memory_space<vmem>> -> memref<1x128xi32, #tpu.memory_space<vmem>>
    %dma_start3A_215 = tpu.memref_squeeze %dma_start3A_214 : memref<1x128xi32, #tpu.memory_space<vmem>> -> memref<128xi32, #tpu.memory_space<vmem>>
    %dma_start3A_216 = arith.constant 0 : i32
    %dma_start3A_217 = arith.constant 0 : i32
    %dma_start3A_218 = tpu.memref_slice %arg6[%dma_start3A_216, %dma_start3A_217] : memref<1000000x64xf32, #tpu.memory_space<hbm>> -> memref<1000000x64xf32, #tpu.memory_space<hbm>>
    tpu.enqueue_indirect_dma source(%dma_start3A_218 : memref<1000000x64xf32, #tpu.memory_space<hbm>>) target(%dma_start3A_212 : memref<128x64xf32, #tpu.memory_space<vmem>>) offsets(%dma_start3A_215 : memref<128xi32, #tpu.memory_space<vmem>>) semaphore(%arg24 : memref<!tpu.dma_semaphore, #tpu.memory_space<semaphore_mem>>)
    %dma_start3A_219 = arith.constant 3 : i32
    %dma_start3A_220 = arith.constant 384 : i32
    %dma_start3A_221 = arith.constant 0 : i32
    %dma_start3A_222 = tpu.memref_slice %arg17[%dma_start3A_220, %dma_start3A_221] : memref<512x64xf32, #tpu.memory_space<vmem>> -> memref<128x64xf32, #tpu.memory_space<vmem>>
    %dma_start3A_223 = arith.constant 0 : i32
    %dma_start3A_224 = tpu.memref_slice %arg14[%dma_start3A_219, %dma_start3A_223] : memref<4x128xi32, #tpu.memory_space<vmem>> -> memref<1x128xi32, #tpu.memory_space<vmem>>
    %dma_start3A_225 = tpu.memref_squeeze %dma_start3A_224 : memref<1x128xi32, #tpu.memory_space<vmem>> -> memref<128xi32, #tpu.memory_space<vmem>>
    %dma_start3A_226 = arith.constant 0 : i32
    %dma_start3A_227 = arith.constant 0 : i32
    %dma_start3A_228 = tpu.memref_slice %arg6[%dma_start3A_226, %dma_start3A_227] : memref<1000000x64xf32, #tpu.memory_space<hbm>> -> memref<1000000x64xf32, #tpu.memory_space<hbm>>
    tpu.enqueue_indirect_dma source(%dma_start3A_228 : memref<1000000x64xf32, #tpu.memory_space<hbm>>) target(%dma_start3A_222 : memref<128x64xf32, #tpu.memory_space<vmem>>) offsets(%dma_start3A_225 : memref<128xi32, #tpu.memory_space<vmem>>) semaphore(%arg24 : memref<!tpu.dma_semaphore, #tpu.memory_space<semaphore_mem>>)
    %dma_start3A_229 = arith.constant 3 : i32
    %dma_start3A_230 = arith.constant 384 : i32
    %dma_start3A_231 = tpu.memref_slice %arg18[%dma_start3A_230] : memref<512xf32, #tpu.memory_space<vmem>> -> memref<128xf32, #tpu.memory_space<vmem>>
    %dma_start3A_232 = arith.constant 0 : i32
    %dma_start3A_233 = tpu.memref_slice %arg12[%dma_start3A_229, %dma_start3A_232] : memref<4x128xi32, #tpu.memory_space<vmem>> -> memref<1x128xi32, #tpu.memory_space<vmem>>
    %dma_start3A_234 = tpu.memref_squeeze %dma_start3A_233 : memref<1x128xi32, #tpu.memory_space<vmem>> -> memref<128xi32, #tpu.memory_space<vmem>>
    %dma_start3A_235 = arith.constant 0 : i32
    %dma_start3A_236 = tpu.memref_slice %arg7[%dma_start3A_235] : memref<1000000xf32, #tpu.memory_space<hbm>> -> memref<1000000xf32, #tpu.memory_space<hbm>>
    tpu.enqueue_indirect_dma source(%dma_start3A_236 : memref<1000000xf32, #tpu.memory_space<hbm>>) target(%dma_start3A_231 : memref<128xf32, #tpu.memory_space<vmem>>) offsets(%dma_start3A_234 : memref<128xi32, #tpu.memory_space<vmem>>) semaphore(%arg24 : memref<!tpu.dma_semaphore, #tpu.memory_space<semaphore_mem>>)
    %dma_start3A_237 = arith.constant 3 : i32
    %dma_start3A_238 = arith.constant 384 : i32
    %dma_start3A_239 = tpu.memref_slice %arg19[%dma_start3A_238] : memref<512xf32, #tpu.memory_space<vmem>> -> memref<128xf32, #tpu.memory_space<vmem>>
    %dma_start3A_240 = arith.constant 0 : i32
    %dma_start3A_241 = tpu.memref_slice %arg13[%dma_start3A_237, %dma_start3A_240] : memref<4x128xi32, #tpu.memory_space<vmem>> -> memref<1x128xi32, #tpu.memory_space<vmem>>
    %dma_start3A_242 = tpu.memref_squeeze %dma_start3A_241 : memref<1x128xi32, #tpu.memory_space<vmem>> -> memref<128xi32, #tpu.memory_space<vmem>>
    %dma_start3A_243 = arith.constant 0 : i32
    %dma_start3A_244 = tpu.memref_slice %arg8[%dma_start3A_243] : memref<1000000xf32, #tpu.memory_space<hbm>> -> memref<1000000xf32, #tpu.memory_space<hbm>>
    tpu.enqueue_indirect_dma source(%dma_start3A_244 : memref<1000000xf32, #tpu.memory_space<hbm>>) target(%dma_start3A_239 : memref<128xf32, #tpu.memory_space<vmem>>) offsets(%dma_start3A_242 : memref<128xi32, #tpu.memory_space<vmem>>) semaphore(%arg24 : memref<!tpu.dma_semaphore, #tpu.memory_space<semaphore_mem>>)
    %dma_start3A_245 = arith.constant 3 : i32
    %dma_start3A_246 = arith.constant 384 : i32
    %dma_start3A_247 = tpu.memref_slice %arg20[%dma_start3A_246] : memref<512xf32, #tpu.memory_space<vmem>> -> memref<128xf32, #tpu.memory_space<vmem>>
    %dma_start3A_248 = arith.constant 0 : i32
    %dma_start3A_249 = tpu.memref_slice %arg14[%dma_start3A_245, %dma_start3A_248] : memref<4x128xi32, #tpu.memory_space<vmem>> -> memref<1x128xi32, #tpu.memory_space<vmem>>
    %dma_start3A_250 = tpu.memref_squeeze %dma_start3A_249 : memref<1x128xi32, #tpu.memory_space<vmem>> -> memref<128xi32, #tpu.memory_space<vmem>>
    %dma_start3A_251 = arith.constant 0 : i32
    %dma_start3A_252 = tpu.memref_slice %arg8[%dma_start3A_251] : memref<1000000xf32, #tpu.memory_space<hbm>> -> memref<1000000xf32, #tpu.memory_space<hbm>>
    tpu.enqueue_indirect_dma source(%dma_start3A_252 : memref<1000000xf32, #tpu.memory_space<hbm>>) target(%dma_start3A_247 : memref<128xf32, #tpu.memory_space<vmem>>) offsets(%dma_start3A_250 : memref<128xi32, #tpu.memory_space<vmem>>) semaphore(%arg24 : memref<!tpu.dma_semaphore, #tpu.memory_space<semaphore_mem>>)
    %dma_wait3A = arith.constant 0 : i32
    %dma_wait3A_253 = arith.constant 0 : i32
    %dma_wait3A_254 = arith.constant 0 : i32
    %dma_wait3A_255 = tpu.memref_slice %arg15[%dma_wait3A_253, %dma_wait3A_254] : memref<512x64xf32, #tpu.memory_space<vmem>> -> memref<128x64xf32, #tpu.memory_space<vmem>>
    %dma_wait3A_256 = arith.constant 0 : i32
    %dma_wait3A_257 = tpu.memref_slice %arg12[%dma_wait3A, %dma_wait3A_256] : memref<4x128xi32, #tpu.memory_space<vmem>> -> memref<1x128xi32, #tpu.memory_space<vmem>>
    %dma_wait3A_258 = tpu.memref_squeeze %dma_wait3A_257 : memref<1x128xi32, #tpu.memory_space<vmem>> -> memref<128xi32, #tpu.memory_space<vmem>>
    %dma_wait3A_259 = arith.constant 0 : i32
    %dma_wait3A_260 = arith.constant 0 : i32
    %dma_wait3A_261 = tpu.memref_slice %arg5[%dma_wait3A_259, %dma_wait3A_260] : memref<1000000x64xf32, #tpu.memory_space<hbm>> -> memref<1000000x64xf32, #tpu.memory_space<hbm>>
    tpu.wait_indirect_dma semaphore(%arg24 : memref<!tpu.dma_semaphore, #tpu.memory_space<semaphore_mem>>) src(%dma_wait3A_261 : memref<1000000x64xf32, #tpu.memory_space<hbm>>) dst(%dma_wait3A_255 : memref<128x64xf32, #tpu.memory_space<vmem>>)
    %dma_wait3A_262 = arith.constant 0 : i32
    %dma_wait3A_263 = arith.constant 0 : i32
    %dma_wait3A_264 = arith.constant 0 : i32
    %dma_wait3A_265 = tpu.memref_slice %arg16[%dma_wait3A_263, %dma_wait3A_264] : memref<512x64xf32, #tpu.memory_space<vmem>> -> memref<128x64xf32, #tpu.memory_space<vmem>>
    %dma_wait3A_266 = arith.constant 0 : i32
    %dma_wait3A_267 = tpu.memref_slice %arg13[%dma_wait3A_262, %dma_wait3A_266] : memref<4x128xi32, #tpu.memory_space<vmem>> -> memref<1x128xi32, #tpu.memory_space<vmem>>
    %dma_wait3A_268 = tpu.memref_squeeze %dma_wait3A_267 : memref<1x128xi32, #tpu.memory_space<vmem>> -> memref<128xi32, #tpu.memory_space<vmem>>
    %dma_wait3A_269 = arith.constant 0 : i32
    %dma_wait3A_270 = arith.constant 0 : i32
    %dma_wait3A_271 = tpu.memref_slice %arg6[%dma_wait3A_269, %dma_wait3A_270] : memref<1000000x64xf32, #tpu.memory_space<hbm>> -> memref<1000000x64xf32, #tpu.memory_space<hbm>>
    tpu.wait_indirect_dma semaphore(%arg24 : memref<!tpu.dma_semaphore, #tpu.memory_space<semaphore_mem>>) src(%dma_wait3A_271 : memref<1000000x64xf32, #tpu.memory_space<hbm>>) dst(%dma_wait3A_265 : memref<128x64xf32, #tpu.memory_space<vmem>>)
    %dma_wait3A_272 = arith.constant 0 : i32
    %dma_wait3A_273 = arith.constant 0 : i32
    %dma_wait3A_274 = arith.constant 0 : i32
    %dma_wait3A_275 = tpu.memref_slice %arg17[%dma_wait3A_273, %dma_wait3A_274] : memref<512x64xf32, #tpu.memory_space<vmem>> -> memref<128x64xf32, #tpu.memory_space<vmem>>
    %dma_wait3A_276 = arith.constant 0 : i32
    %dma_wait3A_277 = tpu.memref_slice %arg14[%dma_wait3A_272, %dma_wait3A_276] : memref<4x128xi32, #tpu.memory_space<vmem>> -> memref<1x128xi32, #tpu.memory_space<vmem>>
    %dma_wait3A_278 = tpu.memref_squeeze %dma_wait3A_277 : memref<1x128xi32, #tpu.memory_space<vmem>> -> memref<128xi32, #tpu.memory_space<vmem>>
    %dma_wait3A_279 = arith.constant 0 : i32
    %dma_wait3A_280 = arith.constant 0 : i32
    %dma_wait3A_281 = tpu.memref_slice %arg6[%dma_wait3A_279, %dma_wait3A_280] : memref<1000000x64xf32, #tpu.memory_space<hbm>> -> memref<1000000x64xf32, #tpu.memory_space<hbm>>
    tpu.wait_indirect_dma semaphore(%arg24 : memref<!tpu.dma_semaphore, #tpu.memory_space<semaphore_mem>>) src(%dma_wait3A_281 : memref<1000000x64xf32, #tpu.memory_space<hbm>>) dst(%dma_wait3A_275 : memref<128x64xf32, #tpu.memory_space<vmem>>)
    %dma_wait3A_282 = arith.constant 0 : i32
    %dma_wait3A_283 = arith.constant 0 : i32
    %dma_wait3A_284 = tpu.memref_slice %arg18[%dma_wait3A_283] : memref<512xf32, #tpu.memory_space<vmem>> -> memref<128xf32, #tpu.memory_space<vmem>>
    %dma_wait3A_285 = arith.constant 0 : i32
    %dma_wait3A_286 = tpu.memref_slice %arg12[%dma_wait3A_282, %dma_wait3A_285] : memref<4x128xi32, #tpu.memory_space<vmem>> -> memref<1x128xi32, #tpu.memory_space<vmem>>
    %dma_wait3A_287 = tpu.memref_squeeze %dma_wait3A_286 : memref<1x128xi32, #tpu.memory_space<vmem>> -> memref<128xi32, #tpu.memory_space<vmem>>
    %dma_wait3A_288 = arith.constant 0 : i32
    %dma_wait3A_289 = tpu.memref_slice %arg7[%dma_wait3A_288] : memref<1000000xf32, #tpu.memory_space<hbm>> -> memref<1000000xf32, #tpu.memory_space<hbm>>
    tpu.wait_indirect_dma semaphore(%arg24 : memref<!tpu.dma_semaphore, #tpu.memory_space<semaphore_mem>>) src(%dma_wait3A_289 : memref<1000000xf32, #tpu.memory_space<hbm>>) dst(%dma_wait3A_284 : memref<128xf32, #tpu.memory_space<vmem>>)
    %dma_wait3A_290 = arith.constant 0 : i32
    %dma_wait3A_291 = arith.constant 0 : i32
    %dma_wait3A_292 = tpu.memref_slice %arg19[%dma_wait3A_291] : memref<512xf32, #tpu.memory_space<vmem>> -> memref<128xf32, #tpu.memory_space<vmem>>
    %dma_wait3A_293 = arith.constant 0 : i32
    %dma_wait3A_294 = tpu.memref_slice %arg13[%dma_wait3A_290, %dma_wait3A_293] : memref<4x128xi32, #tpu.memory_space<vmem>> -> memref<1x128xi32, #tpu.memory_space<vmem>>
    %dma_wait3A_295 = tpu.memref_squeeze %dma_wait3A_294 : memref<1x128xi32, #tpu.memory_space<vmem>> -> memref<128xi32, #tpu.memory_space<vmem>>
    %dma_wait3A_296 = arith.constant 0 : i32
    %dma_wait3A_297 = tpu.memref_slice %arg8[%dma_wait3A_296] : memref<1000000xf32, #tpu.memory_space<hbm>> -> memref<1000000xf32, #tpu.memory_space<hbm>>
    tpu.wait_indirect_dma semaphore(%arg24 : memref<!tpu.dma_semaphore, #tpu.memory_space<semaphore_mem>>) src(%dma_wait3A_297 : memref<1000000xf32, #tpu.memory_space<hbm>>) dst(%dma_wait3A_292 : memref<128xf32, #tpu.memory_space<vmem>>)
    %dma_wait3A_298 = arith.constant 0 : i32
    %dma_wait3A_299 = arith.constant 0 : i32
    %dma_wait3A_300 = tpu.memref_slice %arg20[%dma_wait3A_299] : memref<512xf32, #tpu.memory_space<vmem>> -> memref<128xf32, #tpu.memory_space<vmem>>
    %dma_wait3A_301 = arith.constant 0 : i32
    %dma_wait3A_302 = tpu.memref_slice %arg14[%dma_wait3A_298, %dma_wait3A_301] : memref<4x128xi32, #tpu.memory_space<vmem>> -> memref<1x128xi32, #tpu.memory_space<vmem>>
    %dma_wait3A_303 = tpu.memref_squeeze %dma_wait3A_302 : memref<1x128xi32, #tpu.memory_space<vmem>> -> memref<128xi32, #tpu.memory_space<vmem>>
    %dma_wait3A_304 = arith.constant 0 : i32
    %dma_wait3A_305 = tpu.memref_slice %arg8[%dma_wait3A_304] : memref<1000000xf32, #tpu.memory_space<hbm>> -> memref<1000000xf32, #tpu.memory_space<hbm>>
    tpu.wait_indirect_dma semaphore(%arg24 : memref<!tpu.dma_semaphore, #tpu.memory_space<semaphore_mem>>) src(%dma_wait3A_305 : memref<1000000xf32, #tpu.memory_space<hbm>>) dst(%dma_wait3A_300 : memref<128xf32, #tpu.memory_space<vmem>>)
    %dma_wait3A_306 = arith.constant 1 : i32
    %dma_wait3A_307 = arith.constant 128 : i32
    %dma_wait3A_308 = arith.constant 0 : i32
    %dma_wait3A_309 = tpu.memref_slice %arg15[%dma_wait3A_307, %dma_wait3A_308] : memref<512x64xf32, #tpu.memory_space<vmem>> -> memref<128x64xf32, #tpu.memory_space<vmem>>
    %dma_wait3A_310 = arith.constant 0 : i32
    %dma_wait3A_311 = tpu.memref_slice %arg12[%dma_wait3A_306, %dma_wait3A_310] : memref<4x128xi32, #tpu.memory_space<vmem>> -> memref<1x128xi32, #tpu.memory_space<vmem>>
    %dma_wait3A_312 = tpu.memref_squeeze %dma_wait3A_311 : memref<1x128xi32, #tpu.memory_space<vmem>> -> memref<128xi32, #tpu.memory_space<vmem>>
    %dma_wait3A_313 = arith.constant 0 : i32
    %dma_wait3A_314 = arith.constant 0 : i32
    %dma_wait3A_315 = tpu.memref_slice %arg5[%dma_wait3A_313, %dma_wait3A_314] : memref<1000000x64xf32, #tpu.memory_space<hbm>> -> memref<1000000x64xf32, #tpu.memory_space<hbm>>
    tpu.wait_indirect_dma semaphore(%arg24 : memref<!tpu.dma_semaphore, #tpu.memory_space<semaphore_mem>>) src(%dma_wait3A_315 : memref<1000000x64xf32, #tpu.memory_space<hbm>>) dst(%dma_wait3A_309 : memref<128x64xf32, #tpu.memory_space<vmem>>)
    %dma_wait3A_316 = arith.constant 1 : i32
    %dma_wait3A_317 = arith.constant 128 : i32
    %dma_wait3A_318 = arith.constant 0 : i32
    %dma_wait3A_319 = tpu.memref_slice %arg16[%dma_wait3A_317, %dma_wait3A_318] : memref<512x64xf32, #tpu.memory_space<vmem>> -> memref<128x64xf32, #tpu.memory_space<vmem>>
    %dma_wait3A_320 = arith.constant 0 : i32
    %dma_wait3A_321 = tpu.memref_slice %arg13[%dma_wait3A_316, %dma_wait3A_320] : memref<4x128xi32, #tpu.memory_space<vmem>> -> memref<1x128xi32, #tpu.memory_space<vmem>>
    %dma_wait3A_322 = tpu.memref_squeeze %dma_wait3A_321 : memref<1x128xi32, #tpu.memory_space<vmem>> -> memref<128xi32, #tpu.memory_space<vmem>>
    %dma_wait3A_323 = arith.constant 0 : i32
    %dma_wait3A_324 = arith.constant 0 : i32
    %dma_wait3A_325 = tpu.memref_slice %arg6[%dma_wait3A_323, %dma_wait3A_324] : memref<1000000x64xf32, #tpu.memory_space<hbm>> -> memref<1000000x64xf32, #tpu.memory_space<hbm>>
    tpu.wait_indirect_dma semaphore(%arg24 : memref<!tpu.dma_semaphore, #tpu.memory_space<semaphore_mem>>) src(%dma_wait3A_325 : memref<1000000x64xf32, #tpu.memory_space<hbm>>) dst(%dma_wait3A_319 : memref<128x64xf32, #tpu.memory_space<vmem>>)
    %dma_wait3A_326 = arith.constant 1 : i32
    %dma_wait3A_327 = arith.constant 128 : i32
    %dma_wait3A_328 = arith.constant 0 : i32
    %dma_wait3A_329 = tpu.memref_slice %arg17[%dma_wait3A_327, %dma_wait3A_328] : memref<512x64xf32, #tpu.memory_space<vmem>> -> memref<128x64xf32, #tpu.memory_space<vmem>>
    %dma_wait3A_330 = arith.constant 0 : i32
    %dma_wait3A_331 = tpu.memref_slice %arg14[%dma_wait3A_326, %dma_wait3A_330] : memref<4x128xi32, #tpu.memory_space<vmem>> -> memref<1x128xi32, #tpu.memory_space<vmem>>
    %dma_wait3A_332 = tpu.memref_squeeze %dma_wait3A_331 : memref<1x128xi32, #tpu.memory_space<vmem>> -> memref<128xi32, #tpu.memory_space<vmem>>
    %dma_wait3A_333 = arith.constant 0 : i32
    %dma_wait3A_334 = arith.constant 0 : i32
    %dma_wait3A_335 = tpu.memref_slice %arg6[%dma_wait3A_333, %dma_wait3A_334] : memref<1000000x64xf32, #tpu.memory_space<hbm>> -> memref<1000000x64xf32, #tpu.memory_space<hbm>>
    tpu.wait_indirect_dma semaphore(%arg24 : memref<!tpu.dma_semaphore, #tpu.memory_space<semaphore_mem>>) src(%dma_wait3A_335 : memref<1000000x64xf32, #tpu.memory_space<hbm>>) dst(%dma_wait3A_329 : memref<128x64xf32, #tpu.memory_space<vmem>>)
    %dma_wait3A_336 = arith.constant 1 : i32
    %dma_wait3A_337 = arith.constant 128 : i32
    %dma_wait3A_338 = tpu.memref_slice %arg18[%dma_wait3A_337] : memref<512xf32, #tpu.memory_space<vmem>> -> memref<128xf32, #tpu.memory_space<vmem>>
    %dma_wait3A_339 = arith.constant 0 : i32
    %dma_wait3A_340 = tpu.memref_slice %arg12[%dma_wait3A_336, %dma_wait3A_339] : memref<4x128xi32, #tpu.memory_space<vmem>> -> memref<1x128xi32, #tpu.memory_space<vmem>>
    %dma_wait3A_341 = tpu.memref_squeeze %dma_wait3A_340 : memref<1x128xi32, #tpu.memory_space<vmem>> -> memref<128xi32, #tpu.memory_space<vmem>>
    %dma_wait3A_342 = arith.constant 0 : i32
    %dma_wait3A_343 = tpu.memref_slice %arg7[%dma_wait3A_342] : memref<1000000xf32, #tpu.memory_space<hbm>> -> memref<1000000xf32, #tpu.memory_space<hbm>>
    tpu.wait_indirect_dma semaphore(%arg24 : memref<!tpu.dma_semaphore, #tpu.memory_space<semaphore_mem>>) src(%dma_wait3A_343 : memref<1000000xf32, #tpu.memory_space<hbm>>) dst(%dma_wait3A_338 : memref<128xf32, #tpu.memory_space<vmem>>)
    %dma_wait3A_344 = arith.constant 1 : i32
    %dma_wait3A_345 = arith.constant 128 : i32
    %dma_wait3A_346 = tpu.memref_slice %arg19[%dma_wait3A_345] : memref<512xf32, #tpu.memory_space<vmem>> -> memref<128xf32, #tpu.memory_space<vmem>>
    %dma_wait3A_347 = arith.constant 0 : i32
    %dma_wait3A_348 = tpu.memref_slice %arg13[%dma_wait3A_344, %dma_wait3A_347] : memref<4x128xi32, #tpu.memory_space<vmem>> -> memref<1x128xi32, #tpu.memory_space<vmem>>
    %dma_wait3A_349 = tpu.memref_squeeze %dma_wait3A_348 : memref<1x128xi32, #tpu.memory_space<vmem>> -> memref<128xi32, #tpu.memory_space<vmem>>
    %dma_wait3A_350 = arith.constant 0 : i32
    %dma_wait3A_351 = tpu.memref_slice %arg8[%dma_wait3A_350] : memref<1000000xf32, #tpu.memory_space<hbm>> -> memref<1000000xf32, #tpu.memory_space<hbm>>
    tpu.wait_indirect_dma semaphore(%arg24 : memref<!tpu.dma_semaphore, #tpu.memory_space<semaphore_mem>>) src(%dma_wait3A_351 : memref<1000000xf32, #tpu.memory_space<hbm>>) dst(%dma_wait3A_346 : memref<128xf32, #tpu.memory_space<vmem>>)
    %dma_wait3A_352 = arith.constant 1 : i32
    %dma_wait3A_353 = arith.constant 128 : i32
    %dma_wait3A_354 = tpu.memref_slice %arg20[%dma_wait3A_353] : memref<512xf32, #tpu.memory_space<vmem>> -> memref<128xf32, #tpu.memory_space<vmem>>
    %dma_wait3A_355 = arith.constant 0 : i32
    %dma_wait3A_356 = tpu.memref_slice %arg14[%dma_wait3A_352, %dma_wait3A_355] : memref<4x128xi32, #tpu.memory_space<vmem>> -> memref<1x128xi32, #tpu.memory_space<vmem>>
    %dma_wait3A_357 = tpu.memref_squeeze %dma_wait3A_356 : memref<1x128xi32, #tpu.memory_space<vmem>> -> memref<128xi32, #tpu.memory_space<vmem>>
    %dma_wait3A_358 = arith.constant 0 : i32
    %dma_wait3A_359 = tpu.memref_slice %arg8[%dma_wait3A_358] : memref<1000000xf32, #tpu.memory_space<hbm>> -> memref<1000000xf32, #tpu.memory_space<hbm>>
    tpu.wait_indirect_dma semaphore(%arg24 : memref<!tpu.dma_semaphore, #tpu.memory_space<semaphore_mem>>) src(%dma_wait3A_359 : memref<1000000xf32, #tpu.memory_space<hbm>>) dst(%dma_wait3A_354 : memref<128xf32, #tpu.memory_space<vmem>>)
    %dma_wait3A_360 = arith.constant 2 : i32
    %dma_wait3A_361 = arith.constant 256 : i32
    %dma_wait3A_362 = arith.constant 0 : i32
    %dma_wait3A_363 = tpu.memref_slice %arg15[%dma_wait3A_361, %dma_wait3A_362] : memref<512x64xf32, #tpu.memory_space<vmem>> -> memref<128x64xf32, #tpu.memory_space<vmem>>
    %dma_wait3A_364 = arith.constant 0 : i32
    %dma_wait3A_365 = tpu.memref_slice %arg12[%dma_wait3A_360, %dma_wait3A_364] : memref<4x128xi32, #tpu.memory_space<vmem>> -> memref<1x128xi32, #tpu.memory_space<vmem>>
    %dma_wait3A_366 = tpu.memref_squeeze %dma_wait3A_365 : memref<1x128xi32, #tpu.memory_space<vmem>> -> memref<128xi32, #tpu.memory_space<vmem>>
    %dma_wait3A_367 = arith.constant 0 : i32
    %dma_wait3A_368 = arith.constant 0 : i32
    %dma_wait3A_369 = tpu.memref_slice %arg5[%dma_wait3A_367, %dma_wait3A_368] : memref<1000000x64xf32, #tpu.memory_space<hbm>> -> memref<1000000x64xf32, #tpu.memory_space<hbm>>
    tpu.wait_indirect_dma semaphore(%arg24 : memref<!tpu.dma_semaphore, #tpu.memory_space<semaphore_mem>>) src(%dma_wait3A_369 : memref<1000000x64xf32, #tpu.memory_space<hbm>>) dst(%dma_wait3A_363 : memref<128x64xf32, #tpu.memory_space<vmem>>)
    %dma_wait3A_370 = arith.constant 2 : i32
    %dma_wait3A_371 = arith.constant 256 : i32
    %dma_wait3A_372 = arith.constant 0 : i32
    %dma_wait3A_373 = tpu.memref_slice %arg16[%dma_wait3A_371, %dma_wait3A_372] : memref<512x64xf32, #tpu.memory_space<vmem>> -> memref<128x64xf32, #tpu.memory_space<vmem>>
    %dma_wait3A_374 = arith.constant 0 : i32
    %dma_wait3A_375 = tpu.memref_slice %arg13[%dma_wait3A_370, %dma_wait3A_374] : memref<4x128xi32, #tpu.memory_space<vmem>> -> memref<1x128xi32, #tpu.memory_space<vmem>>
    %dma_wait3A_376 = tpu.memref_squeeze %dma_wait3A_375 : memref<1x128xi32, #tpu.memory_space<vmem>> -> memref<128xi32, #tpu.memory_space<vmem>>
    %dma_wait3A_377 = arith.constant 0 : i32
    %dma_wait3A_378 = arith.constant 0 : i32
    %dma_wait3A_379 = tpu.memref_slice %arg6[%dma_wait3A_377, %dma_wait3A_378] : memref<1000000x64xf32, #tpu.memory_space<hbm>> -> memref<1000000x64xf32, #tpu.memory_space<hbm>>
    tpu.wait_indirect_dma semaphore(%arg24 : memref<!tpu.dma_semaphore, #tpu.memory_space<semaphore_mem>>) src(%dma_wait3A_379 : memref<1000000x64xf32, #tpu.memory_space<hbm>>) dst(%dma_wait3A_373 : memref<128x64xf32, #tpu.memory_space<vmem>>)
    %dma_wait3A_380 = arith.constant 2 : i32
    %dma_wait3A_381 = arith.constant 256 : i32
    %dma_wait3A_382 = arith.constant 0 : i32
    %dma_wait3A_383 = tpu.memref_slice %arg17[%dma_wait3A_381, %dma_wait3A_382] : memref<512x64xf32, #tpu.memory_space<vmem>> -> memref<128x64xf32, #tpu.memory_space<vmem>>
    %dma_wait3A_384 = arith.constant 0 : i32
    %dma_wait3A_385 = tpu.memref_slice %arg14[%dma_wait3A_380, %dma_wait3A_384] : memref<4x128xi32, #tpu.memory_space<vmem>> -> memref<1x128xi32, #tpu.memory_space<vmem>>
    %dma_wait3A_386 = tpu.memref_squeeze %dma_wait3A_385 : memref<1x128xi32, #tpu.memory_space<vmem>> -> memref<128xi32, #tpu.memory_space<vmem>>
    %dma_wait3A_387 = arith.constant 0 : i32
    %dma_wait3A_388 = arith.constant 0 : i32
    %dma_wait3A_389 = tpu.memref_slice %arg6[%dma_wait3A_387, %dma_wait3A_388] : memref<1000000x64xf32, #tpu.memory_space<hbm>> -> memref<1000000x64xf32, #tpu.memory_space<hbm>>
    tpu.wait_indirect_dma semaphore(%arg24 : memref<!tpu.dma_semaphore, #tpu.memory_space<semaphore_mem>>) src(%dma_wait3A_389 : memref<1000000x64xf32, #tpu.memory_space<hbm>>) dst(%dma_wait3A_383 : memref<128x64xf32, #tpu.memory_space<vmem>>)
    %dma_wait3A_390 = arith.constant 2 : i32
    %dma_wait3A_391 = arith.constant 256 : i32
    %dma_wait3A_392 = tpu.memref_slice %arg18[%dma_wait3A_391] : memref<512xf32, #tpu.memory_space<vmem>> -> memref<128xf32, #tpu.memory_space<vmem>>
    %dma_wait3A_393 = arith.constant 0 : i32
    %dma_wait3A_394 = tpu.memref_slice %arg12[%dma_wait3A_390, %dma_wait3A_393] : memref<4x128xi32, #tpu.memory_space<vmem>> -> memref<1x128xi32, #tpu.memory_space<vmem>>
    %dma_wait3A_395 = tpu.memref_squeeze %dma_wait3A_394 : memref<1x128xi32, #tpu.memory_space<vmem>> -> memref<128xi32, #tpu.memory_space<vmem>>
    %dma_wait3A_396 = arith.constant 0 : i32
    %dma_wait3A_397 = tpu.memref_slice %arg7[%dma_wait3A_396] : memref<1000000xf32, #tpu.memory_space<hbm>> -> memref<1000000xf32, #tpu.memory_space<hbm>>
    tpu.wait_indirect_dma semaphore(%arg24 : memref<!tpu.dma_semaphore, #tpu.memory_space<semaphore_mem>>) src(%dma_wait3A_397 : memref<1000000xf32, #tpu.memory_space<hbm>>) dst(%dma_wait3A_392 : memref<128xf32, #tpu.memory_space<vmem>>)
    %dma_wait3A_398 = arith.constant 2 : i32
    %dma_wait3A_399 = arith.constant 256 : i32
    %dma_wait3A_400 = tpu.memref_slice %arg19[%dma_wait3A_399] : memref<512xf32, #tpu.memory_space<vmem>> -> memref<128xf32, #tpu.memory_space<vmem>>
    %dma_wait3A_401 = arith.constant 0 : i32
    %dma_wait3A_402 = tpu.memref_slice %arg13[%dma_wait3A_398, %dma_wait3A_401] : memref<4x128xi32, #tpu.memory_space<vmem>> -> memref<1x128xi32, #tpu.memory_space<vmem>>
    %dma_wait3A_403 = tpu.memref_squeeze %dma_wait3A_402 : memref<1x128xi32, #tpu.memory_space<vmem>> -> memref<128xi32, #tpu.memory_space<vmem>>
    %dma_wait3A_404 = arith.constant 0 : i32
    %dma_wait3A_405 = tpu.memref_slice %arg8[%dma_wait3A_404] : memref<1000000xf32, #tpu.memory_space<hbm>> -> memref<1000000xf32, #tpu.memory_space<hbm>>
    tpu.wait_indirect_dma semaphore(%arg24 : memref<!tpu.dma_semaphore, #tpu.memory_space<semaphore_mem>>) src(%dma_wait3A_405 : memref<1000000xf32, #tpu.memory_space<hbm>>) dst(%dma_wait3A_400 : memref<128xf32, #tpu.memory_space<vmem>>)
    %dma_wait3A_406 = arith.constant 2 : i32
    %dma_wait3A_407 = arith.constant 256 : i32
    %dma_wait3A_408 = tpu.memref_slice %arg20[%dma_wait3A_407] : memref<512xf32, #tpu.memory_space<vmem>> -> memref<128xf32, #tpu.memory_space<vmem>>
    %dma_wait3A_409 = arith.constant 0 : i32
    %dma_wait3A_410 = tpu.memref_slice %arg14[%dma_wait3A_406, %dma_wait3A_409] : memref<4x128xi32, #tpu.memory_space<vmem>> -> memref<1x128xi32, #tpu.memory_space<vmem>>
    %dma_wait3A_411 = tpu.memref_squeeze %dma_wait3A_410 : memref<1x128xi32, #tpu.memory_space<vmem>> -> memref<128xi32, #tpu.memory_space<vmem>>
    %dma_wait3A_412 = arith.constant 0 : i32
    %dma_wait3A_413 = tpu.memref_slice %arg8[%dma_wait3A_412] : memref<1000000xf32, #tpu.memory_space<hbm>> -> memref<1000000xf32, #tpu.memory_space<hbm>>
    tpu.wait_indirect_dma semaphore(%arg24 : memref<!tpu.dma_semaphore, #tpu.memory_space<semaphore_mem>>) src(%dma_wait3A_413 : memref<1000000xf32, #tpu.memory_space<hbm>>) dst(%dma_wait3A_408 : memref<128xf32, #tpu.memory_space<vmem>>)
    %dma_wait3A_414 = arith.constant 3 : i32
    %dma_wait3A_415 = arith.constant 384 : i32
    %dma_wait3A_416 = arith.constant 0 : i32
    %dma_wait3A_417 = tpu.memref_slice %arg15[%dma_wait3A_415, %dma_wait3A_416] : memref<512x64xf32, #tpu.memory_space<vmem>> -> memref<128x64xf32, #tpu.memory_space<vmem>>
    %dma_wait3A_418 = arith.constant 0 : i32
    %dma_wait3A_419 = tpu.memref_slice %arg12[%dma_wait3A_414, %dma_wait3A_418] : memref<4x128xi32, #tpu.memory_space<vmem>> -> memref<1x128xi32, #tpu.memory_space<vmem>>
    %dma_wait3A_420 = tpu.memref_squeeze %dma_wait3A_419 : memref<1x128xi32, #tpu.memory_space<vmem>> -> memref<128xi32, #tpu.memory_space<vmem>>
    %dma_wait3A_421 = arith.constant 0 : i32
    %dma_wait3A_422 = arith.constant 0 : i32
    %dma_wait3A_423 = tpu.memref_slice %arg5[%dma_wait3A_421, %dma_wait3A_422] : memref<1000000x64xf32, #tpu.memory_space<hbm>> -> memref<1000000x64xf32, #tpu.memory_space<hbm>>
    tpu.wait_indirect_dma semaphore(%arg24 : memref<!tpu.dma_semaphore, #tpu.memory_space<semaphore_mem>>) src(%dma_wait3A_423 : memref<1000000x64xf32, #tpu.memory_space<hbm>>) dst(%dma_wait3A_417 : memref<128x64xf32, #tpu.memory_space<vmem>>)
    %dma_wait3A_424 = arith.constant 3 : i32
    %dma_wait3A_425 = arith.constant 384 : i32
    %dma_wait3A_426 = arith.constant 0 : i32
    %dma_wait3A_427 = tpu.memref_slice %arg16[%dma_wait3A_425, %dma_wait3A_426] : memref<512x64xf32, #tpu.memory_space<vmem>> -> memref<128x64xf32, #tpu.memory_space<vmem>>
    %dma_wait3A_428 = arith.constant 0 : i32
    %dma_wait3A_429 = tpu.memref_slice %arg13[%dma_wait3A_424, %dma_wait3A_428] : memref<4x128xi32, #tpu.memory_space<vmem>> -> memref<1x128xi32, #tpu.memory_space<vmem>>
    %dma_wait3A_430 = tpu.memref_squeeze %dma_wait3A_429 : memref<1x128xi32, #tpu.memory_space<vmem>> -> memref<128xi32, #tpu.memory_space<vmem>>
    %dma_wait3A_431 = arith.constant 0 : i32
    %dma_wait3A_432 = arith.constant 0 : i32
    %dma_wait3A_433 = tpu.memref_slice %arg6[%dma_wait3A_431, %dma_wait3A_432] : memref<1000000x64xf32, #tpu.memory_space<hbm>> -> memref<1000000x64xf32, #tpu.memory_space<hbm>>
    tpu.wait_indirect_dma semaphore(%arg24 : memref<!tpu.dma_semaphore, #tpu.memory_space<semaphore_mem>>) src(%dma_wait3A_433 : memref<1000000x64xf32, #tpu.memory_space<hbm>>) dst(%dma_wait3A_427 : memref<128x64xf32, #tpu.memory_space<vmem>>)
    %dma_wait3A_434 = arith.constant 3 : i32
    %dma_wait3A_435 = arith.constant 384 : i32
    %dma_wait3A_436 = arith.constant 0 : i32
    %dma_wait3A_437 = tpu.memref_slice %arg17[%dma_wait3A_435, %dma_wait3A_436] : memref<512x64xf32, #tpu.memory_space<vmem>> -> memref<128x64xf32, #tpu.memory_space<vmem>>
    %dma_wait3A_438 = arith.constant 0 : i32
    %dma_wait3A_439 = tpu.memref_slice %arg14[%dma_wait3A_434, %dma_wait3A_438] : memref<4x128xi32, #tpu.memory_space<vmem>> -> memref<1x128xi32, #tpu.memory_space<vmem>>
    %dma_wait3A_440 = tpu.memref_squeeze %dma_wait3A_439 : memref<1x128xi32, #tpu.memory_space<vmem>> -> memref<128xi32, #tpu.memory_space<vmem>>
    %dma_wait3A_441 = arith.constant 0 : i32
    %dma_wait3A_442 = arith.constant 0 : i32
    %dma_wait3A_443 = tpu.memref_slice %arg6[%dma_wait3A_441, %dma_wait3A_442] : memref<1000000x64xf32, #tpu.memory_space<hbm>> -> memref<1000000x64xf32, #tpu.memory_space<hbm>>
    tpu.wait_indirect_dma semaphore(%arg24 : memref<!tpu.dma_semaphore, #tpu.memory_space<semaphore_mem>>) src(%dma_wait3A_443 : memref<1000000x64xf32, #tpu.memory_space<hbm>>) dst(%dma_wait3A_437 : memref<128x64xf32, #tpu.memory_space<vmem>>)
    %dma_wait3A_444 = arith.constant 3 : i32
    %dma_wait3A_445 = arith.constant 384 : i32
    %dma_wait3A_446 = tpu.memref_slice %arg18[%dma_wait3A_445] : memref<512xf32, #tpu.memory_space<vmem>> -> memref<128xf32, #tpu.memory_space<vmem>>
    %dma_wait3A_447 = arith.constant 0 : i32
    %dma_wait3A_448 = tpu.memref_slice %arg12[%dma_wait3A_444, %dma_wait3A_447] : memref<4x128xi32, #tpu.memory_space<vmem>> -> memref<1x128xi32, #tpu.memory_space<vmem>>
    %dma_wait3A_449 = tpu.memref_squeeze %dma_wait3A_448 : memref<1x128xi32, #tpu.memory_space<vmem>> -> memref<128xi32, #tpu.memory_space<vmem>>
    %dma_wait3A_450 = arith.constant 0 : i32
    %dma_wait3A_451 = tpu.memref_slice %arg7[%dma_wait3A_450] : memref<1000000xf32, #tpu.memory_space<hbm>> -> memref<1000000xf32, #tpu.memory_space<hbm>>
    tpu.wait_indirect_dma semaphore(%arg24 : memref<!tpu.dma_semaphore, #tpu.memory_space<semaphore_mem>>) src(%dma_wait3A_451 : memref<1000000xf32, #tpu.memory_space<hbm>>) dst(%dma_wait3A_446 : memref<128xf32, #tpu.memory_space<vmem>>)
    %dma_wait3A_452 = arith.constant 3 : i32
    %dma_wait3A_453 = arith.constant 384 : i32
    %dma_wait3A_454 = tpu.memref_slice %arg19[%dma_wait3A_453] : memref<512xf32, #tpu.memory_space<vmem>> -> memref<128xf32, #tpu.memory_space<vmem>>
    %dma_wait3A_455 = arith.constant 0 : i32
    %dma_wait3A_456 = tpu.memref_slice %arg13[%dma_wait3A_452, %dma_wait3A_455] : memref<4x128xi32, #tpu.memory_space<vmem>> -> memref<1x128xi32, #tpu.memory_space<vmem>>
    %dma_wait3A_457 = tpu.memref_squeeze %dma_wait3A_456 : memref<1x128xi32, #tpu.memory_space<vmem>> -> memref<128xi32, #tpu.memory_space<vmem>>
    %dma_wait3A_458 = arith.constant 0 : i32
    %dma_wait3A_459 = tpu.memref_slice %arg8[%dma_wait3A_458] : memref<1000000xf32, #tpu.memory_space<hbm>> -> memref<1000000xf32, #tpu.memory_space<hbm>>
    tpu.wait_indirect_dma semaphore(%arg24 : memref<!tpu.dma_semaphore, #tpu.memory_space<semaphore_mem>>) src(%dma_wait3A_459 : memref<1000000xf32, #tpu.memory_space<hbm>>) dst(%dma_wait3A_454 : memref<128xf32, #tpu.memory_space<vmem>>)
    %dma_wait3A_460 = arith.constant 3 : i32
    %dma_wait3A_461 = arith.constant 384 : i32
    %dma_wait3A_462 = tpu.memref_slice %arg20[%dma_wait3A_461] : memref<512xf32, #tpu.memory_space<vmem>> -> memref<128xf32, #tpu.memory_space<vmem>>
    %dma_wait3A_463 = arith.constant 0 : i32
    %dma_wait3A_464 = tpu.memref_slice %arg14[%dma_wait3A_460, %dma_wait3A_463] : memref<4x128xi32, #tpu.memory_space<vmem>> -> memref<1x128xi32, #tpu.memory_space<vmem>>
    %dma_wait3A_465 = tpu.memref_squeeze %dma_wait3A_464 : memref<1x128xi32, #tpu.memory_space<vmem>> -> memref<128xi32, #tpu.memory_space<vmem>>
    %dma_wait3A_466 = arith.constant 0 : i32
    %dma_wait3A_467 = tpu.memref_slice %arg8[%dma_wait3A_466] : memref<1000000xf32, #tpu.memory_space<hbm>> -> memref<1000000xf32, #tpu.memory_space<hbm>>
    tpu.wait_indirect_dma semaphore(%arg24 : memref<!tpu.dma_semaphore, #tpu.memory_space<semaphore_mem>>) src(%dma_wait3A_467 : memref<1000000xf32, #tpu.memory_space<hbm>>) dst(%dma_wait3A_462 : memref<128xf32, #tpu.memory_space<vmem>>)
    %get3A = arith.constant 0 : index
    %get3A_468 = tpu.vector_load %arg21[%get3A] {strides = array<i32>} : memref<16xf32, #tpu.memory_space<vmem>>, vector<16xf32>,
    %iota3A = tpu.iota {dimensions = array<i32: 0>} : vector<16xi32>
    %scan3A = arith.constant 0 : i32
    %scan3A_469 = arith.constant 0 : i32
    %scan3A_470 = arith.constant 32 : i32
    %scan3A_471 = arith.addi %scan3A_469, %scan3A_470 : i32
    %scan3A_472 = arith.constant 1 : i32
    scf.for %scan3A_474 = %scan3A_469 to %scan3A_471 step %scan3A_472  : i32 {
      %mul3A_475 = arith.constant 16 : i32
      %mul3A_476 = arith.muli %scan3A_474, %mul3A_475 : i32
      %add3A_477 = vector.broadcast %mul3A_476 : i32 to vector<16xi32>
      %add3A_478 = arith.addi %add3A_477, %iota3A : vector<16xi32>
      %mul3A_479 = arith.constant 16 : i32
      %mul3A_480 = arith.muli %scan3A_474, %mul3A_479 : i32
      %get3A_481 = arith.index_cast %mul3A_480 : i32 to index
      %get3A_482 = tpu.vector_load %arg18[%get3A_481] {strides = array<i32>} : memref<512xf32, #tpu.memory_space<vmem>>, vector<16xf32>,
      %get3A_483 = arith.index_cast %mul3A_480 : i32 to index
      %get3A_484 = tpu.vector_load %arg19[%get3A_483] {strides = array<i32>} : memref<512xf32, #tpu.memory_space<vmem>>, vector<16xf32>,
      %add3A_485 = arith.addf %get3A_482, %get3A_484 : vector<16xf32>
      %add3A_486 = arith.addf %add3A_485, %get3A_468 : vector<16xf32>
      %get3A_487 = arith.index_cast %mul3A_480 : i32 to index
      %get3A_488 = tpu.vector_load %arg18[%get3A_487] {strides = array<i32>} : memref<512xf32, #tpu.memory_space<vmem>>, vector<16xf32>,
      %get3A_489 = arith.index_cast %mul3A_480 : i32 to index
      %get3A_490 = tpu.vector_load %arg20[%get3A_489] {strides = array<i32>} : memref<512xf32, #tpu.memory_space<vmem>>, vector<16xf32>,
      %add3A_491 = arith.addf %get3A_488, %get3A_490 : vector<16xf32>
      %add3A_492 = arith.addf %add3A_491, %get3A_468 : vector<16xf32>
      %broadcast_in_dim3A = arith.constant 0 : i32
      %broadcast_in_dim3A_493 = vector.broadcast %broadcast_in_dim3A : i32 to vector<16xi32>
      %gather3A = tpu.vector_load_idx %arg15[%add3A_478, %broadcast_in_dim3A_493] : memref<512x64xf32, #tpu.memory_space<vmem>>[vector<16xi32>, vector<16xi32>], vector<16xf32>,
      %gather3A_494 = tpu.vector_load_idx %arg16[%add3A_478, %broadcast_in_dim3A_493] : memref<512x64xf32, #tpu.memory_space<vmem>>[vector<16xi32>, vector<16xi32>], vector<16xf32>,
      %mul3A_495 = arith.mulf %gather3A, %gather3A_494 : vector<16xf32>
      %gather3A_496 = tpu.vector_load_idx %arg17[%add3A_478, %broadcast_in_dim3A_493] : memref<512x64xf32, #tpu.memory_space<vmem>>[vector<16xi32>, vector<16xi32>], vector<16xf32>,
      %mul3A_497 = arith.mulf %gather3A, %gather3A_496 : vector<16xf32>
      %add3A_498 = arith.addf %add3A_486, %mul3A_495 : vector<16xf32>
      %add3A_499 = arith.addf %add3A_492, %mul3A_497 : vector<16xf32>
      %broadcast_in_dim3A_500 = arith.constant 1 : i32
      %broadcast_in_dim3A_501 = vector.broadcast %broadcast_in_dim3A_500 : i32 to vector<16xi32>
      %gather3A_502 = tpu.vector_load_idx %arg15[%add3A_478, %broadcast_in_dim3A_501] : memref<512x64xf32, #tpu.memory_space<vmem>>[vector<16xi32>, vector<16xi32>], vector<16xf32>,
      %gather3A_503 = tpu.vector_load_idx %arg16[%add3A_478, %broadcast_in_dim3A_501] : memref<512x64xf32, #tpu.memory_space<vmem>>[vector<16xi32>, vector<16xi32>], vector<16xf32>,
      %mul3A_504 = arith.mulf %gather3A_502, %gather3A_503 : vector<16xf32>
      %gather3A_505 = tpu.vector_load_idx %arg17[%add3A_478, %broadcast_in_dim3A_501] : memref<512x64xf32, #tpu.memory_space<vmem>>[vector<16xi32>, vector<16xi32>], vector<16xf32>,
      %mul3A_506 = arith.mulf %gather3A_502, %gather3A_505 : vector<16xf32>
      %broadcast_in_dim3A_507 = arith.constant 2 : i32
      %broadcast_in_dim3A_508 = vector.broadcast %broadcast_in_dim3A_507 : i32 to vector<16xi32>
      %gather3A_509 = tpu.vector_load_idx %arg15[%add3A_478, %broadcast_in_dim3A_508] : memref<512x64xf32, #tpu.memory_space<vmem>>[vector<16xi32>, vector<16xi32>], vector<16xf32>,
      %gather3A_510 = tpu.vector_load_idx %arg16[%add3A_478, %broadcast_in_dim3A_508] : memref<512x64xf32, #tpu.memory_space<vmem>>[vector<16xi32>, vector<16xi32>], vector<16xf32>,
      %mul3A_511 = arith.mulf %gather3A_509, %gather3A_510 : vector<16xf32>
      %gather3A_512 = tpu.vector_load_idx %arg17[%add3A_478, %broadcast_in_dim3A_508] : memref<512x64xf32, #tpu.memory_space<vmem>>[vector<16xi32>, vector<16xi32>], vector<16xf32>,
      %mul3A_513 = arith.mulf %gather3A_509, %gather3A_512 : vector<16xf32>
      %broadcast_in_dim3A_514 = arith.constant 3 : i32
      %broadcast_in_dim3A_515 = vector.broadcast %broadcast_in_dim3A_514 : i32 to vector<16xi32>
      %gather3A_516 = tpu.vector_load_idx %arg15[%add3A_478, %broadcast_in_dim3A_515] : memref<512x64xf32, #tpu.memory_space<vmem>>[vector<16xi32>, vector<16xi32>], vector<16xf32>,
      %gather3A_517 = tpu.vector_load_idx %arg16[%add3A_478, %broadcast_in_dim3A_515] : memref<512x64xf32, #tpu.memory_space<vmem>>[vector<16xi32>, vector<16xi32>], vector<16xf32>,
      %mul3A_518 = arith.mulf %gather3A_516, %gather3A_517 : vector<16xf32>
      %gather3A_519 = tpu.vector_load_idx %arg17[%add3A_478, %broadcast_in_dim3A_515] : memref<512x64xf32, #tpu.memory_space<vmem>>[vector<16xi32>, vector<16xi32>], vector<16xf32>,
      %mul3A_520 = arith.mulf %gather3A_516, %gather3A_519 : vector<16xf32>
      %broadcast_in_dim3A_521 = arith.constant 4 : i32
      %broadcast_in_dim3A_522 = vector.broadcast %broadcast_in_dim3A_521 : i32 to vector<16xi32>
      %gather3A_523 = tpu.vector_load_idx %arg15[%add3A_478, %broadcast_in_dim3A_522] : memref<512x64xf32, #tpu.memory_space<vmem>>[vector<16xi32>, vector<16xi32>], vector<16xf32>,
      %gather3A_524 = tpu.vector_load_idx %arg16[%add3A_478, %broadcast_in_dim3A_522] : memref<512x64xf32, #tpu.memory_space<vmem>>[vector<16xi32>, vector<16xi32>], vector<16xf32>,
      %mul3A_525 = arith.mulf %gather3A_523, %gather3A_524 : vector<16xf32>
      %gather3A_526 = tpu.vector_load_idx %arg17[%add3A_478, %broadcast_in_dim3A_522] : memref<512x64xf32, #tpu.memory_space<vmem>>[vector<16xi32>, vector<16xi32>], vector<16xf32>,
      %mul3A_527 = arith.mulf %gather3A_523, %gather3A_526 : vector<16xf32>
      %add3A_528 = arith.addf %add3A_498, %mul3A_525 : vector<16xf32>
      %add3A_529 = arith.addf %add3A_499, %mul3A_527 : vector<16xf32>
      %broadcast_in_dim3A_530 = arith.constant 5 : i32
      %broadcast_in_dim3A_531 = vector.broadcast %broadcast_in_dim3A_530 : i32 to vector<16xi32>
      %gather3A_532 = tpu.vector_load_idx %arg15[%add3A_478, %broadcast_in_dim3A_531] : memref<512x64xf32, #tpu.memory_space<vmem>>[vector<16xi32>, vector<16xi32>], vector<16xf32>,
      %gather3A_533 = tpu.vector_load_idx %arg16[%add3A_478, %broadcast_in_dim3A_531] : memref<512x64xf32, #tpu.memory_space<vmem>>[vector<16xi32>, vector<16xi32>], vector<16xf32>,
      %mul3A_534 = arith.mulf %gather3A_532, %gather3A_533 : vector<16xf32>
      %gather3A_535 = tpu.vector_load_idx %arg17[%add3A_478, %broadcast_in_dim3A_531] : memref<512x64xf32, #tpu.memory_space<vmem>>[vector<16xi32>, vector<16xi32>], vector<16xf32>,
      %mul3A_536 = arith.mulf %gather3A_532, %gather3A_535 : vector<16xf32>
      %add3A_537 = arith.addf %mul3A_504, %mul3A_534 : vector<16xf32>
      %add3A_538 = arith.addf %mul3A_506, %mul3A_536 : vector<16xf32>
      %broadcast_in_dim3A_539 = arith.constant 6 : i32
      %broadcast_in_dim3A_540 = vector.broadcast %broadcast_in_dim3A_539 : i32 to vector<16xi32>
      %gather3A_541 = tpu.vector_load_idx %arg15[%add3A_478, %broadcast_in_dim3A_540] : memref<512x64xf32, #tpu.memory_space<vmem>>[vector<16xi32>, vector<16xi32>], vector<16xf32>,
      %gather3A_542 = tpu.vector_load_idx %arg16[%add3A_478, %broadcast_in_dim3A_540] : memref<512x64xf32, #tpu.memory_space<vmem>>[vector<16xi32>, vector<16xi32>], vector<16xf32>,
      %mul3A_543 = arith.mulf %gather3A_541, %gather3A_542 : vector<16xf32>
      %gather3A_544 = tpu.vector_load_idx %arg17[%add3A_478, %broadcast_in_dim3A_540] : memref<512x64xf32, #tpu.memory_space<vmem>>[vector<16xi32>, vector<16xi32>], vector<16xf32>,
      %mul3A_545 = arith.mulf %gather3A_541, %gather3A_544 : vector<16xf32>
      %add3A_546 = arith.addf %mul3A_511, %mul3A_543 : vector<16xf32>
      %add3A_547 = arith.addf %mul3A_513, %mul3A_545 : vector<16xf32>
      %broadcast_in_dim3A_548 = arith.constant 7 : i32
      %broadcast_in_dim3A_549 = vector.broadcast %broadcast_in_dim3A_548 : i32 to vector<16xi32>
      %gather3A_550 = tpu.vector_load_idx %arg15[%add3A_478, %broadcast_in_dim3A_549] : memref<512x64xf32, #tpu.memory_space<vmem>>[vector<16xi32>, vector<16xi32>], vector<16xf32>,
      %gather3A_551 = tpu.vector_load_idx %arg16[%add3A_478, %broadcast_in_dim3A_549] : memref<512x64xf32, #tpu.memory_space<vmem>>[vector<16xi32>, vector<16xi32>], vector<16xf32>,
      %mul3A_552 = arith.mulf %gather3A_550, %gather3A_551 : vector<16xf32>
      %gather3A_553 = tpu.vector_load_idx %arg17[%add3A_478, %broadcast_in_dim3A_549] : memref<512x64xf32, #tpu.memory_space<vmem>>[vector<16xi32>, vector<16xi32>], vector<16xf32>,
      %mul3A_554 = arith.mulf %gather3A_550, %gather3A_553 : vector<16xf32>
      %add3A_555 = arith.addf %mul3A_518, %mul3A_552 : vector<16xf32>
      %add3A_556 = arith.addf %mul3A_520, %mul3A_554 : vector<16xf32>
      %broadcast_in_dim3A_557 = arith.constant 8 : i32
      %broadcast_in_dim3A_558 = vector.broadcast %broadcast_in_dim3A_557 : i32 to vector<16xi32>
      %gather3A_559 = tpu.vector_load_idx %arg15[%add3A_478, %broadcast_in_dim3A_558] : memref<512x64xf32, #tpu.memory_space<vmem>>[vector<16xi32>, vector<16xi32>], vector<16xf32>,
      %gather3A_560 = tpu.vector_load_idx %arg16[%add3A_478, %broadcast_in_dim3A_558] : memref<512x64xf32, #tpu.memory_space<vmem>>[vector<16xi32>, vector<16xi32>], vector<16xf32>,
      %mul3A_561 = arith.mulf %gather3A_559, %gather3A_560 : vector<16xf32>
      %gather3A_562 = tpu.vector_load_idx %arg17[%add3A_478, %broadcast_in_dim3A_558] : memref<512x64xf32, #tpu.memory_space<vmem>>[vector<16xi32>, vector<16xi32>], vector<16xf32>,
      %mul3A_563 = arith.mulf %gather3A_559, %gather3A_562 : vector<16xf32>
      %add3A_564 = arith.addf %add3A_528, %mul3A_561 : vector<16xf32>
      %add3A_565 = arith.addf %add3A_529, %mul3A_563 : vector<16xf32>
      %broadcast_in_dim3A_566 = arith.constant 9 : i32
      %broadcast_in_dim3A_567 = vector.broadcast %broadcast_in_dim3A_566 : i32 to vector<16xi32>
      %gather3A_568 = tpu.vector_load_idx %arg15[%add3A_478, %broadcast_in_dim3A_567] : memref<512x64xf32, #tpu.memory_space<vmem>>[vector<16xi32>, vector<16xi32>], vector<16xf32>,
      %gather3A_569 = tpu.vector_load_idx %arg16[%add3A_478, %broadcast_in_dim3A_567] : memref<512x64xf32, #tpu.memory_space<vmem>>[vector<16xi32>, vector<16xi32>], vector<16xf32>,
      %mul3A_570 = arith.mulf %gather3A_568, %gather3A_569 : vector<16xf32>
      %gather3A_571 = tpu.vector_load_idx %arg17[%add3A_478, %broadcast_in_dim3A_567] : memref<512x64xf32, #tpu.memory_space<vmem>>[vector<16xi32>, vector<16xi32>], vector<16xf32>,
      %mul3A_572 = arith.mulf %gather3A_568, %gather3A_571 : vector<16xf32>
      %add3A_573 = arith.addf %add3A_537, %mul3A_570 : vector<16xf32>
      %add3A_574 = arith.addf %add3A_538, %mul3A_572 : vector<16xf32>
      %broadcast_in_dim3A_575 = arith.constant 10 : i32
      %broadcast_in_dim3A_576 = vector.broadcast %broadcast_in_dim3A_575 : i32 to vector<16xi32>
      %gather3A_577 = tpu.vector_load_idx %arg15[%add3A_478, %broadcast_in_dim3A_576] : memref<512x64xf32, #tpu.memory_space<vmem>>[vector<16xi32>, vector<16xi32>], vector<16xf32>,
      %gather3A_578 = tpu.vector_load_idx %arg16[%add3A_478, %broadcast_in_dim3A_576] : memref<512x64xf32, #tpu.memory_space<vmem>>[vector<16xi32>, vector<16xi32>], vector<16xf32>,
      %mul3A_579 = arith.mulf %gather3A_577, %gather3A_578 : vector<16xf32>
      %gather3A_580 = tpu.vector_load_idx %arg17[%add3A_478, %broadcast_in_dim3A_576] : memref<512x64xf32, #tpu.memory_space<vmem>>[vector<16xi32>, vector<16xi32>], vector<16xf32>,
      %mul3A_581 = arith.mulf %gather3A_577, %gather3A_580 : vector<16xf32>
      %add3A_582 = arith.addf %add3A_546, %mul3A_579 : vector<16xf32>
      %add3A_583 = arith.addf %add3A_547, %mul3A_581 : vector<16xf32>
      %broadcast_in_dim3A_584 = arith.constant 11 : i32
      %broadcast_in_dim3A_585 = vector.broadcast %broadcast_in_dim3A_584 : i32 to vector<16xi32>
      %gather3A_586 = tpu.vector_load_idx %arg15[%add3A_478, %broadcast_in_dim3A_585] : memref<512x64xf32, #tpu.memory_space<vmem>>[vector<16xi32>, vector<16xi32>], vector<16xf32>,
      %gather3A_587 = tpu.vector_load_idx %arg16[%add3A_478, %broadcast_in_dim3A_585] : memref<512x64xf32, #tpu.memory_space<vmem>>[vector<16xi32>, vector<16xi32>], vector<16xf32>,
      %mul3A_588 = arith.mulf %gather3A_586, %gather3A_587 : vector<16xf32>
      %gather3A_589 = tpu.vector_load_idx %arg17[%add3A_478, %broadcast_in_dim3A_585] : memref<512x64xf32, #tpu.memory_space<vmem>>[vector<16xi32>, vector<16xi32>], vector<16xf32>,
      %mul3A_590 = arith.mulf %gather3A_586, %gather3A_589 : vector<16xf32>
      %add3A_591 = arith.addf %add3A_555, %mul3A_588 : vector<16xf32>
      %add3A_592 = arith.addf %add3A_556, %mul3A_590 : vector<16xf32>
      %broadcast_in_dim3A_593 = arith.constant 12 : i32
      %broadcast_in_dim3A_594 = vector.broadcast %broadcast_in_dim3A_593 : i32 to vector<16xi32>
      %gather3A_595 = tpu.vector_load_idx %arg15[%add3A_478, %broadcast_in_dim3A_594] : memref<512x64xf32, #tpu.memory_space<vmem>>[vector<16xi32>, vector<16xi32>], vector<16xf32>,
      %gather3A_596 = tpu.vector_load_idx %arg16[%add3A_478, %broadcast_in_dim3A_594] : memref<512x64xf32, #tpu.memory_space<vmem>>[vector<16xi32>, vector<16xi32>], vector<16xf32>,
      %mul3A_597 = arith.mulf %gather3A_595, %gather3A_596 : vector<16xf32>
      %gather3A_598 = tpu.vector_load_idx %arg17[%add3A_478, %broadcast_in_dim3A_594] : memref<512x64xf32, #tpu.memory_space<vmem>>[vector<16xi32>, vector<16xi32>], vector<16xf32>,
      %mul3A_599 = arith.mulf %gather3A_595, %gather3A_598 : vector<16xf32>
      %add3A_600 = arith.addf %add3A_564, %mul3A_597 : vector<16xf32>
      %add3A_601 = arith.addf %add3A_565, %mul3A_599 : vector<16xf32>
      %broadcast_in_dim3A_602 = arith.constant 13 : i32
      %broadcast_in_dim3A_603 = vector.broadcast %broadcast_in_dim3A_602 : i32 to vector<16xi32>
      %gather3A_604 = tpu.vector_load_idx %arg15[%add3A_478, %broadcast_in_dim3A_603] : memref<512x64xf32, #tpu.memory_space<vmem>>[vector<16xi32>, vector<16xi32>], vector<16xf32>,
      %gather3A_605 = tpu.vector_load_idx %arg16[%add3A_478, %broadcast_in_dim3A_603] : memref<512x64xf32, #tpu.memory_space<vmem>>[vector<16xi32>, vector<16xi32>], vector<16xf32>,
      %mul3A_606 = arith.mulf %gather3A_604, %gather3A_605 : vector<16xf32>
      %gather3A_607 = tpu.vector_load_idx %arg17[%add3A_478, %broadcast_in_dim3A_603] : memref<512x64xf32, #tpu.memory_space<vmem>>[vector<16xi32>, vector<16xi32>], vector<16xf32>,
      %mul3A_608 = arith.mulf %gather3A_604, %gather3A_607 : vector<16xf32>
      %add3A_609 = arith.addf %add3A_573, %mul3A_606 : vector<16xf32>
      %add3A_610 = arith.addf %add3A_574, %mul3A_608 : vector<16xf32>
      %broadcast_in_dim3A_611 = arith.constant 14 : i32
      %broadcast_in_dim3A_612 = vector.broadcast %broadcast_in_dim3A_611 : i32 to vector<16xi32>
      %gather3A_613 = tpu.vector_load_idx %arg15[%add3A_478, %broadcast_in_dim3A_612] : memref<512x64xf32, #tpu.memory_space<vmem>>[vector<16xi32>, vector<16xi32>], vector<16xf32>,
      %gather3A_614 = tpu.vector_load_idx %arg16[%add3A_478, %broadcast_in_dim3A_612] : memref<512x64xf32, #tpu.memory_space<vmem>>[vector<16xi32>, vector<16xi32>], vector<16xf32>,
      %mul3A_615 = arith.mulf %gather3A_613, %gather3A_614 : vector<16xf32>
      %gather3A_616 = tpu.vector_load_idx %arg17[%add3A_478, %broadcast_in_dim3A_612] : memref<512x64xf32, #tpu.memory_space<vmem>>[vector<16xi32>, vector<16xi32>], vector<16xf32>,
      %mul3A_617 = arith.mulf %gather3A_613, %gather3A_616 : vector<16xf32>
      %add3A_618 = arith.addf %add3A_582, %mul3A_615 : vector<16xf32>
      %add3A_619 = arith.addf %add3A_583, %mul3A_617 : vector<16xf32>
      %broadcast_in_dim3A_620 = arith.constant 15 : i32
      %broadcast_in_dim3A_621 = vector.broadcast %broadcast_in_dim3A_620 : i32 to vector<16xi32>
      %gather3A_622 = tpu.vector_load_idx %arg15[%add3A_478, %broadcast_in_dim3A_621] : memref<512x64xf32, #tpu.memory_space<vmem>>[vector<16xi32>, vector<16xi32>], vector<16xf32>,
      %gather3A_623 = tpu.vector_load_idx %arg16[%add3A_478, %broadcast_in_dim3A_621] : memref<512x64xf32, #tpu.memory_space<vmem>>[vector<16xi32>, vector<16xi32>], vector<16xf32>,
      %mul3A_624 = arith.mulf %gather3A_622, %gather3A_623 : vector<16xf32>
      %gather3A_625 = tpu.vector_load_idx %arg17[%add3A_478, %broadcast_in_dim3A_621] : memref<512x64xf32, #tpu.memory_space<vmem>>[vector<16xi32>, vector<16xi32>], vector<16xf32>,
      %mul3A_626 = arith.mulf %gather3A_622, %gather3A_625 : vector<16xf32>
      %add3A_627 = arith.addf %add3A_591, %mul3A_624 : vector<16xf32>
      %add3A_628 = arith.addf %add3A_592, %mul3A_626 : vector<16xf32>
      %broadcast_in_dim3A_629 = arith.constant 16 : i32
      %broadcast_in_dim3A_630 = vector.broadcast %broadcast_in_dim3A_629 : i32 to vector<16xi32>
      %gather3A_631 = tpu.vector_load_idx %arg15[%add3A_478, %broadcast_in_dim3A_630] : memref<512x64xf32, #tpu.memory_space<vmem>>[vector<16xi32>, vector<16xi32>], vector<16xf32>,
      %gather3A_632 = tpu.vector_load_idx %arg16[%add3A_478, %broadcast_in_dim3A_630] : memref<512x64xf32, #tpu.memory_space<vmem>>[vector<16xi32>, vector<16xi32>], vector<16xf32>,
      %mul3A_633 = arith.mulf %gather3A_631, %gather3A_632 : vector<16xf32>
      %gather3A_634 = tpu.vector_load_idx %arg17[%add3A_478, %broadcast_in_dim3A_630] : memref<512x64xf32, #tpu.memory_space<vmem>>[vector<16xi32>, vector<16xi32>], vector<16xf32>,
      %mul3A_635 = arith.mulf %gather3A_631, %gather3A_634 : vector<16xf32>
      %add3A_636 = arith.addf %add3A_600, %mul3A_633 : vector<16xf32>
      %add3A_637 = arith.addf %add3A_601, %mul3A_635 : vector<16xf32>
      %broadcast_in_dim3A_638 = arith.constant 17 : i32
      %broadcast_in_dim3A_639 = vector.broadcast %broadcast_in_dim3A_638 : i32 to vector<16xi32>
      %gather3A_640 = tpu.vector_load_idx %arg15[%add3A_478, %broadcast_in_dim3A_639] : memref<512x64xf32, #tpu.memory_space<vmem>>[vector<16xi32>, vector<16xi32>], vector<16xf32>,
      %gather3A_641 = tpu.vector_load_idx %arg16[%add3A_478, %broadcast_in_dim3A_639] : memref<512x64xf32, #tpu.memory_space<vmem>>[vector<16xi32>, vector<16xi32>], vector<16xf32>,
      %mul3A_642 = arith.mulf %gather3A_640, %gather3A_641 : vector<16xf32>
      %gather3A_643 = tpu.vector_load_idx %arg17[%add3A_478, %broadcast_in_dim3A_639] : memref<512x64xf32, #tpu.memory_space<vmem>>[vector<16xi32>, vector<16xi32>], vector<16xf32>,
      %mul3A_644 = arith.mulf %gather3A_640, %gather3A_643 : vector<16xf32>
      %add3A_645 = arith.addf %add3A_609, %mul3A_642 : vector<16xf32>
      %add3A_646 = arith.addf %add3A_610, %mul3A_644 : vector<16xf32>
      %broadcast_in_dim3A_647 = arith.constant 18 : i32
      %broadcast_in_dim3A_648 = vector.broadcast %broadcast_in_dim3A_647 : i32 to vector<16xi32>
      %gather3A_649 = tpu.vector_load_idx %arg15[%add3A_478, %broadcast_in_dim3A_648] : memref<512x64xf32, #tpu.memory_space<vmem>>[vector<16xi32>, vector<16xi32>], vector<16xf32>,
      %gather3A_650 = tpu.vector_load_idx %arg16[%add3A_478, %broadcast_in_dim3A_648] : memref<512x64xf32, #tpu.memory_space<vmem>>[vector<16xi32>, vector<16xi32>], vector<16xf32>,
      %mul3A_651 = arith.mulf %gather3A_649, %gather3A_650 : vector<16xf32>
      %gather3A_652 = tpu.vector_load_idx %arg17[%add3A_478, %broadcast_in_dim3A_648] : memref<512x64xf32, #tpu.memory_space<vmem>>[vector<16xi32>, vector<16xi32>], vector<16xf32>,
      %mul3A_653 = arith.mulf %gather3A_649, %gather3A_652 : vector<16xf32>
      %add3A_654 = arith.addf %add3A_618, %mul3A_651 : vector<16xf32>
      %add3A_655 = arith.addf %add3A_619, %mul3A_653 : vector<16xf32>
      %broadcast_in_dim3A_656 = arith.constant 19 : i32
      %broadcast_in_dim3A_657 = vector.broadcast %broadcast_in_dim3A_656 : i32 to vector<16xi32>
      %gather3A_658 = tpu.vector_load_idx %arg15[%add3A_478, %broadcast_in_dim3A_657] : memref<512x64xf32, #tpu.memory_space<vmem>>[vector<16xi32>, vector<16xi32>], vector<16xf32>,
      %gather3A_659 = tpu.vector_load_idx %arg16[%add3A_478, %broadcast_in_dim3A_657] : memref<512x64xf32, #tpu.memory_space<vmem>>[vector<16xi32>, vector<16xi32>], vector<16xf32>,
      %mul3A_660 = arith.mulf %gather3A_658, %gather3A_659 : vector<16xf32>
      %gather3A_661 = tpu.vector_load_idx %arg17[%add3A_478, %broadcast_in_dim3A_657] : memref<512x64xf32, #tpu.memory_space<vmem>>[vector<16xi32>, vector<16xi32>], vector<16xf32>,
      %mul3A_662 = arith.mulf %gather3A_658, %gather3A_661 : vector<16xf32>
      %add3A_663 = arith.addf %add3A_627, %mul3A_660 : vector<16xf32>
      %add3A_664 = arith.addf %add3A_628, %mul3A_662 : vector<16xf32>
      %broadcast_in_dim3A_665 = arith.constant 20 : i32
      %broadcast_in_dim3A_666 = vector.broadcast %broadcast_in_dim3A_665 : i32 to vector<16xi32>
      %gather3A_667 = tpu.vector_load_idx %arg15[%add3A_478, %broadcast_in_dim3A_666] : memref<512x64xf32, #tpu.memory_space<vmem>>[vector<16xi32>, vector<16xi32>], vector<16xf32>,
      %gather3A_668 = tpu.vector_load_idx %arg16[%add3A_478, %broadcast_in_dim3A_666] : memref<512x64xf32, #tpu.memory_space<vmem>>[vector<16xi32>, vector<16xi32>], vector<16xf32>,
      %mul3A_669 = arith.mulf %gather3A_667, %gather3A_668 : vector<16xf32>
      %gather3A_670 = tpu.vector_load_idx %arg17[%add3A_478, %broadcast_in_dim3A_666] : memref<512x64xf32, #tpu.memory_space<vmem>>[vector<16xi32>, vector<16xi32>], vector<16xf32>,
      %mul3A_671 = arith.mulf %gather3A_667, %gather3A_670 : vector<16xf32>
      %add3A_672 = arith.addf %add3A_636, %mul3A_669 : vector<16xf32>
      %add3A_673 = arith.addf %add3A_637, %mul3A_671 : vector<16xf32>
      %broadcast_in_dim3A_674 = arith.constant 21 : i32
      %broadcast_in_dim3A_675 = vector.broadcast %broadcast_in_dim3A_674 : i32 to vector<16xi32>
      %gather3A_676 = tpu.vector_load_idx %arg15[%add3A_478, %broadcast_in_dim3A_675] : memref<512x64xf32, #tpu.memory_space<vmem>>[vector<16xi32>, vector<16xi32>], vector<16xf32>,
      %gather3A_677 = tpu.vector_load_idx %arg16[%add3A_478, %broadcast_in_dim3A_675] : memref<512x64xf32, #tpu.memory_space<vmem>>[vector<16xi32>, vector<16xi32>], vector<16xf32>,
      %mul3A_678 = arith.mulf %gather3A_676, %gather3A_677 : vector<16xf32>
      %gather3A_679 = tpu.vector_load_idx %arg17[%add3A_478, %broadcast_in_dim3A_675] : memref<512x64xf32, #tpu.memory_space<vmem>>[vector<16xi32>, vector<16xi32>], vector<16xf32>,
      %mul3A_680 = arith.mulf %gather3A_676, %gather3A_679 : vector<16xf32>
      %add3A_681 = arith.addf %add3A_645, %mul3A_678 : vector<16xf32>
      %add3A_682 = arith.addf %add3A_646, %mul3A_680 : vector<16xf32>
      %broadcast_in_dim3A_683 = arith.constant 22 : i32
      %broadcast_in_dim3A_684 = vector.broadcast %broadcast_in_dim3A_683 : i32 to vector<16xi32>
      %gather3A_685 = tpu.vector_load_idx %arg15[%add3A_478, %broadcast_in_dim3A_684] : memref<512x64xf32, #tpu.memory_space<vmem>>[vector<16xi32>, vector<16xi32>], vector<16xf32>,
      %gather3A_686 = tpu.vector_load_idx %arg16[%add3A_478, %broadcast_in_dim3A_684] : memref<512x64xf32, #tpu.memory_space<vmem>>[vector<16xi32>, vector<16xi32>], vector<16xf32>,
      %mul3A_687 = arith.mulf %gather3A_685, %gather3A_686 : vector<16xf32>
      %gather3A_688 = tpu.vector_load_idx %arg17[%add3A_478, %broadcast_in_dim3A_684] : memref<512x64xf32, #tpu.memory_space<vmem>>[vector<16xi32>, vector<16xi32>], vector<16xf32>,
      %mul3A_689 = arith.mulf %gather3A_685, %gather3A_688 : vector<16xf32>
      %add3A_690 = arith.addf %add3A_654, %mul3A_687 : vector<16xf32>
      %add3A_691 = arith.addf %add3A_655, %mul3A_689 : vector<16xf32>
      %broadcast_in_dim3A_692 = arith.constant 23 : i32
      %broadcast_in_dim3A_693 = vector.broadcast %broadcast_in_dim3A_692 : i32 to vector<16xi32>
      %gather3A_694 = tpu.vector_load_idx %arg15[%add3A_478, %broadcast_in_dim3A_693] : memref<512x64xf32, #tpu.memory_space<vmem>>[vector<16xi32>, vector<16xi32>], vector<16xf32>,
      %gather3A_695 = tpu.vector_load_idx %arg16[%add3A_478, %broadcast_in_dim3A_693] : memref<512x64xf32, #tpu.memory_space<vmem>>[vector<16xi32>, vector<16xi32>], vector<16xf32>,
      %mul3A_696 = arith.mulf %gather3A_694, %gather3A_695 : vector<16xf32>
      %gather3A_697 = tpu.vector_load_idx %arg17[%add3A_478, %broadcast_in_dim3A_693] : memref<512x64xf32, #tpu.memory_space<vmem>>[vector<16xi32>, vector<16xi32>], vector<16xf32>,
      %mul3A_698 = arith.mulf %gather3A_694, %gather3A_697 : vector<16xf32>
      %add3A_699 = arith.addf %add3A_663, %mul3A_696 : vector<16xf32>
      %add3A_700 = arith.addf %add3A_664, %mul3A_698 : vector<16xf32>
      %broadcast_in_dim3A_701 = arith.constant 24 : i32
      %broadcast_in_dim3A_702 = vector.broadcast %broadcast_in_dim3A_701 : i32 to vector<16xi32>
      %gather3A_703 = tpu.vector_load_idx %arg15[%add3A_478, %broadcast_in_dim3A_702] : memref<512x64xf32, #tpu.memory_space<vmem>>[vector<16xi32>, vector<16xi32>], vector<16xf32>,
      %gather3A_704 = tpu.vector_load_idx %arg16[%add3A_478, %broadcast_in_dim3A_702] : memref<512x64xf32, #tpu.memory_space<vmem>>[vector<16xi32>, vector<16xi32>], vector<16xf32>,
      %mul3A_705 = arith.mulf %gather3A_703, %gather3A_704 : vector<16xf32>
      %gather3A_706 = tpu.vector_load_idx %arg17[%add3A_478, %broadcast_in_dim3A_702] : memref<512x64xf32, #tpu.memory_space<vmem>>[vector<16xi32>, vector<16xi32>], vector<16xf32>,
      %mul3A_707 = arith.mulf %gather3A_703, %gather3A_706 : vector<16xf32>
      %add3A_708 = arith.addf %add3A_672, %mul3A_705 : vector<16xf32>
      %add3A_709 = arith.addf %add3A_673, %mul3A_707 : vector<16xf32>
      %broadcast_in_dim3A_710 = arith.constant 25 : i32
      %broadcast_in_dim3A_711 = vector.broadcast %broadcast_in_dim3A_710 : i32 to vector<16xi32>
      %gather3A_712 = tpu.vector_load_idx %arg15[%add3A_478, %broadcast_in_dim3A_711] : memref<512x64xf32, #tpu.memory_space<vmem>>[vector<16xi32>, vector<16xi32>], vector<16xf32>,
      %gather3A_713 = tpu.vector_load_idx %arg16[%add3A_478, %broadcast_in_dim3A_711] : memref<512x64xf32, #tpu.memory_space<vmem>>[vector<16xi32>, vector<16xi32>], vector<16xf32>,
      %mul3A_714 = arith.mulf %gather3A_712, %gather3A_713 : vector<16xf32>
      %gather3A_715 = tpu.vector_load_idx %arg17[%add3A_478, %broadcast_in_dim3A_711] : memref<512x64xf32, #tpu.memory_space<vmem>>[vector<16xi32>, vector<16xi32>], vector<16xf32>,
      %mul3A_716 = arith.mulf %gather3A_712, %gather3A_715 : vector<16xf32>
      %add3A_717 = arith.addf %add3A_681, %mul3A_714 : vector<16xf32>
      %add3A_718 = arith.addf %add3A_682, %mul3A_716 : vector<16xf32>
      %broadcast_in_dim3A_719 = arith.constant 26 : i32
      %broadcast_in_dim3A_720 = vector.broadcast %broadcast_in_dim3A_719 : i32 to vector<16xi32>
      %gather3A_721 = tpu.vector_load_idx %arg15[%add3A_478, %broadcast_in_dim3A_720] : memref<512x64xf32, #tpu.memory_space<vmem>>[vector<16xi32>, vector<16xi32>], vector<16xf32>,
      %gather3A_722 = tpu.vector_load_idx %arg16[%add3A_478, %broadcast_in_dim3A_720] : memref<512x64xf32, #tpu.memory_space<vmem>>[vector<16xi32>, vector<16xi32>], vector<16xf32>,
      %mul3A_723 = arith.mulf %gather3A_721, %gather3A_722 : vector<16xf32>
      %gather3A_724 = tpu.vector_load_idx %arg17[%add3A_478, %broadcast_in_dim3A_720] : memref<512x64xf32, #tpu.memory_space<vmem>>[vector<16xi32>, vector<16xi32>], vector<16xf32>,
      %mul3A_725 = arith.mulf %gather3A_721, %gather3A_724 : vector<16xf32>
      %add3A_726 = arith.addf %add3A_690, %mul3A_723 : vector<16xf32>
      %add3A_727 = arith.addf %add3A_691, %mul3A_725 : vector<16xf32>
      %broadcast_in_dim3A_728 = arith.constant 27 : i32
      %broadcast_in_dim3A_729 = vector.broadcast %broadcast_in_dim3A_728 : i32 to vector<16xi32>
      %gather3A_730 = tpu.vector_load_idx %arg15[%add3A_478, %broadcast_in_dim3A_729] : memref<512x64xf32, #tpu.memory_space<vmem>>[vector<16xi32>, vector<16xi32>], vector<16xf32>,
      %gather3A_731 = tpu.vector_load_idx %arg16[%add3A_478, %broadcast_in_dim3A_729] : memref<512x64xf32, #tpu.memory_space<vmem>>[vector<16xi32>, vector<16xi32>], vector<16xf32>,
      %mul3A_732 = arith.mulf %gather3A_730, %gather3A_731 : vector<16xf32>
      %gather3A_733 = tpu.vector_load_idx %arg17[%add3A_478, %broadcast_in_dim3A_729] : memref<512x64xf32, #tpu.memory_space<vmem>>[vector<16xi32>, vector<16xi32>], vector<16xf32>,
      %mul3A_734 = arith.mulf %gather3A_730, %gather3A_733 : vector<16xf32>
      %add3A_735 = arith.addf %add3A_699, %mul3A_732 : vector<16xf32>
      %add3A_736 = arith.addf %add3A_700, %mul3A_734 : vector<16xf32>
      %broadcast_in_dim3A_737 = arith.constant 28 : i32
      %broadcast_in_dim3A_738 = vector.broadcast %broadcast_in_dim3A_737 : i32 to vector<16xi32>
      %gather3A_739 = tpu.vector_load_idx %arg15[%add3A_478, %broadcast_in_dim3A_738] : memref<512x64xf32, #tpu.memory_space<vmem>>[vector<16xi32>, vector<16xi32>], vector<16xf32>,
      %gather3A_740 = tpu.vector_load_idx %arg16[%add3A_478, %broadcast_in_dim3A_738] : memref<512x64xf32, #tpu.memory_space<vmem>>[vector<16xi32>, vector<16xi32>], vector<16xf32>,
      %mul3A_741 = arith.mulf %gather3A_739, %gather3A_740 : vector<16xf32>
      %gather3A_742 = tpu.vector_load_idx %arg17[%add3A_478, %broadcast_in_dim3A_738] : memref<512x64xf32, #tpu.memory_space<vmem>>[vector<16xi32>, vector<16xi32>], vector<16xf32>,
      %mul3A_743 = arith.mulf %gather3A_739, %gather3A_742 : vector<16xf32>
      %add3A_744 = arith.addf %add3A_708, %mul3A_741 : vector<16xf32>
      %add3A_745 = arith.addf %add3A_709, %mul3A_743 : vector<16xf32>
      %broadcast_in_dim3A_746 = arith.constant 29 : i32
      %broadcast_in_dim3A_747 = vector.broadcast %broadcast_in_dim3A_746 : i32 to vector<16xi32>
      %gather3A_748 = tpu.vector_load_idx %arg15[%add3A_478, %broadcast_in_dim3A_747] : memref<512x64xf32, #tpu.memory_space<vmem>>[vector<16xi32>, vector<16xi32>], vector<16xf32>,
      %gather3A_749 = tpu.vector_load_idx %arg16[%add3A_478, %broadcast_in_dim3A_747] : memref<512x64xf32, #tpu.memory_space<vmem>>[vector<16xi32>, vector<16xi32>], vector<16xf32>,
      %mul3A_750 = arith.mulf %gather3A_748, %gather3A_749 : vector<16xf32>
      %gather3A_751 = tpu.vector_load_idx %arg17[%add3A_478, %broadcast_in_dim3A_747] : memref<512x64xf32, #tpu.memory_space<vmem>>[vector<16xi32>, vector<16xi32>], vector<16xf32>,
      %mul3A_752 = arith.mulf %gather3A_748, %gather3A_751 : vector<16xf32>
      %add3A_753 = arith.addf %add3A_717, %mul3A_750 : vector<16xf32>
      %add3A_754 = arith.addf %add3A_718, %mul3A_752 : vector<16xf32>
      %broadcast_in_dim3A_755 = arith.constant 30 : i32
      %broadcast_in_dim3A_756 = vector.broadcast %broadcast_in_dim3A_755 : i32 to vector<16xi32>
      %gather3A_757 = tpu.vector_load_idx %arg15[%add3A_478, %broadcast_in_dim3A_756] : memref<512x64xf32, #tpu.memory_space<vmem>>[vector<16xi32>, vector<16xi32>], vector<16xf32>,
      %gather3A_758 = tpu.vector_load_idx %arg16[%add3A_478, %broadcast_in_dim3A_756] : memref<512x64xf32, #tpu.memory_space<vmem>>[vector<16xi32>, vector<16xi32>], vector<16xf32>,
      %mul3A_759 = arith.mulf %gather3A_757, %gather3A_758 : vector<16xf32>
      %gather3A_760 = tpu.vector_load_idx %arg17[%add3A_478, %broadcast_in_dim3A_756] : memref<512x64xf32, #tpu.memory_space<vmem>>[vector<16xi32>, vector<16xi32>], vector<16xf32>,
      %mul3A_761 = arith.mulf %gather3A_757, %gather3A_760 : vector<16xf32>
      %add3A_762 = arith.addf %add3A_726, %mul3A_759 : vector<16xf32>
      %add3A_763 = arith.addf %add3A_727, %mul3A_761 : vector<16xf32>
      %broadcast_in_dim3A_764 = arith.constant 31 : i32
      %broadcast_in_dim3A_765 = vector.broadcast %broadcast_in_dim3A_764 : i32 to vector<16xi32>
      %gather3A_766 = tpu.vector_load_idx %arg15[%add3A_478, %broadcast_in_dim3A_765] : memref<512x64xf32, #tpu.memory_space<vmem>>[vector<16xi32>, vector<16xi32>], vector<16xf32>,
      %gather3A_767 = tpu.vector_load_idx %arg16[%add3A_478, %broadcast_in_dim3A_765] : memref<512x64xf32, #tpu.memory_space<vmem>>[vector<16xi32>, vector<16xi32>], vector<16xf32>,
      %mul3A_768 = arith.mulf %gather3A_766, %gather3A_767 : vector<16xf32>
      %gather3A_769 = tpu.vector_load_idx %arg17[%add3A_478, %broadcast_in_dim3A_765] : memref<512x64xf32, #tpu.memory_space<vmem>>[vector<16xi32>, vector<16xi32>], vector<16xf32>,
      %mul3A_770 = arith.mulf %gather3A_766, %gather3A_769 : vector<16xf32>
      %add3A_771 = arith.addf %add3A_735, %mul3A_768 : vector<16xf32>
      %add3A_772 = arith.addf %add3A_736, %mul3A_770 : vector<16xf32>
      %broadcast_in_dim3A_773 = arith.constant 32 : i32
      %broadcast_in_dim3A_774 = vector.broadcast %broadcast_in_dim3A_773 : i32 to vector<16xi32>
      %gather3A_775 = tpu.vector_load_idx %arg15[%add3A_478, %broadcast_in_dim3A_774] : memref<512x64xf32, #tpu.memory_space<vmem>>[vector<16xi32>, vector<16xi32>], vector<16xf32>,
      %gather3A_776 = tpu.vector_load_idx %arg16[%add3A_478, %broadcast_in_dim3A_774] : memref<512x64xf32, #tpu.memory_space<vmem>>[vector<16xi32>, vector<16xi32>], vector<16xf32>,
      %mul3A_777 = arith.mulf %gather3A_775, %gather3A_776 : vector<16xf32>
      %gather3A_778 = tpu.vector_load_idx %arg17[%add3A_478, %broadcast_in_dim3A_774] : memref<512x64xf32, #tpu.memory_space<vmem>>[vector<16xi32>, vector<16xi32>], vector<16xf32>,
      %mul3A_779 = arith.mulf %gather3A_775, %gather3A_778 : vector<16xf32>
      %add3A_780 = arith.addf %add3A_744, %mul3A_777 : vector<16xf32>
      %add3A_781 = arith.addf %add3A_745, %mul3A_779 : vector<16xf32>
      %broadcast_in_dim3A_782 = arith.constant 33 : i32
      %broadcast_in_dim3A_783 = vector.broadcast %broadcast_in_dim3A_782 : i32 to vector<16xi32>
      %gather3A_784 = tpu.vector_load_idx %arg15[%add3A_478, %broadcast_in_dim3A_783] : memref<512x64xf32, #tpu.memory_space<vmem>>[vector<16xi32>, vector<16xi32>], vector<16xf32>,
      %gather3A_785 = tpu.vector_load_idx %arg16[%add3A_478, %broadcast_in_dim3A_783] : memref<512x64xf32, #tpu.memory_space<vmem>>[vector<16xi32>, vector<16xi32>], vector<16xf32>,
      %mul3A_786 = arith.mulf %gather3A_784, %gather3A_785 : vector<16xf32>
      %gather3A_787 = tpu.vector_load_idx %arg17[%add3A_478, %broadcast_in_dim3A_783] : memref<512x64xf32, #tpu.memory_space<vmem>>[vector<16xi32>, vector<16xi32>], vector<16xf32>,
      %mul3A_788 = arith.mulf %gather3A_784, %gather3A_787 : vector<16xf32>
      %add3A_789 = arith.addf %add3A_753, %mul3A_786 : vector<16xf32>
      %add3A_790 = arith.addf %add3A_754, %mul3A_788 : vector<16xf32>
      %broadcast_in_dim3A_791 = arith.constant 34 : i32
      %broadcast_in_dim3A_792 = vector.broadcast %broadcast_in_dim3A_791 : i32 to vector<16xi32>
      %gather3A_793 = tpu.vector_load_idx %arg15[%add3A_478, %broadcast_in_dim3A_792] : memref<512x64xf32, #tpu.memory_space<vmem>>[vector<16xi32>, vector<16xi32>], vector<16xf32>,
      %gather3A_794 = tpu.vector_load_idx %arg16[%add3A_478, %broadcast_in_dim3A_792] : memref<512x64xf32, #tpu.memory_space<vmem>>[vector<16xi32>, vector<16xi32>], vector<16xf32>,
      %mul3A_795 = arith.mulf %gather3A_793, %gather3A_794 : vector<16xf32>
      %gather3A_796 = tpu.vector_load_idx %arg17[%add3A_478, %broadcast_in_dim3A_792] : memref<512x64xf32, #tpu.memory_space<vmem>>[vector<16xi32>, vector<16xi32>], vector<16xf32>,
      %mul3A_797 = arith.mulf %gather3A_793, %gather3A_796 : vector<16xf32>
      %add3A_798 = arith.addf %add3A_762, %mul3A_795 : vector<16xf32>
      %add3A_799 = arith.addf %add3A_763, %mul3A_797 : vector<16xf32>
      %broadcast_in_dim3A_800 = arith.constant 35 : i32
      %broadcast_in_dim3A_801 = vector.broadcast %broadcast_in_dim3A_800 : i32 to vector<16xi32>
      %gather3A_802 = tpu.vector_load_idx %arg15[%add3A_478, %broadcast_in_dim3A_801] : memref<512x64xf32, #tpu.memory_space<vmem>>[vector<16xi32>, vector<16xi32>], vector<16xf32>,
      %gather3A_803 = tpu.vector_load_idx %arg16[%add3A_478, %broadcast_in_dim3A_801] : memref<512x64xf32, #tpu.memory_space<vmem>>[vector<16xi32>, vector<16xi32>], vector<16xf32>,
      %mul3A_804 = arith.mulf %gather3A_802, %gather3A_803 : vector<16xf32>
      %gather3A_805 = tpu.vector_load_idx %arg17[%add3A_478, %broadcast_in_dim3A_801] : memref<512x64xf32, #tpu.memory_space<vmem>>[vector<16xi32>, vector<16xi32>], vector<16xf32>,
      %mul3A_806 = arith.mulf %gather3A_802, %gather3A_805 : vector<16xf32>
      %add3A_807 = arith.addf %add3A_771, %mul3A_804 : vector<16xf32>
      %add3A_808 = arith.addf %add3A_772, %mul3A_806 : vector<16xf32>
      %broadcast_in_dim3A_809 = arith.constant 36 : i32
      %broadcast_in_dim3A_810 = vector.broadcast %broadcast_in_dim3A_809 : i32 to vector<16xi32>
      %gather3A_811 = tpu.vector_load_idx %arg15[%add3A_478, %broadcast_in_dim3A_810] : memref<512x64xf32, #tpu.memory_space<vmem>>[vector<16xi32>, vector<16xi32>], vector<16xf32>,
      %gather3A_812 = tpu.vector_load_idx %arg16[%add3A_478, %broadcast_in_dim3A_810] : memref<512x64xf32, #tpu.memory_space<vmem>>[vector<16xi32>, vector<16xi32>], vector<16xf32>,
      %mul3A_813 = arith.mulf %gather3A_811, %gather3A_812 : vector<16xf32>
      %gather3A_814 = tpu.vector_load_idx %arg17[%add3A_478, %broadcast_in_dim3A_810] : memref<512x64xf32, #tpu.memory_space<vmem>>[vector<16xi32>, vector<16xi32>], vector<16xf32>,
      %mul3A_815 = arith.mulf %gather3A_811, %gather3A_814 : vector<16xf32>
      %add3A_816 = arith.addf %add3A_780, %mul3A_813 : vector<16xf32>
      %add3A_817 = arith.addf %add3A_781, %mul3A_815 : vector<16xf32>
      %broadcast_in_dim3A_818 = arith.constant 37 : i32
      %broadcast_in_dim3A_819 = vector.broadcast %broadcast_in_dim3A_818 : i32 to vector<16xi32>
      %gather3A_820 = tpu.vector_load_idx %arg15[%add3A_478, %broadcast_in_dim3A_819] : memref<512x64xf32, #tpu.memory_space<vmem>>[vector<16xi32>, vector<16xi32>], vector<16xf32>,
      %gather3A_821 = tpu.vector_load_idx %arg16[%add3A_478, %broadcast_in_dim3A_819] : memref<512x64xf32, #tpu.memory_space<vmem>>[vector<16xi32>, vector<16xi32>], vector<16xf32>,
      %mul3A_822 = arith.mulf %gather3A_820, %gather3A_821 : vector<16xf32>
      %gather3A_823 = tpu.vector_load_idx %arg17[%add3A_478, %broadcast_in_dim3A_819] : memref<512x64xf32, #tpu.memory_space<vmem>>[vector<16xi32>, vector<16xi32>], vector<16xf32>,
      %mul3A_824 = arith.mulf %gather3A_820, %gather3A_823 : vector<16xf32>
      %add3A_825 = arith.addf %add3A_789, %mul3A_822 : vector<16xf32>
      %add3A_826 = arith.addf %add3A_790, %mul3A_824 : vector<16xf32>
      %broadcast_in_dim3A_827 = arith.constant 38 : i32
      %broadcast_in_dim3A_828 = vector.broadcast %broadcast_in_dim3A_827 : i32 to vector<16xi32>
      %gather3A_829 = tpu.vector_load_idx %arg15[%add3A_478, %broadcast_in_dim3A_828] : memref<512x64xf32, #tpu.memory_space<vmem>>[vector<16xi32>, vector<16xi32>], vector<16xf32>,
      %gather3A_830 = tpu.vector_load_idx %arg16[%add3A_478, %broadcast_in_dim3A_828] : memref<512x64xf32, #tpu.memory_space<vmem>>[vector<16xi32>, vector<16xi32>], vector<16xf32>,
      %mul3A_831 = arith.mulf %gather3A_829, %gather3A_830 : vector<16xf32>
      %gather3A_832 = tpu.vector_load_idx %arg17[%add3A_478, %broadcast_in_dim3A_828] : memref<512x64xf32, #tpu.memory_space<vmem>>[vector<16xi32>, vector<16xi32>], vector<16xf32>,
      %mul3A_833 = arith.mulf %gather3A_829, %gather3A_832 : vector<16xf32>
      %add3A_834 = arith.addf %add3A_798, %mul3A_831 : vector<16xf32>
      %add3A_835 = arith.addf %add3A_799, %mul3A_833 : vector<16xf32>
      %broadcast_in_dim3A_836 = arith.constant 39 : i32
      %broadcast_in_dim3A_837 = vector.broadcast %broadcast_in_dim3A_836 : i32 to vector<16xi32>
      %gather3A_838 = tpu.vector_load_idx %arg15[%add3A_478, %broadcast_in_dim3A_837] : memref<512x64xf32, #tpu.memory_space<vmem>>[vector<16xi32>, vector<16xi32>], vector<16xf32>,
      %gather3A_839 = tpu.vector_load_idx %arg16[%add3A_478, %broadcast_in_dim3A_837] : memref<512x64xf32, #tpu.memory_space<vmem>>[vector<16xi32>, vector<16xi32>], vector<16xf32>,
      %mul3A_840 = arith.mulf %gather3A_838, %gather3A_839 : vector<16xf32>
      %gather3A_841 = tpu.vector_load_idx %arg17[%add3A_478, %broadcast_in_dim3A_837] : memref<512x64xf32, #tpu.memory_space<vmem>>[vector<16xi32>, vector<16xi32>], vector<16xf32>,
      %mul3A_842 = arith.mulf %gather3A_838, %gather3A_841 : vector<16xf32>
      %add3A_843 = arith.addf %add3A_807, %mul3A_840 : vector<16xf32>
      %add3A_844 = arith.addf %add3A_808, %mul3A_842 : vector<16xf32>
      %broadcast_in_dim3A_845 = arith.constant 40 : i32
      %broadcast_in_dim3A_846 = vector.broadcast %broadcast_in_dim3A_845 : i32 to vector<16xi32>
      %gather3A_847 = tpu.vector_load_idx %arg15[%add3A_478, %broadcast_in_dim3A_846] : memref<512x64xf32, #tpu.memory_space<vmem>>[vector<16xi32>, vector<16xi32>], vector<16xf32>,
      %gather3A_848 = tpu.vector_load_idx %arg16[%add3A_478, %broadcast_in_dim3A_846] : memref<512x64xf32, #tpu.memory_space<vmem>>[vector<16xi32>, vector<16xi32>], vector<16xf32>,
      %mul3A_849 = arith.mulf %gather3A_847, %gather3A_848 : vector<16xf32>
      %gather3A_850 = tpu.vector_load_idx %arg17[%add3A_478, %broadcast_in_dim3A_846] : memref<512x64xf32, #tpu.memory_space<vmem>>[vector<16xi32>, vector<16xi32>], vector<16xf32>,
      %mul3A_851 = arith.mulf %gather3A_847, %gather3A_850 : vector<16xf32>
      %add3A_852 = arith.addf %add3A_816, %mul3A_849 : vector<16xf32>
      %add3A_853 = arith.addf %add3A_817, %mul3A_851 : vector<16xf32>
      %broadcast_in_dim3A_854 = arith.constant 41 : i32
      %broadcast_in_dim3A_855 = vector.broadcast %broadcast_in_dim3A_854 : i32 to vector<16xi32>
      %gather3A_856 = tpu.vector_load_idx %arg15[%add3A_478, %broadcast_in_dim3A_855] : memref<512x64xf32, #tpu.memory_space<vmem>>[vector<16xi32>, vector<16xi32>], vector<16xf32>,
      %gather3A_857 = tpu.vector_load_idx %arg16[%add3A_478, %broadcast_in_dim3A_855] : memref<512x64xf32, #tpu.memory_space<vmem>>[vector<16xi32>, vector<16xi32>], vector<16xf32>,
      %mul3A_858 = arith.mulf %gather3A_856, %gather3A_857 : vector<16xf32>
      %gather3A_859 = tpu.vector_load_idx %arg17[%add3A_478, %broadcast_in_dim3A_855] : memref<512x64xf32, #tpu.memory_space<vmem>>[vector<16xi32>, vector<16xi32>], vector<16xf32>,
      %mul3A_860 = arith.mulf %gather3A_856, %gather3A_859 : vector<16xf32>
      %add3A_861 = arith.addf %add3A_825, %mul3A_858 : vector<16xf32>
      %add3A_862 = arith.addf %add3A_826, %mul3A_860 : vector<16xf32>
      %broadcast_in_dim3A_863 = arith.constant 42 : i32
      %broadcast_in_dim3A_864 = vector.broadcast %broadcast_in_dim3A_863 : i32 to vector<16xi32>
      %gather3A_865 = tpu.vector_load_idx %arg15[%add3A_478, %broadcast_in_dim3A_864] : memref<512x64xf32, #tpu.memory_space<vmem>>[vector<16xi32>, vector<16xi32>], vector<16xf32>,
      %gather3A_866 = tpu.vector_load_idx %arg16[%add3A_478, %broadcast_in_dim3A_864] : memref<512x64xf32, #tpu.memory_space<vmem>>[vector<16xi32>, vector<16xi32>], vector<16xf32>,
      %mul3A_867 = arith.mulf %gather3A_865, %gather3A_866 : vector<16xf32>
      %gather3A_868 = tpu.vector_load_idx %arg17[%add3A_478, %broadcast_in_dim3A_864] : memref<512x64xf32, #tpu.memory_space<vmem>>[vector<16xi32>, vector<16xi32>], vector<16xf32>,
      %mul3A_869 = arith.mulf %gather3A_865, %gather3A_868 : vector<16xf32>
      %add3A_870 = arith.addf %add3A_834, %mul3A_867 : vector<16xf32>
      %add3A_871 = arith.addf %add3A_835, %mul3A_869 : vector<16xf32>
      %broadcast_in_dim3A_872 = arith.constant 43 : i32
      %broadcast_in_dim3A_873 = vector.broadcast %broadcast_in_dim3A_872 : i32 to vector<16xi32>
      %gather3A_874 = tpu.vector_load_idx %arg15[%add3A_478, %broadcast_in_dim3A_873] : memref<512x64xf32, #tpu.memory_space<vmem>>[vector<16xi32>, vector<16xi32>], vector<16xf32>,
      %gather3A_875 = tpu.vector_load_idx %arg16[%add3A_478, %broadcast_in_dim3A_873] : memref<512x64xf32, #tpu.memory_space<vmem>>[vector<16xi32>, vector<16xi32>], vector<16xf32>,
      %mul3A_876 = arith.mulf %gather3A_874, %gather3A_875 : vector<16xf32>
      %gather3A_877 = tpu.vector_load_idx %arg17[%add3A_478, %broadcast_in_dim3A_873] : memref<512x64xf32, #tpu.memory_space<vmem>>[vector<16xi32>, vector<16xi32>], vector<16xf32>,
      %mul3A_878 = arith.mulf %gather3A_874, %gather3A_877 : vector<16xf32>
      %add3A_879 = arith.addf %add3A_843, %mul3A_876 : vector<16xf32>
      %add3A_880 = arith.addf %add3A_844, %mul3A_878 : vector<16xf32>
      %broadcast_in_dim3A_881 = arith.constant 44 : i32
      %broadcast_in_dim3A_882 = vector.broadcast %broadcast_in_dim3A_881 : i32 to vector<16xi32>
      %gather3A_883 = tpu.vector_load_idx %arg15[%add3A_478, %broadcast_in_dim3A_882] : memref<512x64xf32, #tpu.memory_space<vmem>>[vector<16xi32>, vector<16xi32>], vector<16xf32>,
      %gather3A_884 = tpu.vector_load_idx %arg16[%add3A_478, %broadcast_in_dim3A_882] : memref<512x64xf32, #tpu.memory_space<vmem>>[vector<16xi32>, vector<16xi32>], vector<16xf32>,
      %mul3A_885 = arith.mulf %gather3A_883, %gather3A_884 : vector<16xf32>
      %gather3A_886 = tpu.vector_load_idx %arg17[%add3A_478, %broadcast_in_dim3A_882] : memref<512x64xf32, #tpu.memory_space<vmem>>[vector<16xi32>, vector<16xi32>], vector<16xf32>,
      %mul3A_887 = arith.mulf %gather3A_883, %gather3A_886 : vector<16xf32>
      %add3A_888 = arith.addf %add3A_852, %mul3A_885 : vector<16xf32>
      %add3A_889 = arith.addf %add3A_853, %mul3A_887 : vector<16xf32>
      %broadcast_in_dim3A_890 = arith.constant 45 : i32
      %broadcast_in_dim3A_891 = vector.broadcast %broadcast_in_dim3A_890 : i32 to vector<16xi32>
      %gather3A_892 = tpu.vector_load_idx %arg15[%add3A_478, %broadcast_in_dim3A_891] : memref<512x64xf32, #tpu.memory_space<vmem>>[vector<16xi32>, vector<16xi32>], vector<16xf32>,
      %gather3A_893 = tpu.vector_load_idx %arg16[%add3A_478, %broadcast_in_dim3A_891] : memref<512x64xf32, #tpu.memory_space<vmem>>[vector<16xi32>, vector<16xi32>], vector<16xf32>,
      %mul3A_894 = arith.mulf %gather3A_892, %gather3A_893 : vector<16xf32>
      %gather3A_895 = tpu.vector_load_idx %arg17[%add3A_478, %broadcast_in_dim3A_891] : memref<512x64xf32, #tpu.memory_space<vmem>>[vector<16xi32>, vector<16xi32>], vector<16xf32>,
      %mul3A_896 = arith.mulf %gather3A_892, %gather3A_895 : vector<16xf32>
      %add3A_897 = arith.addf %add3A_861, %mul3A_894 : vector<16xf32>
      %add3A_898 = arith.addf %add3A_862, %mul3A_896 : vector<16xf32>
      %broadcast_in_dim3A_899 = arith.constant 46 : i32
      %broadcast_in_dim3A_900 = vector.broadcast %broadcast_in_dim3A_899 : i32 to vector<16xi32>
      %gather3A_901 = tpu.vector_load_idx %arg15[%add3A_478, %broadcast_in_dim3A_900] : memref<512x64xf32, #tpu.memory_space<vmem>>[vector<16xi32>, vector<16xi32>], vector<16xf32>,
      %gather3A_902 = tpu.vector_load_idx %arg16[%add3A_478, %broadcast_in_dim3A_900] : memref<512x64xf32, #tpu.memory_space<vmem>>[vector<16xi32>, vector<16xi32>], vector<16xf32>,
      %mul3A_903 = arith.mulf %gather3A_901, %gather3A_902 : vector<16xf32>
      %gather3A_904 = tpu.vector_load_idx %arg17[%add3A_478, %broadcast_in_dim3A_900] : memref<512x64xf32, #tpu.memory_space<vmem>>[vector<16xi32>, vector<16xi32>], vector<16xf32>,
      %mul3A_905 = arith.mulf %gather3A_901, %gather3A_904 : vector<16xf32>
      %add3A_906 = arith.addf %add3A_870, %mul3A_903 : vector<16xf32>
      %add3A_907 = arith.addf %add3A_871, %mul3A_905 : vector<16xf32>
      %broadcast_in_dim3A_908 = arith.constant 47 : i32
      %broadcast_in_dim3A_909 = vector.broadcast %broadcast_in_dim3A_908 : i32 to vector<16xi32>
      %gather3A_910 = tpu.vector_load_idx %arg15[%add3A_478, %broadcast_in_dim3A_909] : memref<512x64xf32, #tpu.memory_space<vmem>>[vector<16xi32>, vector<16xi32>], vector<16xf32>,
      %gather3A_911 = tpu.vector_load_idx %arg16[%add3A_478, %broadcast_in_dim3A_909] : memref<512x64xf32, #tpu.memory_space<vmem>>[vector<16xi32>, vector<16xi32>], vector<16xf32>,
      %mul3A_912 = arith.mulf %gather3A_910, %gather3A_911 : vector<16xf32>
      %gather3A_913 = tpu.vector_load_idx %arg17[%add3A_478, %broadcast_in_dim3A_909] : memref<512x64xf32, #tpu.memory_space<vmem>>[vector<16xi32>, vector<16xi32>], vector<16xf32>,
      %mul3A_914 = arith.mulf %gather3A_910, %gather3A_913 : vector<16xf32>
      %add3A_915 = arith.addf %add3A_879, %mul3A_912 : vector<16xf32>
      %add3A_916 = arith.addf %add3A_880, %mul3A_914 : vector<16xf32>
      %broadcast_in_dim3A_917 = arith.constant 48 : i32
      %broadcast_in_dim3A_918 = vector.broadcast %broadcast_in_dim3A_917 : i32 to vector<16xi32>
      %gather3A_919 = tpu.vector_load_idx %arg15[%add3A_478, %broadcast_in_dim3A_918] : memref<512x64xf32, #tpu.memory_space<vmem>>[vector<16xi32>, vector<16xi32>], vector<16xf32>,
      %gather3A_920 = tpu.vector_load_idx %arg16[%add3A_478, %broadcast_in_dim3A_918] : memref<512x64xf32, #tpu.memory_space<vmem>>[vector<16xi32>, vector<16xi32>], vector<16xf32>,
      %mul3A_921 = arith.mulf %gather3A_919, %gather3A_920 : vector<16xf32>
      %gather3A_922 = tpu.vector_load_idx %arg17[%add3A_478, %broadcast_in_dim3A_918] : memref<512x64xf32, #tpu.memory_space<vmem>>[vector<16xi32>, vector<16xi32>], vector<16xf32>,
      %mul3A_923 = arith.mulf %gather3A_919, %gather3A_922 : vector<16xf32>
      %add3A_924 = arith.addf %add3A_888, %mul3A_921 : vector<16xf32>
      %add3A_925 = arith.addf %add3A_889, %mul3A_923 : vector<16xf32>
      %broadcast_in_dim3A_926 = arith.constant 49 : i32
      %broadcast_in_dim3A_927 = vector.broadcast %broadcast_in_dim3A_926 : i32 to vector<16xi32>
      %gather3A_928 = tpu.vector_load_idx %arg15[%add3A_478, %broadcast_in_dim3A_927] : memref<512x64xf32, #tpu.memory_space<vmem>>[vector<16xi32>, vector<16xi32>], vector<16xf32>,
      %gather3A_929 = tpu.vector_load_idx %arg16[%add3A_478, %broadcast_in_dim3A_927] : memref<512x64xf32, #tpu.memory_space<vmem>>[vector<16xi32>, vector<16xi32>], vector<16xf32>,
      %mul3A_930 = arith.mulf %gather3A_928, %gather3A_929 : vector<16xf32>
      %gather3A_931 = tpu.vector_load_idx %arg17[%add3A_478, %broadcast_in_dim3A_927] : memref<512x64xf32, #tpu.memory_space<vmem>>[vector<16xi32>, vector<16xi32>], vector<16xf32>,
      %mul3A_932 = arith.mulf %gather3A_928, %gather3A_931 : vector<16xf32>
      %add3A_933 = arith.addf %add3A_897, %mul3A_930 : vector<16xf32>
      %add3A_934 = arith.addf %add3A_898, %mul3A_932 : vector<16xf32>
      %broadcast_in_dim3A_935 = arith.constant 50 : i32
      %broadcast_in_dim3A_936 = vector.broadcast %broadcast_in_dim3A_935 : i32 to vector<16xi32>
      %gather3A_937 = tpu.vector_load_idx %arg15[%add3A_478, %broadcast_in_dim3A_936] : memref<512x64xf32, #tpu.memory_space<vmem>>[vector<16xi32>, vector<16xi32>], vector<16xf32>,
      %gather3A_938 = tpu.vector_load_idx %arg16[%add3A_478, %broadcast_in_dim3A_936] : memref<512x64xf32, #tpu.memory_space<vmem>>[vector<16xi32>, vector<16xi32>], vector<16xf32>,
      %mul3A_939 = arith.mulf %gather3A_937, %gather3A_938 : vector<16xf32>
      %gather3A_940 = tpu.vector_load_idx %arg17[%add3A_478, %broadcast_in_dim3A_936] : memref<512x64xf32, #tpu.memory_space<vmem>>[vector<16xi32>, vector<16xi32>], vector<16xf32>,
      %mul3A_941 = arith.mulf %gather3A_937, %gather3A_940 : vector<16xf32>
      %add3A_942 = arith.addf %add3A_906, %mul3A_939 : vector<16xf32>
      %add3A_943 = arith.addf %add3A_907, %mul3A_941 : vector<16xf32>
      %broadcast_in_dim3A_944 = arith.constant 51 : i32
      %broadcast_in_dim3A_945 = vector.broadcast %broadcast_in_dim3A_944 : i32 to vector<16xi32>
      %gather3A_946 = tpu.vector_load_idx %arg15[%add3A_478, %broadcast_in_dim3A_945] : memref<512x64xf32, #tpu.memory_space<vmem>>[vector<16xi32>, vector<16xi32>], vector<16xf32>,
      %gather3A_947 = tpu.vector_load_idx %arg16[%add3A_478, %broadcast_in_dim3A_945] : memref<512x64xf32, #tpu.memory_space<vmem>>[vector<16xi32>, vector<16xi32>], vector<16xf32>,
      %mul3A_948 = arith.mulf %gather3A_946, %gather3A_947 : vector<16xf32>
      %gather3A_949 = tpu.vector_load_idx %arg17[%add3A_478, %broadcast_in_dim3A_945] : memref<512x64xf32, #tpu.memory_space<vmem>>[vector<16xi32>, vector<16xi32>], vector<16xf32>,
      %mul3A_950 = arith.mulf %gather3A_946, %gather3A_949 : vector<16xf32>
      %add3A_951 = arith.addf %add3A_915, %mul3A_948 : vector<16xf32>
      %add3A_952 = arith.addf %add3A_916, %mul3A_950 : vector<16xf32>
      %broadcast_in_dim3A_953 = arith.constant 52 : i32
      %broadcast_in_dim3A_954 = vector.broadcast %broadcast_in_dim3A_953 : i32 to vector<16xi32>
      %gather3A_955 = tpu.vector_load_idx %arg15[%add3A_478, %broadcast_in_dim3A_954] : memref<512x64xf32, #tpu.memory_space<vmem>>[vector<16xi32>, vector<16xi32>], vector<16xf32>,
      %gather3A_956 = tpu.vector_load_idx %arg16[%add3A_478, %broadcast_in_dim3A_954] : memref<512x64xf32, #tpu.memory_space<vmem>>[vector<16xi32>, vector<16xi32>], vector<16xf32>,
      %mul3A_957 = arith.mulf %gather3A_955, %gather3A_956 : vector<16xf32>
      %gather3A_958 = tpu.vector_load_idx %arg17[%add3A_478, %broadcast_in_dim3A_954] : memref<512x64xf32, #tpu.memory_space<vmem>>[vector<16xi32>, vector<16xi32>], vector<16xf32>,
      %mul3A_959 = arith.mulf %gather3A_955, %gather3A_958 : vector<16xf32>
      %add3A_960 = arith.addf %add3A_924, %mul3A_957 : vector<16xf32>
      %add3A_961 = arith.addf %add3A_925, %mul3A_959 : vector<16xf32>
      %broadcast_in_dim3A_962 = arith.constant 53 : i32
      %broadcast_in_dim3A_963 = vector.broadcast %broadcast_in_dim3A_962 : i32 to vector<16xi32>
      %gather3A_964 = tpu.vector_load_idx %arg15[%add3A_478, %broadcast_in_dim3A_963] : memref<512x64xf32, #tpu.memory_space<vmem>>[vector<16xi32>, vector<16xi32>], vector<16xf32>,
      %gather3A_965 = tpu.vector_load_idx %arg16[%add3A_478, %broadcast_in_dim3A_963] : memref<512x64xf32, #tpu.memory_space<vmem>>[vector<16xi32>, vector<16xi32>], vector<16xf32>,
      %mul3A_966 = arith.mulf %gather3A_964, %gather3A_965 : vector<16xf32>
      %gather3A_967 = tpu.vector_load_idx %arg17[%add3A_478, %broadcast_in_dim3A_963] : memref<512x64xf32, #tpu.memory_space<vmem>>[vector<16xi32>, vector<16xi32>], vector<16xf32>,
      %mul3A_968 = arith.mulf %gather3A_964, %gather3A_967 : vector<16xf32>
      %add3A_969 = arith.addf %add3A_933, %mul3A_966 : vector<16xf32>
      %add3A_970 = arith.addf %add3A_934, %mul3A_968 : vector<16xf32>
      %broadcast_in_dim3A_971 = arith.constant 54 : i32
      %broadcast_in_dim3A_972 = vector.broadcast %broadcast_in_dim3A_971 : i32 to vector<16xi32>
      %gather3A_973 = tpu.vector_load_idx %arg15[%add3A_478, %broadcast_in_dim3A_972] : memref<512x64xf32, #tpu.memory_space<vmem>>[vector<16xi32>, vector<16xi32>], vector<16xf32>,
      %gather3A_974 = tpu.vector_load_idx %arg16[%add3A_478, %broadcast_in_dim3A_972] : memref<512x64xf32, #tpu.memory_space<vmem>>[vector<16xi32>, vector<16xi32>], vector<16xf32>,
      %mul3A_975 = arith.mulf %gather3A_973, %gather3A_974 : vector<16xf32>
      %gather3A_976 = tpu.vector_load_idx %arg17[%add3A_478, %broadcast_in_dim3A_972] : memref<512x64xf32, #tpu.memory_space<vmem>>[vector<16xi32>, vector<16xi32>], vector<16xf32>,
      %mul3A_977 = arith.mulf %gather3A_973, %gather3A_976 : vector<16xf32>
      %add3A_978 = arith.addf %add3A_942, %mul3A_975 : vector<16xf32>
      %add3A_979 = arith.addf %add3A_943, %mul3A_977 : vector<16xf32>
      %broadcast_in_dim3A_980 = arith.constant 55 : i32
      %broadcast_in_dim3A_981 = vector.broadcast %broadcast_in_dim3A_980 : i32 to vector<16xi32>
      %gather3A_982 = tpu.vector_load_idx %arg15[%add3A_478, %broadcast_in_dim3A_981] : memref<512x64xf32, #tpu.memory_space<vmem>>[vector<16xi32>, vector<16xi32>], vector<16xf32>,
      %gather3A_983 = tpu.vector_load_idx %arg16[%add3A_478, %broadcast_in_dim3A_981] : memref<512x64xf32, #tpu.memory_space<vmem>>[vector<16xi32>, vector<16xi32>], vector<16xf32>,
      %mul3A_984 = arith.mulf %gather3A_982, %gather3A_983 : vector<16xf32>
      %gather3A_985 = tpu.vector_load_idx %arg17[%add3A_478, %broadcast_in_dim3A_981] : memref<512x64xf32, #tpu.memory_space<vmem>>[vector<16xi32>, vector<16xi32>], vector<16xf32>,
      %mul3A_986 = arith.mulf %gather3A_982, %gather3A_985 : vector<16xf32>
      %add3A_987 = arith.addf %add3A_951, %mul3A_984 : vector<16xf32>
      %add3A_988 = arith.addf %add3A_952, %mul3A_986 : vector<16xf32>
      %broadcast_in_dim3A_989 = arith.constant 56 : i32
      %broadcast_in_dim3A_990 = vector.broadcast %broadcast_in_dim3A_989 : i32 to vector<16xi32>
      %gather3A_991 = tpu.vector_load_idx %arg15[%add3A_478, %broadcast_in_dim3A_990] : memref<512x64xf32, #tpu.memory_space<vmem>>[vector<16xi32>, vector<16xi32>], vector<16xf32>,
      %gather3A_992 = tpu.vector_load_idx %arg16[%add3A_478, %broadcast_in_dim3A_990] : memref<512x64xf32, #tpu.memory_space<vmem>>[vector<16xi32>, vector<16xi32>], vector<16xf32>,
      %mul3A_993 = arith.mulf %gather3A_991, %gather3A_992 : vector<16xf32>
      %gather3A_994 = tpu.vector_load_idx %arg17[%add3A_478, %broadcast_in_dim3A_990] : memref<512x64xf32, #tpu.memory_space<vmem>>[vector<16xi32>, vector<16xi32>], vector<16xf32>,
      %mul3A_995 = arith.mulf %gather3A_991, %gather3A_994 : vector<16xf32>
      %add3A_996 = arith.addf %add3A_960, %mul3A_993 : vector<16xf32>
      %add3A_997 = arith.addf %add3A_961, %mul3A_995 : vector<16xf32>
      %broadcast_in_dim3A_998 = arith.constant 57 : i32
      %broadcast_in_dim3A_999 = vector.broadcast %broadcast_in_dim3A_998 : i32 to vector<16xi32>
      %gather3A_1000 = tpu.vector_load_idx %arg15[%add3A_478, %broadcast_in_dim3A_999] : memref<512x64xf32, #tpu.memory_space<vmem>>[vector<16xi32>, vector<16xi32>], vector<16xf32>,
      %gather3A_1001 = tpu.vector_load_idx %arg16[%add3A_478, %broadcast_in_dim3A_999] : memref<512x64xf32, #tpu.memory_space<vmem>>[vector<16xi32>, vector<16xi32>], vector<16xf32>,
      %mul3A_1002 = arith.mulf %gather3A_1000, %gather3A_1001 : vector<16xf32>
      %gather3A_1003 = tpu.vector_load_idx %arg17[%add3A_478, %broadcast_in_dim3A_999] : memref<512x64xf32, #tpu.memory_space<vmem>>[vector<16xi32>, vector<16xi32>], vector<16xf32>,
      %mul3A_1004 = arith.mulf %gather3A_1000, %gather3A_1003 : vector<16xf32>
      %add3A_1005 = arith.addf %add3A_969, %mul3A_1002 : vector<16xf32>
      %add3A_1006 = arith.addf %add3A_970, %mul3A_1004 : vector<16xf32>
      %broadcast_in_dim3A_1007 = arith.constant 58 : i32
      %broadcast_in_dim3A_1008 = vector.broadcast %broadcast_in_dim3A_1007 : i32 to vector<16xi32>
      %gather3A_1009 = tpu.vector_load_idx %arg15[%add3A_478, %broadcast_in_dim3A_1008] : memref<512x64xf32, #tpu.memory_space<vmem>>[vector<16xi32>, vector<16xi32>], vector<16xf32>,
      %gather3A_1010 = tpu.vector_load_idx %arg16[%add3A_478, %broadcast_in_dim3A_1008] : memref<512x64xf32, #tpu.memory_space<vmem>>[vector<16xi32>, vector<16xi32>], vector<16xf32>,
      %mul3A_1011 = arith.mulf %gather3A_1009, %gather3A_1010 : vector<16xf32>
      %gather3A_1012 = tpu.vector_load_idx %arg17[%add3A_478, %broadcast_in_dim3A_1008] : memref<512x64xf32, #tpu.memory_space<vmem>>[vector<16xi32>, vector<16xi32>], vector<16xf32>,
      %mul3A_1013 = arith.mulf %gather3A_1009, %gather3A_1012 : vector<16xf32>
      %add3A_1014 = arith.addf %add3A_978, %mul3A_1011 : vector<16xf32>
      %add3A_1015 = arith.addf %add3A_979, %mul3A_1013 : vector<16xf32>
      %broadcast_in_dim3A_1016 = arith.constant 59 : i32
      %broadcast_in_dim3A_1017 = vector.broadcast %broadcast_in_dim3A_1016 : i32 to vector<16xi32>
      %gather3A_1018 = tpu.vector_load_idx %arg15[%add3A_478, %broadcast_in_dim3A_1017] : memref<512x64xf32, #tpu.memory_space<vmem>>[vector<16xi32>, vector<16xi32>], vector<16xf32>,
      %gather3A_1019 = tpu.vector_load_idx %arg16[%add3A_478, %broadcast_in_dim3A_1017] : memref<512x64xf32, #tpu.memory_space<vmem>>[vector<16xi32>, vector<16xi32>], vector<16xf32>,
      %mul3A_1020 = arith.mulf %gather3A_1018, %gather3A_1019 : vector<16xf32>
      %gather3A_1021 = tpu.vector_load_idx %arg17[%add3A_478, %broadcast_in_dim3A_1017] : memref<512x64xf32, #tpu.memory_space<vmem>>[vector<16xi32>, vector<16xi32>], vector<16xf32>,
      %mul3A_1022 = arith.mulf %gather3A_1018, %gather3A_1021 : vector<16xf32>
      %add3A_1023 = arith.addf %add3A_987, %mul3A_1020 : vector<16xf32>
      %add3A_1024 = arith.addf %add3A_988, %mul3A_1022 : vector<16xf32>
      %broadcast_in_dim3A_1025 = arith.constant 60 : i32
      %broadcast_in_dim3A_1026 = vector.broadcast %broadcast_in_dim3A_1025 : i32 to vector<16xi32>
      %gather3A_1027 = tpu.vector_load_idx %arg15[%add3A_478, %broadcast_in_dim3A_1026] : memref<512x64xf32, #tpu.memory_space<vmem>>[vector<16xi32>, vector<16xi32>], vector<16xf32>,
      %gather3A_1028 = tpu.vector_load_idx %arg16[%add3A_478, %broadcast_in_dim3A_1026] : memref<512x64xf32, #tpu.memory_space<vmem>>[vector<16xi32>, vector<16xi32>], vector<16xf32>,
      %mul3A_1029 = arith.mulf %gather3A_1027, %gather3A_1028 : vector<16xf32>
      %gather3A_1030 = tpu.vector_load_idx %arg17[%add3A_478, %broadcast_in_dim3A_1026] : memref<512x64xf32, #tpu.memory_space<vmem>>[vector<16xi32>, vector<16xi32>], vector<16xf32>,
      %mul3A_1031 = arith.mulf %gather3A_1027, %gather3A_1030 : vector<16xf32>
      %add3A_1032 = arith.addf %add3A_996, %mul3A_1029 : vector<16xf32>
      %add3A_1033 = arith.addf %add3A_997, %mul3A_1031 : vector<16xf32>
      %broadcast_in_dim3A_1034 = arith.constant 61 : i32
      %broadcast_in_dim3A_1035 = vector.broadcast %broadcast_in_dim3A_1034 : i32 to vector<16xi32>
      %gather3A_1036 = tpu.vector_load_idx %arg15[%add3A_478, %broadcast_in_dim3A_1035] : memref<512x64xf32, #tpu.memory_space<vmem>>[vector<16xi32>, vector<16xi32>], vector<16xf32>,
      %gather3A_1037 = tpu.vector_load_idx %arg16[%add3A_478, %broadcast_in_dim3A_1035] : memref<512x64xf32, #tpu.memory_space<vmem>>[vector<16xi32>, vector<16xi32>], vector<16xf32>,
      %mul3A_1038 = arith.mulf %gather3A_1036, %gather3A_1037 : vector<16xf32>
      %gather3A_1039 = tpu.vector_load_idx %arg17[%add3A_478, %broadcast_in_dim3A_1035] : memref<512x64xf32, #tpu.memory_space<vmem>>[vector<16xi32>, vector<16xi32>], vector<16xf32>,
      %mul3A_1040 = arith.mulf %gather3A_1036, %gather3A_1039 : vector<16xf32>
      %add3A_1041 = arith.addf %add3A_1005, %mul3A_1038 : vector<16xf32>
      %add3A_1042 = arith.addf %add3A_1006, %mul3A_1040 : vector<16xf32>
      %broadcast_in_dim3A_1043 = arith.constant 62 : i32
      %broadcast_in_dim3A_1044 = vector.broadcast %broadcast_in_dim3A_1043 : i32 to vector<16xi32>
      %gather3A_1045 = tpu.vector_load_idx %arg15[%add3A_478, %broadcast_in_dim3A_1044] : memref<512x64xf32, #tpu.memory_space<vmem>>[vector<16xi32>, vector<16xi32>], vector<16xf32>,
      %gather3A_1046 = tpu.vector_load_idx %arg16[%add3A_478, %broadcast_in_dim3A_1044] : memref<512x64xf32, #tpu.memory_space<vmem>>[vector<16xi32>, vector<16xi32>], vector<16xf32>,
      %mul3A_1047 = arith.mulf %gather3A_1045, %gather3A_1046 : vector<16xf32>
      %gather3A_1048 = tpu.vector_load_idx %arg17[%add3A_478, %broadcast_in_dim3A_1044] : memref<512x64xf32, #tpu.memory_space<vmem>>[vector<16xi32>, vector<16xi32>], vector<16xf32>,
      %mul3A_1049 = arith.mulf %gather3A_1045, %gather3A_1048 : vector<16xf32>
      %add3A_1050 = arith.addf %add3A_1014, %mul3A_1047 : vector<16xf32>
      %add3A_1051 = arith.addf %add3A_1015, %mul3A_1049 : vector<16xf32>
      %broadcast_in_dim3A_1052 = arith.constant 63 : i32
      %broadcast_in_dim3A_1053 = vector.broadcast %broadcast_in_dim3A_1052 : i32 to vector<16xi32>
      %gather3A_1054 = tpu.vector_load_idx %arg15[%add3A_478, %broadcast_in_dim3A_1053] : memref<512x64xf32, #tpu.memory_space<vmem>>[vector<16xi32>, vector<16xi32>], vector<16xf32>,
      %gather3A_1055 = tpu.vector_load_idx %arg16[%add3A_478, %broadcast_in_dim3A_1053] : memref<512x64xf32, #tpu.memory_space<vmem>>[vector<16xi32>, vector<16xi32>], vector<16xf32>,
      %mul3A_1056 = arith.mulf %gather3A_1054, %gather3A_1055 : vector<16xf32>
      %gather3A_1057 = tpu.vector_load_idx %arg17[%add3A_478, %broadcast_in_dim3A_1053] : memref<512x64xf32, #tpu.memory_space<vmem>>[vector<16xi32>, vector<16xi32>], vector<16xf32>,
      %mul3A_1058 = arith.mulf %gather3A_1054, %gather3A_1057 : vector<16xf32>
      %add3A_1059 = arith.addf %add3A_1023, %mul3A_1056 : vector<16xf32>
      %add3A_1060 = arith.addf %add3A_1024, %mul3A_1058 : vector<16xf32>
      %add3A_1061 = arith.addf %add3A_1032, %add3A_1041 : vector<16xf32>
      %add3A_1062 = arith.addf %add3A_1050, %add3A_1059 : vector<16xf32>
      %add3A_1063 = arith.addf %add3A_1061, %add3A_1062 : vector<16xf32>
      %swap3A = arith.index_cast %mul3A_480 : i32 to index
      %swap3A_1064 = tpu.vector_load %arg22[%swap3A] {strides = array<i32>} : memref<512xf32, #tpu.memory_space<vmem>>, vector<16xf32>,
      tpu.vector_store %arg22[%swap3A], %add3A_1063 {strides = array<i32>} : memref<512xf32, #tpu.memory_space<vmem>>, vector<16xf32>,
      %add3A_1065 = arith.addf %add3A_1033, %add3A_1042 : vector<16xf32>
      %add3A_1066 = arith.addf %add3A_1051, %add3A_1060 : vector<16xf32>
      %add3A_1067 = arith.addf %add3A_1065, %add3A_1066 : vector<16xf32>
      %swap3A_1068 = arith.index_cast %mul3A_480 : i32 to index
      %swap3A_1069 = tpu.vector_load %arg23[%swap3A_1068] {strides = array<i32>} : memref<512xf32, #tpu.memory_space<vmem>>, vector<16xf32>,
      tpu.vector_store %arg23[%swap3A_1068], %add3A_1067 {strides = array<i32>} : memref<512xf32, #tpu.memory_space<vmem>>, vector<16xf32>,
    }
    %scan3A_473 = arith.constant 32 : i32
    "tpu.region"() ({
      %run_scoped3A_474 = tpu.sem_alloc : memref<!tpu.dma_semaphore, #tpu.memory_space<semaphore_mem>>
      %dma_start3A_475 = tpu.memref_slice %arg10[%mul3A_2] : memref<16384xf32, #tpu.memory_space<hbm>> -> memref<512xf32, #tpu.memory_space<hbm>>
      %dma_start3A_476 = tpu.memref_slice %arg10[%mul3A_2] : memref<16384xf32, #tpu.memory_space<hbm>> -> memref<512xf32, #tpu.memory_space<hbm>>
      tpu.enqueue_dma source(%arg22 : memref<512xf32, #tpu.memory_space<vmem>>) target(%dma_start3A_476 : memref<512xf32, #tpu.memory_space<hbm>>) target_semaphore(%run_scoped3A_474 : memref<!tpu.dma_semaphore, #tpu.memory_space<semaphore_mem>>)
      %dma_wait3A_477 = tpu.memref_slice %arg10[%mul3A_2] : memref<16384xf32, #tpu.memory_space<hbm>> -> memref<512xf32, #tpu.memory_space<hbm>>
      %dma_wait3A_478 = tpu.memref_slice %arg10[%mul3A_2] : memref<16384xf32, #tpu.memory_space<hbm>> -> memref<512xf32, #tpu.memory_space<hbm>>
      tpu.wait_dma2 semaphore(%run_scoped3A_474 : memref<!tpu.dma_semaphore, #tpu.memory_space<semaphore_mem>>) src(%arg22 : memref<512xf32, #tpu.memory_space<vmem>>) dst(%dma_wait3A_478 : memref<512xf32, #tpu.memory_space<hbm>>)
      tpu.yield
    }) : () -> ()
    "tpu.region"() ({
      %run_scoped3A_474 = tpu.sem_alloc : memref<!tpu.dma_semaphore, #tpu.memory_space<semaphore_mem>>
      %dma_start3A_475 = tpu.memref_slice %arg11[%mul3A_2] : memref<16384xf32, #tpu.memory_space<hbm>> -> memref<512xf32, #tpu.memory_space<hbm>>
      %dma_start3A_476 = tpu.memref_slice %arg11[%mul3A_2] : memref<16384xf32, #tpu.memory_space<hbm>> -> memref<512xf32, #tpu.memory_space<hbm>>
      tpu.enqueue_dma source(%arg23 : memref<512xf32, #tpu.memory_space<vmem>>) target(%dma_start3A_476 : memref<512xf32, #tpu.memory_space<hbm>>) target_semaphore(%run_scoped3A_474 : memref<!tpu.dma_semaphore, #tpu.memory_space<semaphore_mem>>)
      %dma_wait3A_477 = tpu.memref_slice %arg11[%mul3A_2] : memref<16384xf32, #tpu.memory_space<hbm>> -> memref<512xf32, #tpu.memory_space<hbm>>
      %dma_wait3A_478 = tpu.memref_slice %arg11[%mul3A_2] : memref<16384xf32, #tpu.memory_space<hbm>> -> memref<512xf32, #tpu.memory_space<hbm>>
      tpu.wait_dma2 semaphore(%run_scoped3A_474 : memref<!tpu.dma_semaphore, #tpu.memory_space<semaphore_mem>>) src(%arg23 : memref<512xf32, #tpu.memory_space<vmem>>) dst(%dma_wait3A_478 : memref<512xf32, #tpu.memory_space<hbm>>)
      tpu.yield
    }) : () -> ()
    return
  }
}

module attributes {stable_mosaic.version = 14 : i64} {
  func.func @_tr_body(%arg0: i32, %arg1: memref<64x8192xf32, #tpu.memory_space<vmem>>, %arg2: memref<64x8192xf32, #tpu.memory_space<vmem>>, %arg3: memref<8192x64xf32, #tpu.memory_space<vmem>>, %arg4: memref<8192x64xf32, #tpu.memory_space<vmem>>) attributes {dimension_semantics = [#tpu.dimension_semantics<arbitrary>], iteration_bounds = array<i64: 123>, scalar_prefetch = 0 : i64, scratch_operands = 0 : i64, tpu.core_type = #tpu.core_type<tc>, window_params = [{transform_indices = @transform_0, window_bounds = array<i64: 64, 8192>}, {transform_indices = @transform_1, window_bounds = array<i64: 64, 8192>}, {transform_indices = @transform_2, window_bounds = array<i64: 8192, 64>}, {transform_indices = @transform_3, window_bounds = array<i64: 8192, 64>}]} {
    %get3A = arith.constant 0 : index
    %get3A_0 = arith.constant 0 : index
    %get3A_1 = vector.load %arg1[%get3A, %get3A_0] : memref<64x8192xf32, #tpu.memory_space<vmem>>, vector<64x8192xf32>
    %transpose3A = tpu.transpose %get3A_1, [1, 0] : vector<64x8192xf32> -> vector<8192x64xf32>
    %swap3A = arith.constant 0 : index
    %swap3A_2 = arith.constant 0 : index
    %swap3A_3 = vector.load %arg3[%swap3A, %swap3A_2] : memref<8192x64xf32, #tpu.memory_space<vmem>>, vector<8192x64xf32>
    tpu.vector_store %arg3[%swap3A, %swap3A_2], %transpose3A {strides = array<i32>} : memref<8192x64xf32, #tpu.memory_space<vmem>>, vector<8192x64xf32>,
    %get3A_4 = arith.constant 0 : index
    %get3A_5 = arith.constant 0 : index
    %get3A_6 = vector.load %arg2[%get3A_4, %get3A_5] : memref<64x8192xf32, #tpu.memory_space<vmem>>, vector<64x8192xf32>
    %transpose3A_7 = tpu.transpose %get3A_6, [1, 0] : vector<64x8192xf32> -> vector<8192x64xf32>
    %swap3A_8 = arith.constant 0 : index
    %swap3A_9 = arith.constant 0 : index
    %swap3A_10 = vector.load %arg4[%swap3A_8, %swap3A_9] : memref<8192x64xf32, #tpu.memory_space<vmem>>, vector<8192x64xf32>
    tpu.vector_store %arg4[%swap3A_8, %swap3A_9], %transpose3A_7 {strides = array<i32>} : memref<8192x64xf32, #tpu.memory_space<vmem>>, vector<8192x64xf32>,
    return
  }
  func.func @transform_0(%arg0: i32) -> (i32, i32) {
    %c0_i32 = arith.constant 0 : i32
    %c0_i32_0 = arith.constant 0 : i32
    return %c0_i32, %arg0 : i32, i32
  }
  func.func @transform_1(%arg0: i32) -> (i32, i32) {
    %c0_i32 = arith.constant 0 : i32
    %c0_i32_0 = arith.constant 0 : i32
    return %c0_i32, %arg0 : i32, i32
  }
  func.func @transform_2(%arg0: i32) -> (i32, i32) {
    %c0_i32 = arith.constant 0 : i32
    %c0_i32_0 = arith.constant 0 : i32
    return %arg0, %c0_i32 : i32, i32
  }
  func.func @transform_3(%arg0: i32) -> (i32, i32) {
    %c0_i32 = arith.constant 0 : i32
    %c0_i32_0 = arith.constant 0 : i32
    return %arg0, %c0_i32 : i32, i32
  }
}

</mosaic_0001>

<sc_bundles>
// kernel: _pairfm.4.cloned.1.call-start
scs
__scs_entry_jumppad:
0x0: {  	(pc) =	sbr.rel $0x88, $3  }
0x1: {  	(tag) =	ssettag $0x0;
	lr =	simm.s32 $0x1  }
0x2: {  	[smem:$0x3F99] =	sst lr;
	_ =	strace $0xD0000000  }
0x3: {  	_ = 	snop  }
0x4: {  	_ = 	snop  }
0x5: {  	_ = 	snop  }
0x6: {  	_ = 	snop  }
0x7: {  	_ = 	snop  }
__scs_overlays_trampoline_lowered:
0x8: {  	[smem:$0x3FA8] =	sst s0  }
0x9: {  	[smem:$0x3FA9] =	sst s1  }
0xa: {  	[smem:$0x3FAA] =	sst s2  }
0xb: {  	[smem:$0x3FAB] =	sst s3  }
0xc: {  	[smem:$0x3FAC] =	sst s4  }
0xd: {  	[smem:$0x3FAD] =	sst s5  }
0xe: {  	[smem:$0x3FAE] =	sst s6  }
0xf: {  	[smem:$0x3FAF] =	sst s7  }
0x10: {  	[smem:$0x3FB0] =	sst s8  }
0x11: {  	[smem:$0x3FB1] =	sst s9;
	s0 =	simm.s32 @!p0 $0x0  }
0x12: {  	s1 =	sld [smem:$0x3F97];
	s0 =	simm.s32 @p0 $0x1  }
0x13: {  	[smem:$0x3FB2] =	sst s0;
	s0 =	simm.s32 @!p1 $0x0  }
0x14: {  	s2 =	sld [smem:$0x3F96];
	s0 =	simm.s32 @p1 $0x1  }
0x15: {  	[smem:$0x3FB3] =	sst s0;
	s0 =	simm.s32 @!p2 $0x0  }
0x16: {  	s3 =	sld [smem:$0x3FDB];
	s0 =	simm.s32 @p2 $0x1  }
0x17: {  	s4 =	simm.s32 $0x1BF5;
	[smem:$0x3FB5] =	sst s0  }
0x18: {  	s0 =	sld [smem:$0x3F98];
	_ =	swait.ge [sflag:s4], $0x0  }
0x19: {  	s7 =	sld [smem:$0x3F99]  }
0x1a: {  	s8 =	sadd.s32 $0xFFFFE003, lr  }
0x1b: {  	s9 =	sadd.s32 $0xFFFFFEF7, lr;
	s5 =	simm.s32 $0xFFFFFFFF;
	p2 =	slt.u32 s8, $0xFFFFF086  }
0x1c: {  	p1 =	slt.u32 s9, $0xF7A;
	s5 =	simm.s32 @!p2 $0x0  }
0x1d: {  	s5 =	simm.s32 @p1 $0x1;
	p0 =	seq.s32 s7, s2  }
0x1e: {  	s7 =	smul.u32 @!p0 $0xF7A, s2;
	p2 =	seq.s32 @!p0 s5, $0x0  }
0x1f: {  	s9 =	smul.u32 $0xF7A, s1;
	s8 =	simm.s32 @!p0 $0x1BF5;
	p2 =	por !p2, p0  }
0x20: {  	[sflag:s8] =	ssyncset.s32 @!p0 $0xFFFFF086;
	s6 =	sadd.s32 @!p0 s3, s7;
	s7 =	simm.s32 @!p0 $0x108  }
0x21: {  	s3 =	sadd.s32 s3, s9;
	s6 =	sadd.s32 @!p0 $0x88, s6;
	s7 =	simm.s32 @p2 $0x1082  }
0x22: {  	[simem:s7], [sflag:s8] =	dma.local @!p0 [hbm:s6], $0xF7A  }
0x23: {  	s9 =	sor.u32 $0xD0000000, s2;
	s6 =	simm.s32 $0x108;
	_ =	swait.ge @!p0 [sflag:s8], $0x0  }
0x24: {  	s3 =	sadd.s32 $0x88, s3;
	s6 =	simm.s32 @!p1 $0x1082;
	[sflag:s4] =	ssyncset.s32 $0xFFFFF086  }
0x25: {  	[simem:s6], [sflag:s4] =	dma.local [hbm:s3], $0xF7A  }
0x26: {  	[smem:$0x3F99] =	sst s1;
	(tag) =	ssettag s2;
	_ =	strace s9  }
0x27: {  	s1 =	sld [smem:$0x3FA9]  }
0x28: {  	s2 =	sld [smem:$0x3FAA]  }
0x29: {  	s4 =	sld [smem:$0x3FAC]  }
0x2a: {  	p0 =	seq.s32 s5, $0x0;
	s5 =	sld [smem:$0x3FAD]  }
0x2b: {  	s6 =	sld [smem:$0x3FAE]  }
0x2c: {  	s7 =	sld [smem:$0x3FAF]  }
0x2d: {  	s3 =	simm.s32 $0x108;
	s8 =	sld [smem:$0x3FB0]  }
0x2e: {  	s3 =	simm.s32 @!p0 $0x1082;
	s9 =	sld [smem:$0x3FB1]  }
0x2f: {  	lr =	sadd.s32 s0, s3;
	s0 =	sld [smem:$0x3FA8]  }
0x30: {  	s3 =	sld [smem:$0x3FAB]  }
0x31: {  	[smem:$0x3FB4] =	sst s10  }
0x32: {  	s10 =	sld [smem:$0x3FB2];
	_ =	sdelay $0x3  }
0x33: {  	p0 =	seq.s32 s10, $0x1;
	s10 =	sld [smem:$0x3FB4];
	_ =	sdelay $0x3  }
0x34: {  	[smem:$0x3FB4] =	sst s10  }
0x35: {  	s10 =	sld [smem:$0x3FB3];
	_ =	sdelay $0x3  }
0x36: {  	p1 =	seq.s32 s10, $0x1;
	s10 =	sld [smem:$0x3FB4];
	_ =	sdelay $0x3  }
0x37: {  	[smem:$0x3FB4] =	sst s10  }
0x38: {  	s10 =	sld [smem:$0x3FB5]  }
0x39: {  	_ = 	snop;
	(pc) =	sbr.ind lr, $3  }
0x3a: {  	_ = 	snop  }
0x3b: {  	_ = 	snop  }
0x3c: {  	p2 =	seq.s32 s10, $0x1;
	s10 =	sld [smem:$0x3FB4]  }
0x3d: {  	_ =	shalt  }
0x3e: {  	_ =	shalt  }
0x3f: {  	_ =	shalt  }
0x40: {  	_ =	shalt  }
0x41: {  	_ =	shalt  }
0x42: {  	_ =	shalt  }
0x43: {  	_ =	shalt  }
0x44: {  	_ =	shalt  }
0x45: {  	_ =	shalt  }
0x46: {  	_ =	shalt  }
0x47: {  	_ =	shalt  }
0x48: {  	_ =	shalt  }
0x49: {  	_ =	shalt  }
0x4a: {  	_ =	shalt  }
0x4b: {  	_ =	shalt  }
0x4c: {  	_ =	shalt  }
0x4d: {  	_ =	shalt  }
0x4e: {  	_ =	shalt  }
0x4f: {  	_ =	shalt  }
0x50: {  	_ =	shalt  }
0x51: {  	_ =	shalt  }
0x52: {  	_ =	shalt  }
0x53: {  	_ =	shalt  }
0x54: {  	_ =	shalt  }
0x55: {  	_ =	shalt  }
0x56: {  	_ =	shalt  }
0x57: {  	_ =	shalt  }
0x58: {  	_ =	shalt  }
0x59: {  	_ =	shalt  }
0x5a: {  	_ =	shalt  }
0x5b: {  	_ =	shalt  }
0x5c: {  	_ =	shalt  }
0x5d: {  	_ =	shalt  }
0x5e: {  	_ =	shalt  }
0x5f: {  	_ =	shalt  }
0x60: {  	_ =	shalt  }
0x61: {  	_ =	shalt  }
0x62: {  	_ =	shalt  }
0x63: {  	_ =	shalt  }
0x64: {  	_ =	shalt  }
0x65: {  	_ =	shalt  }
0x66: {  	_ =	shalt  }
0x67: {  	_ =	shalt  }
0x68: {  	_ =	shalt  }
0x69: {  	_ =	shalt  }
0x6a: {  	_ =	shalt  }
0x6b: {  	_ =	shalt  }
0x6c: {  	_ =	shalt  }
0x6d: {  	_ =	shalt  }
0x6e: {  	_ =	shalt  }
0x6f: {  	_ =	shalt  }
0x70: {  	_ =	shalt  }
0x71: {  	_ =	shalt  }
0x72: {  	_ =	shalt  }
0x73: {  	_ =	shalt  }
0x74: {  	_ =	shalt  }
0x75: {  	_ =	shalt  }
0x76: {  	_ =	shalt  }
0x77: {  	_ =	shalt  }
0x78: {  	_ =	shalt  }
0x79: {  	_ =	shalt  }
0x7a: {  	_ =	shalt  }
0x7b: {  	_ =	shalt  }
0x7c: {  	_ =	shalt  }
0x7d: {  	_ =	shalt  }
0x7e: {  	_ =	shalt  }
0x7f: {  	_ =	shalt  }
0x80: {  	_ =	shalt  }
0x81: {  	_ =	shalt  }
0x82: {  	_ =	shalt  }
0x83: {  	_ =	shalt  }
0x84: {  	_ =	shalt  }
0x85: {  	_ =	shalt  }
0x86: {  	_ =	shalt  }
0x87: {  	_ =	shalt  }
.Lfunc_end0:
.L_simem_size_0:
called_computation_lowered:
.L_overlay_start_0:
0x88: {  	s2 =	sld [smem:$0x3FD9]  }
0x89: {  	s3 =	sld [smem:$0x3FFE];
	_ =	sdelay $0x1  }
0x8a: {  	s1 =	srdreg.scid  }
0x8b: {  	s0 =	sand.u32 $0x1, s1  }
0x8c: {  	s14 =	sshll.u32 s0, $0xA;
	s2 =	sadd.s32 s3, s2  }
0x8d: {  	s2 =	sadd.s32 s2, s14  }
0x8e: {  	[smem:$0x3FC0] =	sst s2  }
0x8f: {  	_ = 	snop  }
0x90: {  	s2 =	sld [smem:$0x3FC9]  }
0x91: {  	s15 =	sld [smem:$0x3FC8]  }
0x92: {  	s4 =	sld [smem:$0x3FC7]  }
0x93: {  	s5 =	sld [smem:$0x3FD0]  }
0x94: {  	s6 =	sld [smem:$0x3FC4]  }
0x95: {  	s7 =	sld [smem:$0x3FC3]  }
0x96: {  	s9 =	simm.s32 $0xA;
	s10 =	simm.s32 $0x10;
	s8 =	sld [smem:$0x3FC2]  }
0x97: {  	[smem:s10], [sflag:s9] =	dma.local [hbm:s5], $0x1  }
0x98: {  	_ =	swait.eq [sflag:s9], $0x1  }
0x99: {  	[sflag:s9] =	ssyncset.done $0x0  }
0x9a: {  	s16 =	sld [smem:$0x10];
	[sflag:s9] =	ssyncadd.s32 $0xFFFFFFFF  }
0x9b: {  	s17 =	sld [smem:$0x11];
	(tm) =	ssettm $0x1  }
0x9c: {  	s18 =	sld [smem:$0x3FFB];
	_ =	sdelay $0x3  }
0x9d: {  	_ =	strace s18  }
0x9e: {  	s10 =	sld [smem:$0x3FFC];
	_ =	sdelay $0x3  }
0x9f: {  	_ =	strace s10  }
0xa0: {  	s10 =	sld [smem:$0x3FFD];
	_ =	sdelay $0x3  }
0xa1: {  	_ =	strace s10  }
0xa2: {  	_ =	strace $0x8FFFFFFF  }
0xa3: {  	s19 =	sld [smem:$0x3FDB];
	_ =	sdelay $0x1  }
0xa4: {  	s11 =	simm.s32 $_scs_section_size  }
0xa5: {  	s12 =	simm.s32 $_size__tile_overlayer_lowered;
	s13 =	simm.s32 $_tile_overlayer_lowered  }
0xa6: {  	s22 =	simm.s32 $0x1BFF;
	s21 =	sshll.u32 s13, $0x1;
	s10 =	sadd.s32 s11, s19  }
0xa7: {  	s20 =	sshll.u32 s12, $0x1;
	s14 =	simm.s32 $0x0;
	s12 =	sadd.s32 s21, s10  }
0xa8: {  	[timem:s14], [sflag:s22] =	dma.local [hbm:s12], s20  }
0xa9: {  	_ =	swait.ge [sflag:s22], s20  }
0xaa: {  	s11 =	ssub.s32 $0x0, s20;
	[sflag:s22] =	ssyncset.done $0x0  }
0xab: {  	[sflag:s22] =	ssyncadd.s32 s11;
	_ =	sdelay $0x1  }
0xac: {  	s23 =	simm.s32 $0x1B8B  }
0xad: {  	_ =	swait.ge [sflag:s23], $0x1  }
0xae: {  	[sflag:s23] =	ssyncset.done $0x0  }
0xaf: {  	s25 =	simm.s32 $0x1B8E;
	s24 =	sld [smem:$0x3FFE];
	[sflag:s23] =	ssyncadd.s32 $0xFFFFFFFF  }
0xb0: {  	s26 =	simm.s32 $execute0_lowered;
	[smem:$0x3FD2] =	sst s25  }
0xb1: {  	s12 =	sshll.u32 s26, $0x1;
	_ =	strace $0x80000046;
	[dreg:$0x1] =	wrdreg $0xFFFFFFFF  }
0xb2: {  	s28 =	simm.s32 $_size_execute0_lowered;
	s10 =	sadd.s32 s10, s12;
	[dreg:$0x0] =	wrdreg $0x0  }
0xb3: {  	s12 =	sshll.u32 s28, $0x1;
	[dreg:$0x2] =	wrdreg s10  }
0xb4: {  	[dreg:$0x3] =	wrdreg s12  }
0xb5: {  	[dreg:$0x4] =	wrdreg $0xC0  }
0xb6: {  	_ =	task [dreg:s14], $0x5FFFF  }
0xb7: {  	[dreg:$0x1] =	wrdreg $0xFFFFFFFF  }
0xb8: {  	[dreg:$0x0] =	wrdreg $0x60  }
0xb9: {  	[dreg:$0x2] =	wrdreg s2  }
0xba: {  	[dreg:$0x3] =	wrdreg s15  }
0xbb: {  	[dreg:$0x4] =	wrdreg s4  }
0xbc: {  	[dreg:$0x5] =	wrdreg s24  }
0xbd: {  	[dreg:$0x6] =	wrdreg s6  }
0xbe: {  	[dreg:$0x7] =	wrdreg s7  }
0xbf: {  	[dreg:$0x8] =	wrdreg s8  }
0xc0: {  	[dreg:$0x9] =	wrdreg s16  }
0xc1: {  	[dreg:$0xa] =	wrdreg s17  }
0xc2: {  	[dreg:$0xb] =	wrdreg $0x9  }
0xc3: {  	_ =	task.clear_ibuf [dreg:s14], $0xCFFFF;
	_ =	strace $0x90000046  }
0xc4: {  	s29 =	simm.s32 $0x9;
	_ =	strace $0x80000048  }
0xc5: {  	_ =	swait.ge [sflag:s29], $0x1  }
0xc6: {  	[sflag:s29] =	ssyncadd.s32 $0xFFFFFFFF  }
0xc7: {  	_ =	strace $0x90000048  }
0xc8: {  	_ =	sfence  }
0xc9: {  	s30 =	sld [smem:$0x0];
	_ =	sdelay $0x2  }
0xca: {  	s31 =	sshll.u32 s1, $0xD;
	s1 =	sshrl.u32 s1, $0x2  }
0xcb: {  	s3 =	sand.u32 $0x4000, s31;
	s1 =	sadd.s32 s1, s30  }
0xcc: {  	s0 =	sor.u32 s3, s0;
	s1 =	sshll.u32 s1, $0x11  }
0xcd: {  	s0 =	sor.u32 s1, s0  }
0xce: {  	s0 =	sadd.s32 $0x8F2B, s0  }
0xcf: {  	[sflag:s0] =	ssyncadd.remote.s32 $0x1  }
0xd0: {  	_ =	sfence.sel $0xFFFF  }
0xd1: {  	[dreg:$0x0] =	wrdreg $0xFFFFFFFF;
	(pc) =	sbr.abs _section_cstart, $3  }
0xd2: {  	[dreg:$0x1] =	wrdreg $0xFFFFFFFF  }
0xd3: {  	_ =	task.clear_ibuf [dreg:s14], $0x2FFFF;
	_ =	strace $0x9FFFFFFF  }
0xd4: {  	(tm) =	ssettm $0x7FFFFFFF  }
0xd5: {  	_ =	shalt  }
tec
execute0_lowered:
.L_overlay_start_1:
0x0: {  	(tag) =	ssettag $0x1  }
0x1: {  	s0 =	rddreg [dreg:$0x0]  }
0x2: {  	s3 =	rddreg [dreg:$0x1]  }
0x3: {  	s5 =	rddreg [dreg:$0x2]  }
0x4: {  	s7 =	rddreg [dreg:$0x3]  }
0x5: {  	s1 =	rddreg [dreg:$0x4]  }
0x6: {  	s2 =	rddreg [dreg:$0x5]  }
0x7: {  	s8 =	rddreg [dreg:$0x7]  }
0x8: {  	s9 =	rddreg [dreg:$0x8];
	s4 =	simm.s32 $0x0;
	s10 =	srdreg.scid  }
0x9: {  	s12 =	stileid.u32;
	s28 =	simm.s32 $0x280;
	s29 =	simm.s32 $0x480  }
0xa: {  	s30 =	simm.s32 $0x100;
	s31 =	simm.s32 $0x300;
	[smem:$0x7FF] =	sst s4  }
0xb: {  	s6 =	sadd.s32 $0x1E85200, s7;
	s10 =	sand.u32 $0x1, s10;
	s12 =	sshll.u32 s12, $0x7  }
0xc: {  	s7 =	sadd.s32 $0xA00, s7;
	s11 =	ssub.s32 $0x2, s10;
	s10 =	sshll.u32 s10, $0x6  }
0xd: {  	_ =	strace $0x80000047;
	s13 =	sshrl.u32 s11, $0x1;
	s10 =	sor.u32 s10, s12  }
0xe: {  	s11 =	ssub.s32 s11, s13;
	s12 =	sadd.s32 s0, s10;
	s14 =	sor.u32 $0x10, s10  }
0xf: {  	s15 =	sadd.s32 s3, s10;
	s16 =	sadd.s32 s5, s10;
	[dreg:$0xa] =	wrdreg s12  }
0x10: {  	s19 =	sor.u32 $0x20, s10;
	s22 =	sor.u32 $0x30, s10;
	[dreg:$0xb] =	wrdreg s15  }
0x11: {  	s25 =	sadd.s32 s8, s10;
	s26 =	sadd.s32 s9, s10;
	[dreg:$0xc] =	wrdreg s16  }
0x12: {  	s8 =	simm.s32 $0x580;
	s9 =	simm.s32 $0x600;
	[dreg:$0x16] =	wrdreg s25  }
0x13: {  	s10 =	simm.s32 $0x8600;
	s17 =	sadd.s32 s0, s14;
	[dreg:$0x17] =	wrdreg s26  }
0x14: {  	s13 =	simm.s32 $0x18C10;
	s18 =	sadd.s32 s3, s14;
	[dreg:$0xd] =	wrdreg s17  }
0x15: {  	s12 =	sadd.s32 s5, s14;
	s20 =	sadd.s32 s0, s19;
	[dreg:$0xe] =	wrdreg s18  }
0x16: {  	s21 =	sadd.s32 s3, s19;
	s0 =	sadd.s32 s0, s22;
	[dreg:$0xf] =	wrdreg s12  }
0x17: {  	s23 =	sadd.s32 s3, s22;
	s24 =	sadd.s32 s5, s22;
	[dreg:$0x10] =	wrdreg s20  }
0x18: {  	s22 =	smax.u32 s11, $0x1;
	s25 =	simm.s32 $0x400;
	[dreg:$0x11] =	wrdreg s21  }
0x19: {  	s26 =	simm.s32 $0x80;
	s3 =	simm.s32 $0x380;
	[dreg:$0x13] =	wrdreg s0  }
0x1a: {  	v0 =	vlaneseq.u32;
	s11 =	simm.s32 $0x10600;
	s14 =	simm.s32 $0x18E10;
	[dreg:$0x14] =	wrdreg s23  }
0x1b: {  	v38 =	vmul.u32 $0x40, v0;
	s15 =	simm.s32 $0x0;
	s12 =	sadd.s32 s5, s19;
	[dreg:$0x15] =	wrdreg s24  }
0x1c: {  	s23 =	simm.s32 $0x2;
	s24 =	simm.s32 $0x200;
	s0 =	simm.s32 $0x500  }
0x1d: {  	[tilespmem:$0x1FFF0] =	vst v38;
	s5 =	simm.s32 $0x180;
	[dreg:$0x12] =	wrdreg s12;
	s12 =	simm.s32 $0x1  }
.LBB2_1:
0x1e: {  	s16 =	rddreg [dreg:$0xa]  }
0x1f: {  	[tilespmem:s4], [sflag:$0x2] =	stream.linear.gather [hbm4b:s16+s4], $0x80, $0x38;
	[tilespmem:$0x19010] =	vst v63  }
0x20: {  	_ =	swait.ge [sflag:s23], $0x80  }
0x21: {  	[sflag:s23] =	ssyncset.done $0x0  }
0x22: {  	s18 =	rddreg [dreg:$0xb];
	[sflag:s23] =	ssyncadd.s32 $0xFFFFFF80  }
0x23: {  	[tilespmem:s24], [sflag:$0x2] =	stream.linear.gather [hbm4b:s18+s4], $0x80, $0x38;
	[tilespmem:$0x19010] =	vst v63  }
0x24: {  	_ =	swait.ge [sflag:s23], $0x80  }
0x25: {  	[sflag:s23] =	ssyncset.done $0x0  }
0x26: {  	s19 =	rddreg [dreg:$0xc];
	[sflag:s23] =	ssyncadd.s32 $0xFFFFFF80  }
0x27: {  	[tilespmem:s25], [sflag:$0x2] =	stream.linear.gather [hbm4b:s19+s4], $0x80, $0x38;
	[tilespmem:$0x19010] =	vst v63  }
0x28: {  	_ =	swait.ge [sflag:s23], $0x80  }
0x29: {  	[sflag:s23] =	ssyncset.done $0x0  }
0x2a: {  	s20 =	rddreg [dreg:$0xd];
	[sflag:s23] =	ssyncadd.s32 $0xFFFFFF80  }
0x2b: {  	[tilespmem:s26], [sflag:$0x2] =	stream.linear.gather [hbm4b:s20+s4], $0x80, $0x38;
	[tilespmem:$0x19010] =	vst v63  }
0x2c: {  	_ =	swait.ge [sflag:s23], $0x80  }
0x2d: {  	[sflag:s23] =	ssyncset.done $0x0  }
0x2e: {  	s21 =	rddreg [dreg:$0xe];
	[sflag:s23] =	ssyncadd.s32 $0xFFFFFF80  }
0x2f: {  	[tilespmem:s28], [sflag:$0x2] =	stream.linear.gather [hbm4b:s21+s4], $0x80, $0x38;
	[tilespmem:$0x19010] =	vst v63  }
0x30: {  	_ =	swait.ge [sflag:s23], $0x80  }
0x31: {  	[sflag:s23] =	ssyncset.done $0x0  }
0x32: {  	s17 =	rddreg [dreg:$0xf];
	[sflag:s23] =	ssyncadd.s32 $0xFFFFFF80  }
0x33: {  	[tilespmem:s29], [sflag:$0x2] =	stream.linear.gather [hbm4b:s17+s4], $0x80, $0x38;
	[tilespmem:$0x19010] =	vst v63  }
0x34: {  	_ =	swait.ge [sflag:s23], $0x80  }
0x35: {  	[sflag:s23] =	ssyncset.done $0x0  }
0x36: {  	s18 =	rddreg [dreg:$0x10];
	[sflag:s23] =	ssyncadd.s32 $0xFFFFFF80  }
0x37: {  	[tilespmem:s30], [sflag:$0x2] =	stream.linear.gather [hbm4b:s18+s4], $0x80, $0x38;
	[tilespmem:$0x19010] =	vst v63  }
0x38: {  	_ =	swait.ge [sflag:s23], $0x80  }
0x39: {  	[sflag:s23] =	ssyncset.done $0x0  }
0x3a: {  	s19 =	rddreg [dreg:$0x11];
	[sflag:s23] =	ssyncadd.s32 $0xFFFFFF80  }
0x3b: {  	[tilespmem:s31], [sflag:$0x2] =	stream.linear.gather [hbm4b:s19+s4], $0x80, $0x38;
	[tilespmem:$0x19010] =	vst v63  }
0x3c: {  	_ =	swait.ge [sflag:s23], $0x80  }
0x3d: {  	[sflag:s23] =	ssyncset.done $0x0  }
0x3e: {  	s20 =	rddreg [dreg:$0x12];
	[sflag:s23] =	ssyncadd.s32 $0xFFFFFF80  }
0x3f: {  	[tilespmem:s0], [sflag:$0x2] =	stream.linear.gather [hbm4b:s20+s4], $0x80, $0x38;
	[tilespmem:$0x19010] =	vst v63  }
0x40: {  	_ =	swait.ge [sflag:s23], $0x80  }
0x41: {  	[sflag:s23] =	ssyncset.done $0x0  }
0x42: {  	s21 =	rddreg [dreg:$0x13];
	[sflag:s23] =	ssyncadd.s32 $0xFFFFFF80  }
0x43: {  	[tilespmem:s5], [sflag:$0x2] =	stream.linear.gather [hbm4b:s21+s4], $0x80, $0x38;
	[tilespmem:$0x19010] =	vst v63  }
0x44: {  	_ =	swait.ge [sflag:s23], $0x80  }
0x45: {  	[sflag:s23] =	ssyncset.done $0x0  }
0x46: {  	s17 =	rddreg [dreg:$0x14];
	[sflag:s23] =	ssyncadd.s32 $0xFFFFFF80  }
0x47: {  	[tilespmem:s3], [sflag:$0x2] =	stream.linear.gather [hbm4b:s17+s4], $0x80, $0x38;
	[tilespmem:$0x19010] =	vst v63  }
0x48: {  	_ =	swait.ge [sflag:s23], $0x80  }
0x49: {  	[sflag:s23] =	ssyncset.done $0x0  }
0x4a: {  	s18 =	rddreg [dreg:$0x15];
	[sflag:s23] =	ssyncadd.s32 $0xFFFFFF80  }
0x4b: {  	[tilespmem:s8], [sflag:$0x2] =	stream.linear.gather [hbm4b:s18+s4], $0x80, $0x38;
	[tilespmem:$0x19010] =	vst v63  }
0x4c: {  	_ =	swait.ge [sflag:s23], $0x80  }
0x4d: {  	[sflag:s23] =	ssyncset.done $0x0  }
0x4e: {  	[sflag:s23] =	ssyncadd.s32 $0xFFFFFF80  }
0x4f: {  	s17 =	simm.s32 $0x18C00;
	s19 =	rddreg [dreg:$0x6]  }
0x50: {  	[tilespmem:s17], [sflag:$0x2] =	stream.linear.gather [hbm4b:s19+s4], $0x10, $0x38;
	[tilespmem:$0x19010] =	vst v63  }
0x51: {  	_ =	swait.ge [sflag:s23], $0x10  }
0x52: {  	[sflag:s23] =	ssyncset.done $0x0  }
0x53: {  	[sflag:s23] =	ssyncadd.s32 $0xFFFFFFF0  }
0x54: {  	[tilespmem:s9], [sflag:$0x1] =	stream.indirect.gather [hbm4b:s6+s26], $0x40, s4, s26, $0xb8;
	[tilespmem:$0x19010] =	vst v63  }
0x55: {  	_ = 	snop  }
0x56: {  	[tilespmem:s10], [sflag:$0x1] =	stream.indirect.gather [hbm4b:s7+s26], $0x40, s24, s26, $0xb8;
	[tilespmem:$0x19010] =	vst v63  }
0x57: {  	_ = 	snop  }
0x58: {  	[tilespmem:s11], [sflag:$0x1] =	stream.indirect.gather [hbm4b:s7+s26], $0x40, s25, s26, $0xb8;
	[tilespmem:$0x19010] =	vst v63  }
0x59: {  	s16 =	simm.s32 $0x18600  }
0x5a: {  	[tilespmem:s16], [sflag:$0x1] =	stream.indirect.gather [hbm4b:s1+s26], $0x1, s4, s26, $0xb8;
	[tilespmem:$0x19010] =	vst v63  }
0x5b: {  	s18 =	simm.s32 $0x18800  }
0x5c: {  	[tilespmem:s18], [sflag:$0x1] =	stream.indirect.gather [hbm4b:s2+s26], $0x1, s24, s26, $0xb8;
	[tilespmem:$0x19010] =	vst v63  }
0x5d: {  	s17 =	simm.s32 $0x18A00  }
0x5e: {  	[tilespmem:s17], [sflag:$0x1] =	stream.indirect.gather [hbm4b:s2+s26], $0x1, s25, s26, $0xb8;
	[tilespmem:$0x19010] =	vst v63  }
0x5f: {  	s19 =	simm.s32 $0x2600  }
0x60: {  	[tilespmem:s19], [sflag:$0x1] =	stream.indirect.gather [hbm4b:s6+s26], $0x40, s26, s26, $0xb8;
	[tilespmem:$0x19010] =	vst v63  }
0x61: {  	s20 =	simm.s32 $0xA600  }
0x62: {  	[tilespmem:s20], [sflag:$0x1] =	stream.indirect.gather [hbm4b:s7+s26], $0x40, s28, s26, $0xb8;
	[tilespmem:$0x19010] =	vst v63  }
0x63: {  	s21 =	simm.s32 $0x12600  }
0x64: {  	[tilespmem:s21], [sflag:$0x1] =	stream.indirect.gather [hbm4b:s7+s26], $0x40, s29, s26, $0xb8;
	[tilespmem:$0x19010] =	vst v63  }
0x65: {  	s20 =	simm.s32 $0x18680  }
0x66: {  	[tilespmem:s20], [sflag:$0x1] =	stream.indirect.gather [hbm4b:s1+s26], $0x1, s26, s26, $0xb8;
	[tilespmem:$0x19010] =	vst v63  }
0x67: {  	s21 =	simm.s32 $0x18880  }
0x68: {  	[tilespmem:s21], [sflag:$0x1] =	stream.indirect.gather [hbm4b:s2+s26], $0x1, s28, s26, $0xb8;
	[tilespmem:$0x19010] =	vst v63  }
0x69: {  	s20 =	simm.s32 $0x18A80  }
0x6a: {  	[tilespmem:s20], [sflag:$0x1] =	stream.indirect.gather [hbm4b:s2+s26], $0x1, s29, s26, $0xb8;
	[tilespmem:$0x19010] =	vst v63  }
0x6b: {  	s21 =	simm.s32 $0x4600  }
0x6c: {  	[tilespmem:s21], [sflag:$0x1] =	stream.indirect.gather [hbm4b:s6+s26], $0x40, s30, s26, $0xb8;
	[tilespmem:$0x19010] =	vst v63  }
0x6d: {  	s20 =	simm.s32 $0xC600  }
0x6e: {  	[tilespmem:s20], [sflag:$0x1] =	stream.indirect.gather [hbm4b:s7+s26], $0x40, s31, s26, $0xb8;
	[tilespmem:$0x19010] =	vst v63  }
0x6f: {  	s21 =	simm.s32 $0x14600  }
0x70: {  	[tilespmem:s21], [sflag:$0x1] =	stream.indirect.gather [hbm4b:s7+s26], $0x40, s0, s26, $0xb8;
	[tilespmem:$0x19010] =	vst v63  }
0x71: {  	s20 =	simm.s32 $0x18700  }
0x72: {  	[tilespmem:s20], [sflag:$0x1] =	stream.indirect.gather [hbm4b:s1+s26], $0x1, s30, s26, $0xb8;
	[tilespmem:$0x19010] =	vst v63  }
0x73: {  	s21 =	simm.s32 $0x18900  }
0x74: {  	[tilespmem:s21], [sflag:$0x1] =	stream.indirect.gather [hbm4b:s2+s26], $0x1, s31, s26, $0xb8;
	[tilespmem:$0x19010] =	vst v63  }
0x75: {  	s20 =	simm.s32 $0x18B00  }
0x76: {  	[tilespmem:s20], [sflag:$0x1] =	stream.indirect.gather [hbm4b:s2+s26], $0x1, s0, s26, $0xb8;
	[tilespmem:$0x19010] =	vst v63  }
0x77: {  	s21 =	simm.s32 $0x6600  }
0x78: {  	[tilespmem:s21], [sflag:$0x1] =	stream.indirect.gather [hbm4b:s6+s26], $0x40, s5, s26, $0xb8;
	[tilespmem:$0x19010] =	vst v63  }
0x79: {  	s20 =	simm.s32 $0xE600  }
0x7a: {  	[tilespmem:s20], [sflag:$0x1] =	stream.indirect.gather [hbm4b:s7+s26], $0x40, s3, s26, $0xb8;
	[tilespmem:$0x19010] =	vst v63  }
0x7b: {  	s21 =	simm.s32 $0x16600  }
0x7c: {  	[tilespmem:s21], [sflag:$0x1] =	stream.indirect.gather [hbm4b:s7+s26], $0x40, s8, s26, $0xb8;
	[tilespmem:$0x19010] =	vst v63  }
0x7d: {  	s20 =	simm.s32 $0x18780  }
0x7e: {  	[tilespmem:s20], [sflag:$0x1] =	stream.indirect.gather [hbm4b:s1+s26], $0x1, s5, s26, $0xb8;
	[tilespmem:$0x19010] =	vst v63  }
0x7f: {  	s21 =	simm.s32 $0x18980  }
0x80: {  	[tilespmem:s21], [sflag:$0x1] =	stream.indirect.gather [hbm4b:s2+s26], $0x1, s3, s26, $0xb8;
	[tilespmem:$0x19010] =	vst v63  }
0x81: {  	s20 =	simm.s32 $0x18B80  }
0x82: {  	[tilespmem:s20], [sflag:$0x1] =	stream.indirect.gather [hbm4b:s2+s26], $0x1, s8, s26, $0xb8;
	[tilespmem:$0x19010] =	vst v63  }
0x83: {  	_ =	swait.ge [sflag:s12], $0x2000  }
0x84: {  	[sflag:s12] =	ssyncset.done $0x0  }
0x85: {  	[sflag:s12] =	ssyncadd.s32 $0xFFFFE000  }
0x86: {  	_ =	swait.ge [sflag:s12], $0x2000  }
0x87: {  	[sflag:s12] =	ssyncset.done $0x0  }
0x88: {  	[sflag:s12] =	ssyncadd.s32 $0xFFFFE000  }
0x89: {  	_ =	swait.ge [sflag:s12], $0x2000  }
0x8a: {  	[sflag:s12] =	ssyncset.done $0x0  }
0x8b: {  	[sflag:s12] =	ssyncadd.s32 $0xFFFFE000  }
0x8c: {  	_ =	swait.ge [sflag:s12], $0x80  }
0x8d: {  	[sflag:s12] =	ssyncset.done $0x0  }
0x8e: {  	[sflag:s12] =	ssyncadd.s32 $0xFFFFFF80  }
0x8f: {  	_ =	swait.ge [sflag:s12], $0x80  }
0x90: {  	[sflag:s12] =	ssyncset.done $0x0  }
0x91: {  	[sflag:s12] =	ssyncadd.s32 $0xFFFFFF80  }
0x92: {  	_ =	swait.ge [sflag:s12], $0x80  }
0x93: {  	[sflag:s12] =	ssyncset.done $0x0  }
0x94: {  	[sflag:s12] =	ssyncadd.s32 $0xFFFFFF80  }
0x95: {  	_ =	swait.ge [sflag:s12], $0x2000  }
0x96: {  	[sflag:s12] =	ssyncset.done $0x0  }
0x97: {  	[sflag:s12] =	ssyncadd.s32 $0xFFFFE000  }
0x98: {  	_ =	swait.ge [sflag:s12], $0x2000  }
0x99: {  	[sflag:s12] =	ssyncset.done $0x0  }
0x9a: {  	[sflag:s12] =	ssyncadd.s32 $0xFFFFE000  }
0x9b: {  	_ =	swait.ge [sflag:s12], $0x2000  }
0x9c: {  	[sflag:s12] =	ssyncset.done $0x0  }
0x9d: {  	[sflag:s12] =	ssyncadd.s32 $0xFFFFE000  }
0x9e: {  	_ =	swait.ge [sflag:s12], $0x80  }
0x9f: {  	[sflag:s12] =	ssyncset.done $0x0  }
0xa0: {  	[sflag:s12] =	ssyncadd.s32 $0xFFFFFF80  }
0xa1: {  	_ =	swait.ge [sflag:s12], $0x80  }
0xa2: {  	[sflag:s12] =	ssyncset.done $0x0  }
0xa3: {  	[sflag:s12] =	ssyncadd.s32 $0xFFFFFF80  }
0xa4: {  	_ =	swait.ge [sflag:s12], $0x80  }
0xa5: {  	[sflag:s12] =	ssyncset.done $0x0  }
0xa6: {  	[sflag:s12] =	ssyncadd.s32 $0xFFFFFF80  }
0xa7: {  	_ =	swait.ge [sflag:s12], $0x2000  }
0xa8: {  	[sflag:s12] =	ssyncset.done $0x0  }
0xa9: {  	[sflag:s12] =	ssyncadd.s32 $0xFFFFE000  }
0xaa: {  	_ =	swait.ge [sflag:s12], $0x2000  }
0xab: {  	[sflag:s12] =	ssyncset.done $0x0  }
0xac: {  	[sflag:s12] =	ssyncadd.s32 $0xFFFFE000  }
0xad: {  	_ =	swait.ge [sflag:s12], $0x2000  }
0xae: {  	[sflag:s12] =	ssyncset.done $0x0  }
0xaf: {  	[sflag:s12] =	ssyncadd.s32 $0xFFFFE000  }
0xb0: {  	_ =	swait.ge [sflag:s12], $0x80  }
0xb1: {  	[sflag:s12] =	ssyncset.done $0x0  }
0xb2: {  	[sflag:s12] =	ssyncadd.s32 $0xFFFFFF80  }
0xb3: {  	_ =	swait.ge [sflag:s12], $0x80  }
0xb4: {  	[sflag:s12] =	ssyncset.done $0x0  }
0xb5: {  	[sflag:s12] =	ssyncadd.s32 $0xFFFFFF80  }
0xb6: {  	_ =	swait.ge [sflag:s12], $0x80  }
0xb7: {  	[sflag:s12] =	ssyncset.done $0x0  }
0xb8: {  	[sflag:s12] =	ssyncadd.s32 $0xFFFFFF80  }
0xb9: {  	_ =	swait.ge [sflag:s12], $0x2000  }
0xba: {  	[sflag:s12] =	ssyncset.done $0x0  }
0xbb: {  	[sflag:s12] =	ssyncadd.s32 $0xFFFFE000  }
0xbc: {  	_ =	swait.ge [sflag:s12], $0x2000  }
0xbd: {  	[sflag:s12] =	ssyncset.done $0x0  }
0xbe: {  	[sflag:s12] =	ssyncadd.s32 $0xFFFFE000  }
0xbf: {  	_ =	swait.ge [sflag:s12], $0x2000  }
0xc0: {  	[sflag:s12] =	ssyncset.done $0x0  }
0xc1: {  	[sflag:s12] =	ssyncadd.s32 $0xFFFFE000  }
0xc2: {  	_ =	swait.ge [sflag:s12], $0x80  }
0xc3: {  	v0 =	vmov s4;
	[sflag:s12] =	ssyncset.done $0x0  }
0xc4: {  	v0 =	vshll.u32 v0, $0x6;
	[sflag:s12] =	ssyncadd.s32 $0xFFFFFF80  }
0xc5: {  	v0 =	vor.u32 v38, v0;
	_ =	swait.ge [sflag:s12], $0x80  }
0xc6: {  	v14 =	vor.u32 $0x3D, v0;
	[sflag:s12] =	ssyncset.done $0x0  }
0xc7: {  	[sflag:s12] =	ssyncadd.s32 $0xFFFFFF80  }
0xc8: {  	_ =	swait.ge [sflag:s12], $0x80  }
0xc9: {  	[sflag:s12] =	ssyncset.done $0x0  }
0xca: {  	[sflag:s12] =	ssyncadd.s32 $0xFFFFFF80  }
0xcb: {  	v17 =	vor.u32 $0x3E, v0;
	v1 =	vld.idx.msk [tilespmem:v14+s10+$0x0], $0xffff;
	_ =	sdelay $0x4  }
0xcc: {  	[tilespmem:$0x1F3D0] =	vst v1;
	v1 =	vld.idx.msk [tilespmem:v17+s11+$0x0], $0xffff;
	_ =	sdelay $0x4  }
0xcd: {  	v18 =	vor.u32 $0x38, v0;
	[tilespmem:$0x1F3F0] =	vst v1;
	v1 =	vld.idx.msk [tilespmem:v14+s11+$0x0], $0xffff;
	_ =	sdelay $0x4  }
0xce: {  	v19 =	vor.u32 $0x39, v0;
	[tilespmem:$0x1F3E0] =	vst v1;
	v1 =	vld.idx.msk [tilespmem:v18+s10+$0x0], $0xffff;
	_ =	sdelay $0x4  }
0xcf: {  	v20 =	vor.u32 $0x3A, v0;
	[tilespmem:$0x1F400] =	vst v1;
	v1 =	vld.idx.msk [tilespmem:v19+s10+$0x0], $0xffff;
	_ =	sdelay $0x4  }
0xd0: {  	[tilespmem:$0x1F410] =	vst v1;
	v1 =	vld.idx.msk [tilespmem:v20+s11+$0x0], $0xffff;
	_ =	sdelay $0x4  }
0xd1: {  	v22 =	vor.u32 $0x34, v0;
	[tilespmem:$0x1F430] =	vst v1;
	v1 =	vld.idx.msk [tilespmem:v19+s11+$0x0], $0xffff;
	_ =	sdelay $0x4  }
0xd2: {  	v32 =	vor.u32 $0x35, v0;
	[tilespmem:$0x1F420] =	vst v1;
	v1 =	vld.idx.msk [tilespmem:v22+s10+$0x0], $0xffff;
	_ =	sdelay $0x4  }
0xd3: {  	v33 =	vor.u32 $0x36, v0;
	[tilespmem:$0x1F440] =	vst v1;
	v1 =	vld.idx.msk [tilespmem:v32+s10+$0x0], $0xffff;
	_ =	sdelay $0x4  }
0xd4: {  	[tilespmem:$0x1F460] =	vst v1;
	v1 =	vld.idx.msk [tilespmem:v33+s11+$0x0], $0xffff;
	_ =	sdelay $0x4  }
0xd5: {  	[tilespmem:$0x1F480] =	vst v1;
	v1 =	vld.idx.msk [tilespmem:v32+s11+$0x0], $0xffff;
	_ =	sdelay $0x4  }
0xd6: {  	v34 =	vor.u32 $0x30, v0;
	[tilespmem:$0x1F470] =	vst v1;
	v1 =	vld.idx.msk [tilespmem:v22+s11+$0x0], $0xffff;
	_ =	sdelay $0x4  }
0xd7: {  	v36 =	vor.u32 $0x31, v0;
	[tilespmem:$0x1F450] =	vst v1;
	v1 =	vld.idx.msk [tilespmem:v34+s10+$0x0], $0xffff;
	_ =	sdelay $0x4  }
0xd8: {  	v37 =	vor.u32 $0x32, v0;
	[tilespmem:$0x1F490] =	vst v1;
	v1 =	vld.idx.msk [tilespmem:v36+s10+$0x0], $0xffff;
	_ =	sdelay $0x4  }
0xd9: {  	[tilespmem:$0x1F4B0] =	vst v1;
	v1 =	vld.idx.msk [tilespmem:v37+s10+$0x0], $0xffff;
	_ =	sdelay $0x4  }
0xda: {  	[tilespmem:$0x1F4D0] =	vst v1;
	v1 =	vld.idx.msk [tilespmem:v37+s11+$0x0], $0xffff;
	_ =	sdelay $0x4  }
0xdb: {  	[tilespmem:$0x1F4E0] =	vst v1;
	v1 =	vld.idx.msk [tilespmem:v36+s11+$0x0], $0xffff;
	_ =	sdelay $0x4  }
0xdc: {  	v40 =	vor.u32 $0x2C, v0;
	[tilespmem:$0x1F4C0] =	vst v1;
	v1 =	vld.idx.msk [tilespmem:v34+s11+$0x0], $0xffff;
	_ =	sdelay $0x4  }
0xdd: {  	v41 =	vor.u32 $0x2D, v0;
	[tilespmem:$0x1F4A0] =	vst v1;
	v1 =	vld.idx.msk [tilespmem:v40+s10+$0x0], $0xffff;
	_ =	sdelay $0x4  }
0xde: {  	v43 =	vor.u32 $0x2E, v0;
	[tilespmem:$0x1F4F0] =	vst v1;
	v1 =	vld.idx.msk [tilespmem:v41+s10+$0x0], $0xffff;
	_ =	sdelay $0x4  }
0xdf: {  	[tilespmem:$0x1F510] =	vst v1;
	v1 =	vld.idx.msk [tilespmem:v43+s10+$0x0], $0xffff;
	_ =	sdelay $0x4  }
0xe0: {  	[tilespmem:$0x1F530] =	vst v1;
	v1 =	vld.idx.msk [tilespmem:v43+s11+$0x0], $0xffff;
	_ =	sdelay $0x4  }
0xe1: {  	[tilespmem:$0x1F540] =	vst v1;
	v1 =	vld.idx.msk [tilespmem:v41+s11+$0x0], $0xffff;
	_ =	sdelay $0x4  }
0xe2: {  	v51 =	vor.u32 $0x28, v0;
	[tilespmem:$0x1F520] =	vst v1;
	v1 =	vld.idx.msk [tilespmem:v40+s11+$0x0], $0xffff;
	_ =	sdelay $0x2  }
0xe3: {  	v25 =	vld.idx.msk [tilespmem:v17+s10+$0x0], $0xffff  }
0xe4: {  	v60 =	vld.idx.msk [tilespmem:v17+s9+$0x0], $0xffff  }
0xe5: {  	v17 =	vor.u32 $0x29, v0;
	[tilespmem:$0x1F500] =	vst v1;
	v1 =	vld.idx.msk [tilespmem:v51+s10+$0x0], $0xffff;
	_ =	sdelay $0x4  }
0xe6: {  	v54 =	vor.u32 $0x2A, v0;
	[tilespmem:$0x1F550] =	vst v1;
	v1 =	vld.idx.msk [tilespmem:v17+s10+$0x0], $0xffff;
	_ =	sdelay $0x4  }
0xe7: {  	[tilespmem:$0x1F570] =	vst v1;
	v1 =	vld.idx.msk [tilespmem:v54+s10+$0x0], $0xffff;
	_ =	sdelay $0x4  }
0xe8: {  	[tilespmem:$0x1F590] =	vst v1;
	v1 =	vld.idx.msk [tilespmem:v54+s11+$0x0], $0xffff;
	_ =	sdelay $0x4  }
0xe9: {  	[tilespmem:$0x1F5A0] =	vst v1;
	v1 =	vld.idx.msk [tilespmem:v17+s11+$0x0], $0xffff;
	_ =	sdelay $0x4  }
0xea: {  	v55 =	vor.u32 $0x24, v0;
	[tilespmem:$0x1F580] =	vst v1;
	v1 =	vld.idx.msk [tilespmem:v51+s11+$0x0], $0xffff;
	_ =	sdelay $0x4  }
0xeb: {  	v61 =	vor.u32 $0x25, v0;
	[tilespmem:$0x1F560] =	vst v1;
	v1 =	vld.idx.msk [tilespmem:v55+s10+$0x0], $0xffff;
	_ =	sdelay $0x4  }
0xec: {  	v62 =	vor.u32 $0x26, v0;
	[tilespmem:$0x1F5B0] =	vst v1;
	v1 =	vld.idx.msk [tilespmem:v61+s10+$0x0], $0xffff;
	_ =	sdelay $0x4  }
0xed: {  	[tilespmem:$0x1F5D0] =	vst v1;
	v1 =	vld.idx.msk [tilespmem:v62+s10+$0x0], $0xffff;
	_ =	sdelay $0x4  }
0xee: {  	[tilespmem:$0x1F5F0] =	vst v1;
	v1 =	vld.idx.msk [tilespmem:v61+s11+$0x0], $0xffff;
	_ =	sdelay $0x1  }
0xef: {  	v57 =	vld.idx.msk [tilespmem:v18+s11+$0x0], $0xffff  }
0xf0: {  	v63 =	vld.idx.msk [tilespmem:v18+s9+$0x0], $0xffff  }
0xf1: {  	v18 =	vld.idx.msk [tilespmem:v19+s9+$0x0], $0xffff  }
0xf2: {  	v19 =	vor.u32 $0x20, v0;
	[tilespmem:$0x1F5E0] =	vst v1;
	v1 =	vld.idx.msk [tilespmem:v55+s11+$0x0], $0xffff;
	_ =	sdelay $0x4  }
0xf3: {  	[tilespmem:$0x1F5C0] =	vst v1;
	v1 =	vld.idx.msk [tilespmem:v19+s10+$0x0], $0xffff;
	_ =	sdelay $0x4  }
0xf4: {  	[tilespmem:$0x1F680] =	vst v1;
	v1 =	vld.idx.msk [tilespmem:v19+s11+$0x0], $0xffff;
	_ =	sdelay $0x4  }
0xf5: {  	v44 =	vor.u32 $0x1D, v0;
	[tilespmem:$0x1F6A0] =	vst v1;
	v1 =	vld.idx.msk [tilespmem:v19+s9+$0x0], $0xffff;
	_ =	sdelay $0x4  }
0xf6: {  	[tilespmem:$0x1F690] =	vst v1;
	v1 =	vld.idx.msk [tilespmem:v44+s10+$0x0], $0xffff;
	_ =	sdelay $0x4  }
0xf7: {  	v45 =	vor.u32 $0x19, v0;
	[tilespmem:$0x1F600] =	vst v1;
	v1 =	vld.idx.msk [tilespmem:v44+s11+$0x0], $0xffff;
	_ =	sdelay $0x4  }
0xf8: {  	[tilespmem:$0x1F610] =	vst v1;
	v1 =	vld.idx.msk [tilespmem:v45+s10+$0x0], $0xffff;
	_ =	sdelay $0x4  }
0xf9: {  	v46 =	vor.u32 $0x15, v0;
	[tilespmem:$0x1F660] =	vst v1;
	v1 =	vld.idx.msk [tilespmem:v45+s11+$0x0], $0xffff;
	_ =	sdelay $0x4  }
0xfa: {  	[tilespmem:$0x1F670] =	vst v1;
	v1 =	vld.idx.msk [tilespmem:v46+s10+$0x0], $0xffff;
	_ =	sdelay $0x1  }
0xfb: {  	v11 =	vor.u32 $0x3C, v0;
	_ =	sdelay $0x2  }
0xfc: {  	v47 =	vor.u32 $0x11, v0;
	[tilespmem:$0x1F640] =	vst v1;
	v1 =	vld.idx.msk [tilespmem:v46+s11+$0x0], $0xffff;
	_ =	sdelay $0x1  }
0xfd: {  	v3 =	vld.idx.msk [tilespmem:v11+s10+$0x0], $0xffff  }
0xfe: {  	v56 =	vld.idx.msk [tilespmem:v11+s11+$0x0], $0xffff  }
0xff: {  	v50 =	vld.idx.msk [tilespmem:v33+s10+$0x0], $0xffff  }
0x100: {  	[tilespmem:$0x1F650] =	vst v1;
	v1 =	vld.idx.msk [tilespmem:v47+s10+$0x0], $0xffff  }
0x101: {  	v58 =	vld.idx.msk [tilespmem:v11+s9+$0x0], $0xffff  }
0x102: {  	v59 =	vld.idx.msk [tilespmem:v14+s9+$0x0], $0xffff  }
0x103: {  	v4 =	vld.idx.msk [tilespmem:v32+s9+$0x0], $0xffff  }
0x104: {  	v5 =	vld.idx.msk [tilespmem:v33+s9+$0x0], $0xffff  }
0x105: {  	[tilespmem:$0x1F620] =	vst v1;
	v1 =	vld.idx.msk [tilespmem:v47+s11+$0x0], $0xffff  }
0x106: {  	v7 =	vld.idx.msk [tilespmem:v34+s9+$0x0], $0xffff  }
0x107: {  	v48 =	vor.u32 $0x1, v0;
	v11 =	vld.idx.msk [tilespmem:v37+s9+$0x0], $0xffff  }
0x108: {  	v2 =	vor.u32 $0xD, v0;
	v21 =	vld.idx.msk [tilespmem:v51+s9+$0x0], $0xffff  }
0x109: {  	v23 =	vld.idx.msk [tilespmem:v54+s9+$0x0], $0xffff  }
0x10a: {  	v29 =	vld.idx.msk [tilespmem:v44+s9+$0x0], $0xffff;
	[tilespmem:$0x1F630] =	vst v1;
	v1 =	vor.u32 $0x5, v0  }
0x10b: {  	v39 =	vld.idx.msk [tilespmem:v45+s9+$0x0], $0xffff  }
0x10c: {  	v9 =	vld.idx.msk [tilespmem:v48+s9+$0x0], $0xffff  }
0x10d: {  	v15 =	vld.idx.msk [tilespmem:v2+s9+$0x0], $0xffff  }
0x10e: {  	v14 =	vld.idx.msk [tilespmem:v41+s9+$0x0], $0xffff  }
0x10f: {  	v32 =	vld.idx.msk [tilespmem:v1+s10+$0x0], $0xffff  }
0x110: {  	v31 =	vld.idx.msk [tilespmem:v1+s11+$0x0], $0xffff  }
0x111: {  	v6 =	vld.idx.msk [tilespmem:v1+s9+$0x0], $0xffff;
	v1 =	vor.u32 $0x6, v0  }
0x112: {  	v37 =	vld.idx.msk [tilespmem:v48+s10+$0x0], $0xffff  }
0x113: {  	v34 =	vld.idx.msk [tilespmem:v48+s11+$0x0], $0xffff;
	v19 =	vmul.f32 v56, v58  }
0x114: {  	v54 =	vld.idx.msk [tilespmem:v47+s9+$0x0], $0xffff;
	v51 =	vor.u32 $0x9, v0  }
0x115: {  	[tilespmem:$0x1F8E0] =	vst v19;
	v19 =	vld [tilespmem:$0x1F3D0]  }
0x116: {  	v41 =	vld.idx.msk [tilespmem:v1+s10+$0x0], $0xffff  }
0x117: {  	v44 =	vld.idx.msk [tilespmem:v1+s11+$0x0], $0xffff  }
0x118: {  	v13 =	vld.idx.msk [tilespmem:v1+s9+$0x0], $0xffff;
	v1 =	vor.u32 $0xE, v0  }
0x119: {  	v33 =	vld.idx.msk [tilespmem:v51+s10+$0x0], $0xffff  }
0x11a: {  	v35 =	vld.idx.msk [tilespmem:v51+s11+$0x0], $0xffff  }
0x11b: {  	v8 =	vld.idx.msk [tilespmem:v51+s9+$0x0], $0xffff  }
0x11c: {  	v45 =	vld.idx.msk [tilespmem:v2+s10+$0x0], $0xffff  }
0x11d: {  	v19 =	vmul.f32 v19, v59;
	v48 =	vld.idx.msk [tilespmem:v1+s10+$0x0], $0xffff  }
0x11e: {  	v51 =	vld.idx.msk [tilespmem:v1+s11+$0x0], $0xffff  }
0x11f: {  	[tilespmem:$0x1F790] =	vst v19;
	v19 =	vld.idx.msk [tilespmem:v1+s9+$0x0], $0xffff  }
0x120: {  	v1 =	vld [tilespmem:$0x1F3E0]  }
0x121: {  	v47 =	vld.idx.msk [tilespmem:v2+s11+$0x0], $0xffff;
	v2 =	vor.u32 $0x2, v0;
	_ =	sdelay $0x3  }
0x122: {  	v1 =	vmul.f32 v1, v59  }
0x123: {  	v30 =	vld.idx.msk [tilespmem:v2+s10+$0x0], $0xffff  }
0x124: {  	v10 =	vld.idx.msk [tilespmem:v2+s9+$0x0], $0xffff;
	[tilespmem:$0x1F7B0] =	vst v1;
	v1 =	vmul.f32 v25, v60;
	v25 =	vmul.f32 v57, v63  }
0x125: {  	v38 =	vld.idx.msk [tilespmem:v2+s11+$0x0], $0xffff  }
0x126: {  	v2 =	vor.u32 $0x12, v0;
	[tilespmem:$0x1F8C0] =	vst v25;
	v25 =	vld [tilespmem:$0x1F410]  }
0x127: {  	[tilespmem:$0x1F7E0] =	vst v1;
	v1 =	vld [tilespmem:$0x1F3F0];
	_ =	sdelay $0x3  }
0x128: {  	v56 =	vld.idx.msk [tilespmem:v2+s10+$0x0], $0xffff;
	v25 =	vmul.f32 v25, v18  }
0x129: {  	v1 =	vmul.f32 v1, v60;
	v60 =	vld.idx.msk [tilespmem:v2+s11+$0x0], $0xffff  }
0x12a: {  	[tilespmem:$0x1F750] =	vst v25;
	v25 =	vld.idx.msk [tilespmem:v2+s9+$0x0], $0xffff  }
0x12b: {  	v2 =	vld [tilespmem:$0x1F420]  }
0x12c: {  	v52 =	vld.idx.msk [tilespmem:v20+s10+$0x0], $0xffff  }
0x12d: {  	v20 =	vld.idx.msk [tilespmem:v20+s9+$0x0], $0xffff;
	_ =	sdelay $0x2  }
0x12e: {  	v2 =	vmul.f32 v2, v18;
	_ =	sdelay $0x1  }
0x12f: {  	[tilespmem:$0x1F770] =	vst v2;
	v2 =	vmul.f32 v52, v20;
	_ =	sdelay $0x1  }
0x130: {  	[tilespmem:$0x1F7C0] =	vst v2;
	v2 =	vld [tilespmem:$0x1F430];
	_ =	sdelay $0x4  }
0x131: {  	v2 =	vmul.f32 v2, v20  }
0x132: {  	v22 =	vld.idx.msk [tilespmem:v22+s9+$0x0], $0xffff  }
0x133: {  	[tilespmem:$0x1F7D0] =	vst v2;
	v2 =	vld [tilespmem:$0x1F440];
	_ =	sdelay $0x4  }
0x134: {  	v2 =	vmul.f32 v2, v22;
	_ =	sdelay $0x1  }
0x135: {  	[tilespmem:$0x1F890] =	vst v2;
	v2 =	vld [tilespmem:$0x1F450];
	_ =	sdelay $0x4  }
0x136: {  	v2 =	vmul.f32 v2, v22;
	_ =	sdelay $0x1  }
0x137: {  	[tilespmem:$0x1F8A0] =	vst v2;
	v2 =	vld [tilespmem:$0x1F460];
	_ =	sdelay $0x3  }
0x138: {  	v3 =	vmul.f32 v3, v58  }
0x139: {  	v42 =	vor.u32 $0x21, v0;
	v12 =	vld.idx.msk [tilespmem:v40+s9+$0x0], $0xffff;
	v2 =	vmul.f32 v2, v4  }
0x13a: {  	v26 =	vld.idx.msk [tilespmem:v55+s9+$0x0], $0xffff;
	[tilespmem:$0x1F8D0] =	vst v3  }
0x13b: {  	v3 =	vor.u32 $0x16, v0;
	[tilespmem:$0x1F710] =	vst v2;
	v2 =	vld [tilespmem:$0x1F470]  }
0x13c: {  	v27 =	vld.idx.msk [tilespmem:v61+s9+$0x0], $0xffff  }
0x13d: {  	v28 =	vld.idx.msk [tilespmem:v62+s9+$0x0], $0xffff  }
0x13e: {  	v49 =	vld.idx.msk [tilespmem:v42+s10+$0x0], $0xffff  }
0x13f: {  	v53 =	vld.idx.msk [tilespmem:v42+s11+$0x0], $0xffff  }
0x140: {  	v58 =	vld.idx.msk [tilespmem:v3+s11+$0x0], $0xffff;
	v2 =	vmul.f32 v2, v4  }
0x141: {  	v59 =	vld.idx.msk [tilespmem:v3+s10+$0x0], $0xffff  }
0x142: {  	v20 =	vld.idx.msk [tilespmem:v3+s9+$0x0], $0xffff;
	[tilespmem:$0x1F730] =	vst v2;
	v2 =	vmul.f32 v50, v5  }
0x143: {  	v3 =	vld [tilespmem:$0x1F4A0]  }
0x144: {  	[tilespmem:$0x1F780] =	vst v2;
	v2 =	vld [tilespmem:$0x1F480]  }
0x145: {  	[tilespmem:$0x1F7F0] =	vst v1;
	v1 =	vld [tilespmem:$0x1F400]  }
0x146: {  	v24 =	vld.idx.msk [tilespmem:v42+s9+$0x0], $0xffff  }
0x147: {  	v36 =	vld.idx.msk [tilespmem:v36+s9+$0x0], $0xffff  }
0x148: {  	v43 =	vld.idx.msk [tilespmem:v43+s9+$0x0], $0xffff;
	v3 =	vmul.f32 v3, v7  }
0x149: {  	v40 =	vld.idx.msk [tilespmem:v46+s9+$0x0], $0xffff;
	v55 =	vor.u32 $0xA, v0;
	v2 =	vmul.f32 v2, v5  }
0x14a: {  	v1 =	vmul.f32 v1, v63;
	[tilespmem:$0x1F880] =	vst v3;
	v3 =	vld [tilespmem:$0x1F4B0]  }
0x14b: {  	[tilespmem:$0x1F7A0] =	vst v2;
	v2 =	vld [tilespmem:$0x1F490]  }
0x14c: {  	v17 =	vld.idx.msk [tilespmem:v17+s9+$0x0], $0xffff;
	[tilespmem:$0x1F8B0] =	vst v1;
	v1 =	vor.u32 $0x1A, v0  }
0x14d: {  	v61 =	vld.idx.msk [tilespmem:v62+s11+$0x0], $0xffff  }
0x14e: {  	v42 =	vld.idx.msk [tilespmem:v55+s10+$0x0], $0xffff  }
0x14f: {  	v16 =	vld.idx.msk [tilespmem:v55+s9+$0x0], $0xffff;
	v3 =	vmul.f32 v3, v36  }
0x150: {  	v46 =	vld.idx.msk [tilespmem:v55+s11+$0x0], $0xffff;
	v2 =	vmul.f32 v2, v7  }
0x151: {  	v52 =	vld.idx.msk [tilespmem:v1+s10+$0x0], $0xffff;
	[tilespmem:$0x1F6E0] =	vst v3  }
0x152: {  	v50 =	vld.idx.msk [tilespmem:v1+s11+$0x0], $0xffff;
	[tilespmem:$0x1F870] =	vst v2  }
0x153: {  	v18 =	vld.idx.msk [tilespmem:v1+s9+$0x0], $0xffff  }
0x154: {  	v1 =	vld [tilespmem:$0x1F4C0];
	_ =	sdelay $0x4  }
0x155: {  	v1 =	vmul.f32 v1, v36;
	_ =	sdelay $0x1  }
0x156: {  	[tilespmem:$0x1F6F0] =	vst v1;
	v1 =	vld [tilespmem:$0x1F4D0];
	_ =	sdelay $0x4  }
0x157: {  	v1 =	vmul.f32 v1, v11;
	_ =	sdelay $0x1  }
0x158: {  	[tilespmem:$0x1F740] =	vst v1;
	v1 =	vld [tilespmem:$0x1F4E0];
	_ =	sdelay $0x4  }
0x159: {  	v1 =	vmul.f32 v1, v11;
	_ =	sdelay $0x1  }
0x15a: {  	[tilespmem:$0x1F760] =	vst v1;
	v1 =	vld [tilespmem:$0x1F4F0];
	_ =	sdelay $0x4  }
0x15b: {  	v1 =	vmul.f32 v1, v12;
	_ =	sdelay $0x1  }
0x15c: {  	[tilespmem:$0x1F850] =	vst v1;
	v1 =	vld [tilespmem:$0x1F500];
	_ =	sdelay $0x4  }
0x15d: {  	v1 =	vmul.f32 v1, v12;
	_ =	sdelay $0x1  }
0x15e: {  	[tilespmem:$0x1F860] =	vst v1;
	v1 =	vld [tilespmem:$0x1F510];
	_ =	sdelay $0x4  }
0x15f: {  	v1 =	vmul.f32 v1, v14;
	_ =	sdelay $0x1  }
0x160: {  	[tilespmem:$0x1F6B0] =	vst v1;
	v1 =	vld [tilespmem:$0x1F520];
	_ =	sdelay $0x4  }
0x161: {  	v1 =	vmul.f32 v1, v14  }
0x162: {  	v5 =	vld [tilespmem:$0x1F560]  }
0x163: {  	[tilespmem:$0x1F6C0] =	vst v1;
	v1 =	vld [tilespmem:$0x1F530];
	_ =	sdelay $0x3  }
0x164: {  	v5 =	vmul.f32 v5, v21  }
0x165: {  	v2 =	vor.u32 $0x22, v0;
	v1 =	vmul.f32 v1, v43  }
0x166: {  	[tilespmem:$0x1F840] =	vst v5;
	v5 =	vld [tilespmem:$0x1F570]  }
0x167: {  	[tilespmem:$0x1F700] =	vst v1;
	v1 =	vld [tilespmem:$0x1F540];
	_ =	sdelay $0x2  }
0x168: {  	v63 =	vor.u32 $0x1E, v0;
	v55 =	vld.idx.msk [tilespmem:v2+s10+$0x0], $0xffff  }
0x169: {  	v62 =	vmul.f32 v5, v17;
	v5 =	vld.idx.msk [tilespmem:v2+s9+$0x0], $0xffff  }
0x16a: {  	v1 =	vmul.f32 v1, v43;
	v43 =	vld.idx.msk [tilespmem:v2+s11+$0x0], $0xffff  }
0x16b: {  	v2 =	vld [tilespmem:$0x1F580];
	_ =	sdelay $0x1  }
0x16c: {  	v22 =	vld.idx.msk [tilespmem:v63+s11+$0x0], $0xffff  }
0x16d: {  	v4 =	vld.idx.msk [tilespmem:v63+s9+$0x0], $0xffff  }
0x16e: {  	v36 =	vld.idx.msk [tilespmem:v63+s10+$0x0], $0xffff  }
0x16f: {  	v63 =	vmul.f32 v2, v17;
	v2 =	vld [tilespmem:$0x1F590];
	_ =	sdelay $0x4  }
0x170: {  	v2 =	vmul.f32 v2, v23;
	_ =	sdelay $0x1  }
0x171: {  	[tilespmem:$0x1F6D0] =	vst v2;
	v2 =	vld [tilespmem:$0x1F5A0]  }
0x172: {  	v7 =	vld [tilespmem:$0x1F5C0]  }
0x173: {  	v3 =	vor.u32 $0x1C, v0;
	_ =	sdelay $0x1  }
0x174: {  	[tilespmem:$0x1F720] =	vst v1;
	v1 =	vld [tilespmem:$0x1F550]  }
0x175: {  	v23 =	vmul.f32 v2, v23;
	v2 =	vld [tilespmem:$0x1F5B0]  }
0x176: {  	v7 =	vmul.f32 v7, v26  }
0x177: {  	v57 =	vld.idx.msk [tilespmem:v3+s10+$0x0], $0xffff  }
0x178: {  	[tilespmem:$0x1F820] =	vst v7;
	v7 =	vld [tilespmem:$0x1F5D0]  }
0x179: {  	v11 =	vld.idx.msk [tilespmem:v3+s9+$0x0], $0xffff  }
0x17a: {  	v1 =	vmul.f32 v1, v21;
	v21 =	vld.idx.msk [tilespmem:v3+s11+$0x0], $0xffff;
	v2 =	vmul.f32 v2, v26  }
0x17b: {  	v3 =	vld [tilespmem:$0x1F5E0]  }
0x17c: {  	[tilespmem:$0x1F810] =	vst v2;
	v2 =	vor.u32 $0x14, v0;
	_ =	sdelay $0x1  }
0x17d: {  	v49 =	vmul.f32 v49, v24;
	v24 =	vmul.f32 v53, v24  }
0x17e: {  	v37 =	vmul.f32 v37, v9;
	v9 =	vmul.f32 v34, v9  }
0x17f: {  	v12 =	vmul.f32 v7, v27;
	v27 =	vmul.f32 v3, v27;
	v3 =	vld [tilespmem:$0x1F5F0]  }
0x180: {  	v32 =	vmul.f32 v32, v6;
	v6 =	vmul.f32 v31, v6;
	[tilespmem:$0x1F830] =	vst v1;
	v1 =	vor.u32 $0x18, v0;
	v53 =	vld.idx.msk [tilespmem:v2+s10+$0x0], $0xffff  }
0x181: {  	v33 =	vmul.f32 v33, v8;
	v34 =	vld.idx.msk [tilespmem:v2+s11+$0x0], $0xffff  }
0x182: {  	v32 =	vadd.f32 v32, v37;
	v37 =	vld.idx.msk [tilespmem:v2+s9+$0x0], $0xffff;
	v2 =	vadd.f32 v6, v9;
	v6 =	vmul.f32 v35, v8  }
0x183: {  	v8 =	vmul.f32 v45, v15;
	v15 =	vmul.f32 v47, v15;
	v47 =	vld [tilespmem:$0x1F620]  }
0x184: {  	v35 =	vmul.f32 v41, v13;
	v13 =	vmul.f32 v44, v13;
	v44 =	vld [tilespmem:$0x1F630]  }
0x185: {  	v30 =	vmul.f32 v30, v10;
	v10 =	vmul.f32 v38, v10;
	v17 =	vld.idx.msk [tilespmem:v1+s10+$0x0], $0xffff  }
0x186: {  	v32 =	vadd.f32 v33, v32;
	v7 =	vld.idx.msk [tilespmem:v1+s9+$0x0], $0xffff;
	v14 =	vmul.f32 v3, v28;
	v28 =	vmul.f32 v61, v28  }
0x187: {  	v61 =	vld.idx.msk [tilespmem:v1+s11+$0x0], $0xffff;
	v2 =	vadd.f32 v6, v2;
	v6 =	vadd.f32 v35, v30;
	v35 =	vmul.f32 v42, v16  }
0x188: {  	v10 =	vadd.f32 v13, v10;
	v13 =	vmul.f32 v46, v16;
	v16 =	vld [tilespmem:$0x1F640];
	v33 =	vmul.f32 v47, v54  }
0x189: {  	v6 =	vadd.f32 v35, v6;
	v44 =	vmul.f32 v44, v54;
	v54 =	vmul.f32 v48, v19;
	v48 =	vld [tilespmem:$0x1F650]  }
0x18a: {  	v19 =	vmul.f32 v51, v19;
	v51 =	vld [tilespmem:$0x1F660]  }
0x18b: {  	v6 =	vadd.f32 v54, v6;
	v54 =	vmul.f32 v56, v25;
	v56 =	vld [tilespmem:$0x1F670]  }
0x18c: {  	v1 =	vld [tilespmem:$0x1F600];
	v2 =	vadd.f32 v15, v2  }
0x18d: {  	v26 =	vld [tilespmem:$0x1F610];
	v10 =	vadd.f32 v13, v10  }
0x18e: {  	v16 =	vmul.f32 v16, v40;
	v2 =	vadd.f32 v44, v2;
	v40 =	vmul.f32 v48, v40  }
0x18f: {  	v8 =	vadd.f32 v8, v32;
	v10 =	vadd.f32 v19, v10;
	v19 =	vmul.f32 v60, v25  }
0x190: {  	v32 =	vmul.f32 v51, v39;
	v39 =	vmul.f32 v56, v39;
	v2 =	vadd.f32 v40, v2  }
0x191: {  	v31 =	vmul.f32 v1, v29;
	v6 =	vadd.f32 v54, v6;
	v48 =	vmul.f32 v59, v20  }
0x192: {  	v29 =	vmul.f32 v26, v29;
	v10 =	vadd.f32 v19, v10;
	v2 =	vadd.f32 v39, v2  }
0x193: {  	v19 =	vmul.f32 v58, v20;
	v20 =	vmul.f32 v52, v18;
	v6 =	vadd.f32 v48, v6  }
0x194: {  	v2 =	vadd.f32 v29, v2  }
0x195: {  	v10 =	vadd.f32 v19, v10;
	v19 =	vmul.f32 v36, v4;
	v6 =	vadd.f32 v20, v6  }
0x196: {  	v2 =	vadd.f32 v24, v2  }
0x197: {  	v6 =	vadd.f32 v19, v6;
	v19 =	vld [tilespmem:$0x1F690]  }
0x198: {  	v20 =	vadd.f32 v27, v2;
	v2 =	vld [tilespmem:$0x1F680]  }
0x199: {  	v8 =	vadd.f32 v33, v8;
	_ =	sdelay $0x1  }
0x19a: {  	v8 =	vadd.f32 v16, v8;
	_ =	sdelay $0x1  }
0x19b: {  	v8 =	vadd.f32 v32, v8;
	v32 =	vmul.f32 v2, v19;
	v2 =	vld [tilespmem:$0x1F6A0]  }
0x19c: {  	v33 =	vmul.f32 v21, v11  }
0x19d: {  	v21 =	vmul.f32 v17, v7;
	v17 =	vld [tilespmem:$0x1F6C0];
	v18 =	vmul.f32 v50, v18;
	_ =	sdelay $0x1  }
0x19e: {  	v4 =	vmul.f32 v22, v4;
	v10 =	vadd.f32 v18, v10  }
0x19f: {  	v19 =	vmul.f32 v2, v19;
	v2 =	vmul.f32 v57, v11;
	v11 =	vadd.f32 v63, v20  }
0x1a0: {  	v4 =	vadd.f32 v4, v10;
	v10 =	vmul.f32 v55, v5  }
0x1a1: {  	v8 =	vadd.f32 v31, v8;
	v11 =	vadd.f32 v17, v11;
	v17 =	vld [tilespmem:$0x1F6D0]  }
0x1a2: {  	v6 =	vadd.f32 v10, v6  }
0x1a3: {  	v8 =	vadd.f32 v49, v8  }
0x1a4: {  	v6 =	vadd.f32 v14, v6;
	v20 =	vld [tilespmem:$0x1F6B0]  }
0x1a5: {  	v8 =	vadd.f32 v12, v8  }
0x1a6: {  	v6 =	vadd.f32 v17, v6;
	v17 =	vld [tilespmem:$0x1F6E0]  }
0x1a7: {  	v8 =	vadd.f32 v62, v8;
	_ =	sdelay $0x1  }
0x1a8: {  	v1 =	vor.u32 $0xC, v0;
	v8 =	vadd.f32 v20, v8  }
0x1a9: {  	v3 =	vor.u32 $0x10, v0  }
0x1aa: {  	v8 =	vadd.f32 v17, v8;
	v17 =	vld [tilespmem:$0x1F6F0];
	_ =	sdelay $0x2  }
0x1ab: {  	v38 =	vld.idx.msk [tilespmem:v1+s11+$0x0], $0xffff  }
0x1ac: {  	v9 =	vld.idx.msk [tilespmem:v3+s10+$0x0], $0xffff;
	v45 =	vor.u32 $0x8, v0  }
0x1ad: {  	v11 =	vadd.f32 v17, v11;
	v17 =	vld [tilespmem:$0x1F700]  }
0x1ae: {  	v41 =	vld.idx.msk [tilespmem:v3+s11+$0x0], $0xffff  }
0x1af: {  	v30 =	vld.idx.msk [tilespmem:v1+s10+$0x0], $0xffff  }
0x1b0: {  	v42 =	vor.u32 $0x4, v0;
	v1 =	vld.idx.msk [tilespmem:v1+s9+$0x0], $0xffff  }
0x1b1: {  	v15 =	vld.idx.msk [tilespmem:v45+s10+$0x0], $0xffff  }
0x1b2: {  	v6 =	vadd.f32 v17, v6;
	v17 =	vld [tilespmem:$0x1F710]  }
0x1b3: {  	v46 =	vld.idx.msk [tilespmem:v45+s11+$0x0], $0xffff  }
0x1b4: {  	v13 =	vld.idx.msk [tilespmem:v45+s9+$0x0], $0xffff;
	v5 =	vmul.f32 v43, v5  }
0x1b5: {  	v44 =	vld.idx.msk [tilespmem:v42+s10+$0x0], $0xffff  }
0x1b6: {  	v35 =	vor.u32 $0x7, v0;
	v47 =	vld.idx.msk [tilespmem:v42+s11+$0x0], $0xffff;
	v4 =	vadd.f32 v5, v4  }
0x1b7: {  	v8 =	vadd.f32 v17, v8;
	v17 =	vld [tilespmem:$0x1F720]  }
0x1b8: {  	v60 =	vld.idx.msk [tilespmem:v0+s11+$0x0], $0xffff;
	v4 =	vadd.f32 v28, v4  }
0x1b9: {  	v45 =	vor.u32 $0x3, v0;
	v7 =	vmul.f32 v61, v7;
	v61 =	vld [tilespmem:$0x1F7C0]  }
0x1ba: {  	v16 =	vld.idx.msk [tilespmem:v42+s9+$0x0], $0xffff;
	v4 =	vadd.f32 v23, v4  }
0x1bb: {  	v25 =	vld.idx.msk [tilespmem:v35+s10+$0x0], $0xffff  }
0x1bc: {  	v4 =	vadd.f32 v17, v4;
	v17 =	vld [tilespmem:$0x1F730]  }
0x1bd: {  	v58 =	vld [tilespmem:$0x18C00]  }
0x1be: {  	v42 =	vld.idx.msk [tilespmem:v45+s9+$0x0], $0xffff  }
0x1bf: {  	v51 =	vor.u32 $0xB, v0;
	v59 =	vld [tilespmem:s17+$0x0]  }
0x1c0: {  	v40 =	vld.idx.msk [tilespmem:v35+s11+$0x0], $0xffff  }
0x1c1: {  	v11 =	vadd.f32 v17, v11;
	v17 =	vld [tilespmem:$0x1F740]  }
0x1c2: {  	v35 =	vld.idx.msk [tilespmem:v35+s9+$0x0], $0xffff  }
0x1c3: {  	v31 =	vld.idx.msk [tilespmem:v45+s10+$0x0], $0xffff  }
0x1c4: {  	v22 =	vld.idx.msk [tilespmem:v51+s10+$0x0], $0xffff  }
0x1c5: {  	v54 =	vor.u32 $0xF, v0;
	v36 =	vld.idx.msk [tilespmem:v51+s9+$0x0], $0xffff  }
0x1c6: {  	v6 =	vadd.f32 v17, v6;
	v17 =	vld [tilespmem:$0x1F750]  }
0x1c7: {  	v29 =	vld.idx.msk [tilespmem:v45+s11+$0x0], $0xffff  }
0x1c8: {  	v18 =	vor.u32 $0x13, v0;
	v45 =	vld.idx.msk [tilespmem:v0+s10+$0x0], $0xffff  }
0x1c9: {  	v49 =	vmul.f32 v15, v13;
	v15 =	vld.idx.msk [tilespmem:v0+s9+$0x0], $0xffff  }
0x1ca: {  	v5 =	vld.idx.msk [tilespmem:v54+s11+$0x0], $0xffff  }
0x1cb: {  	v8 =	vadd.f32 v17, v8;
	v17 =	vld [tilespmem:$0x1F760]  }
0x1cc: {  	v10 =	vld.idx.msk [tilespmem:v54+s9+$0x0], $0xffff  }
0x1cd: {  	v43 =	vld.idx.msk [tilespmem:v18+s11+$0x0], $0xffff  }
0x1ce: {  	v28 =	vld.idx.msk [tilespmem:v18+s9+$0x0], $0xffff  }
0x1cf: {  	v27 =	vld.idx.msk [tilespmem:v54+s10+$0x0], $0xffff  }
0x1d0: {  	v4 =	vadd.f32 v17, v4;
	v17 =	vld [tilespmem:$0x1F770]  }
0x1d1: {  	v14 =	vld.idx.msk [tilespmem:v18+s10+$0x0], $0xffff  }
0x1d2: {  	v55 =	vor.u32 $0x17, v0;
	v18 =	vld [tilespmem:$0x1F7A0]  }
0x1d3: {  	v57 =	vld [tilespmem:s16+$0x0]  }
0x1d4: {  	v47 =	vmul.f32 v47, v16;
	v63 =	vmul.f32 v44, v16;
	v16 =	vld [tilespmem:$0x1F7D0]  }
0x1d5: {  	v11 =	vadd.f32 v17, v11;
	v17 =	vld [tilespmem:$0x1F780]  }
0x1d6: {  	v20 =	vld [tilespmem:s18+$0x0]  }
0x1d7: {  	v50 =	vld.idx.msk [tilespmem:v55+s9+$0x0], $0xffff;
	v4 =	vadd.f32 v18, v4  }
0x1d8: {  	v34 =	vmul.f32 v34, v37;
	v18 =	vld [tilespmem:$0x1F7B0]  }
0x1d9: {  	v30 =	vmul.f32 v30, v1;
	v1 =	vmul.f32 v38, v1;
	v4 =	vadd.f32 v16, v4;
	v16 =	vld [tilespmem:$0x1F7E0]  }
0x1da: {  	v52 =	vor.u32 $0x2F, v0;
	v13 =	vmul.f32 v46, v13;
	v39 =	vld.idx.msk [tilespmem:v55+s11+$0x0], $0xffff;
	v6 =	vadd.f32 v17, v6  }
0x1db: {  	v46 =	vor.u32 $0x37, v0;
	v23 =	vmul.f32 v53, v37;
	v37 =	vld.idx.msk [tilespmem:v55+s10+$0x0], $0xffff;
	v62 =	vadd.f32 v20, v57  }
0x1dc: {  	v54 =	vor.u32 $0x27, v0;
	v55 =	vor.u32 $0x23, v0;
	v17 =	vld [tilespmem:$0x1F790];
	v6 =	vadd.f32 v61, v6  }
0x1dd: {  	v12 =	vld.idx.msk [tilespmem:v51+s11+$0x0], $0xffff;
	v48 =	vmul.f32 v60, v15;
	v51 =	vadd.f32 v62, v58;
	v18 =	vadd.f32 v18, v11  }
0x1de: {  	v11 =	vor.u32 $0x33, v0;
	v16 =	vadd.f32 v16, v6;
	v6 =	vmul.f32 v45, v15;
	v15 =	vld [tilespmem:$0x1F7F0]  }
0x1df: {  	v3 =	vld.idx.msk [tilespmem:v3+s9+$0x0], $0xffff;
	v25 =	vmul.f32 v25, v35;
	v31 =	vmul.f32 v31, v42;
	v44 =	vor.u32 $0x2B, v0  }
0x1e0: {  	v60 =	vld.idx.msk [tilespmem:v52+s10+$0x0], $0xffff;
	v38 =	vadd.f32 v59, v57;
	v57 =	vor.u32 $0x1F, v0;
	v6 =	vadd.f32 v6, v51  }
0x1e1: {  	v25 =	vadd.f32 v25, v31;
	v31 =	vld.idx.msk [tilespmem:v55+s10+$0x0], $0xffff;
	v17 =	vadd.f32 v17, v8;
	v8 =	vor.u32 $0x3B, v0  }
0x1e2: {  	v24 =	vor.u32 $0x3F, v0;
	v62 =	vld.idx.msk [tilespmem:v54+s10+$0x0], $0xffff;
	v0 =	vor.u32 $0x1B, v0;
	v6 =	vadd.f32 v63, v6  }
0x1e3: {  	v56 =	vld.idx.msk [tilespmem:v11+s10+$0x0], $0xffff;
	v15 =	vadd.f32 v15, v4;
	v4 =	vadd.f32 v38, v58  }
0x1e4: {  	v35 =	vmul.f32 v40, v35;
	v29 =	vmul.f32 v29, v42;
	v61 =	vld.idx.msk [tilespmem:v44+s10+$0x0], $0xffff;
	v6 =	vadd.f32 v49, v6  }
0x1e5: {  	v9 =	vmul.f32 v9, v3;
	v22 =	vmul.f32 v22, v36;
	v63 =	vld.idx.msk [tilespmem:v57+s10+$0x0], $0xffff;
	v4 =	vadd.f32 v48, v4  }
0x1e6: {  	v29 =	vadd.f32 v35, v29;
	v12 =	vmul.f32 v12, v36;
	v53 =	vld.idx.msk [tilespmem:v8+s10+$0x0], $0xffff;
	v6 =	vadd.f32 v30, v6  }
0x1e7: {  	v22 =	vadd.f32 v22, v25;
	v25 =	vmul.f32 v27, v10;
	v27 =	vld.idx.msk [tilespmem:v0+s10+$0x0], $0xffff;
	v4 =	vadd.f32 v47, v4  }
0x1e8: {  	v5 =	vmul.f32 v5, v10;
	v10 =	vld.idx.msk [tilespmem:v0+s9+$0x0], $0xffff;
	v6 =	vadd.f32 v9, v6  }
0x1e9: {  	v3 =	vmul.f32 v41, v3;
	v12 =	vadd.f32 v12, v29;
	v0 =	vld.idx.msk [tilespmem:v0+s11+$0x0], $0xffff;
	v4 =	vadd.f32 v13, v4  }
0x1ea: {  	v14 =	vmul.f32 v14, v28;
	v13 =	vadd.f32 v25, v22;
	v22 =	vld.idx.msk [tilespmem:v57+s9+$0x0], $0xffff;
	v6 =	vadd.f32 v23, v6  }
0x1eb: {  	v23 =	vld.idx.msk [tilespmem:v54+s9+$0x0], $0xffff;
	v1 =	vadd.f32 v1, v4;
	v4 =	vadd.f32 v5, v12;
	v5 =	vmul.f32 v43, v28  }
0x1ec: {  	v12 =	vld.idx.msk [tilespmem:v57+s11+$0x0], $0xffff;
	v9 =	vadd.f32 v14, v13;
	v13 =	vmul.f32 v37, v50  }
0x1ed: {  	v14 =	vld.idx.msk [tilespmem:v55+s9+$0x0], $0xffff;
	v1 =	vadd.f32 v3, v1;
	v3 =	vadd.f32 v5, v4;
	v4 =	vmul.f32 v39, v50  }
0x1ee: {  	v6 =	vadd.f32 v21, v6;
	v5 =	vld.idx.msk [tilespmem:v55+s11+$0x0], $0xffff;
	v9 =	vadd.f32 v13, v9;
	v13 =	vmul.f32 v27, v10  }
0x1ef: {  	v1 =	vadd.f32 v34, v1;
	v3 =	vadd.f32 v4, v3;
	v4 =	vld.idx.msk [tilespmem:v54+s11+$0x0], $0xffff  }
0x1f0: {  	v0 =	vmul.f32 v0, v10;
	v10 =	vmul.f32 v63, v22;
	v9 =	vadd.f32 v13, v9;
	v13 =	vld.idx.msk [tilespmem:v44+s9+$0x0], $0xffff  }
0x1f1: {  	v2 =	vadd.f32 v2, v6;
	v1 =	vadd.f32 v7, v1;
	v7 =	vld.idx.msk [tilespmem:v44+s11+$0x0], $0xffff  }
0x1f2: {  	v0 =	vadd.f32 v0, v3;
	v3 =	vmul.f32 v12, v22;
	v6 =	vadd.f32 v10, v9;
	v10 =	vld.idx.msk [tilespmem:v52+s9+$0x0], $0xffff  }
0x1f3: {  	v12 =	vld.idx.msk [tilespmem:v11+s9+$0x0], $0xffff  }
0x1f4: {  	v0 =	vadd.f32 v3, v0;
	v3 =	vmul.f32 v5, v14;
	v5 =	vld.idx.msk [tilespmem:v52+s11+$0x0], $0xffff  }
0x1f5: {  	v9 =	vmul.f32 v31, v14;
	v14 =	vld [tilespmem:$0x1F820]  }
0x1f6: {  	v1 =	vadd.f32 v33, v1;
	v0 =	vadd.f32 v3, v0;
	v3 =	vmul.f32 v4, v23;
	v4 =	vld.idx.msk [tilespmem:v11+s11+$0x0], $0xffff  }
0x1f7: {  	v6 =	vadd.f32 v9, v6;
	v9 =	vmul.f32 v62, v23;
	v11 =	vld [tilespmem:$0x1F810]  }
0x1f8: {  	v1 =	vadd.f32 v19, v1;
	v0 =	vadd.f32 v3, v0;
	v3 =	vmul.f32 v7, v13;
	v7 =	vld.idx.msk [tilespmem:v46+s11+$0x0], $0xffff  }
0x1f9: {  	v6 =	vadd.f32 v9, v6;
	v9 =	vmul.f32 v61, v13;
	v13 =	vld [tilespmem:$0x1F830]  }
0x1fa: {  	v2 =	vadd.f32 v32, v2;
	v1 =	vadd.f32 v14, v1;
	v14 =	vld [tilespmem:$0x1F840]  }
0x1fb: {  	v0 =	vadd.f32 v3, v0;
	v3 =	vmul.f32 v5, v10;
	v5 =	vld.idx.msk [tilespmem:v8+s11+$0x0], $0xffff  }
0x1fc: {  	v6 =	vadd.f32 v9, v6;
	v9 =	vmul.f32 v60, v10;
	v10 =	vld [tilespmem:$0x1F860];
	v2 =	vadd.f32 v11, v2  }
0x1fd: {  	v11 =	vld.idx.msk [tilespmem:v46+s9+$0x0], $0xffff  }
0x1fe: {  	v2 =	vadd.f32 v13, v2;
	v13 =	vld.idx.msk [tilespmem:v8+s9+$0x0], $0xffff  }
0x1ff: {  	v8 =	vld [tilespmem:$0x1F850];
	v1 =	vadd.f32 v14, v1  }
0x200: {  	v45 =	vld.idx.msk [tilespmem:v46+s10+$0x0], $0xffff  }
0x201: {  	v0 =	vadd.f32 v3, v0;
	v3 =	vmul.f32 v4, v12;
	v1 =	vadd.f32 v10, v1;
	v10 =	vld [tilespmem:$0x1F870];
	_ =	sdelay $0x1  }
0x202: {  	v0 =	vadd.f32 v3, v0;
	v3 =	vmul.f32 v7, v11;
	v7 =	vld [tilespmem:$0x1F890]  }
0x203: {  	v6 =	vadd.f32 v9, v6;
	v2 =	vadd.f32 v8, v2;
	v8 =	vmul.f32 v56, v12  }
0x204: {  	v0 =	vadd.f32 v3, v0;
	v3 =	vmul.f32 v5, v13;
	v5 =	vld [tilespmem:$0x1F8B0]  }
0x205: {  	v6 =	vadd.f32 v8, v6;
	v8 =	vmul.f32 v45, v11;
	v2 =	vadd.f32 v10, v2;
	v10 =	vld [tilespmem:$0x1F880]  }
0x206: {  	v20 =	vld.idx.msk [tilespmem:v24+s10+$0x0], $0xffff  }
0x207: {  	v6 =	vadd.f32 v8, v6;
	v8 =	vld [tilespmem:$0x1F8A0];
	v2 =	vadd.f32 v7, v2;
	v7 =	vmul.f32 v53, v13  }
0x208: {  	v9 =	vld.idx.msk [tilespmem:v24+s9+$0x0], $0xffff  }
0x209: {  	v2 =	vadd.f32 v5, v2;
	v5 =	vadd.f32 v7, v6;
	v7 =	vld [tilespmem:$0x1F8C0]  }
0x20a: {  	v1 =	vadd.f32 v10, v1;
	_ =	sdelay $0x1  }
0x20b: {  	v1 =	vadd.f32 v8, v1  }
0x20c: {  	v4 =	vld.idx.msk [tilespmem:v24+s11+$0x0], $0xffff;
	v6 =	vmul.f32 v20, v9  }
0x20d: {  	v1 =	vadd.f32 v7, v1;
	v7 =	vld [tilespmem:$0x1F8D0]  }
0x20e: {  	v5 =	vadd.f32 v6, v5;
	v6 =	vld [tilespmem:$0x1F8E0]  }
0x20f: {  	v38 =	vld [tilespmem:$0x1FFF0];
	_ =	sdelay $0x1  }
0x210: {  	s21 =	simm.s32 $0x10;
	v0 =	vadd.f32 v3, v0;
	v3 =	vmul.f32 v4, v9  }
0x211: {  	v4 =	vmov s21;
	v2 =	vadd.f32 v7, v2  }
0x212: {  	v4 =	vshll.u32 v4, $0x6;
	v0 =	vadd.f32 v3, v0;
	v1 =	vadd.f32 v6, v1  }
0x213: {  	v4 =	vor.u32 v38, v4;
	v3 =	vadd.f32 v5, v16;
	v2 =	vadd.f32 v17, v2  }
0x214: {  	v0 =	vadd.f32 v0, v15;
	v8 =	vor.u32 $0x3D, v4;
	v1 =	vadd.f32 v18, v1  }
0x215: {  	v2 =	vadd.f32 v3, v2  }
0x216: {  	v0 =	vadd.f32 v0, v1  }
0x217: {  	[tilespmem:s13+$0x0] =	vst v2  }
0x218: {  	[tilespmem:s14+$0x0] =	vst v0  }
0x219: {  	v10 =	vor.u32 $0x3E, v4;
	v0 =	vld.idx.msk [tilespmem:v8+s10+$0x0], $0xffff;
	_ =	sdelay $0x4  }
0x21a: {  	[tilespmem:$0x1F8F0] =	vst v0;
	v0 =	vld.idx.msk [tilespmem:v10+s10+$0x0], $0xffff;
	_ =	sdelay $0x4  }
0x21b: {  	v12 =	vor.u32 $0x38, v4;
	[tilespmem:$0x1F920] =	vst v0;
	v0 =	vld.idx.msk [tilespmem:v10+s11+$0x0], $0xffff;
	_ =	sdelay $0x4  }
0x21c: {  	v13 =	vor.u32 $0x39, v4;
	[tilespmem:$0x1F940] =	vst v0;
	v0 =	vld.idx.msk [tilespmem:v12+s10+$0x0], $0xffff;
	_ =	sdelay $0x4  }
0x21d: {  	v33 =	vor.u32 $0x3A, v4;
	[tilespmem:$0x1F960] =	vst v0;
	v0 =	vld.idx.msk [tilespmem:v13+s10+$0x0], $0xffff;
	_ =	sdelay $0x4  }
0x21e: {  	[tilespmem:$0x1F990] =	vst v0;
	v0 =	vld.idx.msk [tilespmem:v33+s10+$0x0], $0xffff;
	_ =	sdelay $0x4  }
0x21f: {  	[tilespmem:$0x1F9D0] =	vst v0;
	v0 =	vld.idx.msk [tilespmem:v33+s11+$0x0], $0xffff;
	_ =	sdelay $0x4  }
0x220: {  	v32 =	vor.u32 $0x34, v4;
	[tilespmem:$0x1F9F0] =	vst v0;
	v0 =	vld.idx.msk [tilespmem:v13+s11+$0x0], $0xffff;
	_ =	sdelay $0x4  }
0x221: {  	v34 =	vor.u32 $0x35, v4;
	[tilespmem:$0x1F9B0] =	vst v0;
	v0 =	vld.idx.msk [tilespmem:v32+s10+$0x0], $0xffff;
	_ =	sdelay $0x4  }
0x222: {  	v35 =	vor.u32 $0x36, v4;
	[tilespmem:$0x1FA10] =	vst v0;
	v0 =	vld.idx.msk [tilespmem:v34+s10+$0x0], $0xffff;
	_ =	sdelay $0x4  }
0x223: {  	[tilespmem:$0x1FA40] =	vst v0;
	v0 =	vld.idx.msk [tilespmem:v35+s10+$0x0], $0xffff;
	_ =	sdelay $0x4  }
0x224: {  	[tilespmem:$0x1FA80] =	vst v0;
	v0 =	vld.idx.msk [tilespmem:v35+s11+$0x0], $0xffff;
	_ =	sdelay $0x4  }
0x225: {  	v45 =	vor.u32 $0x30, v4;
	[tilespmem:$0x1FAA0] =	vst v0;
	v0 =	vld.idx.msk [tilespmem:v34+s11+$0x0], $0xffff;
	_ =	sdelay $0x4  }
0x226: {  	v46 =	vor.u32 $0x31, v4;
	[tilespmem:$0x1FA60] =	vst v0;
	v0 =	vld.idx.msk [tilespmem:v45+s10+$0x0], $0xffff;
	_ =	sdelay $0x4  }
0x227: {  	v47 =	vor.u32 $0x32, v4;
	[tilespmem:$0x1FAC0] =	vst v0;
	v0 =	vld.idx.msk [tilespmem:v46+s10+$0x0], $0xffff;
	_ =	sdelay $0x4  }
0x228: {  	[tilespmem:$0x1FAF0] =	vst v0;
	v0 =	vld.idx.msk [tilespmem:v47+s10+$0x0], $0xffff;
	_ =	sdelay $0x4  }
0x229: {  	[tilespmem:$0x1FB30] =	vst v0;
	v0 =	vld.idx.msk [tilespmem:v47+s11+$0x0], $0xffff;
	_ =	sdelay $0x4  }
0x22a: {  	v36 =	vor.u32 $0x2C, v4;
	[tilespmem:$0x1FB50] =	vst v0;
	v0 =	vld.idx.msk [tilespmem:v46+s11+$0x0], $0xffff;
	_ =	sdelay $0x4  }
0x22b: {  	v39 =	vor.u32 $0x2D, v4;
	[tilespmem:$0x1FB10] =	vst v0;
	v0 =	vld.idx.msk [tilespmem:v36+s10+$0x0], $0xffff;
	_ =	sdelay $0x4  }
0x22c: {  	v41 =	vor.u32 $0x2E, v4;
	[tilespmem:$0x1FB70] =	vst v0;
	v0 =	vld.idx.msk [tilespmem:v39+s10+$0x0], $0xffff;
	_ =	sdelay $0x4  }
0x22d: {  	[tilespmem:$0x1FBA0] =	vst v0;
	v0 =	vld.idx.msk [tilespmem:v41+s10+$0x0], $0xffff;
	_ =	sdelay $0x4  }
0x22e: {  	[tilespmem:$0x1FBC0] =	vst v0;
	v0 =	vld.idx.msk [tilespmem:v41+s11+$0x0], $0xffff;
	_ =	sdelay $0x4  }
0x22f: {  	v53 =	vor.u32 $0x28, v4;
	[tilespmem:$0x1FBD0] =	vst v0;
	v0 =	vld.idx.msk [tilespmem:v39+s11+$0x0], $0xffff;
	_ =	sdelay $0x4  }
0x230: {  	v55 =	vor.u32 $0x29, v4;
	[tilespmem:$0x1FBB0] =	vst v0;
	v0 =	vld.idx.msk [tilespmem:v53+s10+$0x0], $0xffff;
	_ =	sdelay $0x3  }
0x231: {  	v6 =	vor.u32 $0x3C, v4  }
0x232: {  	v56 =	vor.u32 $0x2A, v4;
	[tilespmem:$0x1FBF0] =	vst v0;
	v0 =	vld.idx.msk [tilespmem:v55+s10+$0x0], $0xffff;
	_ =	sdelay $0x3  }
0x233: {  	v17 =	vld.idx.msk [tilespmem:v6+s10+$0x0], $0xffff  }
0x234: {  	[tilespmem:$0x1FC30] =	vst v0;
	v0 =	vld.idx.msk [tilespmem:v56+s10+$0x0], $0xffff  }
0x235: {  	v15 =	vld.idx.msk [tilespmem:v8+s11+$0x0], $0xffff  }
0x236: {  	v5 =	vld.idx.msk [tilespmem:v6+s11+$0x0], $0xffff  }
0x237: {  	v40 =	vld.idx.msk [tilespmem:v12+s11+$0x0], $0xffff  }
0x238: {  	v37 =	vld.idx.msk [tilespmem:v32+s11+$0x0], $0xffff  }
0x239: {  	[tilespmem:$0x1FC50] =	vst v0;
	v0 =	vld.idx.msk [tilespmem:v56+s11+$0x0], $0xffff  }
0x23a: {  	v51 =	vld.idx.msk [tilespmem:v6+s9+$0x0], $0xffff  }
0x23b: {  	v52 =	vld.idx.msk [tilespmem:v8+s9+$0x0], $0xffff  }
0x23c: {  	v54 =	vld.idx.msk [tilespmem:v10+s9+$0x0], $0xffff  }
0x23d: {  	v61 =	vld.idx.msk [tilespmem:v33+s9+$0x0], $0xffff;
	v33 =	vor.u32 $0x26, v4  }
0x23e: {  	[tilespmem:$0x1FC60] =	vst v0;
	v0 =	vld.idx.msk [tilespmem:v55+s11+$0x0], $0xffff  }
0x23f: {  	v3 =	vld.idx.msk [tilespmem:v36+s11+$0x0], $0xffff  }
0x240: {  	v59 =	vld.idx.msk [tilespmem:v12+s9+$0x0], $0xffff  }
0x241: {  	v60 =	vld.idx.msk [tilespmem:v13+s9+$0x0], $0xffff  }
0x242: {  	v6 =	vld.idx.msk [tilespmem:v33+s10+$0x0], $0xffff  }
0x243: {  	v57 =	vor.u32 $0x24, v4;
	[tilespmem:$0x1FC40] =	vst v0;
	v0 =	vld.idx.msk [tilespmem:v53+s11+$0x0], $0xffff  }
0x244: {  	v62 =	vld.idx.msk [tilespmem:v32+s9+$0x0], $0xffff  }
0x245: {  	v63 =	vld.idx.msk [tilespmem:v34+s9+$0x0], $0xffff  }
0x246: {  	[tilespmem:$0x1F800] =	vst v58;
	v2 =	vld.idx.msk [tilespmem:v36+s9+$0x0], $0xffff  }
0x247: {  	[tilespmem:$0x1FCD0] =	vst v6;
	v6 =	vld.idx.msk [tilespmem:v33+s11+$0x0], $0xffff  }
0x248: {  	v58 =	vor.u32 $0x25, v4;
	[tilespmem:$0x1FC10] =	vst v0;
	v0 =	vld.idx.msk [tilespmem:v57+s10+$0x0], $0xffff  }
0x249: {  	v36 =	vld.idx.msk [tilespmem:v39+s9+$0x0], $0xffff;
	v39 =	vor.u32 $0x20, v4  }
0x24a: {  	v10 =	vld.idx.msk [tilespmem:v56+s9+$0x0], $0xffff;
	v56 =	vor.u32 $0x15, v4  }
0x24b: {  	v1 =	vld.idx.msk [tilespmem:v47+s9+$0x0], $0xffff  }
0x24c: {  	v43 =	vld.idx.msk [tilespmem:v41+s9+$0x0], $0xffff  }
0x24d: {  	[tilespmem:$0x1FC70] =	vst v0;
	v0 =	vld.idx.msk [tilespmem:v58+s10+$0x0], $0xffff  }
0x24e: {  	[tilespmem:$0x1FCE0] =	vst v6;
	v6 =	vld.idx.msk [tilespmem:v39+s10+$0x0], $0xffff  }
0x24f: {  	v32 =	vld.idx.msk [tilespmem:v56+s10+$0x0], $0xffff  }
0x250: {  	v41 =	vld.idx.msk [tilespmem:v56+s11+$0x0], $0xffff  }
0x251: {  	v13 =	vld.idx.msk [tilespmem:v56+s9+$0x0], $0xffff;
	v56 =	vor.u32 $0x6, v4  }
0x252: {  	[tilespmem:$0x1FCB0] =	vst v0;
	v0 =	vld.idx.msk [tilespmem:v58+s11+$0x0], $0xffff  }
0x253: {  	v48 =	vld.idx.msk [tilespmem:v53+s9+$0x0], $0xffff  }
0x254: {  	v14 =	vld.idx.msk [tilespmem:v57+s9+$0x0], $0xffff  }
0x255: {  	v49 =	vor.u32 $0x21, v4;
	[tilespmem:$0x1FCF0] =	vst v6;
	v6 =	vld.idx.msk [tilespmem:v39+s11+$0x0], $0xffff  }
0x256: {  	v11 =	vld.idx.msk [tilespmem:v56+s10+$0x0], $0xffff  }
0x257: {  	[tilespmem:$0x1FCC0] =	vst v0;
	v0 =	vld.idx.msk [tilespmem:v57+s11+$0x0], $0xffff;
	v57 =	vor.u32 $0x11, v4  }
0x258: {  	v8 =	vld.idx.msk [tilespmem:v55+s9+$0x0], $0xffff  }
0x259: {  	v22 =	vld.idx.msk [tilespmem:v58+s9+$0x0], $0xffff  }
0x25a: {  	v50 =	vor.u32 $0x1D, v4;
	[tilespmem:$0x1FD10] =	vst v6;
	v6 =	vld.idx.msk [tilespmem:v49+s11+$0x0], $0xffff  }
0x25b: {  	[tilespmem:$0x1FE00] =	vst v11;
	v11 =	vld.idx.msk [tilespmem:v56+s11+$0x0], $0xffff;
	v58 =	vor.u32 $0x1, v4  }
0x25c: {  	v47 =	vld.idx.msk [tilespmem:v57+s10+$0x0], $0xffff  }
0x25d: {  	v44 =	vld.idx.msk [tilespmem:v57+s11+$0x0], $0xffff  }
0x25e: {  	v24 =	vld.idx.msk [tilespmem:v57+s9+$0x0], $0xffff;
	v57 =	vor.u32 $0x2, v4  }
0x25f: {  	[tilespmem:$0x1FD40] =	vst v6;
	v6 =	vld.idx.msk [tilespmem:v50+s10+$0x0], $0xffff  }
0x260: {  	v25 =	vld.idx.msk [tilespmem:v58+s10+$0x0], $0xffff  }
0x261: {  	v30 =	vld.idx.msk [tilespmem:v58+s11+$0x0], $0xffff  }
0x262: {  	v7 =	vld.idx.msk [tilespmem:v58+s9+$0x0], $0xffff  }
0x263: {  	[tilespmem:$0x1FE10] =	vst v11;
	v58 =	vor.u32 $0xA, v4;
	v11 =	vld.idx.msk [tilespmem:v57+s10+$0x0], $0xffff  }
0x264: {  	v19 =	vld.idx.msk [tilespmem:v49+s9+$0x0], $0xffff  }
0x265: {  	v55 =	vld.idx.msk [tilespmem:v49+s10+$0x0], $0xffff;
	v49 =	vor.u32 $0xD, v4  }
0x266: {  	v34 =	vld.idx.msk [tilespmem:v35+s9+$0x0], $0xffff  }
0x267: {  	[tilespmem:$0x1FD50] =	vst v6;
	v6 =	vld.idx.msk [tilespmem:v50+s11+$0x0], $0xffff  }
0x268: {  	[tilespmem:$0x1FDF0] =	vst v11;
	v11 =	vld.idx.msk [tilespmem:v58+s10+$0x0], $0xffff  }
0x269: {  	[tilespmem:$0x1FC90] =	vst v0;
	v0 =	vld.idx.msk [tilespmem:v46+s9+$0x0], $0xffff;
	v46 =	vor.u32 $0xE, v4  }
0x26a: {  	v53 =	vor.u32 $0x19, v4;
	v9 =	vld.idx.msk [tilespmem:v49+s11+$0x0], $0xffff  }
0x26b: {  	v23 =	vld.idx.msk [tilespmem:v49+s9+$0x0], $0xffff  }
0x26c: {  	v42 =	vld.idx.msk [tilespmem:v58+s11+$0x0], $0xffff  }
0x26d: {  	[tilespmem:$0x1FE20] =	vst v11;
	v11 =	vld.idx.msk [tilespmem:v58+s9+$0x0], $0xffff  }
0x26e: {  	v58 =	vmul.f32 v17, v51;
	v17 =	vld.idx.msk [tilespmem:v46+s10+$0x0], $0xffff  }
0x26f: {  	v35 =	vld.idx.msk [tilespmem:v53+s10+$0x0], $0xffff  }
0x270: {  	[tilespmem:$0x1FD60] =	vst v6;
	v6 =	vld.idx.msk [tilespmem:v53+s11+$0x0], $0xffff  }
0x271: {  	v12 =	vld.idx.msk [tilespmem:v53+s9+$0x0], $0xffff  }
0x272: {  	v53 =	vld.idx.msk [tilespmem:v49+s10+$0x0], $0xffff  }
0x273: {  	v49 =	vor.u32 $0x12, v4;
	[tilespmem:$0x1FE40] =	vst v17;
	v17 =	vld.idx.msk [tilespmem:v46+s11+$0x0], $0xffff;
	_ =	sdelay $0x4  }
0x274: {  	[tilespmem:$0x1FE70] =	vst v17;
	v17 =	vld.idx.msk [tilespmem:v49+s11+$0x0], $0xffff;
	_ =	sdelay $0x4  }
0x275: {  	[tilespmem:$0x1FEE0] =	vst v17;
	v17 =	vld [tilespmem:$0x1F9B0];
	_ =	sdelay $0x4  }
0x276: {  	v17 =	vmul.f32 v17, v60;
	_ =	sdelay $0x1  }
0x277: {  	[tilespmem:$0x1F9C0] =	vst v17;
	v17 =	vld [tilespmem:$0x1F9D0];
	_ =	sdelay $0x1  }
0x278: {  	v15 =	vmul.f32 v15, v52;
	_ =	sdelay $0x1  }
0x279: {  	[tilespmem:$0x1F910] =	vst v15;
	v15 =	vld [tilespmem:$0x1F920]  }
0x27a: {  	v17 =	vmul.f32 v17, v61;
	_ =	sdelay $0x1  }
0x27b: {  	[tilespmem:$0x1F9E0] =	vst v17;
	v17 =	vld [tilespmem:$0x1F9F0]  }
0x27c: {  	v28 =	vld.idx.msk [tilespmem:v56+s9+$0x0], $0xffff  }
0x27d: {  	v15 =	vmul.f32 v15, v54;
	v56 =	vmul.f32 v5, v51;
	v5 =	vld [tilespmem:$0x1F8F0];
	_ =	sdelay $0x1  }
0x27e: {  	[tilespmem:$0x1F930] =	vst v15;
	v15 =	vld [tilespmem:$0x1F940]  }
0x27f: {  	v17 =	vmul.f32 v17, v61;
	_ =	sdelay $0x1  }
0x280: {  	v5 =	vmul.f32 v5, v52;
	[tilespmem:$0x1FA00] =	vst v17;
	v17 =	vld [tilespmem:$0x1FA10];
	_ =	sdelay $0x1  }
0x281: {  	v15 =	vmul.f32 v15, v54;
	[tilespmem:$0x1F900] =	vst v5;
	v5 =	vor.u32 $0x16, v4;
	_ =	sdelay $0x1  }
0x282: {  	[tilespmem:$0x1F950] =	vst v15;
	v15 =	vld [tilespmem:$0x1F960]  }
0x283: {  	v17 =	vmul.f32 v17, v62  }
0x284: {  	v52 =	vld [tilespmem:$0x1FA60]  }
0x285: {  	[tilespmem:$0x1FA20] =	vst v17;
	v17 =	vld.idx.msk [tilespmem:v5+s10+$0x0], $0xffff;
	_ =	sdelay $0x1  }
0x286: {  	v15 =	vmul.f32 v15, v59;
	v54 =	vld [tilespmem:$0x1FA80];
	_ =	sdelay $0x1  }
0x287: {  	[tilespmem:$0x1F970] =	vst v15  }
0x288: {  	v15 =	vld.idx.msk [tilespmem:v49+s10+$0x0], $0xffff;
	[tilespmem:$0x1FF10] =	vst v17;
	v17 =	vmul.f32 v37, v62;
	v37 =	vmul.f32 v52, v63;
	_ =	sdelay $0x1  }
0x289: {  	[tilespmem:$0x1FA70] =	vst v37;
	v37 =	vmul.f32 v54, v34  }
0x28a: {  	v51 =	vld.idx.msk [tilespmem:v5+s11+$0x0], $0xffff  }
0x28b: {  	[tilespmem:$0x1FA90] =	vst v37;
	v37 =	vld.idx.msk [tilespmem:v5+s9+$0x0], $0xffff  }
0x28c: {  	[tilespmem:$0x1FEB0] =	vst v15;
	v15 =	vmul.f32 v40, v59;
	v5 =	vld [tilespmem:$0x1FAA0];
	_ =	sdelay $0x1  }
0x28d: {  	[tilespmem:$0x1F980] =	vst v15;
	v15 =	vld [tilespmem:$0x1F990];
	_ =	sdelay $0x2  }
0x28e: {  	v29 =	vld.idx.msk [tilespmem:v45+s11+$0x0], $0xffff;
	v5 =	vmul.f32 v5, v34  }
0x28f: {  	v45 =	vld.idx.msk [tilespmem:v45+s9+$0x0], $0xffff  }
0x290: {  	v15 =	vmul.f32 v15, v60;
	[tilespmem:$0x1FAB0] =	vst v5;
	v5 =	vld [tilespmem:$0x1FAC0];
	_ =	sdelay $0x1  }
0x291: {  	[tilespmem:$0x1F9A0] =	vst v15;
	v15 =	vor.u32 $0x1A, v4;
	_ =	sdelay $0x2  }
0x292: {  	v5 =	vmul.f32 v5, v45;
	_ =	sdelay $0x1  }
0x293: {  	[tilespmem:$0x1FAD0] =	vst v5;
	v5 =	vld.idx.msk [tilespmem:v15+s10+$0x0], $0xffff;
	_ =	sdelay $0x4  }
0x294: {  	[tilespmem:$0x1FF50] =	vst v5;
	v5 =	vmul.f32 v29, v45;
	_ =	sdelay $0x1  }
0x295: {  	[tilespmem:$0x1FAE0] =	vst v5;
	v5 =	vld [tilespmem:$0x1FAF0];
	_ =	sdelay $0x4  }
0x296: {  	v5 =	vmul.f32 v5, v0;
	_ =	sdelay $0x1  }
0x297: {  	[tilespmem:$0x1FB00] =	vst v5;
	v5 =	vld.idx.msk [tilespmem:v15+s11+$0x0], $0xffff;
	_ =	sdelay $0x4  }
0x298: {  	[tilespmem:$0x1FF60] =	vst v5;
	v5 =	vld [tilespmem:$0x1FB10];
	_ =	sdelay $0x4  }
0x299: {  	v0 =	vmul.f32 v5, v0;
	_ =	sdelay $0x1  }
0x29a: {  	[tilespmem:$0x1FB20] =	vst v0;
	v0 =	vld [tilespmem:$0x1FB30];
	_ =	sdelay $0x4  }
0x29b: {  	v0 =	vmul.f32 v0, v1;
	_ =	sdelay $0x1  }
0x29c: {  	[tilespmem:$0x1FB40] =	vst v0;
	v0 =	vld [tilespmem:$0x1FB50];
	_ =	sdelay $0x1  }
0x29d: {  	[tilespmem:$0x1FA30] =	vst v17;
	v17 =	vld [tilespmem:$0x1FA40];
	_ =	sdelay $0x2  }
0x29e: {  	v0 =	vmul.f32 v0, v1;
	_ =	sdelay $0x1  }
0x29f: {  	v17 =	vmul.f32 v17, v63;
	[tilespmem:$0x1FB60] =	vst v0;
	v0 =	vld [tilespmem:$0x1FB70];
	_ =	sdelay $0x1  }
0x2a0: {  	[tilespmem:$0x1FA50] =	vst v17;
	v17 =	vor.u32 $0x1E, v4;
	_ =	sdelay $0x2  }
0x2a1: {  	v0 =	vmul.f32 v0, v2;
	_ =	sdelay $0x1  }
0x2a2: {  	[tilespmem:$0x1FB80] =	vst v0;
	v0 =	vld.idx.msk [tilespmem:v17+s10+$0x0], $0xffff;
	_ =	sdelay $0x4  }
0x2a3: {  	[tilespmem:$0x1FF70] =	vst v0;
	v0 =	vmul.f32 v3, v2;
	_ =	sdelay $0x1  }
0x2a4: {  	[tilespmem:$0x1FB90] =	vst v0;
	v0 =	vld [tilespmem:$0x1FBA0];
	_ =	sdelay $0x4  }
0x2a5: {  	v0 =	vmul.f32 v0, v36;
	_ =	sdelay $0x1  }
0x2a6: {  	[tilespmem:$0x1FFE0] =	vst v0;
	v0 =	vld.idx.msk [tilespmem:v17+s11+$0x0], $0xffff;
	_ =	sdelay $0x2  }
0x2a7: {  	v20 =	vld.idx.msk [tilespmem:v39+s9+$0x0], $0xffff;
	v39 =	vor.u32 $0x5, v4;
	_ =	sdelay $0x1  }
0x2a8: {  	[tilespmem:$0x1FF80] =	vst v0;
	v0 =	vld [tilespmem:$0x1FBB0]  }
0x2a9: {  	v18 =	vld.idx.msk [tilespmem:v50+s9+$0x0], $0xffff;
	v50 =	vor.u32 $0x9, v4;
	_ =	sdelay $0x1  }
0x2aa: {  	v27 =	vld.idx.msk [tilespmem:v39+s10+$0x0], $0xffff  }
0x2ab: {  	v26 =	vld.idx.msk [tilespmem:v39+s11+$0x0], $0xffff  }
0x2ac: {  	v62 =	vmul.f32 v0, v36;
	v0 =	vld [tilespmem:$0x1FBC0]  }
0x2ad: {  	v31 =	vld.idx.msk [tilespmem:v50+s10+$0x0], $0xffff  }
0x2ae: {  	[tilespmem:$0x1FDE0] =	vst v9;
	v9 =	vld.idx.msk [tilespmem:v50+s9+$0x0], $0xffff  }
0x2af: {  	[tilespmem:$0x1FD80] =	vst v6;
	v6 =	vld.idx.msk [tilespmem:v39+s9+$0x0], $0xffff  }
0x2b0: {  	v39 =	vld.idx.msk [tilespmem:v50+s11+$0x0], $0xffff  }
0x2b1: {  	v50 =	vmul.f32 v0, v43;
	v0 =	vld [tilespmem:$0x1FBD0];
	_ =	sdelay $0x4  }
0x2b2: {  	v0 =	vmul.f32 v0, v43;
	_ =	sdelay $0x1  }
0x2b3: {  	[tilespmem:$0x1FBE0] =	vst v0;
	v0 =	vld [tilespmem:$0x1FBF0];
	_ =	sdelay $0x1  }
0x2b4: {  	v59 =	vor.u32 $0x22, v4;
	_ =	sdelay $0x2  }
0x2b5: {  	v0 =	vmul.f32 v0, v48;
	_ =	sdelay $0x1  }
0x2b6: {  	[tilespmem:$0x1FC00] =	vst v0;
	v0 =	vld.idx.msk [tilespmem:v59+s10+$0x0], $0xffff;
	_ =	sdelay $0x4  }
0x2b7: {  	[tilespmem:$0x1FF90] =	vst v0;
	v0 =	vld [tilespmem:$0x1FC10];
	_ =	sdelay $0x4  }
0x2b8: {  	v0 =	vmul.f32 v0, v48;
	_ =	sdelay $0x1  }
0x2b9: {  	[tilespmem:$0x1FC20] =	vst v0;
	v0 =	vld [tilespmem:$0x1FC30]  }
0x2ba: {  	v2 =	vld [tilespmem:$0x1FC90];
	_ =	sdelay $0x3  }
0x2bb: {  	v0 =	vmul.f32 v0, v8  }
0x2bc: {  	v2 =	vmul.f32 v2, v14  }
0x2bd: {  	[tilespmem:$0x1FFB0] =	vst v0;
	v0 =	vld.idx.msk [tilespmem:v59+s11+$0x0], $0xffff  }
0x2be: {  	[tilespmem:$0x1FCA0] =	vst v2;
	v2 =	vld [tilespmem:$0x1FCB0];
	_ =	sdelay $0x3  }
0x2bf: {  	[tilespmem:$0x1FFA0] =	vst v0;
	v0 =	vld [tilespmem:$0x1FC40]  }
0x2c0: {  	v43 =	vmul.f32 v2, v22;
	v2 =	vld [tilespmem:$0x1FCC0];
	_ =	sdelay $0x3  }
0x2c1: {  	v16 =	vld.idx.msk [tilespmem:v33+s9+$0x0], $0xffff;
	v0 =	vmul.f32 v0, v8  }
0x2c2: {  	v48 =	vmul.f32 v2, v22;
	v2 =	vld [tilespmem:$0x1FCD0]  }
0x2c3: {  	[tilespmem:$0x1FFC0] =	vst v0;
	v0 =	vld [tilespmem:$0x1FC50];
	_ =	sdelay $0x4  }
0x2c4: {  	v2 =	vmul.f32 v2, v16;
	v36 =	vmul.f32 v0, v10;
	v0 =	vld [tilespmem:$0x1FC60];
	_ =	sdelay $0x1  }
0x2c5: {  	[tilespmem:$0x1FFD0] =	vst v2;
	v2 =	vld [tilespmem:$0x1FCE0];
	_ =	sdelay $0x2  }
0x2c6: {  	v8 =	vor.u32 $0x14, v4;
	v3 =	vmul.f32 v0, v10;
	v0 =	vld [tilespmem:$0x1FC70];
	_ =	sdelay $0x1  }
0x2c7: {  	v16 =	vmul.f32 v2, v16;
	v2 =	vld [tilespmem:$0x1FCF0];
	_ =	sdelay $0x2  }
0x2c8: {  	v0 =	vmul.f32 v0, v14;
	v14 =	vld.idx.msk [tilespmem:v8+s10+$0x0], $0xffff;
	_ =	sdelay $0x1  }
0x2c9: {  	v2 =	vmul.f32 v2, v20;
	_ =	sdelay $0x1  }
0x2ca: {  	[tilespmem:$0x1FD00] =	vst v2;
	v2 =	vld [tilespmem:$0x1FD10]  }
0x2cb: {  	[tilespmem:$0x1FD70] =	vst v14;
	v14 =	vld [tilespmem:$0x1FD80];
	_ =	sdelay $0x3  }
0x2cc: {  	v35 =	vmul.f32 v35, v12  }
0x2cd: {  	v2 =	vmul.f32 v2, v20;
	v20 =	vor.u32 $0x10, v4;
	v12 =	vmul.f32 v14, v12;
	v14 =	vld.idx.msk [tilespmem:v8+s11+$0x0], $0xffff  }
0x2ce: {  	v29 =	vld.idx.msk [tilespmem:v15+s9+$0x0], $0xffff;
	v15 =	vor.u32 $0x18, v4;
	_ =	sdelay $0x2  }
0x2cf: {  	v54 =	vld.idx.msk [tilespmem:v59+s9+$0x0], $0xffff  }
0x2d0: {  	[tilespmem:$0x1FD90] =	vst v14;
	v14 =	vld.idx.msk [tilespmem:v20+s10+$0x0], $0xffff  }
0x2d1: {  	v32 =	vmul.f32 v32, v13;
	v41 =	vmul.f32 v41, v13;
	v22 =	vld.idx.msk [tilespmem:v15+s9+$0x0], $0xffff  }
0x2d2: {  	v13 =	vmul.f32 v25, v7;
	v25 =	vld.idx.msk [tilespmem:v8+s9+$0x0], $0xffff;
	v8 =	vmul.f32 v27, v6  }
0x2d3: {  	v7 =	vmul.f32 v30, v7;
	v59 =	vld.idx.msk [tilespmem:v15+s10+$0x0], $0xffff;
	v6 =	vmul.f32 v26, v6  }
0x2d4: {  	[tilespmem:$0x1FD20] =	vst v2;
	v2 =	vld.idx.msk [tilespmem:v15+s11+$0x0], $0xffff;
	v15 =	vor.u32 $0xC, v4;
	v8 =	vadd.f32 v8, v13  }
0x2d5: {  	v6 =	vadd.f32 v6, v7;
	v7 =	vmul.f32 v31, v9;
	[tilespmem:$0x1FDA0] =	vst v14;
	v14 =	vld.idx.msk [tilespmem:v20+s11+$0x0], $0xffff  }
0x2d6: {  	v21 =	vld.idx.msk [tilespmem:v57+s9+$0x0], $0xffff  }
0x2d7: {  	v7 =	vadd.f32 v7, v8;
	v8 =	vld [tilespmem:$0x1FDF0];
	_ =	sdelay $0x1  }
0x2d8: {  	v27 =	vld.idx.msk [tilespmem:v15+s9+$0x0], $0xffff  }
0x2d9: {  	[tilespmem:$0x1FDB0] =	vst v14;
	v14 =	vld.idx.msk [tilespmem:v15+s11+$0x0], $0xffff  }
0x2da: {  	v13 =	vld.idx.msk [tilespmem:v15+s10+$0x0], $0xffff  }
0x2db: {  	v15 =	vmul.f32 v8, v21;
	v8 =	vld [tilespmem:$0x1FE00];
	_ =	sdelay $0x1  }
0x2dc: {  	[tilespmem:$0x1FD30] =	vst v2  }
0x2dd: {  	[tilespmem:$0x1FDD0] =	vst v14;
	v14 =	vld [tilespmem:$0x1FDE0]  }
0x2de: {  	v2 =	vld [tilespmem:$0x1FD40];
	[tilespmem:$0x1FDC0] =	vst v13;
	v13 =	vmul.f32 v53, v23  }
0x2df: {  	[tilespmem:$0x1FE30] =	vst v42;
	v26 =	vld.idx.msk [tilespmem:v20+s9+$0x0], $0xffff;
	v8 =	vmul.f32 v8, v28  }
0x2e0: {  	v7 =	vadd.f32 v13, v7;
	v13 =	vld [tilespmem:$0x1FE30]  }
0x2e1: {  	v15 =	vadd.f32 v8, v15;
	v8 =	vld [tilespmem:$0x1FE20]  }
0x2e2: {  	v20 =	vmul.f32 v14, v23;
	v14 =	vld [tilespmem:$0x1FE10]  }
0x2e3: {  	v33 =	vld.idx.msk [tilespmem:v57+s11+$0x0], $0xffff  }
0x2e4: {  	v10 =	vld [tilespmem:$0x1FD60]  }
0x2e5: {  	v55 =	vmul.f32 v55, v19;
	v19 =	vmul.f32 v2, v19;
	v2 =	vld [tilespmem:$0x1FD50]  }
0x2e6: {  	v57 =	vld.idx.msk [tilespmem:v46+s9+$0x0], $0xffff;
	v13 =	vmul.f32 v13, v11  }
0x2e7: {  	v8 =	vmul.f32 v8, v11;
	v11 =	vld [tilespmem:$0x1FE40];
	v23 =	vmul.f32 v14, v28;
	v14 =	vor.u32 $0x27, v4;
	_ =	sdelay $0x1  }
0x2e8: {  	v10 =	vmul.f32 v10, v18  }
0x2e9: {  	v2 =	vmul.f32 v2, v18;
	v18 =	vmul.f32 v47, v24;
	_ =	sdelay $0x1  }
0x2ea: {  	v7 =	vadd.f32 v18, v7;
	v18 =	vmul.f32 v11, v57;
	v11 =	vld.idx.msk [tilespmem:v14+s10+$0x0], $0xffff;
	_ =	sdelay $0x4  }
0x2eb: {  	v28 =	vor.u32 $0x1F, v4;
	[tilespmem:$0x1FE60] =	vst v11;
	v11 =	vld [tilespmem:$0x1FE70]  }
0x2ec: {  	v9 =	vmul.f32 v39, v9;
	_ =	sdelay $0x1  }
0x2ed: {  	v6 =	vadd.f32 v9, v6;
	_ =	sdelay $0x1  }
0x2ee: {  	v6 =	vadd.f32 v20, v6;
	v20 =	vmul.f32 v11, v57;
	v11 =	vld.idx.msk [tilespmem:v28+s10+$0x0], $0xffff;
	_ =	sdelay $0x2  }
0x2ef: {  	v21 =	vmul.f32 v33, v21  }
0x2f0: {  	v40 =	vld.idx.msk [tilespmem:v49+s9+$0x0], $0xffff  }
0x2f1: {  	v9 =	vadd.f32 v23, v21;
	v23 =	vor.u32 $0x1B, v4;
	[tilespmem:$0x1FEA0] =	vst v11;
	v11 =	vld [tilespmem:$0x1FEB0];
	_ =	sdelay $0x4  }
0x2f2: {  	v21 =	vmul.f32 v11, v40;
	v11 =	vld.idx.msk [tilespmem:v23+s10+$0x0], $0xffff;
	_ =	sdelay $0x3  }
0x2f3: {  	v5 =	vld.idx.msk [tilespmem:v17+s9+$0x0], $0xffff;
	v17 =	vor.u32 $0x23, v4  }
0x2f4: {  	[tilespmem:$0x1FED0] =	vst v11;
	v11 =	vld [tilespmem:$0x1FEE0];
	_ =	sdelay $0x2  }
0x2f5: {  	v9 =	vadd.f32 v13, v9  }
0x2f6: {  	v57 =	vld.idx.msk [tilespmem:v17+s10+$0x0], $0xffff  }
0x2f7: {  	[tilespmem:$0x1FE80] =	vst v17;
	v17 =	vor.u32 $0xF, v4;
	v9 =	vadd.f32 v20, v9;
	v20 =	vmul.f32 v11, v40;
	v11 =	vld [tilespmem:$0x1FF10];
	_ =	sdelay $0x4  }
0x2f8: {  	v9 =	vadd.f32 v20, v9;
	v20 =	vmul.f32 v11, v37;
	v11 =	vld.idx.msk [tilespmem:v17+s10+$0x0], $0xffff;
	_ =	sdelay $0x1  }
0x2f9: {  	v60 =	vor.u32 $0x2F, v4  }
0x2fa: {  	v63 =	vor.u32 $0x2B, v4  }
0x2fb: {  	[tilespmem:$0x1FF40] =	vst v51;
	v34 =	vor.u32 $0x3F, v4  }
0x2fc: {  	[tilespmem:$0x1FF30] =	vst v11;
	v11 =	vld [tilespmem:$0x1FF40]  }
0x2fd: {  	v1 =	vor.u32 $0x1C, v4;
	v24 =	vmul.f32 v44, v24  }
0x2fe: {  	v52 =	vld.idx.msk [tilespmem:v60+s10+$0x0], $0xffff  }
0x2ff: {  	v61 =	vld.idx.msk [tilespmem:v63+s10+$0x0], $0xffff;
	v6 =	vadd.f32 v24, v6  }
0x300: {  	v42 =	vld.idx.msk [tilespmem:v34+s10+$0x0], $0xffff;
	v7 =	vadd.f32 v32, v7;
	v8 =	vadd.f32 v8, v15  }
0x301: {  	v6 =	vadd.f32 v41, v6;
	[tilespmem:$0x1FEC0] =	vst v23;
	v23 =	vmul.f32 v11, v37;
	v11 =	vld [tilespmem:$0x1FF60]  }
0x302: {  	v51 =	vld.idx.msk [tilespmem:v1+s11+$0x0], $0xffff;
	v7 =	vadd.f32 v35, v7;
	v8 =	vadd.f32 v18, v8  }
0x303: {  	v45 =	vor.u32 $0x3B, v4;
	[tilespmem:$0x1FC80] =	vst v0;
	v0 =	vld.idx.msk [tilespmem:v1+s10+$0x0], $0xffff;
	v6 =	vadd.f32 v12, v6  }
0x304: {  	v2 =	vadd.f32 v2, v7;
	v7 =	vld [tilespmem:$0x1FF50];
	[tilespmem:$0x1FE50] =	vst v14;
	v14 =	vor.u32 $0x13, v4;
	v21 =	vadd.f32 v21, v8  }
0x305: {  	v47 =	vor.u32 $0x37, v4;
	v6 =	vadd.f32 v10, v6;
	v10 =	vld [tilespmem:$0x1FF70]  }
0x306: {  	v12 =	vadd.f32 v20, v21;
	v21 =	vmul.f32 v11, v29;
	v11 =	vld [tilespmem:$0x1FF80]  }
0x307: {  	v1 =	vld.idx.msk [tilespmem:v1+s9+$0x0], $0xffff;
	v53 =	vor.u32 $0x33, v4  }
0x308: {  	v44 =	vld.idx.msk [tilespmem:v45+s10+$0x0], $0xffff  }
0x309: {  	v7 =	vmul.f32 v7, v29;
	v8 =	vld.idx.msk [tilespmem:v14+s10+$0x0], $0xffff  }
0x30a: {  	v46 =	vld.idx.msk [tilespmem:v47+s10+$0x0], $0xffff;
	v31 =	vor.u32 $0x3, v4;
	v19 =	vadd.f32 v19, v6  }
0x30b: {  	v10 =	vmul.f32 v10, v5;
	v7 =	vadd.f32 v7, v12;
	v12 =	vmul.f32 v11, v5;
	v5 =	vld [tilespmem:$0x1FF90]  }
0x30c: {  	v49 =	vld.idx.msk [tilespmem:v53+s10+$0x0], $0xffff;
	v15 =	vor.u32 $0x17, v4  }
0x30d: {  	v30 =	vadd.f32 v48, v19;
	v19 =	vmul.f32 v0, v1;
	v0 =	vld [tilespmem:$0x1FFC0]  }
0x30e: {  	v32 =	vld.idx.msk [tilespmem:v4+s10+$0x0], $0xffff;
	[tilespmem:$0x1FF00] =	vst v8;
	v8 =	vor.u32 $0x4, v4;
	v9 =	vadd.f32 v23, v9  }
0x30f: {  	v13 =	vor.u32 $0xB, v4;
	v6 =	vld.idx.msk [tilespmem:v31+s10+$0x0], $0xffff  }
0x310: {  	[tilespmem:$0x1FE90] =	vst v28;
	v9 =	vadd.f32 v21, v9;
	v28 =	vmul.f32 v5, v54;
	v5 =	vld [tilespmem:$0x1FFA0]  }
0x311: {  	v33 =	vor.u32 $0x7, v4;
	v40 =	vld.idx.msk [tilespmem:v15+s10+$0x0], $0xffff  }
0x312: {  	v9 =	vadd.f32 v12, v9;
	v12 =	vmul.f32 v51, v1;
	v1 =	vadd.f32 v0, v30;
	v0 =	vld [tilespmem:$0x1FFD0]  }
0x313: {  	v18 =	vor.u32 $0x8, v4;
	v24 =	vld.idx.msk [tilespmem:v8+s10+$0x0], $0xffff;
	v7 =	vadd.f32 v10, v7  }
0x314: {  	v20 =	vld.idx.msk [tilespmem:v13+s10+$0x0], $0xffff  }
0x315: {  	v7 =	vadd.f32 v28, v7;
	v29 =	vmul.f32 v5, v54;
	v5 =	vld [tilespmem:$0x1FFB0]  }
0x316: {  	v2 =	vadd.f32 v55, v2;
	v10 =	vld.idx.msk [tilespmem:v33+s10+$0x0], $0xffff  }
0x317: {  	v39 =	vadd.f32 v0, v7;
	v0 =	vld [tilespmem:$0x1FFE0]  }
0x318: {  	v2 =	vadd.f32 v43, v2;
	v37 =	vld.idx.msk [tilespmem:v18+s10+$0x0], $0xffff  }
0x319: {  	v23 =	vld.idx.msk [tilespmem:v18+s11+$0x0], $0xffff  }
0x31a: {  	[tilespmem:$0x1FEF0] =	vst v14;
	v21 =	vld.idx.msk [tilespmem:v33+s11+$0x0], $0xffff;
	v2 =	vadd.f32 v5, v2  }
0x31b: {  	s19 =	simm.s32 $0x18C10;
	v41 =	vmov v15;
	[tilespmem:$0x1FF20] =	vst v17;
	v28 =	vld.idx.msk [tilespmem:v8+s11+$0x0], $0xffff  }
0x31c: {  	s20 =	simm.s32 $0x18810;
	s18 =	simm.s32 $0x18E10;
	s21 =	simm.s32 $0x20;
	v35 =	vadd.f32 v29, v9;
	v29 =	vld.idx.msk [tilespmem:v4+s11+$0x0], $0xffff;
	v30 =	vadd.f32 v0, v2;
	v2 =	vmul.f32 v59, v22  }
.LBB2_2:
0x31d: {  	v0 =	vld [tilespmem:$0x1FD30];
	_ =	sdelay $0x4  }
0x31e: {  	v7 =	vmul.f32 v0, v22;
	v0 =	vld [tilespmem:$0x1FD70];
	_ =	sdelay $0x3  }
0x31f: {  	v11 =	vld.idx.msk [tilespmem:v18+s9+$0x0], $0xffff  }
0x320: {  	v18 =	vmul.f32 v0, v25;
	v0 =	vld [tilespmem:$0x1FB00];
	_ =	sdelay $0x4  }
0x321: {  	v5 =	vadd.f32 v0, v30;
	v0 =	vld [tilespmem:$0x1FD90];
	_ =	sdelay $0x4  }
0x322: {  	v25 =	vmul.f32 v0, v25;
	v0 =	vld [tilespmem:$0x1FB20];
	_ =	sdelay $0x2  }
0x323: {  	v1 =	vadd.f32 v62, v1;
	_ =	sdelay $0x1  }
0x324: {  	v1 =	vadd.f32 v0, v1;
	v0 =	vld [tilespmem:$0x1FDA0];
	_ =	sdelay $0x2  }
0x325: {  	v16 =	vadd.f32 v16, v35;
	_ =	sdelay $0x1  }
0x326: {  	v15 =	vadd.f32 v3, v16;
	v16 =	vmul.f32 v0, v26;
	v0 =	vld [tilespmem:$0x1FA50];
	_ =	sdelay $0x4  }
0x327: {  	v5 =	vadd.f32 v0, v5;
	v0 =	vld [tilespmem:$0x1FDB0];
	_ =	sdelay $0x4  }
0x328: {  	v26 =	vmul.f32 v0, v26;
	v0 =	vld [tilespmem:$0x1FBE0];
	_ =	sdelay $0x3  }
0x329: {  	v3 =	vld [tilespmem:$0x1F9A0]  }
0x32a: {  	v15 =	vadd.f32 v0, v15;
	v0 =	vld [tilespmem:$0x1FA70];
	_ =	sdelay $0x3  }
0x32b: {  	v5 =	vadd.f32 v3, v5;
	v3 =	vld [tilespmem:$0x1FDD0]  }
0x32c: {  	v1 =	vadd.f32 v0, v1;
	v0 =	vld [tilespmem:$0x1FDC0];
	_ =	sdelay $0x4  }
0x32d: {  	v54 =	vmul.f32 v0, v27;
	v27 =	vmul.f32 v3, v27;
	v3 =	vld [tilespmem:$0x1FB60];
	_ =	sdelay $0x4  }
0x32e: {  	v15 =	vadd.f32 v3, v15;
	v3 =	vld [tilespmem:$0x1F9C0];
	_ =	sdelay $0x2  }
0x32f: {  	v0 =	vld [tilespmem:$0x1FB40]  }
0x330: {  	v17 =	vadd.f32 v36, v39  }
0x331: {  	v1 =	vadd.f32 v3, v1;
	v3 =	vld [tilespmem:$0x1FA90]  }
0x332: {  	v17 =	vadd.f32 v50, v17;
	_ =	sdelay $0x1  }
0x333: {  	v0 =	vadd.f32 v0, v17;
	_ =	sdelay $0x1  }
0x334: {  	v59 =	vadd.f32 v3, v0;
	v0 =	vld [tilespmem:$0x1F900]  }
0x335: {  	v3 =	vld [tilespmem:$0x1FAB0];
	_ =	sdelay $0x4  }
0x336: {  	v0 =	vadd.f32 v0, v5;
	v5 =	vadd.f32 v3, v15;
	v3 =	vld [tilespmem:$0x1F910];
	_ =	sdelay $0x2  }
0x337: {  	v9 =	vld [tilespmem:s20+$0x0]  }
0x338: {  	v8 =	vld.idx.msk [tilespmem:v8+s9+$0x0], $0xffff  }
0x339: {  	v1 =	vadd.f32 v3, v1;
	v3 =	vld [tilespmem:$0x1F9E0]  }
0x33a: {  	v14 =	vld [tilespmem:$0x1FF20]  }
0x33b: {  	v4 =	vld.idx.msk [tilespmem:v4+s9+$0x0], $0xffff  }
0x33c: {  	s17 =	sadd.s32 $0x10, s17;
	v33 =	vld.idx.msk [tilespmem:v33+s9+$0x0], $0xffff  }
0x33d: {  	v22 =	vld [tilespmem:s17+$0x0]  }
0x33e: {  	v15 =	vmul.f32 v24, v8;
	v24 =	vadd.f32 v3, v59;
	v3 =	vld [tilespmem:$0x1FA00]  }
0x33f: {  	s16 =	sadd.s32 $0x10, s16;
	v55 =	vmul.f32 v37, v11;
	v11 =	vmul.f32 v23, v11;
	v23 =	vld.idx.msk [tilespmem:v13+s9+$0x0], $0xffff  }
0x340: {  	v30 =	vld [tilespmem:s16+$0x0]  }
0x341: {  	v28 =	vmul.f32 v28, v8;
	v8 =	vld [tilespmem:$0x1F930]  }
0x342: {  	v62 =	vld.idx.msk [tilespmem:v14+s9+$0x0], $0xffff  }
0x343: {  	v5 =	vadd.f32 v3, v5;
	v3 =	vld [tilespmem:$0x1F800]  }
0x344: {  	v17 =	vld.idx.msk [tilespmem:v31+s9+$0x0], $0xffff  }
0x345: {  	v9 =	vadd.f32 v9, v30;
	v31 =	vld.idx.msk [tilespmem:v31+s11+$0x0], $0xffff  }
0x346: {  	v22 =	vadd.f32 v22, v30;
	v8 =	vadd.f32 v8, v24;
	v24 =	vld.idx.msk [tilespmem:v14+s11+$0x0], $0xffff  }
0x347: {  	v14 =	vld [tilespmem:$0x1FEC0]  }
0x348: {  	v9 =	vadd.f32 v9, v3;
	v22 =	vadd.f32 v22, v3;
	v3 =	vld [tilespmem:$0x1F950];
	_ =	sdelay $0x1  }
0x349: {  	v13 =	vld.idx.msk [tilespmem:v13+s11+$0x0], $0xffff;
	v10 =	vmul.f32 v10, v33;
	v6 =	vmul.f32 v6, v17  }
0x34a: {  	v30 =	vmul.f32 v32, v4;
	v4 =	vmul.f32 v29, v4  }
0x34b: {  	v21 =	vmul.f32 v21, v33;
	v17 =	vmul.f32 v31, v17;
	v6 =	vadd.f32 v10, v6  }
0x34c: {  	v10 =	vmul.f32 v20, v23;
	v4 =	vadd.f32 v4, v22;
	v5 =	vadd.f32 v3, v5;
	v3 =	vld [tilespmem:$0x1FEF0]  }
0x34d: {  	v17 =	vadd.f32 v21, v17  }
0x34e: {  	v13 =	vmul.f32 v13, v23;
	v6 =	vadd.f32 v10, v6;
	v10 =	vld [tilespmem:$0x1FF30];
	v4 =	vadd.f32 v28, v4  }
0x34f: {  	v20 =	vld.idx.msk [tilespmem:v14+s9+$0x0], $0xffff  }
0x350: {  	v4 =	vadd.f32 v11, v4;
	v11 =	vadd.f32 v13, v17;
	v17 =	vld.idx.msk [tilespmem:v14+s11+$0x0], $0xffff  }
0x351: {  	v14 =	vld [tilespmem:$0x1FE90];
	_ =	sdelay $0x2  }
0x352: {  	v29 =	vld.idx.msk [tilespmem:v3+s9+$0x0], $0xffff  }
0x353: {  	v10 =	vmul.f32 v10, v62;
	v22 =	vld.idx.msk [tilespmem:v3+s11+$0x0], $0xffff  }
0x354: {  	v9 =	vadd.f32 v30, v9  }
0x355: {  	v6 =	vadd.f32 v10, v6;
	v10 =	vld [tilespmem:$0x1FF00]  }
0x356: {  	v9 =	vadd.f32 v15, v9;
	v15 =	vld.idx.msk [tilespmem:v41+s9+$0x0], $0xffff;
	v13 =	vmul.f32 v24, v62  }
0x357: {  	v21 =	vld.idx.msk [tilespmem:v14+s9+$0x0], $0xffff  }
0x358: {  	v11 =	vadd.f32 v13, v11;
	v13 =	vmul.f32 v22, v29;
	v22 =	vld.idx.msk [tilespmem:v14+s11+$0x0], $0xffff  }
0x359: {  	v14 =	vld [tilespmem:$0x1FE80];
	_ =	sdelay $0x2  }
0x35a: {  	v9 =	vadd.f32 v55, v9;
	v10 =	vmul.f32 v10, v29;
	_ =	sdelay $0x1  }
0x35b: {  	v9 =	vadd.f32 v54, v9;
	v6 =	vadd.f32 v10, v6;
	v10 =	vmul.f32 v40, v15  }
0x35c: {  	v3 =	vld.idx.msk [tilespmem:v41+s11+$0x0], $0xffff  }
0x35d: {  	v9 =	vadd.f32 v16, v9;
	v6 =	vadd.f32 v10, v6;
	v10 =	vld [tilespmem:$0x1FED0]  }
0x35e: {  	v4 =	vadd.f32 v27, v4;
	v16 =	vld.idx.msk [tilespmem:v14+s9+$0x0], $0xffff  }
0x35f: {  	v9 =	vadd.f32 v18, v9;
	v11 =	vadd.f32 v13, v11;
	v13 =	vld.idx.msk [tilespmem:v14+s11+$0x0], $0xffff  }
0x360: {  	v4 =	vadd.f32 v26, v4;
	v14 =	vld [tilespmem:$0x1FE50]  }
0x361: {  	v2 =	vadd.f32 v2, v9;
	v9 =	vld [tilespmem:$0x1FEA0];
	v3 =	vmul.f32 v3, v15  }
0x362: {  	v4 =	vadd.f32 v25, v4  }
0x363: {  	v3 =	vadd.f32 v3, v11;
	v11 =	vmul.f32 v17, v20  }
0x364: {  	v4 =	vadd.f32 v7, v4  }
0x365: {  	v18 =	vld.idx.msk [tilespmem:v60+s9+$0x0], $0xffff;
	v7 =	vmul.f32 v22, v21;
	v3 =	vadd.f32 v11, v3;
	v10 =	vmul.f32 v10, v20  }
0x366: {  	v4 =	vadd.f32 v12, v4;
	v12 =	vld.idx.msk [tilespmem:v60+s11+$0x0], $0xffff;
	v9 =	vmul.f32 v9, v21  }
0x367: {  	v3 =	vadd.f32 v7, v3;
	v6 =	vadd.f32 v10, v6;
	v7 =	vmul.f32 v13, v16;
	v13 =	vld [tilespmem:$0x1FD00]  }
0x368: {  	v15 =	vld.idx.msk [tilespmem:v14+s9+$0x0], $0xffff  }
0x369: {  	v6 =	vadd.f32 v9, v6;
	v9 =	vmul.f32 v57, v16;
	v17 =	vld.idx.msk [tilespmem:v14+s11+$0x0], $0xffff  }
0x36a: {  	v14 =	vld [tilespmem:$0x1FD20]  }
0x36b: {  	v6 =	vadd.f32 v9, v6;
	v9 =	vld [tilespmem:$0x1FE60]  }
0x36c: {  	v16 =	vld [tilespmem:$0x1FCA0]  }
0x36d: {  	v2 =	vadd.f32 v19, v2;
	v11 =	vld.idx.msk [tilespmem:v63+s11+$0x0], $0xffff  }
0x36e: {  	v10 =	vld.idx.msk [tilespmem:v63+s9+$0x0], $0xffff  }
0x36f: {  	v2 =	vadd.f32 v13, v2;
	v13 =	vld.idx.msk [tilespmem:v53+s9+$0x0], $0xffff;
	v4 =	vadd.f32 v14, v4  }
0x370: {  	v3 =	vadd.f32 v7, v3;
	v9 =	vmul.f32 v9, v15;
	v7 =	vmul.f32 v17, v15;
	v15 =	vld [tilespmem:$0x1FC80]  }
0x371: {  	v4 =	vadd.f32 v16, v4;
	v16 =	vld [tilespmem:$0x1FC20]  }
0x372: {  	v14 =	vld.idx.msk [tilespmem:v53+s11+$0x0], $0xffff;
	v6 =	vadd.f32 v9, v6  }
0x373: {  	v9 =	vmul.f32 v61, v10;
	v3 =	vadd.f32 v7, v3;
	v7 =	vmul.f32 v11, v10;
	v10 =	vld.idx.msk [tilespmem:v47+s11+$0x0], $0xffff  }
0x374: {  	v11 =	vld [tilespmem:$0x1FC00]  }
0x375: {  	v2 =	vadd.f32 v15, v2;
	v15 =	vld.idx.msk [tilespmem:v47+s9+$0x0], $0xffff  }
0x376: {  	v3 =	vadd.f32 v7, v3;
	v7 =	vmul.f32 v12, v18;
	v4 =	vadd.f32 v16, v4;
	v16 =	vld [tilespmem:$0x1FB80];
	_ =	sdelay $0x1  }
0x377: {  	v3 =	vadd.f32 v7, v3;
	v7 =	vmul.f32 v14, v13;
	v14 =	vld [tilespmem:$0x1FAD0]  }
0x378: {  	v2 =	vadd.f32 v11, v2  }
0x379: {  	v3 =	vadd.f32 v7, v3;
	v7 =	vmul.f32 v10, v15;
	v10 =	vld [tilespmem:$0x1FA20]  }
0x37a: {  	v17 =	vld [tilespmem:$0x1FB90];
	v2 =	vadd.f32 v16, v2;
	_ =	sdelay $0x1  }
0x37b: {  	v2 =	vadd.f32 v14, v2;
	v14 =	vld [tilespmem:$0x1FAE0];
	_ =	sdelay $0x1  }
0x37c: {  	v2 =	vadd.f32 v10, v2;
	v10 =	vld [tilespmem:$0x1FA30]  }
0x37d: {  	v4 =	vadd.f32 v17, v4;
	_ =	sdelay $0x1  }
0x37e: {  	v4 =	vadd.f32 v14, v4;
	_ =	sdelay $0x1  }
0x37f: {  	v4 =	vadd.f32 v10, v4;
	v10 =	vld [tilespmem:$0x1F970]  }
0x380: {  	v6 =	vadd.f32 v9, v6;
	v9 =	vmul.f32 v52, v18;
	v12 =	vld.idx.msk [tilespmem:v45+s11+$0x0], $0xffff  }
0x381: {  	v11 =	vld.idx.msk [tilespmem:v45+s9+$0x0], $0xffff  }
0x382: {  	v6 =	vadd.f32 v9, v6;
	v9 =	vmul.f32 v49, v13;
	v13 =	vld.idx.msk [tilespmem:v34+s11+$0x0], $0xffff  }
0x383: {  	v16 =	vld.idx.msk [tilespmem:v34+s9+$0x0], $0xffff  }
0x384: {  	v6 =	vadd.f32 v9, v6;
	v9 =	vmul.f32 v46, v15;
	v2 =	vadd.f32 v10, v2;
	v10 =	vld [tilespmem:$0x1F980];
	_ =	sdelay $0x1  }
0x385: {  	v6 =	vadd.f32 v9, v6;
	v9 =	vmul.f32 v44, v11  }
0x386: {  	v3 =	vadd.f32 v7, v3;
	v7 =	vmul.f32 v12, v11  }
0x387: {  	v6 =	vadd.f32 v9, v6;
	v9 =	vmul.f32 v42, v16  }
0x388: {  	v3 =	vadd.f32 v7, v3;
	v7 =	vmul.f32 v13, v16;
	v4 =	vadd.f32 v10, v4  }
0x389: {  	v6 =	vadd.f32 v9, v6;
	v2 =	vadd.f32 v58, v2;
	v10 =	vmov s21  }
0x38a: {  	v3 =	vadd.f32 v7, v3;
	v9 =	vshll.u32 v10, $0x6;
	v10 =	vadd.f32 v56, v4  }
0x38b: {  	v0 =	vadd.f32 v0, v2;
	v2 =	vadd.f32 v6, v8;
	v4 =	vor.u32 v38, v9  }
0x38c: {  	v3 =	vadd.f32 v3, v5;
	v9 =	vor.u32 $0x3D, v4;
	v1 =	vadd.f32 v1, v10  }
0x38d: {  	v0 =	vadd.f32 v2, v0  }
0x38e: {  	s19 =	sadd.s32 $0x10, s19;
	v1 =	vadd.f32 v3, v1  }
0x38f: {  	s18 =	sadd.s32 $0x10, s18;
	[tilespmem:s19+$0x0] =	vst v0  }
0x390: {  	[tilespmem:s18+$0x0] =	vst v1  }
0x391: {  	v8 =	vor.u32 $0x3C, v4;
	v1 =	vld.idx.msk [tilespmem:v9+s11+$0x0], $0xffff;
	_ =	sdelay $0x4  }
0x392: {  	v3 =	vor.u32 $0x38, v4;
	[tilespmem:$0x1EF70] =	vst v1;
	v1 =	vld.idx.msk [tilespmem:v8+s11+$0x0], $0xffff;
	_ =	sdelay $0x3  }
0x393: {  	v11 =	vor.u32 $0x3E, v4  }
0x394: {  	v12 =	vor.u32 $0x39, v4;
	[tilespmem:$0x1EF60] =	vst v1;
	v1 =	vld.idx.msk [tilespmem:v3+s10+$0x0], $0xffff;
	_ =	sdelay $0x3  }
0x395: {  	v2 =	vor.u32 $0x3F, v4;
	v0 =	vld.idx.msk [tilespmem:v11+s10+$0x0], $0xffff  }
0x396: {  	v13 =	vor.u32 $0x3A, v4;
	[tilespmem:$0x1EFA0] =	vst v1;
	v1 =	vld.idx.msk [tilespmem:v12+s10+$0x0], $0xffff;
	_ =	sdelay $0x3  }
0x397: {  	[tilespmem:$0x1EF80] =	vst v0;
	v0 =	vld.idx.msk [tilespmem:v2+s10+$0x0], $0xffff  }
0x398: {  	[tilespmem:$0x1EFC0] =	vst v1;
	v1 =	vld.idx.msk [tilespmem:v13+s10+$0x0], $0xffff;
	_ =	sdelay $0x3  }
0x399: {  	[tilespmem:$0x1F210] =	vst v0;
	v0 =	vld.idx.msk [tilespmem:v11+s11+$0x0], $0xffff  }
0x39a: {  	[tilespmem:$0x1EFE0] =	vst v1;
	v1 =	vld.idx.msk [tilespmem:v12+s11+$0x0], $0xffff;
	_ =	sdelay $0x3  }
0x39b: {  	[tilespmem:$0x1EF90] =	vst v0;
	v0 =	vor.u32 $0x3B, v4  }
0x39c: {  	v7 =	vor.u32 $0x34, v4;
	[tilespmem:$0x1EFD0] =	vst v1;
	v1 =	vld.idx.msk [tilespmem:v3+s11+$0x0], $0xffff;
	_ =	sdelay $0x3  }
0x39d: {  	[tilespmem:$0x1F310] =	vst v0;
	v0 =	vld.idx.msk [tilespmem:v0+s10+$0x0], $0xffff  }
0x39e: {  	v6 =	vor.u32 $0x35, v4;
	[tilespmem:$0x1EFB0] =	vst v1;
	v1 =	vld.idx.msk [tilespmem:v7+s10+$0x0], $0xffff;
	_ =	sdelay $0x2  }
0x39f: {  	[tilespmem:$0x1F260] =	vst v2  }
0x3a0: {  	[tilespmem:$0x1F200] =	vst v0;
	v0 =	vld.idx.msk [tilespmem:v13+s11+$0x0], $0xffff  }
0x3a1: {  	v2 =	vor.u32 $0x36, v4;
	[tilespmem:$0x1F000] =	vst v1;
	v1 =	vld.idx.msk [tilespmem:v6+s10+$0x0], $0xffff;
	_ =	sdelay $0x3  }
0x3a2: {  	[tilespmem:$0x1EFF0] =	vst v0  }
0x3a3: {  	v0 =	vor.u32 $0x37, v4;
	[tilespmem:$0x1F020] =	vst v1;
	v1 =	vld.idx.msk [tilespmem:v2+s10+$0x0], $0xffff;
	_ =	sdelay $0x4  }
0x3a4: {  	[tilespmem:$0x1F040] =	vst v1;
	v1 =	vld.idx.msk [tilespmem:v0+s10+$0x0], $0xffff  }
0x3a5: {  	[tilespmem:$0x1F2D0] =	vst v0;
	v0 =	vld.idx.msk [tilespmem:v2+s11+$0x0], $0xffff;
	_ =	sdelay $0x3  }
0x3a6: {  	[tilespmem:$0x1F2F0] =	vst v1;
	v1 =	vld.idx.msk [tilespmem:v6+s11+$0x0], $0xffff  }
0x3a7: {  	[tilespmem:$0x1F050] =	vst v0;
	v0 =	vor.u32 $0x33, v4;
	_ =	sdelay $0x3  }
0x3a8: {  	v28 =	vor.u32 $0x30, v4;
	[tilespmem:$0x1F030] =	vst v1;
	v1 =	vld.idx.msk [tilespmem:v7+s11+$0x0], $0xffff  }
0x3a9: {  	v10 =	vor.u32 $0x32, v4;
	[tilespmem:$0x1F220] =	vst v0;
	v0 =	vld.idx.msk [tilespmem:v0+s10+$0x0], $0xffff;
	_ =	sdelay $0x3  }
0x3aa: {  	v22 =	vor.u32 $0x31, v4;
	[tilespmem:$0x1F010] =	vst v1;
	v1 =	vld.idx.msk [tilespmem:v28+s10+$0x0], $0xffff  }
0x3ab: {  	[tilespmem:$0x1F330] =	vst v0;
	v0 =	vld.idx.msk [tilespmem:v10+s11+$0x0], $0xffff;
	_ =	sdelay $0x3  }
0x3ac: {  	[tilespmem:$0x1F060] =	vst v1;
	v1 =	vld.idx.msk [tilespmem:v22+s10+$0x0], $0xffff  }
0x3ad: {  	[tilespmem:$0x1F0B0] =	vst v0;
	v0 =	vld.idx.msk [tilespmem:v22+s11+$0x0], $0xffff;
	_ =	sdelay $0x3  }
0x3ae: {  	[tilespmem:$0x1F080] =	vst v1  }
0x3af: {  	v1 =	vor.u32 $0x2C, v4;
	[tilespmem:$0x1F090] =	vst v0;
	v0 =	vld.idx.msk [tilespmem:v28+s11+$0x0], $0xffff;
	_ =	sdelay $0x4  }
0x3b0: {  	[tilespmem:$0x1F070] =	vst v0;
	v0 =	vld.idx.msk [tilespmem:v1+s10+$0x0], $0xffff;
	_ =	sdelay $0x4  }
0x3b1: {  	[tilespmem:$0x1F0C0] =	vst v0;
	v0 =	vor.u32 $0x2F, v4;
	_ =	sdelay $0x4  }
0x3b2: {  	v54 =	vor.u32 $0x2E, v4;
	[tilespmem:$0x1F360] =	vst v0;
	v0 =	vld.idx.msk [tilespmem:v0+s10+$0x0], $0xffff;
	_ =	sdelay $0x2  }
0x3b3: {  	v37 =	vld.idx.msk [tilespmem:v9+s10+$0x0], $0xffff  }
0x3b4: {  	v38 =	vld.idx.msk [tilespmem:v9+s9+$0x0], $0xffff  }
0x3b5: {  	[tilespmem:$0x1F250] =	vst v0;
	v0 =	vld.idx.msk [tilespmem:v54+s11+$0x0], $0xffff;
	_ =	sdelay $0x4  }
0x3b6: {  	v37 =	vmul.f32 v37, v38;
	[tilespmem:$0x1F110] =	vst v0;
	v0 =	vor.u32 $0x2B, v4;
	_ =	sdelay $0x1  }
0x3b7: {  	[tilespmem:$0x1F900] =	vst v37;
	v37 =	vld [tilespmem:$0x1EF70];
	_ =	sdelay $0x2  }
0x3b8: {  	v44 =	vor.u32 $0x2A, v4;
	[tilespmem:$0x1F230] =	vst v0;
	v0 =	vld.idx.msk [tilespmem:v0+s10+$0x0], $0xffff;
	_ =	sdelay $0x1  }
0x3b9: {  	v37 =	vmul.f32 v37, v38  }
0x3ba: {  	v42 =	vld.idx.msk [tilespmem:v11+s9+$0x0], $0xffff  }
0x3bb: {  	[tilespmem:$0x1F910] =	vst v37;
	v37 =	vld [tilespmem:$0x1EF80]  }
0x3bc: {  	v34 =	vor.u32 $0x29, v4;
	[tilespmem:$0x1F380] =	vst v0;
	v0 =	vld.idx.msk [tilespmem:v44+s11+$0x0], $0xffff  }
0x3bd: {  	v52 =	vor.u32 $0x2D, v4;
	v5 =	vld.idx.msk [tilespmem:v10+s10+$0x0], $0xffff;
	_ =	sdelay $0x3  }
0x3be: {  	v49 =	vor.u32 $0x28, v4;
	v37 =	vmul.f32 v37, v42;
	[tilespmem:$0x1F170] =	vst v0;
	v0 =	vld.idx.msk [tilespmem:v34+s11+$0x0], $0xffff  }
0x3bf: {  	[tilespmem:$0x1F0A0] =	vst v5;
	v5 =	vld.idx.msk [tilespmem:v52+s10+$0x0], $0xffff  }
0x3c0: {  	[tilespmem:$0x1F930] =	vst v37;
	v37 =	vld [tilespmem:$0x1EF90]  }
0x3c1: {  	v17 =	vld.idx.msk [tilespmem:v8+s10+$0x0], $0xffff  }
0x3c2: {  	v40 =	vld.idx.msk [tilespmem:v8+s9+$0x0], $0xffff  }
0x3c3: {  	v8 =	vor.u32 $0x24, v4;
	[tilespmem:$0x1F150] =	vst v0;
	v0 =	vld.idx.msk [tilespmem:v49+s11+$0x0], $0xffff  }
0x3c4: {  	[tilespmem:$0x1F0E0] =	vst v5;
	v5 =	vld.idx.msk [tilespmem:v54+s10+$0x0], $0xffff  }
0x3c5: {  	v37 =	vmul.f32 v37, v42  }
0x3c6: {  	v46 =	vld.idx.msk [tilespmem:v3+s9+$0x0], $0xffff  }
0x3c7: {  	[tilespmem:$0x1F950] =	vst v37;
	v37 =	vld [tilespmem:$0x1EFA0]  }
0x3c8: {  	[tilespmem:$0x1F130] =	vst v0;
	v0 =	vld.idx.msk [tilespmem:v8+s10+$0x0], $0xffff  }
0x3c9: {  	[tilespmem:$0x1F100] =	vst v5;
	v5 =	vld.idx.msk [tilespmem:v52+s11+$0x0], $0xffff;
	_ =	sdelay $0x3  }
0x3ca: {  	v37 =	vmul.f32 v37, v46;
	[tilespmem:$0x1F180] =	vst v0;
	v0 =	vor.u32 $0x27, v4  }
0x3cb: {  	[tilespmem:$0x1F0F0] =	vst v5;
	v5 =	vld.idx.msk [tilespmem:v1+s11+$0x0], $0xffff  }
0x3cc: {  	[tilespmem:$0x1F970] =	vst v37;
	v37 =	vld [tilespmem:$0x1EFB0];
	_ =	sdelay $0x1  }
0x3cd: {  	v57 =	vld.idx.msk [tilespmem:v12+s9+$0x0], $0xffff  }
0x3ce: {  	v43 =	vor.u32 $0x26, v4;
	[tilespmem:$0x1FE50] =	vst v0;
	v0 =	vld.idx.msk [tilespmem:v0+s10+$0x0], $0xffff  }
0x3cf: {  	[tilespmem:$0x1F0D0] =	vst v5;
	v5 =	vld.idx.msk [tilespmem:v49+s10+$0x0], $0xffff  }
0x3d0: {  	v46 =	vmul.f32 v37, v46;
	v37 =	vld [tilespmem:$0x1EFC0];
	_ =	sdelay $0x1  }
0x3d1: {  	[tilespmem:$0x1F980] =	vst v46;
	v46 =	vld.idx.msk [tilespmem:v34+s9+$0x0], $0xffff  }
0x3d2: {  	[tilespmem:$0x1FE60] =	vst v0;
	v0 =	vld.idx.msk [tilespmem:v43+s11+$0x0], $0xffff  }
0x3d3: {  	[tilespmem:$0x1F120] =	vst v5;
	v5 =	vld.idx.msk [tilespmem:v34+s10+$0x0], $0xffff  }
0x3d4: {  	v34 =	vmul.f32 v37, v57;
	v37 =	vld [tilespmem:$0x1EFD0];
	_ =	sdelay $0x2  }
0x3d5: {  	[tilespmem:$0x1F1C0] =	vst v0;
	v0 =	vor.u32 $0x23, v4  }
0x3d6: {  	v58 =	vld.idx.msk [tilespmem:v13+s9+$0x0], $0xffff  }
0x3d7: {  	[tilespmem:$0x1F9A0] =	vst v34;
	v34 =	vmul.f32 v37, v57;
	v37 =	vld [tilespmem:$0x1EFE0];
	_ =	sdelay $0x2  }
0x3d8: {  	v19 =	vor.u32 $0x22, v4;
	[tilespmem:$0x1FE80] =	vst v0;
	v0 =	vld.idx.msk [tilespmem:v0+s10+$0x0], $0xffff;
	_ =	sdelay $0x1  }
0x3d9: {  	[tilespmem:$0x1F9C0] =	vst v34;
	v34 =	vmul.f32 v37, v58;
	v37 =	vld [tilespmem:$0x1EFF0];
	_ =	sdelay $0x2  }
0x3da: {  	v48 =	vor.u32 $0x21, v4;
	[tilespmem:$0x1F240] =	vst v0;
	v0 =	vld.idx.msk [tilespmem:v19+s11+$0x0], $0xffff  }
0x3db: {  	v36 =	vld.idx.msk [tilespmem:v7+s9+$0x0], $0xffff  }
0x3dc: {  	[tilespmem:$0x1F9E0] =	vst v34;
	v34 =	vmul.f32 v37, v58;
	v37 =	vld [tilespmem:$0x1F000];
	_ =	sdelay $0x2  }
0x3dd: {  	v21 =	vor.u32 $0x1C, v4;
	[tilespmem:$0x1F390] =	vst v0;
	v0 =	vld.idx.msk [tilespmem:v48+s11+$0x0], $0xffff;
	_ =	sdelay $0x1  }
0x3de: {  	[tilespmem:$0x1FA00] =	vst v34;
	v34 =	vmul.f32 v37, v36;
	v37 =	vld [tilespmem:$0x1F010];
	_ =	sdelay $0x2  }
0x3df: {  	[tilespmem:$0x1F1F0] =	vst v0;
	v0 =	vld.idx.msk [tilespmem:v21+s10+$0x0], $0xffff  }
0x3e0: {  	v50 =	vld.idx.msk [tilespmem:v6+s9+$0x0], $0xffff  }
0x3e1: {  	[tilespmem:$0x1FA20] =	vst v34;
	v34 =	vmul.f32 v37, v36;
	v36 =	vld [tilespmem:$0x1F020];
	_ =	sdelay $0x1  }
0x3e2: {  	v37 =	vld [tilespmem:$0x1F030]  }
0x3e3: {  	[tilespmem:$0x1F3A0] =	vst v0;
	v0 =	vor.u32 $0x1F, v4  }
0x3e4: {  	v45 =	vor.u32 $0x25, v4  }
0x3e5: {  	[tilespmem:$0x1FA30] =	vst v34;
	v34 =	vmul.f32 v36, v50  }
0x3e6: {  	v53 =	vld.idx.msk [tilespmem:v2+s9+$0x0], $0xffff  }
0x3e7: {  	[tilespmem:$0x1FA50] =	vst v34;
	v34 =	vmul.f32 v37, v50;
	v50 =	vld [tilespmem:$0x1F040]  }
0x3e8: {  	v27 =	vor.u32 $0x1E, v4;
	[tilespmem:$0x1FE90] =	vst v0;
	v0 =	vld.idx.msk [tilespmem:v0+s10+$0x0], $0xffff  }
0x3e9: {  	v3 =	vld.idx.msk [tilespmem:v45+s10+$0x0], $0xffff;
	_ =	sdelay $0x1  }
0x3ea: {  	[tilespmem:$0x1F140] =	vst v5;
	v5 =	vld.idx.msk [tilespmem:v44+s10+$0x0], $0xffff  }
0x3eb: {  	v36 =	vmul.f32 v50, v53;
	v50 =	vld [tilespmem:$0x1F050]  }
0x3ec: {  	[tilespmem:$0x1FEA0] =	vst v0;
	v0 =	vld.idx.msk [tilespmem:v27+s11+$0x0], $0xffff  }
0x3ed: {  	[tilespmem:$0x1F190] =	vst v3;
	v3 =	vld.idx.msk [tilespmem:v43+s10+$0x0], $0xffff  }
0x3ee: {  	v14 =	vor.u32 $0x20, v4  }
0x3ef: {  	v51 =	vor.u32 $0x1D, v4;
	[tilespmem:$0x1F160] =	vst v5;
	v5 =	vld.idx.msk [tilespmem:v28+s9+$0x0], $0xffff  }
0x3f0: {  	[tilespmem:$0x1FA90] =	vst v36;
	v36 =	vmul.f32 v50, v53;
	v50 =	vld [tilespmem:$0x1F060]  }
0x3f1: {  	[tilespmem:$0x1F350] =	vst v0;
	v0 =	vor.u32 $0x1B, v4  }
0x3f2: {  	[tilespmem:$0x1F1B0] =	vst v3;
	v3 =	vld.idx.msk [tilespmem:v45+s11+$0x0], $0xffff  }
0x3f3: {  	v31 =	vld.idx.msk [tilespmem:v14+s11+$0x0], $0xffff  }
0x3f4: {  	v33 =	vld.idx.msk [tilespmem:v51+s10+$0x0], $0xffff  }
0x3f5: {  	[tilespmem:$0x1FAB0] =	vst v36;
	v36 =	vmul.f32 v50, v5;
	v50 =	vld [tilespmem:$0x1F070]  }
0x3f6: {  	v6 =	vor.u32 $0x1A, v4;
	[tilespmem:$0x1FEC0] =	vst v0;
	v0 =	vld.idx.msk [tilespmem:v0+s10+$0x0], $0xffff  }
0x3f7: {  	[tilespmem:$0x1F1A0] =	vst v3;
	v3 =	vld.idx.msk [tilespmem:v14+s10+$0x0], $0xffff  }
0x3f8: {  	v55 =	vor.u32 $0x19, v4;
	v18 =	vld.idx.msk [tilespmem:v51+s11+$0x0], $0xffff  }
0x3f9: {  	v47 =	vld.idx.msk [tilespmem:v22+s9+$0x0], $0xffff  }
0x3fa: {  	v5 =	vmul.f32 v50, v5;
	v50 =	vld [tilespmem:$0x1F080]  }
0x3fb: {  	v25 =	vor.u32 $0x18, v4;
	[tilespmem:$0x1FED0] =	vst v0;
	v0 =	vld.idx.msk [tilespmem:v6+s11+$0x0], $0xffff  }
0x3fc: {  	[tilespmem:$0x1F1D0] =	vst v3;
	v3 =	vld.idx.msk [tilespmem:v48+s10+$0x0], $0xffff  }
0x3fd: {  	v59 =	vor.u32 $0xD, v4;
	v24 =	vld.idx.msk [tilespmem:v55+s10+$0x0], $0xffff  }
0x3fe: {  	v60 =	vld.idx.msk [tilespmem:v10+s9+$0x0], $0xffff  }
0x3ff: {  	[tilespmem:$0x1FAD0] =	vst v36;
	v36 =	vmul.f32 v50, v47;
	v50 =	vld [tilespmem:$0x1F090]  }
0x400: {  	v26 =	vor.u32 $0x14, v4;
	[tilespmem:$0x1F320] =	vst v0;
	v0 =	vld.idx.msk [tilespmem:v25+s11+$0x0], $0xffff  }
0x401: {  	[tilespmem:$0x1F1E0] =	vst v3;
	v3 =	vld.idx.msk [tilespmem:v19+s10+$0x0], $0xffff  }
0x402: {  	v15 =	vld.idx.msk [tilespmem:v59+s10+$0x0], $0xffff  }
0x403: {  	v62 =	vld.idx.msk [tilespmem:v52+s9+$0x0], $0xffff  }
0x404: {  	[tilespmem:$0x1FB00] =	vst v36;
	v36 =	vmul.f32 v50, v47;
	v50 =	vld [tilespmem:$0x1F0A0]  }
0x405: {  	v23 =	vor.u32 $0x16, v4;
	[tilespmem:$0x1FD30] =	vst v0;
	v0 =	vld.idx.msk [tilespmem:v26+s10+$0x0], $0xffff  }
0x406: {  	[tilespmem:$0x1F370] =	vst v3;
	v3 =	vld.idx.msk [tilespmem:v27+s10+$0x0], $0xffff  }
0x407: {  	v47 =	vld [tilespmem:$0x1F0B0]  }
0x408: {  	v56 =	vld.idx.msk [tilespmem:v1+s9+$0x0], $0xffff  }
0x409: {  	[tilespmem:$0x1FB20] =	vst v36;
	v36 =	vmul.f32 v50, v60;
	v50 =	vld [tilespmem:$0x1F0C0]  }
0x40a: {  	v9 =	vor.u32 $0x17, v4;
	[tilespmem:$0x1FD70] =	vst v0;
	v0 =	vld.idx.msk [tilespmem:v23+s10+$0x0], $0xffff  }
0x40b: {  	v2 =	vld.idx.msk [tilespmem:v21+s11+$0x0], $0xffff  }
0x40c: {  	[tilespmem:$0x1FB40] =	vst v36;
	v36 =	vmul.f32 v47, v60;
	v60 =	vld [tilespmem:$0x1F0D0]  }
0x40d: {  	[tilespmem:$0x1F340] =	vst v3;
	v3 =	vld.idx.msk [tilespmem:v54+s9+$0x0], $0xffff  }
0x40e: {  	v47 =	vld [tilespmem:$0x1F0E0];
	[tilespmem:$0x1FB60] =	vst v36  }
0x40f: {  	v36 =	vmul.f32 v50, v56;
	[tilespmem:$0x1F2C0] =	vst v0;
	v0 =	vld.idx.msk [tilespmem:v9+s10+$0x0], $0xffff  }
0x410: {  	v50 =	vld [tilespmem:$0x1F0F0]  }
0x411: {  	[tilespmem:$0x1FB80] =	vst v36;
	v36 =	vmul.f32 v60, v56;
	v56 =	vld.idx.msk [tilespmem:v43+s9+$0x0], $0xffff  }
0x412: {  	v60 =	vld [tilespmem:$0x1F100]  }
0x413: {  	v43 =	vmul.f32 v47, v62;
	v47 =	vld [tilespmem:$0x1F110]  }
0x414: {  	[tilespmem:$0x1F280] =	vst v0;
	v0 =	vld.idx.msk [tilespmem:v23+s11+$0x0], $0xffff  }
0x415: {  	v32 =	vld.idx.msk [tilespmem:v59+s11+$0x0], $0xffff  }
0x416: {  	v16 =	vld.idx.msk [tilespmem:v8+s11+$0x0], $0xffff  }
0x417: {  	[tilespmem:$0x1F3B0] =	vst v2;
	v2 =	vld.idx.msk [tilespmem:v25+s10+$0x0], $0xffff  }
0x418: {  	v63 =	vor.u32 $0x9, v4;
	v52 =	vmul.f32 v17, v40;
	v17 =	vld [tilespmem:$0x1EF60];
	v62 =	vmul.f32 v50, v62  }
0x419: {  	v13 =	vld.idx.msk [tilespmem:v55+s11+$0x0], $0xffff;
	v50 =	vmul.f32 v60, v3;
	v3 =	vmul.f32 v47, v3;
	[tilespmem:$0x1F2E0] =	vst v0;
	v0 =	vor.u32 $0x13, v4  }
0x41a: {  	v49 =	vld.idx.msk [tilespmem:v49+s9+$0x0], $0xffff  }
0x41b: {  	[tilespmem:$0x1FBE0] =	vst v3;
	v3 =	vld [tilespmem:$0x1F120]  }
0x41c: {  	[tilespmem:$0x1F3C0] =	vst v2;
	v2 =	vld.idx.msk [tilespmem:v6+s10+$0x0], $0xffff  }
0x41d: {  	v12 =	vld.idx.msk [tilespmem:v63+s11+$0x0], $0xffff  }
0x41e: {  	v35 =	vor.u32 $0x12, v4;
	[tilespmem:$0x1FEF0] =	vst v0;
	v0 =	vld.idx.msk [tilespmem:v0+s10+$0x0], $0xffff  }
0x41f: {  	v45 =	vld.idx.msk [tilespmem:v45+s9+$0x0], $0xffff;
	v7 =	vor.u32 $0x11, v4  }
0x420: {  	v14 =	vld.idx.msk [tilespmem:v14+s9+$0x0], $0xffff;
	v3 =	vmul.f32 v3, v49  }
0x421: {  	[tilespmem:$0x1F300] =	vst v2;
	v2 =	vld.idx.msk [tilespmem:v26+s11+$0x0], $0xffff  }
0x422: {  	v39 =	vor.u32 $0xE, v4;
	[tilespmem:$0x1FC00] =	vst v3;
	v3 =	vld [tilespmem:$0x1F130]  }
0x423: {  	v29 =	vor.u32 $0x10, v4;
	[tilespmem:$0x1FF00] =	vst v0;
	v0 =	vld.idx.msk [tilespmem:v35+s11+$0x0], $0xffff  }
0x424: {  	v20 =	vld.idx.msk [tilespmem:v7+s10+$0x0], $0xffff  }
0x425: {  	v11 =	vld.idx.msk [tilespmem:v7+s11+$0x0], $0xffff  }
0x426: {  	v10 =	vld.idx.msk [tilespmem:v63+s10+$0x0], $0xffff  }
0x427: {  	v30 =	vor.u32 $0xC, v4;
	v1 =	vld.idx.msk [tilespmem:v39+s10+$0x0], $0xffff  }
0x428: {  	v3 =	vmul.f32 v3, v49;
	[tilespmem:$0x1F2B0] =	vst v0;
	v0 =	vld.idx.msk [tilespmem:v29+s11+$0x0], $0xffff  }
0x429: {  	v63 =	vld.idx.msk [tilespmem:v63+s9+$0x0], $0xffff  }
0x42a: {  	[tilespmem:$0x1FC20] =	vst v3;
	v3 =	vld [tilespmem:$0x1F140]  }
0x42b: {  	v61 =	vor.u32 $0x15, v4;
	[tilespmem:$0x1FD90] =	vst v2;
	v2 =	vld.idx.msk [tilespmem:v29+s10+$0x0], $0xffff  }
0x42c: {  	[tilespmem:$0x1F270] =	vst v1;
	v1 =	vld.idx.msk [tilespmem:v30+s11+$0x0], $0xffff  }
0x42d: {  	[tilespmem:$0x1FDB0] =	vst v0;
	v0 =	vld.idx.msk [tilespmem:v30+s10+$0x0], $0xffff  }
0x42e: {  	v49 =	vld.idx.msk [tilespmem:v51+s9+$0x0], $0xffff  }
0x42f: {  	v51 =	vmul.f32 v3, v46;
	v3 =	vld [tilespmem:$0x1F150]  }
0x430: {  	v22 =	vld.idx.msk [tilespmem:v61+s11+$0x0], $0xffff  }
0x431: {  	v41 =	vor.u32 $0xA, v4;
	[tilespmem:$0x1FDA0] =	vst v2;
	v2 =	vld.idx.msk [tilespmem:v35+s10+$0x0], $0xffff  }
0x432: {  	v8 =	vld.idx.msk [tilespmem:v8+s9+$0x0], $0xffff;
	[tilespmem:$0x1FDC0] =	vst v0;
	v0 =	vor.u32 $0xF, v4  }
0x433: {  	[tilespmem:$0x1FDD0] =	vst v1;
	v1 =	vor.u32 $0x5, v4;
	v60 =	vld.idx.msk [tilespmem:v48+s9+$0x0], $0xffff  }
0x434: {  	v48 =	vmul.f32 v3, v46;
	v46 =	vld.idx.msk [tilespmem:v55+s9+$0x0], $0xffff  }
0x435: {  	v55 =	vld [tilespmem:$0x1F180]  }
0x436: {  	v54 =	vld.idx.msk [tilespmem:v41+s10+$0x0], $0xffff  }
0x437: {  	[tilespmem:$0x1FF20] =	vst v0;
	v0 =	vld.idx.msk [tilespmem:v0+s10+$0x0], $0xffff  }
0x438: {  	v42 =	vld.idx.msk [tilespmem:v1+s10+$0x0], $0xffff  }
0x439: {  	[tilespmem:$0x1F2A0] =	vst v2;
	v2 =	vor.u32 $0x2, v4;
	v28 =	vld.idx.msk [tilespmem:v61+s10+$0x0], $0xffff  }
0x43a: {  	v37 =	vmul.f32 v55, v8;
	v8 =	vmul.f32 v16, v8;
	v16 =	vld [tilespmem:$0x1F1B0]  }
0x43b: {  	v17 =	vmul.f32 v17, v40;
	v40 =	vor.u32 $0x6, v4;
	v44 =	vld.idx.msk [tilespmem:v44+s9+$0x0], $0xffff  }
0x43c: {  	[tilespmem:$0x1FF30] =	vst v0;
	v0 =	vld.idx.msk [tilespmem:v39+s11+$0x0], $0xffff  }
0x43d: {  	v3 =	vld [tilespmem:$0x1F160]  }
0x43e: {  	v57 =	vld.idx.msk [tilespmem:v2+s10+$0x0], $0xffff  }
0x43f: {  	v55 =	vmul.f32 v16, v56;
	v16 =	vld [tilespmem:$0x1F1C0]  }
0x440: {  	v58 =	vld.idx.msk [tilespmem:v40+s10+$0x0], $0xffff;
	[tilespmem:$0x1FA70] =	vst v34  }
0x441: {  	v34 =	vld.idx.msk [tilespmem:v40+s11+$0x0], $0xffff;
	[tilespmem:$0x1F290] =	vst v0;
	v0 =	vor.u32 $0x1, v4  }
0x442: {  	[tilespmem:$0x1FB90] =	vst v36;
	v36 =	vmul.f32 v3, v44;
	v3 =	vld [tilespmem:$0x1F170]  }
0x443: {  	v47 =	vmul.f32 v24, v46;
	v24 =	vld.idx.msk [tilespmem:v40+s9+$0x0], $0xffff  }
0x444: {  	v16 =	vmul.f32 v16, v56;
	v56 =	vld [tilespmem:$0x1F1D0]  }
0x445: {  	[tilespmem:$0x1FCA0] =	vst v8;
	v8 =	vld.idx.msk [tilespmem:v7+s9+$0x0], $0xffff  }
0x446: {  	v38 =	vld.idx.msk [tilespmem:v0+s10+$0x0], $0xffff  }
0x447: {  	[tilespmem:$0x1FAE0] =	vst v5;
	v5 =	vld.idx.msk [tilespmem:v0+s11+$0x0], $0xffff  }
0x448: {  	v0 =	vld.idx.msk [tilespmem:v0+s9+$0x0], $0xffff  }
0x449: {  	[tilespmem:$0x1FC80] =	vst v37;
	v37 =	vmul.f32 v56, v14;
	v14 =	vmul.f32 v31, v14;
	v56 =	vld.idx.msk [tilespmem:v2+s9+$0x0], $0xffff  }
0x44a: {  	v2 =	vld.idx.msk [tilespmem:v2+s11+$0x0], $0xffff  }
0x44b: {  	[tilespmem:$0x1FD20] =	vst v14;
	v14 =	vld.idx.msk [tilespmem:v59+s9+$0x0], $0xffff  }
0x44c: {  	v7 =	vld [tilespmem:$0x1F190]  }
0x44d: {  	v40 =	vmul.f32 v20, v8;
	v20 =	vmul.f32 v38, v0;
	v38 =	vld.idx.msk [tilespmem:v41+s9+$0x0], $0xffff  }
0x44e: {  	v0 =	vmul.f32 v5, v0;
	v5 =	vld.idx.msk [tilespmem:v41+s11+$0x0], $0xffff  }
0x44f: {  	v19 =	vld.idx.msk [tilespmem:v19+s9+$0x0], $0xffff;
	v3 =	vmul.f32 v3, v44;
	v2 =	vmul.f32 v2, v56  }
0x450: {  	v53 =	vld.idx.msk [tilespmem:v1+s11+$0x0], $0xffff;
	v41 =	vmov v9;
	v9 =	vmul.f32 v10, v63;
	v10 =	vmul.f32 v32, v14  }
0x451: {  	v44 =	vld.idx.msk [tilespmem:v61+s9+$0x0], $0xffff;
	v32 =	vmul.f32 v58, v24;
	v24 =	vmul.f32 v34, v24  }
0x452: {  	v1 =	vld.idx.msk [tilespmem:v1+s9+$0x0], $0xffff  }
0x453: {  	v61 =	vmul.f32 v7, v45;
	v7 =	vld [tilespmem:$0x1F1A0];
	v2 =	vadd.f32 v24, v2;
	v5 =	vmul.f32 v5, v38  }
0x454: {  	v39 =	vld.idx.msk [tilespmem:v39+s9+$0x0], $0xffff  }
0x455: {  	v2 =	vadd.f32 v5, v2;
	v5 =	vld [tilespmem:$0x1F290]  }
0x456: {  	v28 =	vmul.f32 v28, v44;
	v22 =	vmul.f32 v22, v44;
	v31 =	vld [tilespmem:$0x1F1E0]  }
0x457: {  	v44 =	vld [tilespmem:$0x1F200];
	[tilespmem:$0x1FD00] =	vst v37;
	v37 =	vmul.f32 v42, v1;
	v1 =	vmul.f32 v53, v1  }
0x458: {  	v35 =	vld.idx.msk [tilespmem:v35+s9+$0x0], $0xffff  }
0x459: {  	v42 =	vld [tilespmem:$0x1F210];
	v15 =	vmul.f32 v15, v14;
	v0 =	vadd.f32 v1, v0;
	v1 =	vmul.f32 v12, v63  }
0x45a: {  	v53 =	vld [tilespmem:$0x1F220];
	v14 =	vmul.f32 v57, v56;
	v5 =	vmul.f32 v5, v39  }
0x45b: {  	v59 =	vmul.f32 v31, v60;
	v31 =	vld [tilespmem:$0x1F1F0];
	v0 =	vadd.f32 v1, v0  }
0x45c: {  	v1 =	vadd.f32 v32, v14;
	v12 =	vmul.f32 v54, v38;
	v2 =	vadd.f32 v5, v2;
	v5 =	vld [tilespmem:$0x1F2B0]  }
0x45d: {  	v0 =	vadd.f32 v10, v0;
	v10 =	vld [tilespmem:$0x1F270]  }
0x45e: {  	v1 =	vadd.f32 v12, v1;
	v12 =	vld.idx.msk [tilespmem:v6+s9+$0x0], $0xffff  }
0x45f: {  	v7 =	vmul.f32 v7, v45;
	v6 =	vld [tilespmem:$0x1F2A0]  }
0x460: {  	v45 =	vmul.f32 v33, v49;
	v49 =	vmul.f32 v18, v49;
	v18 =	vor.u32 $0x8, v4;
	v57 =	vld [tilespmem:$0x1F240]  }
0x461: {  	v58 =	vmov v52;
	v52 =	vld [tilespmem:$0x1F250];
	v5 =	vmul.f32 v5, v35  }
0x462: {  	v46 =	vmul.f32 v13, v46;
	v14 =	vld.idx.msk [tilespmem:v23+s9+$0x0], $0xffff;
	v10 =	vmul.f32 v10, v39  }
0x463: {  	v11 =	vmul.f32 v11, v8;
	v8 =	vor.u32 $0x4, v4;
	v2 =	vadd.f32 v5, v2;
	v5 =	vld [tilespmem:$0x1F2E0]  }
0x464: {  	v13 =	vor.u32 $0xB, v4;
	v34 =	vld [tilespmem:$0x1F260];
	v1 =	vadd.f32 v10, v1;
	v10 =	vmul.f32 v6, v35  }
0x465: {  	v20 =	vadd.f32 v37, v20;
	v37 =	vld.idx.msk [tilespmem:v18+s10+$0x0], $0xffff  }
0x466: {  	v1 =	vadd.f32 v10, v1;
	v10 =	vld [tilespmem:$0x1F2C0]  }
0x467: {  	v63 =	vld [tilespmem:$0x1F230]  }
0x468: {  	v24 =	vld.idx.msk [tilespmem:v8+s10+$0x0], $0xffff;
	v5 =	vmul.f32 v5, v14  }
0x469: {  	v9 =	vadd.f32 v9, v20;
	v20 =	vld.idx.msk [tilespmem:v13+s10+$0x0], $0xffff  }
0x46a: {  	v2 =	vadd.f32 v5, v2;
	v5 =	vld [tilespmem:$0x1F320]  }
0x46b: {  	v9 =	vadd.f32 v15, v9;
	v0 =	vadd.f32 v11, v0;
	v15 =	vmul.f32 v10, v14;
	v14 =	vld [tilespmem:$0x1F300]  }
0x46c: {  	v23 =	vld.idx.msk [tilespmem:v18+s11+$0x0], $0xffff  }
0x46d: {  	v32 =	vld.idx.msk [tilespmem:v4+s10+$0x0], $0xffff;
	v0 =	vadd.f32 v22, v0  }
0x46e: {  	v38 =	vld [tilespmem:$0x1FFF0]  }
0x46f: {  	v11 =	vld.idx.msk [tilespmem:v27+s9+$0x0], $0xffff;
	v0 =	vadd.f32 v46, v0;
	v5 =	vmul.f32 v5, v12  }
0x470: {  	v14 =	vmul.f32 v14, v12;
	v12 =	vld [tilespmem:$0x1F340]  }
0x471: {  	v60 =	vmul.f32 v31, v60;
	v0 =	vadd.f32 v49, v0;
	v2 =	vadd.f32 v5, v2;
	v5 =	vld [tilespmem:$0x1F350]  }
0x472: {  	v9 =	vadd.f32 v40, v9;
	v40 =	vld [tilespmem:$0x1F280]  }
0x473: {  	v27 =	vld.idx.msk [tilespmem:v30+s9+$0x0], $0xffff;
	v0 =	vadd.f32 v60, v0  }
0x474: {  	v22 =	vld.idx.msk [tilespmem:v25+s9+$0x0], $0xffff  }
0x475: {  	v0 =	vadd.f32 v7, v0;
	v7 =	vld [tilespmem:$0x1F3A0]  }
0x476: {  	v12 =	vmul.f32 v12, v11;
	v5 =	vmul.f32 v5, v11;
	v11 =	vld [tilespmem:$0x1F370]  }
0x477: {  	v1 =	vadd.f32 v15, v1;
	v15 =	vld.idx.msk [tilespmem:v21+s9+$0x0], $0xffff  }
0x478: {  	v2 =	vadd.f32 v5, v2;
	v5 =	vld [tilespmem:$0x1F390]  }
0x479: {  	v9 =	vadd.f32 v28, v9;
	v28 =	vld.idx.msk [tilespmem:v8+s11+$0x0], $0xffff;
	v1 =	vadd.f32 v14, v1  }
0x47a: {  	v25 =	vld.idx.msk [tilespmem:v26+s9+$0x0], $0xffff  }
0x47b: {  	v31 =	vor.u32 $0x3, v4;
	v26 =	vld.idx.msk [tilespmem:v29+s9+$0x0], $0xffff;
	v1 =	vadd.f32 v12, v1;
	v11 =	vmul.f32 v11, v19  }
0x47c: {  	v29 =	vld.idx.msk [tilespmem:v4+s11+$0x0], $0xffff;
	v9 =	vadd.f32 v47, v9  }
0x47d: {  	v5 =	vmul.f32 v5, v19;
	v19 =	vmul.f32 v7, v15;
	v7 =	vadd.f32 v11, v1;
	v1 =	vld [tilespmem:$0x1F3B0]  }
0x47e: {  	v47 =	vld [tilespmem:$0x1F2D0];
	v9 =	vadd.f32 v45, v9  }
0x47f: {  	v46 =	vld [tilespmem:$0x1F2F0]  }
0x480: {  	v6 =	vld.idx.msk [tilespmem:v31+s10+$0x0], $0xffff;
	v9 =	vadd.f32 v59, v9  }
0x481: {  	v33 =	vor.u32 $0x7, v4;
	v45 =	vld [tilespmem:$0x1F310]  }
0x482: {  	p0 =	sne.s32 s21, $0x1F0;
	v9 =	vadd.f32 v61, v9;
	v12 =	vmul.f32 v1, v15;
	v1 =	vadd.f32 v48, v0;
	v0 =	vld [tilespmem:$0x1F3C0]  }
.Ltmp0:
0x483: {  	v49 =	vld [tilespmem:$0x1F330];
	(pc) =	sbr.rel @p0 .LBB2_2-.Ltmp0, $4  }
0x484: {  	v60 =	vld [tilespmem:$0x1F360];
	v9 =	vadd.f32 v51, v9  }
0x485: {  	v61 =	vld [tilespmem:$0x1F380]  }
0x486: {  	v56 =	vmov v17;
	v10 =	vld.idx.msk [tilespmem:v33+s10+$0x0], $0xffff;
	v30 =	vadd.f32 v43, v9  }
0x487: {  	s20 =	sadd.s32 $0x10, s20;
	s21 =	sadd.s32 $0x10, s21;
	v21 =	vld.idx.msk [tilespmem:v33+s11+$0x0], $0xffff;
	v35 =	vadd.f32 v5, v2;
	v39 =	vadd.f32 v55, v7;
	v2 =	vmul.f32 v0, v22  }
0x488: {  	v7 =	vld [tilespmem:$0x1FD30]  }
0x489: {  	v9 =	vld [tilespmem:$0x1FB00]  }
0x48a: {  	v11 =	vld [tilespmem:$0x1FB20]  }
0x48b: {  	v14 =	vld [tilespmem:s20+$0x0]  }
0x48c: {  	v15 =	vld [tilespmem:$0x1FD90]  }
0x48d: {  	v17 =	vld [tilespmem:$0x1FA70]  }
0x48e: {  	v43 =	vld [tilespmem:$0x1FDB0]  }
0x48f: {  	v48 =	vld [tilespmem:$0x1F9A0]  }
0x490: {  	v8 =	vld.idx.msk [tilespmem:v8+s9+$0x0], $0xffff  }
0x491: {  	v51 =	vld [tilespmem:$0x1F9C0]  }
0x492: {  	v54 =	vld [tilespmem:$0x1FA90]  }
0x493: {  	v4 =	vld.idx.msk [tilespmem:v4+s9+$0x0], $0xffff  }
0x494: {  	v55 =	vld [tilespmem:$0x1FDC0]  }
0x495: {  	v59 =	vld [tilespmem:$0x1FDD0]  }
0x496: {  	v1 =	vadd.f32 v62, v1;
	s17 =	sadd.s32 $0x10, s17;
	v62 =	vld [tilespmem:$0x1F900]  }
0x497: {  	v0 =	vadd.f32 v16, v35;
	v16 =	vld [tilespmem:s17+$0x0]  }
0x498: {  	v35 =	vld [tilespmem:$0x1FB40]  }
0x499: {  	s16 =	sadd.s32 $0x10, s16;
	v5 =	vadd.f32 v36, v39;
	v36 =	vld [tilespmem:$0x1FDA0]  }
0x49a: {  	v39 =	vld [tilespmem:s16+$0x0]  }
0x49b: {  	v0 =	vadd.f32 v3, v0;
	v3 =	vld.idx.msk [tilespmem:v18+s9+$0x0], $0xffff  }
0x49c: {  	v5 =	vadd.f32 v50, v5;
	v50 =	vld [tilespmem:$0x1FB60]  }
0x49d: {  	v7 =	vmul.f32 v7, v22;
	v22 =	vld [tilespmem:$0x1FD70]  }
0x49e: {  	v9 =	vadd.f32 v9, v30;
	v1 =	vadd.f32 v11, v1;
	v30 =	vld [tilespmem:$0x1FBE0]  }
0x49f: {  	v5 =	vadd.f32 v35, v5;
	v35 =	vld [tilespmem:$0x1F910];
	v14 =	vadd.f32 v14, v39  }
0x4a0: {  	v16 =	vadd.f32 v16, v39;
	v39 =	vld.idx.msk [tilespmem:v31+s11+$0x0], $0xffff;
	v1 =	vadd.f32 v17, v1  }
0x4a1: {  	v17 =	vmul.f32 v36, v26;
	v36 =	vld [tilespmem:$0x1F9E0]  }
0x4a2: {  	v15 =	vmul.f32 v15, v25;
	v1 =	vadd.f32 v51, v1;
	v51 =	vld [tilespmem:$0x1F800]  }
0x4a3: {  	v11 =	vmul.f32 v22, v25;
	v25 =	vld [tilespmem:$0x1FA50];
	v22 =	vmul.f32 v43, v26  }
0x4a4: {  	v26 =	vmul.f32 v55, v27;
	v27 =	vmul.f32 v59, v27;
	v59 =	vld [tilespmem:$0x1FF20]  }
0x4a5: {  	v0 =	vadd.f32 v30, v0;
	v30 =	vld [tilespmem:$0x1FAB0]  }
0x4a6: {  	v43 =	vld [tilespmem:$0x1FA00]  }
0x4a7: {  	v5 =	vadd.f32 v54, v5;
	v55 =	vld [tilespmem:$0x1F950]  }
0x4a8: {  	v54 =	vmul.f32 v32, v4;
	v14 =	vadd.f32 v14, v51;
	v16 =	vadd.f32 v16, v51;
	v51 =	vld.idx.msk [tilespmem:v41+s11+$0x0], $0xffff  }
0x4a9: {  	v9 =	vadd.f32 v25, v9;
	v25 =	vadd.f32 v50, v0;
	v50 =	vld.idx.msk [tilespmem:v13+s11+$0x0], $0xffff  }
0x4aa: {  	v14 =	vadd.f32 v54, v14;
	v54 =	vld [tilespmem:$0x1FF30]  }
0x4ab: {  	v9 =	vadd.f32 v48, v9;
	v48 =	vld [tilespmem:$0x1F930]  }
0x4ac: {  	v32 =	vld.idx.msk [tilespmem:v59+s11+$0x0], $0xffff  }
0x4ad: {  	v0 =	vadd.f32 v62, v9;
	v9 =	vadd.f32 v30, v25;
	v30 =	vmul.f32 v37, v3;
	v37 =	vld.idx.msk [tilespmem:v31+s9+$0x0], $0xffff  }
0x4ae: {  	v3 =	vmul.f32 v23, v3;
	v23 =	vmul.f32 v24, v8;
	v24 =	vld.idx.msk [tilespmem:v13+s9+$0x0], $0xffff  }
0x4af: {  	v8 =	vmul.f32 v28, v8;
	v28 =	vld [tilespmem:$0x1FE90]  }
0x4b0: {  	v25 =	vld.idx.msk [tilespmem:v33+s9+$0x0], $0xffff  }
0x4b1: {  	v33 =	vld [tilespmem:$0x1FE80]  }
0x4b2: {  	v62 =	vld.idx.msk [tilespmem:v59+s9+$0x0], $0xffff;
	v14 =	vadd.f32 v23, v14  }
0x4b3: {  	v1 =	vadd.f32 v35, v1;
	v6 =	vmul.f32 v6, v37;
	v35 =	vmul.f32 v39, v37;
	v37 =	vld [tilespmem:$0x1FEF0]  }
0x4b4: {  	v14 =	vadd.f32 v30, v14;
	v13 =	vmul.f32 v50, v24;
	v50 =	vld.idx.msk [tilespmem:v41+s9+$0x0], $0xffff  }
0x4b5: {  	v5 =	vadd.f32 v36, v5;
	v36 =	vmul.f32 v21, v25;
	v21 =	vld [tilespmem:$0x1FD20]  }
0x4b6: {  	v14 =	vadd.f32 v26, v14;
	v26 =	vld [tilespmem:$0x1FF00]  }
0x4b7: {  	v4 =	vmul.f32 v29, v4;
	v29 =	vld.idx.msk [tilespmem:v28+s9+$0x0], $0xffff  }
0x4b8: {  	v10 =	vmul.f32 v10, v25;
	v30 =	vld.idx.msk [tilespmem:v28+s11+$0x0], $0xffff  }
0x4b9: {  	v5 =	vadd.f32 v48, v5;
	v48 =	vadd.f32 v36, v35;
	v35 =	vld.idx.msk [tilespmem:v33+s9+$0x0], $0xffff  }
0x4ba: {  	v20 =	vmul.f32 v20, v24;
	v6 =	vadd.f32 v10, v6;
	v36 =	vld.idx.msk [tilespmem:v33+s11+$0x0], $0xffff  }
0x4bb: {  	v9 =	vadd.f32 v43, v9;
	v33 =	vld [tilespmem:$0x1FC20]  }
0x4bc: {  	v59 =	vmul.f32 v32, v62;
	v6 =	vadd.f32 v20, v6;
	v20 =	vmul.f32 v54, v62;
	v62 =	vld [tilespmem:$0x1FEC0]  }
0x4bd: {  	v9 =	vadd.f32 v55, v9;
	v55 =	vadd.f32 v13, v48;
	v48 =	vld [tilespmem:$0x1FEA0]  }
0x4be: {  	v4 =	vadd.f32 v4, v16;
	v54 =	vld.idx.msk [tilespmem:v63+s11+$0x0], $0xffff  }
0x4bf: {  	v31 =	vmul.f32 v40, v50;
	v40 =	vld [tilespmem:$0x1FE50]  }
0x4c0: {  	v4 =	vadd.f32 v8, v4;
	v32 =	vmul.f32 v51, v50;
	v51 =	vld.idx.msk [tilespmem:v63+s9+$0x0], $0xffff  }
0x4c1: {  	v63 =	vld.idx.msk [tilespmem:v60+s11+$0x0], $0xffff  }
0x4c2: {  	v3 =	vadd.f32 v3, v4;
	v4 =	vadd.f32 v59, v55;
	v59 =	vld.idx.msk [tilespmem:v60+s9+$0x0], $0xffff  }
0x4c3: {  	v6 =	vadd.f32 v20, v6;
	v20 =	vld [tilespmem:$0x1FE60]  }
0x4c4: {  	v60 =	vld [tilespmem:$0x1F980]  }
0x4c5: {  	v39 =	vld.idx.msk [tilespmem:v37+s9+$0x0], $0xffff  }
0x4c6: {  	v3 =	vadd.f32 v27, v3;
	v43 =	vld.idx.msk [tilespmem:v37+s11+$0x0], $0xffff  }
0x4c7: {  	v37 =	vld [tilespmem:$0x1FED0]  }
0x4c8: {  	v3 =	vadd.f32 v22, v3;
	v50 =	vmul.f32 v30, v29;
	v30 =	vld [tilespmem:$0x1FC00]  }
0x4c9: {  	v55 =	vmul.f32 v57, v35;
	v57 =	vmul.f32 v36, v35;
	v36 =	vld.idx.msk [tilespmem:v45+s9+$0x0], $0xffff  }
0x4ca: {  	v3 =	vadd.f32 v15, v3;
	v15 =	vmul.f32 v48, v29;
	v29 =	vld.idx.msk [tilespmem:v47+s9+$0x0], $0xffff  }
0x4cb: {  	v24 =	vld.idx.msk [tilespmem:v62+s9+$0x0], $0xffff  }
0x4cc: {  	v25 =	vld.idx.msk [tilespmem:v62+s11+$0x0], $0xffff;
	v23 =	vmul.f32 v26, v39  }
0x4cd: {  	v28 =	vmul.f32 v54, v51;
	v54 =	vld [tilespmem:$0x1FA30];
	v27 =	vmul.f32 v43, v39  }
0x4ce: {  	v14 =	vadd.f32 v17, v14;
	v62 =	vld [tilespmem:$0x1FD00];
	v6 =	vadd.f32 v23, v6  }
0x4cf: {  	v41 =	vld.idx.msk [tilespmem:v40+s9+$0x0], $0xffff;
	v4 =	vadd.f32 v27, v4  }
0x4d0: {  	v11 =	vadd.f32 v11, v14;
	v43 =	vld.idx.msk [tilespmem:v40+s11+$0x0], $0xffff;
	v6 =	vadd.f32 v31, v6;
	v18 =	vmul.f32 v37, v24  }
0x4d1: {  	v23 =	vld.idx.msk [tilespmem:v53+s9+$0x0], $0xffff;
	v4 =	vadd.f32 v32, v4;
	v39 =	vmul.f32 v25, v24  }
0x4d2: {  	v2 =	vadd.f32 v2, v11;
	v27 =	vld [tilespmem:$0x1FCA0];
	v6 =	vadd.f32 v18, v6  }
0x4d3: {  	v3 =	vadd.f32 v7, v3;
	v24 =	vld [tilespmem:$0x1FC80];
	v4 =	vadd.f32 v39, v4  }
0x4d4: {  	v2 =	vadd.f32 v19, v2;
	v25 =	vld.idx.msk [tilespmem:v53+s11+$0x0], $0xffff;
	v6 =	vadd.f32 v15, v6  }
0x4d5: {  	v3 =	vadd.f32 v12, v3;
	v31 =	vld.idx.msk [tilespmem:v47+s11+$0x0], $0xffff;
	v4 =	vadd.f32 v50, v4  }
0x4d6: {  	v2 =	vadd.f32 v62, v2;
	v37 =	vld [tilespmem:$0x1FB80];
	v15 =	vmul.f32 v20, v41;
	v6 =	vadd.f32 v55, v6  }
0x4d7: {  	v3 =	vadd.f32 v21, v3;
	v47 =	vld [tilespmem:$0x1FAD0];
	v22 =	vmul.f32 v43, v41;
	v4 =	vadd.f32 v57, v4  }
0x4d8: {  	v26 =	vmul.f32 v61, v51;
	v41 =	vld [tilespmem:$0x1FB90];
	v2 =	vadd.f32 v24, v2;
	v6 =	vadd.f32 v15, v6  }
0x4d9: {  	v32 =	vmul.f32 v52, v59;
	v52 =	vld [tilespmem:$0x1FA20];
	v3 =	vadd.f32 v27, v3;
	v4 =	vadd.f32 v22, v4  }
0x4da: {  	v50 =	vld [tilespmem:$0x1FAE0];
	v2 =	vadd.f32 v30, v2;
	v6 =	vadd.f32 v26, v6  }
0x4db: {  	v35 =	vmul.f32 v63, v59;
	v39 =	vld.idx.msk [tilespmem:v45+s11+$0x0], $0xffff;
	v3 =	vadd.f32 v33, v3;
	v4 =	vadd.f32 v28, v4  }
0x4dc: {  	v45 =	vld.idx.msk [tilespmem:v34+s9+$0x0], $0xffff;
	v40 =	vmul.f32 v49, v23;
	v2 =	vadd.f32 v37, v2;
	v6 =	vadd.f32 v32, v6  }
0x4dd: {  	v43 =	vmul.f32 v25, v23;
	v57 =	vld [tilespmem:$0x1F970];
	v3 =	vadd.f32 v41, v3;
	v4 =	vadd.f32 v35, v4  }
0x4de: {  	v48 =	vld.idx.msk [tilespmem:v34+s11+$0x0], $0xffff;
	v49 =	vmul.f32 v46, v29;
	v2 =	vadd.f32 v47, v2;
	v6 =	vadd.f32 v40, v6  }
0x4df: {  	v51 =	vmul.f32 v31, v29;
	v3 =	vadd.f32 v50, v3;
	v4 =	vadd.f32 v43, v4  }
0x4e0: {  	v53 =	vmul.f32 v44, v36;
	v2 =	vadd.f32 v52, v2;
	v6 =	vadd.f32 v49, v6  }
0x4e1: {  	v55 =	vmul.f32 v39, v36;
	v3 =	vadd.f32 v54, v3;
	v4 =	vadd.f32 v51, v4  }
0x4e2: {  	v59 =	vmul.f32 v42, v45;
	v2 =	vadd.f32 v57, v2;
	v6 =	vadd.f32 v53, v6  }
0x4e3: {  	v61 =	vmul.f32 v48, v45;
	v3 =	vadd.f32 v60, v3;
	v4 =	vadd.f32 v55, v4  }
0x4e4: {  	v2 =	vadd.f32 v58, v2;
	v6 =	vadd.f32 v59, v6  }
0x4e5: {  	v3 =	vadd.f32 v56, v3;
	v4 =	vadd.f32 v61, v4  }
0x4e6: {  	v0 =	vadd.f32 v0, v2;
	v62 =	vadd.f32 v6, v5  }
0x4e7: {  	v1 =	vadd.f32 v1, v3;
	v63 =	vadd.f32 v4, v9  }
0x4e8: {  	v0 =	vadd.f32 v62, v0  }
0x4e9: {  	s17 =	sadd.s32 $0x10, s19;
	v1 =	vadd.f32 v63, v1  }
0x4ea: {  	s19 =	sadd.s32 $0x10, s18;
	[tilespmem:s17+$0x0] =	vst v0  }
0x4eb: {  	s20 =	rddreg [dreg:$0x16];
	[tilespmem:s19+$0x0] =	vst v1  }
0x4ec: {  	[hbm4b:s20+s4] =	stream.linear.scatter [tilespmem:s13], [sflag:$0x2], $0x200, $0x38;
	[tilespmem:$0x19010] =	vst v63  }
0x4ed: {  	s15 =	sadd.s32 $0x1, s15;
	_ =	swait.ge [sflag:s23], $0x200  }
0x4ee: {  	p0 =	sne.s32 s15, s22;
	[sflag:s23] =	ssyncset.done $0x0  }
.Ltmp1:
0x4ef: {  	s21 =	rddreg [dreg:$0x17];
	[sflag:s23] =	ssyncadd.s32 $0xFFFFFE00;
	(pc) =	sbr.rel @p0 .LBB2_1-.Ltmp1, $4  }
0x4f0: {  	[hbm4b:s21+s4] =	stream.linear.scatter [tilespmem:s14], [sflag:$0x2], $0x200, $0x38;
	[tilespmem:$0x19010] =	vst v63  }
0x4f1: {  	_ =	swait.ge [sflag:s23], $0x200  }
0x4f2: {  	[sflag:s23] =	ssyncset.done $0x0  }
0x4f3: {  	[sflag:s23] =	ssyncadd.s32 $0xFFFFFE00  }
0x4f4: {  	_ =	sfence.sel $0x180000  }
0x4f5: {  	[bflag:$0x0] =	sbarrier.arrive $0xFFFF  }
0x4f6: {  	_ =	strace $0x90000047  }
0x4f7: {  	s0 =	stileid.u32;
	[bflag:$0x2] =	sbarrier.arrive $0xFFFF  }
0x4f8: {  	p0 =	sne.s32 s0, $0x0;
	s0 =	rddreg [dreg:$0x9]  }
0x4f9: {  	s0 =	sadd.s32 @!p0 $0x100000, s0  }
0x4fa: {  	[sflag:s0] =	ssyncadd.tile.s32 @!p0 $0x1;
	_ =	shalt  }
.Lfunc_end2:
_tile_overlayer_lowered:
.L_overlay_start_2:
0x4fb: {  	(tag) =	ssettag $0x2  }
0x4fc: {  	s0 =	rddreg [dreg:$0x0];
	s2 =	stileid.u32  }
0x4fd: {  	s1 =	rddreg [dreg:$0x1];
	p0 =	sne.s32 s2, $0x0  }
0x4fe: {  	s3 =	rddreg [dreg:$0x2];
	[bflag:$0x3] =	sbarrier.arrive $0xFFFF;
	s2 =	simm.s32 @!p0 $0x1C02  }
0x4ff: {  	[timem:s3], [sflag:s2] =	dma.local @!p0 [hbm:s0], s1  }
0x500: {  	s0 =	simm.s32 @!p0 $0x2  }
0x501: {  	_ =	swait.ge @!p0 [sflag:s0], s1  }
0x502: {  	s1 =	ssub.s32 @!p0 $0x0, s1;
	[sflag:s0] =	ssyncset.done @!p0 $0x0  }
0x503: {  	[sflag:s0] =	ssyncadd.s32 @!p0 s1  }
0x504: {  	[bflag:$0x3] =	sbarrier.arrive $0xFFFF  }
0x505: {  	_ =	shalt  }

</sc_bundles>
